<compile_context>
chip_gen: v7x
topology: tpu7x:2x2x1
jax: 0.10.2.dev20260603
libtpu: 0.0.44.dev20260713+nightly
codegen_flags: <defaults>
</compile_context>

<pallas_src>
import jax
import jax.numpy as jnp
from jax import lax
from jax.experimental import pallas as pl
from jax.experimental.pallas import tpu as pltpu
from jax.experimental.pallas import tpu_sc as plsc

K = 32
L = 16
NC = 2
NS = 16
NW = NC * NS
B = 16384
BPW = B // NW
NU = 1_000_000
NM = 100_000
WIN = 512
WSH = 9
UFULL = NU // WIN
MFULL = NM // WIN
UT_ROWS = NU - UFULL * WIN
MT_ROWS = NM - MFULL * WIN
UT_PAD = 128
MT_PAD = 256
UTRIPS = (UFULL // NW + 3) // 3
MTRIPS = (MFULL // NW + 3) // 3
CHUNK = 2048
LCAP = 768


def _permute(x, idx):
    dnums = lax.GatherDimensionNumbers(
        offset_dims=(), collapsed_slice_dims=(0,), start_index_map=(0,))
    return lax.gather(x, idx[:, None], dnums, (1,),
                      mode=lax.GatherScatterMode.PROMISE_IN_BOUNDS)


def _splat(x):
    return jnp.full((L,), x, jnp.int32)


def _extract(v, l):
    return _permute(v, _splat(l))[0]


def _gather_body(o_hbm, m_hbm, ut_hbm, mt_hbm, et_hbm,
                 utail_hbm, etail_hbm, mtail_hbm,
                 blend_hbm, mrow_hbm,
                 chunk, u_w0, u_w1, u_w2, e_w0, e_w1, e_w2,
                 vul, bul, vml, bml, hrows, sem0, sem1, sem2, sem_h):
    wid = lax.axis_index("s") * NC + lax.axis_index("c")
    lanes = lax.iota(jnp.int32, L)
    k_lo = lanes
    k_hi = lanes + L
    u_bufs = (u_w0, u_w1, u_w2)
    e_bufs = (e_w0, e_w1, e_w2)
    sems = (sem0, sem1, sem2)

    def u_fire(win_id, p):
        @pl.when(win_id < UFULL)
        def _():
            off = win_id * WIN
            pltpu.async_copy(ut_hbm.at[:, pl.ds(off, WIN)], u_bufs[p],
                             sems[p])
            pltpu.async_copy(et_hbm.at[:, pl.ds(off, WIN)], e_bufs[p],
                             sems[p])

    def u_wait(win_id, p):
        @pl.when(win_id < UFULL)
        def _():
            pltpu.make_async_copy(
                ut_hbm.at[:, pl.ds(0, WIN)], u_bufs[p], sems[p]).wait()
            pltpu.make_async_copy(
                et_hbm.at[:, pl.ds(0, WIN)], e_bufs[p], sems[p]).wait()

    u_fire(wid, 0)
    u_fire(wid + NW, 1)

    def make_scan(src_hbm, vdst, bdst):
        def outer(ci, cnt):
            pltpu.sync_copy(src_hbm.at[pl.ds(ci * CHUNK, CHUNK)], chunk)

            def scan(g, cnt):
                v = chunk[pl.ds(g * L, L)]
                own = jnp.bitwise_and(lax.shift_right_logical(v, WSH), NW - 1)
                msk = own == wid
                pos = cnt + plsc.cumsum(msk.astype(jnp.int32)) - 1
                pos = jnp.minimum(pos, LCAP - 1)
                plsc.store_scatter(vdst, [pos], v, mask=msk)
                plsc.store_scatter(bdst, [pos], ci * CHUNK + g * L + lanes,
                                   mask=msk)
                return cnt + plsc.all_reduce_population_count(msk)[0]

            return lax.fori_loop(0, CHUNK // L, scan, cnt)
        return lax.fori_loop(0, B // CHUNK, outer, 0)

    cnt_u = jnp.minimum(make_scan(o_hbm, vul, bul), LCAP)
    cnt_m = jnp.minimum(make_scan(m_hbm, vml, bml), LCAP)

    def serve(win_id, win_ok, hcnt, vlist, blist, src_cnt, blended,
              dst_hbm, u_ref, e_ref):
        ngrp = lax.shift_right_logical(src_cnt + L - 1, 4)

        def grp(i, hc):
            vvec = vlist[pl.ds(i * L, L)]
            bvec = jnp.bitwise_and(blist[pl.ds(i * L, L)], B - 1)
            win_of = jnp.bitwise_and(
                lax.shift_right_logical(vvec, WSH), 2047)
            valid = (i * L + lanes) < src_cnt
            msk = (win_of == win_id) & valid & win_ok

            def hit(h, st):
                c, mc = st
                l = plsc.all_reduce_ffs(mc)[0]
                b = _extract(bvec, l)
                v = _extract(vvec, l)
                colv = _splat(jnp.bitwise_and(v, WIN - 1))
                a_lo = plsc.load_gather(u_ref, [k_lo, colv])
                a_hi = plsc.load_gather(u_ref, [k_hi, colv])
                if blended:
                    e_lo = plsc.load_gather(e_ref, [k_lo, colv])
                    e_hi = plsc.load_gather(e_ref, [k_hi, colv])
                    wf = jnp.float32(
                        jnp.bitwise_and(lax.shift_right_logical(v, 30), 1))
                    wb = jnp.full((L,), wf, jnp.float32)
                    r_lo = a_lo * wb + e_lo * (1.0 - wb)
                    r_hi = a_hi * wb + e_hi * (1.0 - wb)
                else:
                    r_lo, r_hi = a_lo, a_hi
                slot = jnp.minimum(c, LCAP - 1) * K
                hrows[pl.ds(slot, L)] = r_lo
                hrows[pl.ds(slot + L, L)] = r_hi
                pltpu.async_copy(hrows.at[pl.ds(slot, K)],
                                 dst_hbm.at[pl.ds(b * K, K)], sem_h)
                return c + 1, mc & (lanes != l)

            pc = plsc.all_reduce_population_count(msk)[0]
            hc, _ = lax.fori_loop(0, pc, hit, (hc, msk))
            return hc

        return lax.fori_loop(0, ngrp, grp, hcnt)

    def drain(n):
        def one(i, c):
            pltpu.make_async_copy(
                blend_hbm.at[pl.ds(0, K)], hrows.at[pl.ds(0, K)], sem_h).wait()
            return c
        lax.fori_loop(0, n, one, 0)

    def u_trip(t, hcnt):
        for j in range(3):
            idj = wid + (3 * t + j) * NW
            u_fire(wid + (3 * t + j + 2) * NW, (j + 2) % 3)
            u_wait(idj, j)
            hcnt = serve(idj, idj < UFULL, hcnt, vul, bul, cnt_u, True,
                         blend_hbm, u_bufs[j], e_bufs[j])
        return hcnt

    hcnt = lax.fori_loop(0, UTRIPS, u_trip, 0)

    @pl.when(wid == UFULL % NW)
    def _():
        c1 = pltpu.async_copy(utail_hbm, u_w0.at[:, pl.ds(0, UT_PAD)], sem0)
        c2 = pltpu.async_copy(etail_hbm, e_w0.at[:, pl.ds(0, UT_PAD)], sem0)
        c1.wait()
        c2.wait()

    hcnt = serve(UFULL, wid == UFULL % NW, hcnt, vul, bul, cnt_u,
                 True, blend_hbm, u_w0, e_w0)
    drain(hcnt)

    def m_fire(win_id, p):
        @pl.when(win_id < MFULL)
        def _():
            pltpu.async_copy(mt_hbm.at[:, pl.ds(win_id * WIN, WIN)],
                             u_bufs[p], sems[p])

    def m_wait(win_id, p):
        @pl.when(win_id < MFULL)
        def _():
            pltpu.make_async_copy(
                mt_hbm.at[:, pl.ds(0, WIN)], u_bufs[p], sems[p]).wait()

    m_fire(wid, 0)
    m_fire(wid + NW, 1)

    def m_trip(t, mcnt):
        for j in range(3):
            idj = wid + (3 * t + j) * NW
            m_fire(wid + (3 * t + j + 2) * NW, (j + 2) % 3)
            m_wait(idj, j)
            mcnt = serve(idj, idj < MFULL, mcnt, vml, bml, cnt_m, False,
                         mrow_hbm, u_bufs[j], e_bufs[j])
        return mcnt

    mcnt = lax.fori_loop(0, MTRIPS, m_trip, 0)

    @pl.when(wid == MFULL % NW)
    def _():
        pltpu.async_copy(mtail_hbm, u_w0.at[:, pl.ds(0, MT_PAD)],
                         sem0).wait()

    mcnt = serve(MFULL, wid == MFULL % NW, mcnt, vml, bml, cnt_m,
                 False, mrow_hbm, u_w0, e_w0)
    drain(mcnt)


def _dot_body(blend_hbm, mrow_hbm, out_hbm, b_v, m_v, out_v, sem):
    wid = lax.axis_index("s") * NC + lax.axis_index("c")
    base = wid * BPW
    lanes = lax.iota(jnp.int32, L)
    pltpu.sync_copy(blend_hbm.at[pl.ds(base * K, BPW * K)], b_v)
    pltpu.sync_copy(mrow_hbm.at[pl.ds(base * K, BPW * K)], m_v)

    def group(g, carry):
        acc = jnp.zeros((L,), jnp.float32)
        for j in range(L):
            i = (g * L + j) * K
            blo = b_v[pl.ds(i, L)]
            bhi = b_v[pl.ds(i + L, L)]
            mlo = m_v[pl.ds(i, L)]
            mhi = m_v[pl.ds(i + L, L)]
            s = jnp.sum(blo * mlo + bhi * mhi)
            acc = jnp.where(lanes == j, s, acc)
        out_v[pl.ds(g * L, L)] = acc
        return carry

    lax.fori_loop(0, BPW // L, group, 0)
    pltpu.sync_copy(out_v, out_hbm.at[pl.ds(base, BPW)])


def kernel(o, m, is_user, U, M, E):
    wbit = is_user.reshape(-1).astype(jnp.int32)
    opk = o.astype(jnp.int32) | lax.shift_left(wbit, 30)
    m32 = m.astype(jnp.int32)
    ut = U.T
    mt = M.T
    et = E.T
    utail = jnp.pad(U[UFULL * WIN:].T, ((0, 0), (0, UT_PAD - UT_ROWS)))
    etail = jnp.pad(E[UFULL * WIN:].T, ((0, 0), (0, UT_PAD - UT_ROWS)))
    mtail = jnp.pad(M[MFULL * WIN:].T, ((0, 0), (0, MT_PAD - MT_ROWS)))
    mesh = plsc.VectorSubcoreMesh(core_axis_name="c", subcore_axis_name="s")
    params = pltpu.CompilerParams(needs_layout_passes=False)

    gather = pl.kernel(
        _gather_body,
        mesh=mesh,
        compiler_params=params,
        out_type=(jax.ShapeDtypeStruct((B * K,), jnp.float32),
                  jax.ShapeDtypeStruct((B * K,), jnp.float32)),
        scratch_types=[
            pltpu.VMEM((CHUNK,), jnp.int32),
            pltpu.VMEM((K, WIN), jnp.float32),
            pltpu.VMEM((K, WIN), jnp.float32),
            pltpu.VMEM((K, WIN), jnp.float32),
            pltpu.VMEM((K, WIN), jnp.float32),
            pltpu.VMEM((K, WIN), jnp.float32),
            pltpu.VMEM((K, WIN), jnp.float32),
            pltpu.VMEM((LCAP,), jnp.int32),
            pltpu.VMEM((LCAP,), jnp.int32),
            pltpu.VMEM((LCAP,), jnp.int32),
            pltpu.VMEM((LCAP,), jnp.int32),
            pltpu.VMEM((LCAP * K,), jnp.float32),
            pltpu.SemaphoreType.DMA,
            pltpu.SemaphoreType.DMA,
            pltpu.SemaphoreType.DMA,
            pltpu.SemaphoreType.DMA,
        ],
    )
    blend, mrow = gather(opk, m32, ut, mt, et, utail, etail, mtail)

    dot = pl.kernel(
        _dot_body,
        mesh=mesh,
        compiler_params=params,
        out_type=jax.ShapeDtypeStruct((B,), jnp.float32),
        scratch_types=[
            pltpu.VMEM((BPW * K,), jnp.float32),
            pltpu.VMEM((BPW * K,), jnp.float32),
            pltpu.VMEM((BPW,), jnp.float32),
            pltpu.SemaphoreType.DMA,
        ],
    )
    return dot(blend, mrow)

# --- scband reference (transcript-rebuilt; emitter-appended) ---
"""Pipeline reference for scband-joint-movie-mf-68831145885748 (READ-ONLY COPY).

The authoritative reference and input builder live on the scoring server;
editing this copy changes nothing except your own understanding.
"""

import jax, jax.numpy as jnp
import numpy as np

N_USERS = 1000000
N_MOVIES = 100000
N_ENTITIES = 1000000
K = 32
BATCH = 16384


def setup_inputs(seed: int = 0) -> dict:
    key = jax.random.key(seed)
    k_o, k_m, k_u, k_U, k_M, k_E = jax.random.split(key, 6)
    o = jax.random.randint(k_o, (BATCH,), 0, N_USERS, dtype=jnp.int64) if jax.config.jax_enable_x64 else jax.random.randint(k_o, (BATCH,), 0, N_USERS).astype(jnp.int32)
    m = jax.random.randint(k_m, (BATCH,), 0, N_MOVIES).astype(o.dtype)
    is_user = jax.random.randint(k_u, (BATCH, 1), 0, 2).astype(jnp.float32)
    # learned parameters (nn.Embedding default init ~ N(0,1))
    U = jax.random.normal(k_U, (N_USERS, K), dtype=jnp.float32)
    M = jax.random.normal(k_M, (N_MOVIES, K), dtype=jnp.float32)
    E = jax.random.normal(k_E, (N_ENTITIES, K), dtype=jnp.float32)
    return {"o": o, "m": m, "is_user": is_user, "U": U, "M": M, "E": E}


def reference(o, m, is_user, U, M, E):
    movie_embeddings = jnp.take(M, m, axis=0)                      # [B, K] gather
    user_emb = jnp.take(U, o % N_USERS, axis=0)                    # [B, K] gather
    ent_emb = jnp.take(E, o % N_ENTITIES, axis=0)                  # [B, K] gather
    other_embeddings = user_emb * is_user + ent_emb * (1.0 - is_user)
    predictions = jnp.sum(movie_embeddings * other_embeddings, axis=1, keepdims=True)
    return jnp.squeeze(predictions)

if __name__ == "__main__":
    import jax
    _d = setup_inputs()
    print(jax.jit(kernel)(*tuple(_d.values())))

</pallas_src>

<mosaic_0001>
#map = affine_map<(d0, d1) -> (0)>
module attributes {stable_mosaic.version = 14 : i64} {
  func.func @_dot_body(%arg0: i32, %arg1: i32, %arg2: memref<524288xf32, #tpu.memory_space<hbm>>, %arg3: memref<524288xf32, #tpu.memory_space<hbm>>, %arg4: memref<16384xf32, #tpu.memory_space<hbm>>, %arg5: memref<16384xf32, #tpu.memory_space<vmem>>, %arg6: memref<16384xf32, #tpu.memory_space<vmem>>, %arg7: memref<512xf32, #tpu.memory_space<vmem>>, %arg8: memref<!tpu.dma_semaphore, #tpu.memory_space<semaphore_mem>>) attributes {dimension_semantics = [#tpu.dimension_semantics<core_parallel>, #tpu.dimension_semantics<subcore_parallel>], iteration_bounds = array<i64: 2, 16>, scalar_prefetch = 0 : i64, scratch_operands = 4 : i64, tpu.core_type = #tpu.core_type<sc_vector_subcore>, window_params = [{transform_indices = #map}, {transform_indices = #map}, {transform_indices = #map}]} {
    %mul3A = arith.constant 2 : i32
    %mul3A_0 = arith.muli %arg1, %mul3A : i32
    %add3A = arith.addi %mul3A_0, %arg0 : i32
    %mul3A_1 = arith.constant 512 : i32
    %mul3A_2 = arith.muli %add3A, %mul3A_1 : i32
    %iota3A = tpu.iota {dimensions = array<i32: 0>} : vector<16xi32>
    %mul3A_3 = arith.constant 32 : i32
    %mul3A_4 = arith.muli %mul3A_2, %mul3A_3 : i32
    "tpu.region"() ({
      %run_scoped3A = tpu.sem_alloc : memref<!tpu.dma_semaphore, #tpu.memory_space<semaphore_mem>>
      %dma_start3A = tpu.memref_slice %arg2[%mul3A_4] : memref<524288xf32, #tpu.memory_space<hbm>> -> memref<16384xf32, #tpu.memory_space<hbm>>
      %dma_start3A_12 = tpu.memref_slice %arg2[%mul3A_4] : memref<524288xf32, #tpu.memory_space<hbm>> -> memref<16384xf32, #tpu.memory_space<hbm>>
      tpu.enqueue_dma source(%dma_start3A_12 : memref<16384xf32, #tpu.memory_space<hbm>>) target(%arg5 : memref<16384xf32, #tpu.memory_space<vmem>>) target_semaphore(%run_scoped3A : memref<!tpu.dma_semaphore, #tpu.memory_space<semaphore_mem>>)
      %dma_wait3A = tpu.memref_slice %arg2[%mul3A_4] : memref<524288xf32, #tpu.memory_space<hbm>> -> memref<16384xf32, #tpu.memory_space<hbm>>
      %dma_wait3A_13 = tpu.memref_slice %arg2[%mul3A_4] : memref<524288xf32, #tpu.memory_space<hbm>> -> memref<16384xf32, #tpu.memory_space<hbm>>
      tpu.wait_dma2 semaphore(%run_scoped3A : memref<!tpu.dma_semaphore, #tpu.memory_space<semaphore_mem>>) src(%dma_wait3A_13 : memref<16384xf32, #tpu.memory_space<hbm>>) dst(%arg5 : memref<16384xf32, #tpu.memory_space<vmem>>)
      tpu.yield
    }) : () -> ()
    %mul3A_5 = arith.constant 32 : i32
    %mul3A_6 = arith.muli %mul3A_2, %mul3A_5 : i32
    "tpu.region"() ({
      %run_scoped3A = tpu.sem_alloc : memref<!tpu.dma_semaphore, #tpu.memory_space<semaphore_mem>>
      %dma_start3A = tpu.memref_slice %arg3[%mul3A_6] : memref<524288xf32, #tpu.memory_space<hbm>> -> memref<16384xf32, #tpu.memory_space<hbm>>
      %dma_start3A_12 = tpu.memref_slice %arg3[%mul3A_6] : memref<524288xf32, #tpu.memory_space<hbm>> -> memref<16384xf32, #tpu.memory_space<hbm>>
      tpu.enqueue_dma source(%dma_start3A_12 : memref<16384xf32, #tpu.memory_space<hbm>>) target(%arg6 : memref<16384xf32, #tpu.memory_space<vmem>>) target_semaphore(%run_scoped3A : memref<!tpu.dma_semaphore, #tpu.memory_space<semaphore_mem>>)
      %dma_wait3A = tpu.memref_slice %arg3[%mul3A_6] : memref<524288xf32, #tpu.memory_space<hbm>> -> memref<16384xf32, #tpu.memory_space<hbm>>
      %dma_wait3A_13 = tpu.memref_slice %arg3[%mul3A_6] : memref<524288xf32, #tpu.memory_space<hbm>> -> memref<16384xf32, #tpu.memory_space<hbm>>
      tpu.wait_dma2 semaphore(%run_scoped3A : memref<!tpu.dma_semaphore, #tpu.memory_space<semaphore_mem>>) src(%dma_wait3A_13 : memref<16384xf32, #tpu.memory_space<hbm>>) dst(%arg6 : memref<16384xf32, #tpu.memory_space<vmem>>)
      tpu.yield
    }) : () -> ()
    %scan3A = arith.constant 0 : i32
    %scan3A_7 = arith.constant 0 : i32
    %scan3A_8 = arith.constant 32 : i32
    %scan3A_9 = arith.addi %scan3A_7, %scan3A_8 : i32
    %scan3A_10 = arith.constant 1 : i32
    scf.for %scan3A_12 = %scan3A_7 to %scan3A_9 step %scan3A_10  : i32 {
      %broadcast_in_dim3A = arith.constant 0.000000e+00 : f32
      %broadcast_in_dim3A_13 = vector.broadcast %broadcast_in_dim3A : f32 to vector<16xf32>
      %mul3A_14 = arith.constant 16 : i32
      %mul3A_15 = arith.muli %scan3A_12, %mul3A_14 : i32
      %add3A_16 = arith.constant 0 : i32
      %add3A_17 = arith.addi %mul3A_15, %add3A_16 : i32
      %mul3A_18 = arith.constant 32 : i32
      %mul3A_19 = arith.muli %add3A_17, %mul3A_18 : i32
      %get3A = arith.index_cast %mul3A_19 : i32 to index
      %get3A_20 = tpu.vector_load %arg5[%get3A] {strides = array<i32>} : memref<16384xf32, #tpu.memory_space<vmem>>, vector<16xf32>,
      %add3A_21 = arith.constant 16 : i32
      %add3A_22 = arith.addi %mul3A_19, %add3A_21 : i32
      %get3A_23 = arith.index_cast %add3A_22 : i32 to index
      %get3A_24 = tpu.vector_load %arg5[%get3A_23] {strides = array<i32>} : memref<16384xf32, #tpu.memory_space<vmem>>, vector<16xf32>,
      %get3A_25 = arith.index_cast %mul3A_19 : i32 to index
      %get3A_26 = tpu.vector_load %arg6[%get3A_25] {strides = array<i32>} : memref<16384xf32, #tpu.memory_space<vmem>>, vector<16xf32>,
      %add3A_27 = arith.constant 16 : i32
      %add3A_28 = arith.addi %mul3A_19, %add3A_27 : i32
      %get3A_29 = arith.index_cast %add3A_28 : i32 to index
      %get3A_30 = tpu.vector_load %arg6[%get3A_29] {strides = array<i32>} : memref<16384xf32, #tpu.memory_space<vmem>>, vector<16xf32>,
      %mul3A_31 = arith.mulf %get3A_20, %get3A_26 : vector<16xf32>
      %mul3A_32 = arith.mulf %get3A_24, %get3A_30 : vector<16xf32>
      %add3A_33 = arith.addf %mul3A_31, %mul3A_32 : vector<16xf32>
      %reduce_sum3A = arith.constant true
      %reduce_sum3A_34 = vector.broadcast %reduce_sum3A : i1 to vector<16xi1>
      %reduce_sum3A_35 = tpu.scan <sum>, %add3A_33 masked %reduce_sum3A_34 : vector<16xf32>, vector<16xi1> -> vector<16xf32>
      %reduce_sum3A_36 = vector.extract %reduce_sum3A_35[15] : f32 from vector<16xf32>
      %eq3A = arith.constant 0 : i32
      %eq3A_37 = vector.broadcast %eq3A : i32 to vector<16xi32>
      %eq3A_38 = arith.cmpi eq, %iota3A, %eq3A_37 : vector<16xi32>
      %broadcast_in_dim3A_39 = vector.broadcast %reduce_sum3A_36 : f32 to vector<16xf32>
      %select_n3A = arith.select %eq3A_38, %broadcast_in_dim3A_39, %broadcast_in_dim3A_13 : vector<16xi1>, vector<16xf32>
      %mul3A_40 = arith.constant 16 : i32
      %mul3A_41 = arith.muli %scan3A_12, %mul3A_40 : i32
      %add3A_42 = arith.constant 1 : i32
      %add3A_43 = arith.addi %mul3A_41, %add3A_42 : i32
      %mul3A_44 = arith.constant 32 : i32
      %mul3A_45 = arith.muli %add3A_43, %mul3A_44 : i32
      %get3A_46 = arith.index_cast %mul3A_45 : i32 to index
      %get3A_47 = tpu.vector_load %arg5[%get3A_46] {strides = array<i32>} : memref<16384xf32, #tpu.memory_space<vmem>>, vector<16xf32>,
      %add3A_48 = arith.constant 16 : i32
      %add3A_49 = arith.addi %mul3A_45, %add3A_48 : i32
      %get3A_50 = arith.index_cast %add3A_49 : i32 to index
      %get3A_51 = tpu.vector_load %arg5[%get3A_50] {strides = array<i32>} : memref<16384xf32, #tpu.memory_space<vmem>>, vector<16xf32>,
      %get3A_52 = arith.index_cast %mul3A_45 : i32 to index
      %get3A_53 = tpu.vector_load %arg6[%get3A_52] {strides = array<i32>} : memref<16384xf32, #tpu.memory_space<vmem>>, vector<16xf32>,
      %add3A_54 = arith.constant 16 : i32
      %add3A_55 = arith.addi %mul3A_45, %add3A_54 : i32
      %get3A_56 = arith.index_cast %add3A_55 : i32 to index
      %get3A_57 = tpu.vector_load %arg6[%get3A_56] {strides = array<i32>} : memref<16384xf32, #tpu.memory_space<vmem>>, vector<16xf32>,
      %mul3A_58 = arith.mulf %get3A_47, %get3A_53 : vector<16xf32>
      %mul3A_59 = arith.mulf %get3A_51, %get3A_57 : vector<16xf32>
      %add3A_60 = arith.addf %mul3A_58, %mul3A_59 : vector<16xf32>
      %reduce_sum3A_61 = arith.constant true
      %reduce_sum3A_62 = vector.broadcast %reduce_sum3A_61 : i1 to vector<16xi1>
      %reduce_sum3A_63 = tpu.scan <sum>, %add3A_60 masked %reduce_sum3A_62 : vector<16xf32>, vector<16xi1> -> vector<16xf32>
      %reduce_sum3A_64 = vector.extract %reduce_sum3A_63[15] : f32 from vector<16xf32>
      %eq3A_65 = arith.constant 1 : i32
      %eq3A_66 = vector.broadcast %eq3A_65 : i32 to vector<16xi32>
      %eq3A_67 = arith.cmpi eq, %iota3A, %eq3A_66 : vector<16xi32>
      %broadcast_in_dim3A_68 = vector.broadcast %reduce_sum3A_64 : f32 to vector<16xf32>
      %select_n3A_69 = arith.select %eq3A_67, %broadcast_in_dim3A_68, %select_n3A : vector<16xi1>, vector<16xf32>
      %mul3A_70 = arith.constant 16 : i32
      %mul3A_71 = arith.muli %scan3A_12, %mul3A_70 : i32
      %add3A_72 = arith.constant 2 : i32
      %add3A_73 = arith.addi %mul3A_71, %add3A_72 : i32
      %mul3A_74 = arith.constant 32 : i32
      %mul3A_75 = arith.muli %add3A_73, %mul3A_74 : i32
      %get3A_76 = arith.index_cast %mul3A_75 : i32 to index
      %get3A_77 = tpu.vector_load %arg5[%get3A_76] {strides = array<i32>} : memref<16384xf32, #tpu.memory_space<vmem>>, vector<16xf32>,
      %add3A_78 = arith.constant 16 : i32
      %add3A_79 = arith.addi %mul3A_75, %add3A_78 : i32
      %get3A_80 = arith.index_cast %add3A_79 : i32 to index
      %get3A_81 = tpu.vector_load %arg5[%get3A_80] {strides = array<i32>} : memref<16384xf32, #tpu.memory_space<vmem>>, vector<16xf32>,
      %get3A_82 = arith.index_cast %mul3A_75 : i32 to index
      %get3A_83 = tpu.vector_load %arg6[%get3A_82] {strides = array<i32>} : memref<16384xf32, #tpu.memory_space<vmem>>, vector<16xf32>,
      %add3A_84 = arith.constant 16 : i32
      %add3A_85 = arith.addi %mul3A_75, %add3A_84 : i32
      %get3A_86 = arith.index_cast %add3A_85 : i32 to index
      %get3A_87 = tpu.vector_load %arg6[%get3A_86] {strides = array<i32>} : memref<16384xf32, #tpu.memory_space<vmem>>, vector<16xf32>,
      %mul3A_88 = arith.mulf %get3A_77, %get3A_83 : vector<16xf32>
      %mul3A_89 = arith.mulf %get3A_81, %get3A_87 : vector<16xf32>
      %add3A_90 = arith.addf %mul3A_88, %mul3A_89 : vector<16xf32>
      %reduce_sum3A_91 = arith.constant true
      %reduce_sum3A_92 = vector.broadcast %reduce_sum3A_91 : i1 to vector<16xi1>
      %reduce_sum3A_93 = tpu.scan <sum>, %add3A_90 masked %reduce_sum3A_92 : vector<16xf32>, vector<16xi1> -> vector<16xf32>
      %reduce_sum3A_94 = vector.extract %reduce_sum3A_93[15] : f32 from vector<16xf32>
      %eq3A_95 = arith.constant 2 : i32
      %eq3A_96 = vector.broadcast %eq3A_95 : i32 to vector<16xi32>
      %eq3A_97 = arith.cmpi eq, %iota3A, %eq3A_96 : vector<16xi32>
      %broadcast_in_dim3A_98 = vector.broadcast %reduce_sum3A_94 : f32 to vector<16xf32>
      %select_n3A_99 = arith.select %eq3A_97, %broadcast_in_dim3A_98, %select_n3A_69 : vector<16xi1>, vector<16xf32>
      %mul3A_100 = arith.constant 16 : i32
      %mul3A_101 = arith.muli %scan3A_12, %mul3A_100 : i32
      %add3A_102 = arith.constant 3 : i32
      %add3A_103 = arith.addi %mul3A_101, %add3A_102 : i32
      %mul3A_104 = arith.constant 32 : i32
      %mul3A_105 = arith.muli %add3A_103, %mul3A_104 : i32
      %get3A_106 = arith.index_cast %mul3A_105 : i32 to index
      %get3A_107 = tpu.vector_load %arg5[%get3A_106] {strides = array<i32>} : memref<16384xf32, #tpu.memory_space<vmem>>, vector<16xf32>,
      %add3A_108 = arith.constant 16 : i32
      %add3A_109 = arith.addi %mul3A_105, %add3A_108 : i32
      %get3A_110 = arith.index_cast %add3A_109 : i32 to index
      %get3A_111 = tpu.vector_load %arg5[%get3A_110] {strides = array<i32>} : memref<16384xf32, #tpu.memory_space<vmem>>, vector<16xf32>,
      %get3A_112 = arith.index_cast %mul3A_105 : i32 to index
      %get3A_113 = tpu.vector_load %arg6[%get3A_112] {strides = array<i32>} : memref<16384xf32, #tpu.memory_space<vmem>>, vector<16xf32>,
      %add3A_114 = arith.constant 16 : i32
      %add3A_115 = arith.addi %mul3A_105, %add3A_114 : i32
      %get3A_116 = arith.index_cast %add3A_115 : i32 to index
      %get3A_117 = tpu.vector_load %arg6[%get3A_116] {strides = array<i32>} : memref<16384xf32, #tpu.memory_space<vmem>>, vector<16xf32>,
      %mul3A_118 = arith.mulf %get3A_107, %get3A_113 : vector<16xf32>
      %mul3A_119 = arith.mulf %get3A_111, %get3A_117 : vector<16xf32>
      %add3A_120 = arith.addf %mul3A_118, %mul3A_119 : vector<16xf32>
      %reduce_sum3A_121 = arith.constant true
      %reduce_sum3A_122 = vector.broadcast %reduce_sum3A_121 : i1 to vector<16xi1>
      %reduce_sum3A_123 = tpu.scan <sum>, %add3A_120 masked %reduce_sum3A_122 : vector<16xf32>, vector<16xi1> -> vector<16xf32>
      %reduce_sum3A_124 = vector.extract %reduce_sum3A_123[15] : f32 from vector<16xf32>
      %eq3A_125 = arith.constant 3 : i32
      %eq3A_126 = vector.broadcast %eq3A_125 : i32 to vector<16xi32>
      %eq3A_127 = arith.cmpi eq, %iota3A, %eq3A_126 : vector<16xi32>
      %broadcast_in_dim3A_128 = vector.broadcast %reduce_sum3A_124 : f32 to vector<16xf32>
      %select_n3A_129 = arith.select %eq3A_127, %broadcast_in_dim3A_128, %select_n3A_99 : vector<16xi1>, vector<16xf32>
      %mul3A_130 = arith.constant 16 : i32
      %mul3A_131 = arith.muli %scan3A_12, %mul3A_130 : i32
      %add3A_132 = arith.constant 4 : i32
      %add3A_133 = arith.addi %mul3A_131, %add3A_132 : i32
      %mul3A_134 = arith.constant 32 : i32
      %mul3A_135 = arith.muli %add3A_133, %mul3A_134 : i32
      %get3A_136 = arith.index_cast %mul3A_135 : i32 to index
      %get3A_137 = tpu.vector_load %arg5[%get3A_136] {strides = array<i32>} : memref<16384xf32, #tpu.memory_space<vmem>>, vector<16xf32>,
      %add3A_138 = arith.constant 16 : i32
      %add3A_139 = arith.addi %mul3A_135, %add3A_138 : i32
      %get3A_140 = arith.index_cast %add3A_139 : i32 to index
      %get3A_141 = tpu.vector_load %arg5[%get3A_140] {strides = array<i32>} : memref<16384xf32, #tpu.memory_space<vmem>>, vector<16xf32>,
      %get3A_142 = arith.index_cast %mul3A_135 : i32 to index
      %get3A_143 = tpu.vector_load %arg6[%get3A_142] {strides = array<i32>} : memref<16384xf32, #tpu.memory_space<vmem>>, vector<16xf32>,
      %add3A_144 = arith.constant 16 : i32
      %add3A_145 = arith.addi %mul3A_135, %add3A_144 : i32
      %get3A_146 = arith.index_cast %add3A_145 : i32 to index
      %get3A_147 = tpu.vector_load %arg6[%get3A_146] {strides = array<i32>} : memref<16384xf32, #tpu.memory_space<vmem>>, vector<16xf32>,
      %mul3A_148 = arith.mulf %get3A_137, %get3A_143 : vector<16xf32>
      %mul3A_149 = arith.mulf %get3A_141, %get3A_147 : vector<16xf32>
      %add3A_150 = arith.addf %mul3A_148, %mul3A_149 : vector<16xf32>
      %reduce_sum3A_151 = arith.constant true
      %reduce_sum3A_152 = vector.broadcast %reduce_sum3A_151 : i1 to vector<16xi1>
      %reduce_sum3A_153 = tpu.scan <sum>, %add3A_150 masked %reduce_sum3A_152 : vector<16xf32>, vector<16xi1> -> vector<16xf32>
      %reduce_sum3A_154 = vector.extract %reduce_sum3A_153[15] : f32 from vector<16xf32>
      %eq3A_155 = arith.constant 4 : i32
      %eq3A_156 = vector.broadcast %eq3A_155 : i32 to vector<16xi32>
      %eq3A_157 = arith.cmpi eq, %iota3A, %eq3A_156 : vector<16xi32>
      %broadcast_in_dim3A_158 = vector.broadcast %reduce_sum3A_154 : f32 to vector<16xf32>
      %select_n3A_159 = arith.select %eq3A_157, %broadcast_in_dim3A_158, %select_n3A_129 : vector<16xi1>, vector<16xf32>
      %mul3A_160 = arith.constant 16 : i32
      %mul3A_161 = arith.muli %scan3A_12, %mul3A_160 : i32
      %add3A_162 = arith.constant 5 : i32
      %add3A_163 = arith.addi %mul3A_161, %add3A_162 : i32
      %mul3A_164 = arith.constant 32 : i32
      %mul3A_165 = arith.muli %add3A_163, %mul3A_164 : i32
      %get3A_166 = arith.index_cast %mul3A_165 : i32 to index
      %get3A_167 = tpu.vector_load %arg5[%get3A_166] {strides = array<i32>} : memref<16384xf32, #tpu.memory_space<vmem>>, vector<16xf32>,
      %add3A_168 = arith.constant 16 : i32
      %add3A_169 = arith.addi %mul3A_165, %add3A_168 : i32
      %get3A_170 = arith.index_cast %add3A_169 : i32 to index
      %get3A_171 = tpu.vector_load %arg5[%get3A_170] {strides = array<i32>} : memref<16384xf32, #tpu.memory_space<vmem>>, vector<16xf32>,
      %get3A_172 = arith.index_cast %mul3A_165 : i32 to index
      %get3A_173 = tpu.vector_load %arg6[%get3A_172] {strides = array<i32>} : memref<16384xf32, #tpu.memory_space<vmem>>, vector<16xf32>,
      %add3A_174 = arith.constant 16 : i32
      %add3A_175 = arith.addi %mul3A_165, %add3A_174 : i32
      %get3A_176 = arith.index_cast %add3A_175 : i32 to index
      %get3A_177 = tpu.vector_load %arg6[%get3A_176] {strides = array<i32>} : memref<16384xf32, #tpu.memory_space<vmem>>, vector<16xf32>,
      %mul3A_178 = arith.mulf %get3A_167, %get3A_173 : vector<16xf32>
      %mul3A_179 = arith.mulf %get3A_171, %get3A_177 : vector<16xf32>
      %add3A_180 = arith.addf %mul3A_178, %mul3A_179 : vector<16xf32>
      %reduce_sum3A_181 = arith.constant true
      %reduce_sum3A_182 = vector.broadcast %reduce_sum3A_181 : i1 to vector<16xi1>
      %reduce_sum3A_183 = tpu.scan <sum>, %add3A_180 masked %reduce_sum3A_182 : vector<16xf32>, vector<16xi1> -> vector<16xf32>
      %reduce_sum3A_184 = vector.extract %reduce_sum3A_183[15] : f32 from vector<16xf32>
      %eq3A_185 = arith.constant 5 : i32
      %eq3A_186 = vector.broadcast %eq3A_185 : i32 to vector<16xi32>
      %eq3A_187 = arith.cmpi eq, %iota3A, %eq3A_186 : vector<16xi32>
      %broadcast_in_dim3A_188 = vector.broadcast %reduce_sum3A_184 : f32 to vector<16xf32>
      %select_n3A_189 = arith.select %eq3A_187, %broadcast_in_dim3A_188, %select_n3A_159 : vector<16xi1>, vector<16xf32>
      %mul3A_190 = arith.constant 16 : i32
      %mul3A_191 = arith.muli %scan3A_12, %mul3A_190 : i32
      %add3A_192 = arith.constant 6 : i32
      %add3A_193 = arith.addi %mul3A_191, %add3A_192 : i32
      %mul3A_194 = arith.constant 32 : i32
      %mul3A_195 = arith.muli %add3A_193, %mul3A_194 : i32
      %get3A_196 = arith.index_cast %mul3A_195 : i32 to index
      %get3A_197 = tpu.vector_load %arg5[%get3A_196] {strides = array<i32>} : memref<16384xf32, #tpu.memory_space<vmem>>, vector<16xf32>,
      %add3A_198 = arith.constant 16 : i32
      %add3A_199 = arith.addi %mul3A_195, %add3A_198 : i32
      %get3A_200 = arith.index_cast %add3A_199 : i32 to index
      %get3A_201 = tpu.vector_load %arg5[%get3A_200] {strides = array<i32>} : memref<16384xf32, #tpu.memory_space<vmem>>, vector<16xf32>,
      %get3A_202 = arith.index_cast %mul3A_195 : i32 to index
      %get3A_203 = tpu.vector_load %arg6[%get3A_202] {strides = array<i32>} : memref<16384xf32, #tpu.memory_space<vmem>>, vector<16xf32>,
      %add3A_204 = arith.constant 16 : i32
      %add3A_205 = arith.addi %mul3A_195, %add3A_204 : i32
      %get3A_206 = arith.index_cast %add3A_205 : i32 to index
      %get3A_207 = tpu.vector_load %arg6[%get3A_206] {strides = array<i32>} : memref<16384xf32, #tpu.memory_space<vmem>>, vector<16xf32>,
      %mul3A_208 = arith.mulf %get3A_197, %get3A_203 : vector<16xf32>
      %mul3A_209 = arith.mulf %get3A_201, %get3A_207 : vector<16xf32>
      %add3A_210 = arith.addf %mul3A_208, %mul3A_209 : vector<16xf32>
      %reduce_sum3A_211 = arith.constant true
      %reduce_sum3A_212 = vector.broadcast %reduce_sum3A_211 : i1 to vector<16xi1>
      %reduce_sum3A_213 = tpu.scan <sum>, %add3A_210 masked %reduce_sum3A_212 : vector<16xf32>, vector<16xi1> -> vector<16xf32>
      %reduce_sum3A_214 = vector.extract %reduce_sum3A_213[15] : f32 from vector<16xf32>
      %eq3A_215 = arith.constant 6 : i32
      %eq3A_216 = vector.broadcast %eq3A_215 : i32 to vector<16xi32>
      %eq3A_217 = arith.cmpi eq, %iota3A, %eq3A_216 : vector<16xi32>
      %broadcast_in_dim3A_218 = vector.broadcast %reduce_sum3A_214 : f32 to vector<16xf32>
      %select_n3A_219 = arith.select %eq3A_217, %broadcast_in_dim3A_218, %select_n3A_189 : vector<16xi1>, vector<16xf32>
      %mul3A_220 = arith.constant 16 : i32
      %mul3A_221 = arith.muli %scan3A_12, %mul3A_220 : i32
      %add3A_222 = arith.constant 7 : i32
      %add3A_223 = arith.addi %mul3A_221, %add3A_222 : i32
      %mul3A_224 = arith.constant 32 : i32
      %mul3A_225 = arith.muli %add3A_223, %mul3A_224 : i32
      %get3A_226 = arith.index_cast %mul3A_225 : i32 to index
      %get3A_227 = tpu.vector_load %arg5[%get3A_226] {strides = array<i32>} : memref<16384xf32, #tpu.memory_space<vmem>>, vector<16xf32>,
      %add3A_228 = arith.constant 16 : i32
      %add3A_229 = arith.addi %mul3A_225, %add3A_228 : i32
      %get3A_230 = arith.index_cast %add3A_229 : i32 to index
      %get3A_231 = tpu.vector_load %arg5[%get3A_230] {strides = array<i32>} : memref<16384xf32, #tpu.memory_space<vmem>>, vector<16xf32>,
      %get3A_232 = arith.index_cast %mul3A_225 : i32 to index
      %get3A_233 = tpu.vector_load %arg6[%get3A_232] {strides = array<i32>} : memref<16384xf32, #tpu.memory_space<vmem>>, vector<16xf32>,
      %add3A_234 = arith.constant 16 : i32
      %add3A_235 = arith.addi %mul3A_225, %add3A_234 : i32
      %get3A_236 = arith.index_cast %add3A_235 : i32 to index
      %get3A_237 = tpu.vector_load %arg6[%get3A_236] {strides = array<i32>} : memref<16384xf32, #tpu.memory_space<vmem>>, vector<16xf32>,
      %mul3A_238 = arith.mulf %get3A_227, %get3A_233 : vector<16xf32>
      %mul3A_239 = arith.mulf %get3A_231, %get3A_237 : vector<16xf32>
      %add3A_240 = arith.addf %mul3A_238, %mul3A_239 : vector<16xf32>
      %reduce_sum3A_241 = arith.constant true
      %reduce_sum3A_242 = vector.broadcast %reduce_sum3A_241 : i1 to vector<16xi1>
      %reduce_sum3A_243 = tpu.scan <sum>, %add3A_240 masked %reduce_sum3A_242 : vector<16xf32>, vector<16xi1> -> vector<16xf32>
      %reduce_sum3A_244 = vector.extract %reduce_sum3A_243[15] : f32 from vector<16xf32>
      %eq3A_245 = arith.constant 7 : i32
      %eq3A_246 = vector.broadcast %eq3A_245 : i32 to vector<16xi32>
      %eq3A_247 = arith.cmpi eq, %iota3A, %eq3A_246 : vector<16xi32>
      %broadcast_in_dim3A_248 = vector.broadcast %reduce_sum3A_244 : f32 to vector<16xf32>
      %select_n3A_249 = arith.select %eq3A_247, %broadcast_in_dim3A_248, %select_n3A_219 : vector<16xi1>, vector<16xf32>
      %mul3A_250 = arith.constant 16 : i32
      %mul3A_251 = arith.muli %scan3A_12, %mul3A_250 : i32
      %add3A_252 = arith.constant 8 : i32
      %add3A_253 = arith.addi %mul3A_251, %add3A_252 : i32
      %mul3A_254 = arith.constant 32 : i32
      %mul3A_255 = arith.muli %add3A_253, %mul3A_254 : i32
      %get3A_256 = arith.index_cast %mul3A_255 : i32 to index
      %get3A_257 = tpu.vector_load %arg5[%get3A_256] {strides = array<i32>} : memref<16384xf32, #tpu.memory_space<vmem>>, vector<16xf32>,
      %add3A_258 = arith.constant 16 : i32
      %add3A_259 = arith.addi %mul3A_255, %add3A_258 : i32
      %get3A_260 = arith.index_cast %add3A_259 : i32 to index
      %get3A_261 = tpu.vector_load %arg5[%get3A_260] {strides = array<i32>} : memref<16384xf32, #tpu.memory_space<vmem>>, vector<16xf32>,
      %get3A_262 = arith.index_cast %mul3A_255 : i32 to index
      %get3A_263 = tpu.vector_load %arg6[%get3A_262] {strides = array<i32>} : memref<16384xf32, #tpu.memory_space<vmem>>, vector<16xf32>,
      %add3A_264 = arith.constant 16 : i32
      %add3A_265 = arith.addi %mul3A_255, %add3A_264 : i32
      %get3A_266 = arith.index_cast %add3A_265 : i32 to index
      %get3A_267 = tpu.vector_load %arg6[%get3A_266] {strides = array<i32>} : memref<16384xf32, #tpu.memory_space<vmem>>, vector<16xf32>,
      %mul3A_268 = arith.mulf %get3A_257, %get3A_263 : vector<16xf32>
      %mul3A_269 = arith.mulf %get3A_261, %get3A_267 : vector<16xf32>
      %add3A_270 = arith.addf %mul3A_268, %mul3A_269 : vector<16xf32>
      %reduce_sum3A_271 = arith.constant true
      %reduce_sum3A_272 = vector.broadcast %reduce_sum3A_271 : i1 to vector<16xi1>
      %reduce_sum3A_273 = tpu.scan <sum>, %add3A_270 masked %reduce_sum3A_272 : vector<16xf32>, vector<16xi1> -> vector<16xf32>
      %reduce_sum3A_274 = vector.extract %reduce_sum3A_273[15] : f32 from vector<16xf32>
      %eq3A_275 = arith.constant 8 : i32
      %eq3A_276 = vector.broadcast %eq3A_275 : i32 to vector<16xi32>
      %eq3A_277 = arith.cmpi eq, %iota3A, %eq3A_276 : vector<16xi32>
      %broadcast_in_dim3A_278 = vector.broadcast %reduce_sum3A_274 : f32 to vector<16xf32>
      %select_n3A_279 = arith.select %eq3A_277, %broadcast_in_dim3A_278, %select_n3A_249 : vector<16xi1>, vector<16xf32>
      %mul3A_280 = arith.constant 16 : i32
      %mul3A_281 = arith.muli %scan3A_12, %mul3A_280 : i32
      %add3A_282 = arith.constant 9 : i32
      %add3A_283 = arith.addi %mul3A_281, %add3A_282 : i32
      %mul3A_284 = arith.constant 32 : i32
      %mul3A_285 = arith.muli %add3A_283, %mul3A_284 : i32
      %get3A_286 = arith.index_cast %mul3A_285 : i32 to index
      %get3A_287 = tpu.vector_load %arg5[%get3A_286] {strides = array<i32>} : memref<16384xf32, #tpu.memory_space<vmem>>, vector<16xf32>,
      %add3A_288 = arith.constant 16 : i32
      %add3A_289 = arith.addi %mul3A_285, %add3A_288 : i32
      %get3A_290 = arith.index_cast %add3A_289 : i32 to index
      %get3A_291 = tpu.vector_load %arg5[%get3A_290] {strides = array<i32>} : memref<16384xf32, #tpu.memory_space<vmem>>, vector<16xf32>,
      %get3A_292 = arith.index_cast %mul3A_285 : i32 to index
      %get3A_293 = tpu.vector_load %arg6[%get3A_292] {strides = array<i32>} : memref<16384xf32, #tpu.memory_space<vmem>>, vector<16xf32>,
      %add3A_294 = arith.constant 16 : i32
      %add3A_295 = arith.addi %mul3A_285, %add3A_294 : i32
      %get3A_296 = arith.index_cast %add3A_295 : i32 to index
      %get3A_297 = tpu.vector_load %arg6[%get3A_296] {strides = array<i32>} : memref<16384xf32, #tpu.memory_space<vmem>>, vector<16xf32>,
      %mul3A_298 = arith.mulf %get3A_287, %get3A_293 : vector<16xf32>
      %mul3A_299 = arith.mulf %get3A_291, %get3A_297 : vector<16xf32>
      %add3A_300 = arith.addf %mul3A_298, %mul3A_299 : vector<16xf32>
      %reduce_sum3A_301 = arith.constant true
      %reduce_sum3A_302 = vector.broadcast %reduce_sum3A_301 : i1 to vector<16xi1>
      %reduce_sum3A_303 = tpu.scan <sum>, %add3A_300 masked %reduce_sum3A_302 : vector<16xf32>, vector<16xi1> -> vector<16xf32>
      %reduce_sum3A_304 = vector.extract %reduce_sum3A_303[15] : f32 from vector<16xf32>
      %eq3A_305 = arith.constant 9 : i32
      %eq3A_306 = vector.broadcast %eq3A_305 : i32 to vector<16xi32>
      %eq3A_307 = arith.cmpi eq, %iota3A, %eq3A_306 : vector<16xi32>
      %broadcast_in_dim3A_308 = vector.broadcast %reduce_sum3A_304 : f32 to vector<16xf32>
      %select_n3A_309 = arith.select %eq3A_307, %broadcast_in_dim3A_308, %select_n3A_279 : vector<16xi1>, vector<16xf32>
      %mul3A_310 = arith.constant 16 : i32
      %mul3A_311 = arith.muli %scan3A_12, %mul3A_310 : i32
      %add3A_312 = arith.constant 10 : i32
      %add3A_313 = arith.addi %mul3A_311, %add3A_312 : i32
      %mul3A_314 = arith.constant 32 : i32
      %mul3A_315 = arith.muli %add3A_313, %mul3A_314 : i32
      %get3A_316 = arith.index_cast %mul3A_315 : i32 to index
      %get3A_317 = tpu.vector_load %arg5[%get3A_316] {strides = array<i32>} : memref<16384xf32, #tpu.memory_space<vmem>>, vector<16xf32>,
      %add3A_318 = arith.constant 16 : i32
      %add3A_319 = arith.addi %mul3A_315, %add3A_318 : i32
      %get3A_320 = arith.index_cast %add3A_319 : i32 to index
      %get3A_321 = tpu.vector_load %arg5[%get3A_320] {strides = array<i32>} : memref<16384xf32, #tpu.memory_space<vmem>>, vector<16xf32>,
      %get3A_322 = arith.index_cast %mul3A_315 : i32 to index
      %get3A_323 = tpu.vector_load %arg6[%get3A_322] {strides = array<i32>} : memref<16384xf32, #tpu.memory_space<vmem>>, vector<16xf32>,
      %add3A_324 = arith.constant 16 : i32
      %add3A_325 = arith.addi %mul3A_315, %add3A_324 : i32
      %get3A_326 = arith.index_cast %add3A_325 : i32 to index
      %get3A_327 = tpu.vector_load %arg6[%get3A_326] {strides = array<i32>} : memref<16384xf32, #tpu.memory_space<vmem>>, vector<16xf32>,
      %mul3A_328 = arith.mulf %get3A_317, %get3A_323 : vector<16xf32>
      %mul3A_329 = arith.mulf %get3A_321, %get3A_327 : vector<16xf32>
      %add3A_330 = arith.addf %mul3A_328, %mul3A_329 : vector<16xf32>
      %reduce_sum3A_331 = arith.constant true
      %reduce_sum3A_332 = vector.broadcast %reduce_sum3A_331 : i1 to vector<16xi1>
      %reduce_sum3A_333 = tpu.scan <sum>, %add3A_330 masked %reduce_sum3A_332 : vector<16xf32>, vector<16xi1> -> vector<16xf32>
      %reduce_sum3A_334 = vector.extract %reduce_sum3A_333[15] : f32 from vector<16xf32>
      %eq3A_335 = arith.constant 10 : i32
      %eq3A_336 = vector.broadcast %eq3A_335 : i32 to vector<16xi32>
      %eq3A_337 = arith.cmpi eq, %iota3A, %eq3A_336 : vector<16xi32>
      %broadcast_in_dim3A_338 = vector.broadcast %reduce_sum3A_334 : f32 to vector<16xf32>
      %select_n3A_339 = arith.select %eq3A_337, %broadcast_in_dim3A_338, %select_n3A_309 : vector<16xi1>, vector<16xf32>
      %mul3A_340 = arith.constant 16 : i32
      %mul3A_341 = arith.muli %scan3A_12, %mul3A_340 : i32
      %add3A_342 = arith.constant 11 : i32
      %add3A_343 = arith.addi %mul3A_341, %add3A_342 : i32
      %mul3A_344 = arith.constant 32 : i32
      %mul3A_345 = arith.muli %add3A_343, %mul3A_344 : i32
      %get3A_346 = arith.index_cast %mul3A_345 : i32 to index
      %get3A_347 = tpu.vector_load %arg5[%get3A_346] {strides = array<i32>} : memref<16384xf32, #tpu.memory_space<vmem>>, vector<16xf32>,
      %add3A_348 = arith.constant 16 : i32
      %add3A_349 = arith.addi %mul3A_345, %add3A_348 : i32
      %get3A_350 = arith.index_cast %add3A_349 : i32 to index
      %get3A_351 = tpu.vector_load %arg5[%get3A_350] {strides = array<i32>} : memref<16384xf32, #tpu.memory_space<vmem>>, vector<16xf32>,
      %get3A_352 = arith.index_cast %mul3A_345 : i32 to index
      %get3A_353 = tpu.vector_load %arg6[%get3A_352] {strides = array<i32>} : memref<16384xf32, #tpu.memory_space<vmem>>, vector<16xf32>,
      %add3A_354 = arith.constant 16 : i32
      %add3A_355 = arith.addi %mul3A_345, %add3A_354 : i32
      %get3A_356 = arith.index_cast %add3A_355 : i32 to index
      %get3A_357 = tpu.vector_load %arg6[%get3A_356] {strides = array<i32>} : memref<16384xf32, #tpu.memory_space<vmem>>, vector<16xf32>,
      %mul3A_358 = arith.mulf %get3A_347, %get3A_353 : vector<16xf32>
      %mul3A_359 = arith.mulf %get3A_351, %get3A_357 : vector<16xf32>
      %add3A_360 = arith.addf %mul3A_358, %mul3A_359 : vector<16xf32>
      %reduce_sum3A_361 = arith.constant true
      %reduce_sum3A_362 = vector.broadcast %reduce_sum3A_361 : i1 to vector<16xi1>
      %reduce_sum3A_363 = tpu.scan <sum>, %add3A_360 masked %reduce_sum3A_362 : vector<16xf32>, vector<16xi1> -> vector<16xf32>
      %reduce_sum3A_364 = vector.extract %reduce_sum3A_363[15] : f32 from vector<16xf32>
      %eq3A_365 = arith.constant 11 : i32
      %eq3A_366 = vector.broadcast %eq3A_365 : i32 to vector<16xi32>
      %eq3A_367 = arith.cmpi eq, %iota3A, %eq3A_366 : vector<16xi32>
      %broadcast_in_dim3A_368 = vector.broadcast %reduce_sum3A_364 : f32 to vector<16xf32>
      %select_n3A_369 = arith.select %eq3A_367, %broadcast_in_dim3A_368, %select_n3A_339 : vector<16xi1>, vector<16xf32>
      %mul3A_370 = arith.constant 16 : i32
      %mul3A_371 = arith.muli %scan3A_12, %mul3A_370 : i32
      %add3A_372 = arith.constant 12 : i32
      %add3A_373 = arith.addi %mul3A_371, %add3A_372 : i32
      %mul3A_374 = arith.constant 32 : i32
      %mul3A_375 = arith.muli %add3A_373, %mul3A_374 : i32
      %get3A_376 = arith.index_cast %mul3A_375 : i32 to index
      %get3A_377 = tpu.vector_load %arg5[%get3A_376] {strides = array<i32>} : memref<16384xf32, #tpu.memory_space<vmem>>, vector<16xf32>,
      %add3A_378 = arith.constant 16 : i32
      %add3A_379 = arith.addi %mul3A_375, %add3A_378 : i32
      %get3A_380 = arith.index_cast %add3A_379 : i32 to index
      %get3A_381 = tpu.vector_load %arg5[%get3A_380] {strides = array<i32>} : memref<16384xf32, #tpu.memory_space<vmem>>, vector<16xf32>,
      %get3A_382 = arith.index_cast %mul3A_375 : i32 to index
      %get3A_383 = tpu.vector_load %arg6[%get3A_382] {strides = array<i32>} : memref<16384xf32, #tpu.memory_space<vmem>>, vector<16xf32>,
      %add3A_384 = arith.constant 16 : i32
      %add3A_385 = arith.addi %mul3A_375, %add3A_384 : i32
      %get3A_386 = arith.index_cast %add3A_385 : i32 to index
      %get3A_387 = tpu.vector_load %arg6[%get3A_386] {strides = array<i32>} : memref<16384xf32, #tpu.memory_space<vmem>>, vector<16xf32>,
      %mul3A_388 = arith.mulf %get3A_377, %get3A_383 : vector<16xf32>
      %mul3A_389 = arith.mulf %get3A_381, %get3A_387 : vector<16xf32>
      %add3A_390 = arith.addf %mul3A_388, %mul3A_389 : vector<16xf32>
      %reduce_sum3A_391 = arith.constant true
      %reduce_sum3A_392 = vector.broadcast %reduce_sum3A_391 : i1 to vector<16xi1>
      %reduce_sum3A_393 = tpu.scan <sum>, %add3A_390 masked %reduce_sum3A_392 : vector<16xf32>, vector<16xi1> -> vector<16xf32>
      %reduce_sum3A_394 = vector.extract %reduce_sum3A_393[15] : f32 from vector<16xf32>
      %eq3A_395 = arith.constant 12 : i32
      %eq3A_396 = vector.broadcast %eq3A_395 : i32 to vector<16xi32>
      %eq3A_397 = arith.cmpi eq, %iota3A, %eq3A_396 : vector<16xi32>
      %broadcast_in_dim3A_398 = vector.broadcast %reduce_sum3A_394 : f32 to vector<16xf32>
      %select_n3A_399 = arith.select %eq3A_397, %broadcast_in_dim3A_398, %select_n3A_369 : vector<16xi1>, vector<16xf32>
      %mul3A_400 = arith.constant 16 : i32
      %mul3A_401 = arith.muli %scan3A_12, %mul3A_400 : i32
      %add3A_402 = arith.constant 13 : i32
      %add3A_403 = arith.addi %mul3A_401, %add3A_402 : i32
      %mul3A_404 = arith.constant 32 : i32
      %mul3A_405 = arith.muli %add3A_403, %mul3A_404 : i32
      %get3A_406 = arith.index_cast %mul3A_405 : i32 to index
      %get3A_407 = tpu.vector_load %arg5[%get3A_406] {strides = array<i32>} : memref<16384xf32, #tpu.memory_space<vmem>>, vector<16xf32>,
      %add3A_408 = arith.constant 16 : i32
      %add3A_409 = arith.addi %mul3A_405, %add3A_408 : i32
      %get3A_410 = arith.index_cast %add3A_409 : i32 to index
      %get3A_411 = tpu.vector_load %arg5[%get3A_410] {strides = array<i32>} : memref<16384xf32, #tpu.memory_space<vmem>>, vector<16xf32>,
      %get3A_412 = arith.index_cast %mul3A_405 : i32 to index
      %get3A_413 = tpu.vector_load %arg6[%get3A_412] {strides = array<i32>} : memref<16384xf32, #tpu.memory_space<vmem>>, vector<16xf32>,
      %add3A_414 = arith.constant 16 : i32
      %add3A_415 = arith.addi %mul3A_405, %add3A_414 : i32
      %get3A_416 = arith.index_cast %add3A_415 : i32 to index
      %get3A_417 = tpu.vector_load %arg6[%get3A_416] {strides = array<i32>} : memref<16384xf32, #tpu.memory_space<vmem>>, vector<16xf32>,
      %mul3A_418 = arith.mulf %get3A_407, %get3A_413 : vector<16xf32>
      %mul3A_419 = arith.mulf %get3A_411, %get3A_417 : vector<16xf32>
      %add3A_420 = arith.addf %mul3A_418, %mul3A_419 : vector<16xf32>
      %reduce_sum3A_421 = arith.constant true
      %reduce_sum3A_422 = vector.broadcast %reduce_sum3A_421 : i1 to vector<16xi1>
      %reduce_sum3A_423 = tpu.scan <sum>, %add3A_420 masked %reduce_sum3A_422 : vector<16xf32>, vector<16xi1> -> vector<16xf32>
      %reduce_sum3A_424 = vector.extract %reduce_sum3A_423[15] : f32 from vector<16xf32>
      %eq3A_425 = arith.constant 13 : i32
      %eq3A_426 = vector.broadcast %eq3A_425 : i32 to vector<16xi32>
      %eq3A_427 = arith.cmpi eq, %iota3A, %eq3A_426 : vector<16xi32>
      %broadcast_in_dim3A_428 = vector.broadcast %reduce_sum3A_424 : f32 to vector<16xf32>
      %select_n3A_429 = arith.select %eq3A_427, %broadcast_in_dim3A_428, %select_n3A_399 : vector<16xi1>, vector<16xf32>
      %mul3A_430 = arith.constant 16 : i32
      %mul3A_431 = arith.muli %scan3A_12, %mul3A_430 : i32
      %add3A_432 = arith.constant 14 : i32
      %add3A_433 = arith.addi %mul3A_431, %add3A_432 : i32
      %mul3A_434 = arith.constant 32 : i32
      %mul3A_435 = arith.muli %add3A_433, %mul3A_434 : i32
      %get3A_436 = arith.index_cast %mul3A_435 : i32 to index
      %get3A_437 = tpu.vector_load %arg5[%get3A_436] {strides = array<i32>} : memref<16384xf32, #tpu.memory_space<vmem>>, vector<16xf32>,
      %add3A_438 = arith.constant 16 : i32
      %add3A_439 = arith.addi %mul3A_435, %add3A_438 : i32
      %get3A_440 = arith.index_cast %add3A_439 : i32 to index
      %get3A_441 = tpu.vector_load %arg5[%get3A_440] {strides = array<i32>} : memref<16384xf32, #tpu.memory_space<vmem>>, vector<16xf32>,
      %get3A_442 = arith.index_cast %mul3A_435 : i32 to index
      %get3A_443 = tpu.vector_load %arg6[%get3A_442] {strides = array<i32>} : memref<16384xf32, #tpu.memory_space<vmem>>, vector<16xf32>,
      %add3A_444 = arith.constant 16 : i32
      %add3A_445 = arith.addi %mul3A_435, %add3A_444 : i32
      %get3A_446 = arith.index_cast %add3A_445 : i32 to index
      %get3A_447 = tpu.vector_load %arg6[%get3A_446] {strides = array<i32>} : memref<16384xf32, #tpu.memory_space<vmem>>, vector<16xf32>,
      %mul3A_448 = arith.mulf %get3A_437, %get3A_443 : vector<16xf32>
      %mul3A_449 = arith.mulf %get3A_441, %get3A_447 : vector<16xf32>
      %add3A_450 = arith.addf %mul3A_448, %mul3A_449 : vector<16xf32>
      %reduce_sum3A_451 = arith.constant true
      %reduce_sum3A_452 = vector.broadcast %reduce_sum3A_451 : i1 to vector<16xi1>
      %reduce_sum3A_453 = tpu.scan <sum>, %add3A_450 masked %reduce_sum3A_452 : vector<16xf32>, vector<16xi1> -> vector<16xf32>
      %reduce_sum3A_454 = vector.extract %reduce_sum3A_453[15] : f32 from vector<16xf32>
      %eq3A_455 = arith.constant 14 : i32
      %eq3A_456 = vector.broadcast %eq3A_455 : i32 to vector<16xi32>
      %eq3A_457 = arith.cmpi eq, %iota3A, %eq3A_456 : vector<16xi32>
      %broadcast_in_dim3A_458 = vector.broadcast %reduce_sum3A_454 : f32 to vector<16xf32>
      %select_n3A_459 = arith.select %eq3A_457, %broadcast_in_dim3A_458, %select_n3A_429 : vector<16xi1>, vector<16xf32>
      %mul3A_460 = arith.constant 16 : i32
      %mul3A_461 = arith.muli %scan3A_12, %mul3A_460 : i32
      %add3A_462 = arith.constant 15 : i32
      %add3A_463 = arith.addi %mul3A_461, %add3A_462 : i32
      %mul3A_464 = arith.constant 32 : i32
      %mul3A_465 = arith.muli %add3A_463, %mul3A_464 : i32
      %get3A_466 = arith.index_cast %mul3A_465 : i32 to index
      %get3A_467 = tpu.vector_load %arg5[%get3A_466] {strides = array<i32>} : memref<16384xf32, #tpu.memory_space<vmem>>, vector<16xf32>,
      %add3A_468 = arith.constant 16 : i32
      %add3A_469 = arith.addi %mul3A_465, %add3A_468 : i32
      %get3A_470 = arith.index_cast %add3A_469 : i32 to index
      %get3A_471 = tpu.vector_load %arg5[%get3A_470] {strides = array<i32>} : memref<16384xf32, #tpu.memory_space<vmem>>, vector<16xf32>,
      %get3A_472 = arith.index_cast %mul3A_465 : i32 to index
      %get3A_473 = tpu.vector_load %arg6[%get3A_472] {strides = array<i32>} : memref<16384xf32, #tpu.memory_space<vmem>>, vector<16xf32>,
      %add3A_474 = arith.constant 16 : i32
      %add3A_475 = arith.addi %mul3A_465, %add3A_474 : i32
      %get3A_476 = arith.index_cast %add3A_475 : i32 to index
      %get3A_477 = tpu.vector_load %arg6[%get3A_476] {strides = array<i32>} : memref<16384xf32, #tpu.memory_space<vmem>>, vector<16xf32>,
      %mul3A_478 = arith.mulf %get3A_467, %get3A_473 : vector<16xf32>
      %mul3A_479 = arith.mulf %get3A_471, %get3A_477 : vector<16xf32>
      %add3A_480 = arith.addf %mul3A_478, %mul3A_479 : vector<16xf32>
      %reduce_sum3A_481 = arith.constant true
      %reduce_sum3A_482 = vector.broadcast %reduce_sum3A_481 : i1 to vector<16xi1>
      %reduce_sum3A_483 = tpu.scan <sum>, %add3A_480 masked %reduce_sum3A_482 : vector<16xf32>, vector<16xi1> -> vector<16xf32>
      %reduce_sum3A_484 = vector.extract %reduce_sum3A_483[15] : f32 from vector<16xf32>
      %eq3A_485 = arith.constant 15 : i32
      %eq3A_486 = vector.broadcast %eq3A_485 : i32 to vector<16xi32>
      %eq3A_487 = arith.cmpi eq, %iota3A, %eq3A_486 : vector<16xi32>
      %broadcast_in_dim3A_488 = vector.broadcast %reduce_sum3A_484 : f32 to vector<16xf32>
      %select_n3A_489 = arith.select %eq3A_487, %broadcast_in_dim3A_488, %select_n3A_459 : vector<16xi1>, vector<16xf32>
      %mul3A_490 = arith.constant 16 : i32
      %mul3A_491 = arith.muli %scan3A_12, %mul3A_490 : i32
      %swap3A = arith.index_cast %mul3A_491 : i32 to index
      %swap3A_492 = tpu.vector_load %arg7[%swap3A] {strides = array<i32>} : memref<512xf32, #tpu.memory_space<vmem>>, vector<16xf32>,
      tpu.vector_store %arg7[%swap3A], %select_n3A_489 {strides = array<i32>} : memref<512xf32, #tpu.memory_space<vmem>>, vector<16xf32>,
    }
    %scan3A_11 = arith.constant 32 : i32
    "tpu.region"() ({
      %run_scoped3A = tpu.sem_alloc : memref<!tpu.dma_semaphore, #tpu.memory_space<semaphore_mem>>
      %dma_start3A = tpu.memref_slice %arg4[%mul3A_2] : memref<16384xf32, #tpu.memory_space<hbm>> -> memref<512xf32, #tpu.memory_space<hbm>>
      %dma_start3A_12 = tpu.memref_slice %arg4[%mul3A_2] : memref<16384xf32, #tpu.memory_space<hbm>> -> memref<512xf32, #tpu.memory_space<hbm>>
      tpu.enqueue_dma source(%arg7 : memref<512xf32, #tpu.memory_space<vmem>>) target(%dma_start3A_12 : memref<512xf32, #tpu.memory_space<hbm>>) target_semaphore(%run_scoped3A : memref<!tpu.dma_semaphore, #tpu.memory_space<semaphore_mem>>)
      %dma_wait3A = tpu.memref_slice %arg4[%mul3A_2] : memref<16384xf32, #tpu.memory_space<hbm>> -> memref<512xf32, #tpu.memory_space<hbm>>
      %dma_wait3A_13 = tpu.memref_slice %arg4[%mul3A_2] : memref<16384xf32, #tpu.memory_space<hbm>> -> memref<512xf32, #tpu.memory_space<hbm>>
      tpu.wait_dma2 semaphore(%run_scoped3A : memref<!tpu.dma_semaphore, #tpu.memory_space<semaphore_mem>>) src(%arg7 : memref<512xf32, #tpu.memory_space<vmem>>) dst(%dma_wait3A_13 : memref<512xf32, #tpu.memory_space<hbm>>)
      tpu.yield
    }) : () -> ()
    return
  }
}

#map = affine_map<(d0, d1) -> (0)>
#map1 = affine_map<(d0, d1) -> (0, 0)>
module attributes {stable_mosaic.version = 14 : i64} {
  func.func @_gather_body(%arg0: i32, %arg1: i32, %arg2: memref<16384xi32, #tpu.memory_space<hbm>>, %arg3: memref<16384xi32, #tpu.memory_space<hbm>>, %arg4: memref<32x1000000xf32, #tpu.memory_space<hbm>>, %arg5: memref<32x100000xf32, #tpu.memory_space<hbm>>, %arg6: memref<32x1000000xf32, #tpu.memory_space<hbm>>, %arg7: memref<32x128xf32, #tpu.memory_space<hbm>>, %arg8: memref<32x128xf32, #tpu.memory_space<hbm>>, %arg9: memref<32x256xf32, #tpu.memory_space<hbm>>, %arg10: memref<524288xf32, #tpu.memory_space<hbm>>, %arg11: memref<524288xf32, #tpu.memory_space<hbm>>, %arg12: memref<2048xi32, #tpu.memory_space<vmem>>, %arg13: memref<32x512xf32, #tpu.memory_space<vmem>>, %arg14: memref<32x512xf32, #tpu.memory_space<vmem>>, %arg15: memref<32x512xf32, #tpu.memory_space<vmem>>, %arg16: memref<32x512xf32, #tpu.memory_space<vmem>>, %arg17: memref<32x512xf32, #tpu.memory_space<vmem>>, %arg18: memref<32x512xf32, #tpu.memory_space<vmem>>, %arg19: memref<768xi32, #tpu.memory_space<vmem>>, %arg20: memref<768xi32, #tpu.memory_space<vmem>>, %arg21: memref<768xi32, #tpu.memory_space<vmem>>, %arg22: memref<768xi32, #tpu.memory_space<vmem>>, %arg23: memref<24576xf32, #tpu.memory_space<vmem>>, %arg24: memref<!tpu.dma_semaphore, #tpu.memory_space<semaphore_mem>>, %arg25: memref<!tpu.dma_semaphore, #tpu.memory_space<semaphore_mem>>, %arg26: memref<!tpu.dma_semaphore, #tpu.memory_space<semaphore_mem>>, %arg27: memref<!tpu.dma_semaphore, #tpu.memory_space<semaphore_mem>>) attributes {dimension_semantics = [#tpu.dimension_semantics<core_parallel>, #tpu.dimension_semantics<subcore_parallel>], iteration_bounds = array<i64: 2, 16>, scalar_prefetch = 0 : i64, scratch_operands = 16 : i64, tpu.core_type = #tpu.core_type<sc_vector_subcore>, window_params = [{transform_indices = #map}, {transform_indices = #map}, {transform_indices = #map1}, {transform_indices = #map1}, {transform_indices = #map1}, {transform_indices = #map1}, {transform_indices = #map1}, {transform_indices = #map1}, {transform_indices = #map}, {transform_indices = #map}]} {
    %mul3A = arith.constant 2 : i32
    %mul3A_0 = arith.muli %arg1, %mul3A : i32
    %add3A = arith.addi %mul3A_0, %arg0 : i32
    %iota3A = tpu.iota {dimensions = array<i32: 0>} : vector<16xi32>
    %add3A_1 = arith.constant 16 : i32
    %add3A_2 = vector.broadcast %add3A_1 : i32 to vector<16xi32>
    %add3A_3 = arith.addi %iota3A, %add3A_2 : vector<16xi32>
    %lt3A = arith.constant 1953 : i32
    %lt3A_4 = arith.cmpi slt, %add3A, %lt3A : i32
    %convert_element_type3A = arith.extui %lt3A_4 : i1 to i32
    %cond3A = arith.constant 0 : i32
    %cond3A_5 = arith.cmpi ne, %convert_element_type3A, %cond3A : i32
    scf.if %cond3A_5 {
      %mul3A_119 = arith.constant 512 : i32
      %mul3A_120 = arith.muli %add3A, %mul3A_119 : i32
      %dma_start3A = arith.constant 0 : i32
      %dma_start3A_121 = tpu.memref_slice %arg4[%dma_start3A, %mul3A_120] : memref<32x1000000xf32, #tpu.memory_space<hbm>> -> memref<32x512xf32, #tpu.memory_space<hbm>>
      %dma_start3A_122 = arith.constant 0 : i32
      %dma_start3A_123 = tpu.memref_slice %arg4[%dma_start3A_122, %mul3A_120] : memref<32x1000000xf32, #tpu.memory_space<hbm>> -> memref<32x512xf32, #tpu.memory_space<hbm>>
      tpu.enqueue_dma source(%dma_start3A_123 : memref<32x512xf32, #tpu.memory_space<hbm>>) target(%arg13 : memref<32x512xf32, #tpu.memory_space<vmem>>) target_semaphore(%arg24 : memref<!tpu.dma_semaphore, #tpu.memory_space<semaphore_mem>>)
      %dma_start3A_124 = arith.constant 0 : i32
      %dma_start3A_125 = tpu.memref_slice %arg6[%dma_start3A_124, %mul3A_120] : memref<32x1000000xf32, #tpu.memory_space<hbm>> -> memref<32x512xf32, #tpu.memory_space<hbm>>
      %dma_start3A_126 = arith.constant 0 : i32
      %dma_start3A_127 = tpu.memref_slice %arg6[%dma_start3A_126, %mul3A_120] : memref<32x1000000xf32, #tpu.memory_space<hbm>> -> memref<32x512xf32, #tpu.memory_space<hbm>>
      tpu.enqueue_dma source(%dma_start3A_127 : memref<32x512xf32, #tpu.memory_space<hbm>>) target(%arg16 : memref<32x512xf32, #tpu.memory_space<vmem>>) target_semaphore(%arg24 : memref<!tpu.dma_semaphore, #tpu.memory_space<semaphore_mem>>)
    } else {
    }
    %add3A_6 = arith.constant 32 : i32
    %add3A_7 = arith.addi %add3A, %add3A_6 : i32
    %lt3A_8 = arith.constant 1953 : i32
    %lt3A_9 = arith.cmpi slt, %add3A_7, %lt3A_8 : i32
    %convert_element_type3A_10 = arith.extui %lt3A_9 : i1 to i32
    %cond3A_11 = arith.constant 0 : i32
    %cond3A_12 = arith.cmpi ne, %convert_element_type3A_10, %cond3A_11 : i32
    scf.if %cond3A_12 {
      %mul3A_119 = arith.constant 512 : i32
      %mul3A_120 = arith.muli %add3A_7, %mul3A_119 : i32
      %dma_start3A = arith.constant 0 : i32
      %dma_start3A_121 = tpu.memref_slice %arg4[%dma_start3A, %mul3A_120] : memref<32x1000000xf32, #tpu.memory_space<hbm>> -> memref<32x512xf32, #tpu.memory_space<hbm>>
      %dma_start3A_122 = arith.constant 0 : i32
      %dma_start3A_123 = tpu.memref_slice %arg4[%dma_start3A_122, %mul3A_120] : memref<32x1000000xf32, #tpu.memory_space<hbm>> -> memref<32x512xf32, #tpu.memory_space<hbm>>
      tpu.enqueue_dma source(%dma_start3A_123 : memref<32x512xf32, #tpu.memory_space<hbm>>) target(%arg14 : memref<32x512xf32, #tpu.memory_space<vmem>>) target_semaphore(%arg25 : memref<!tpu.dma_semaphore, #tpu.memory_space<semaphore_mem>>)
      %dma_start3A_124 = arith.constant 0 : i32
      %dma_start3A_125 = tpu.memref_slice %arg6[%dma_start3A_124, %mul3A_120] : memref<32x1000000xf32, #tpu.memory_space<hbm>> -> memref<32x512xf32, #tpu.memory_space<hbm>>
      %dma_start3A_126 = arith.constant 0 : i32
      %dma_start3A_127 = tpu.memref_slice %arg6[%dma_start3A_126, %mul3A_120] : memref<32x1000000xf32, #tpu.memory_space<hbm>> -> memref<32x512xf32, #tpu.memory_space<hbm>>
      tpu.enqueue_dma source(%dma_start3A_127 : memref<32x512xf32, #tpu.memory_space<hbm>>) target(%arg17 : memref<32x512xf32, #tpu.memory_space<vmem>>) target_semaphore(%arg25 : memref<!tpu.dma_semaphore, #tpu.memory_space<semaphore_mem>>)
    } else {
    }
    %scan3A = arith.constant 0 : i32
    %scan3A_13 = arith.constant 0 : i32
    %scan3A_14 = arith.constant 8 : i32
    %scan3A_15 = arith.addi %scan3A_13, %scan3A_14 : i32
    %scan3A_16 = arith.constant 1 : i32
    %scan3A_17 = scf.for %scan3A_119 = %scan3A_13 to %scan3A_15 step %scan3A_16 iter_args(%scan3A_120 = %scan3A) -> (i32)  : i32 {
      %mul3A_121 = arith.constant 2048 : i32
      %mul3A_122 = arith.muli %scan3A_119, %mul3A_121 : i32
      "tpu.region"() ({
        %run_scoped3A = tpu.sem_alloc : memref<!tpu.dma_semaphore, #tpu.memory_space<semaphore_mem>>
        %dma_start3A = tpu.memref_slice %arg2[%mul3A_122] : memref<16384xi32, #tpu.memory_space<hbm>> -> memref<2048xi32, #tpu.memory_space<hbm>>
        %dma_start3A_129 = tpu.memref_slice %arg2[%mul3A_122] : memref<16384xi32, #tpu.memory_space<hbm>> -> memref<2048xi32, #tpu.memory_space<hbm>>
        tpu.enqueue_dma source(%dma_start3A_129 : memref<2048xi32, #tpu.memory_space<hbm>>) target(%arg12 : memref<2048xi32, #tpu.memory_space<vmem>>) target_semaphore(%run_scoped3A : memref<!tpu.dma_semaphore, #tpu.memory_space<semaphore_mem>>)
        %dma_wait3A = tpu.memref_slice %arg2[%mul3A_122] : memref<16384xi32, #tpu.memory_space<hbm>> -> memref<2048xi32, #tpu.memory_space<hbm>>
        %dma_wait3A_130 = tpu.memref_slice %arg2[%mul3A_122] : memref<16384xi32, #tpu.memory_space<hbm>> -> memref<2048xi32, #tpu.memory_space<hbm>>
        tpu.wait_dma2 semaphore(%run_scoped3A : memref<!tpu.dma_semaphore, #tpu.memory_space<semaphore_mem>>) src(%dma_wait3A_130 : memref<2048xi32, #tpu.memory_space<hbm>>) dst(%arg12 : memref<2048xi32, #tpu.memory_space<vmem>>)
        tpu.yield
      }) : () -> ()
      %scan3A_123 = arith.constant 0 : i32
      %scan3A_124 = arith.constant 128 : i32
      %scan3A_125 = arith.addi %scan3A_123, %scan3A_124 : i32
      %scan3A_126 = arith.constant 1 : i32
      %scan3A_127 = scf.for %scan3A_129 = %scan3A_123 to %scan3A_125 step %scan3A_126 iter_args(%scan3A_130 = %scan3A_120) -> (i32)  : i32 {
        %mul3A_131 = arith.constant 16 : i32
        %mul3A_132 = arith.muli %scan3A_129, %mul3A_131 : i32
        %get3A = arith.index_cast %mul3A_132 : i32 to index
        %get3A_133 = tpu.vector_load %arg12[%get3A] {strides = array<i32>} : memref<2048xi32, #tpu.memory_space<vmem>>, vector<16xi32>,
        %shift_right_logical3A_134 = arith.constant 9 : i32
        %shift_right_logical3A_135 = vector.broadcast %shift_right_logical3A_134 : i32 to vector<16xi32>
        %shift_right_logical3A_136 = arith.shrui %get3A_133, %shift_right_logical3A_135 : vector<16xi32>
        %and3A = arith.constant 31 : i32
        %and3A_137 = vector.broadcast %and3A : i32 to vector<16xi32>
        %and3A_138 = arith.andi %shift_right_logical3A_136, %and3A_137 : vector<16xi32>
        %eq3A_139 = vector.broadcast %add3A : i32 to vector<16xi32>
        %eq3A_140 = arith.cmpi eq, %and3A_138, %eq3A_139 : vector<16xi32>
        %convert_element_type3A_141 = arith.extui %eq3A_140 : vector<16xi1> to vector<16xi32>
        %broadcast_in_dim3A = arith.constant true
        %broadcast_in_dim3A_142 = vector.broadcast %broadcast_in_dim3A : i1 to vector<16xi1>
        %masked_cumsum3A = tpu.scan <sum>, %convert_element_type3A_141 masked %broadcast_in_dim3A_142 : vector<16xi32>, vector<16xi1> -> vector<16xi32>
        %add3A_143 = vector.broadcast %scan3A_130 : i32 to vector<16xi32>
        %add3A_144 = arith.addi %add3A_143, %masked_cumsum3A : vector<16xi32>
        %sub3A_145 = arith.constant 1 : i32
        %sub3A_146 = vector.broadcast %sub3A_145 : i32 to vector<16xi32>
        %sub3A_147 = arith.subi %add3A_144, %sub3A_146 : vector<16xi32>
        %min3A_148 = arith.constant 767 : i32
        %min3A_149 = vector.broadcast %min3A_148 : i32 to vector<16xi32>
        %min3A_150 = arith.minsi %sub3A_147, %min3A_149 : vector<16xi32>
        tpu.vector_store_idx %arg19[%min3A_150], %get3A_133 masked %eq3A_140 : memref<768xi32, #tpu.memory_space<vmem>>[vector<16xi32>], vector<16xi32>, vector<16xi1>
        %mul3A_151 = arith.constant 2048 : i32
        %mul3A_152 = arith.muli %scan3A_119, %mul3A_151 : i32
        %mul3A_153 = arith.constant 16 : i32
        %mul3A_154 = arith.muli %scan3A_129, %mul3A_153 : i32
        %add3A_155 = arith.addi %mul3A_152, %mul3A_154 : i32
        %add3A_156 = vector.broadcast %add3A_155 : i32 to vector<16xi32>
        %add3A_157 = arith.addi %add3A_156, %iota3A : vector<16xi32>
        tpu.vector_store_idx %arg20[%min3A_150], %add3A_157 masked %eq3A_140 : memref<768xi32, #tpu.memory_space<vmem>>[vector<16xi32>], vector<16xi32>, vector<16xi1>
        %all_reduce_population_count3A = tpu.all_reduce %eq3A_140 {dim = 0 : i64, kind = #tpu.reduction_kind<sum>} : vector<16xi1> -> vector<16xi32>
        %slice3A = vector.extract_strided_slice %all_reduce_population_count3A {offsets = [0], sizes = [1], strides = [1]} : vector<16xi32> to vector<1xi32>
        %squeeze3A = vector.extract %slice3A[0] : i32 from vector<1xi32>
        %add3A_158 = arith.addi %scan3A_130, %squeeze3A : i32
        scf.yield %add3A_158 : i32
      }
      %scan3A_128 = arith.constant 128 : i32
      scf.yield %scan3A_127 : i32
    }
    %scan3A_18 = arith.constant 8 : i32
    %min3A = arith.constant 768 : i32
    %min3A_19 = arith.minsi %scan3A_17, %min3A : i32
    %scan3A_20 = arith.constant 0 : i32
    %scan3A_21 = arith.constant 0 : i32
    %scan3A_22 = arith.constant 8 : i32
    %scan3A_23 = arith.addi %scan3A_21, %scan3A_22 : i32
    %scan3A_24 = arith.constant 1 : i32
    %scan3A_25 = scf.for %scan3A_119 = %scan3A_21 to %scan3A_23 step %scan3A_24 iter_args(%scan3A_120 = %scan3A_20) -> (i32)  : i32 {
      %mul3A_121 = arith.constant 2048 : i32
      %mul3A_122 = arith.muli %scan3A_119, %mul3A_121 : i32
      "tpu.region"() ({
        %run_scoped3A = tpu.sem_alloc : memref<!tpu.dma_semaphore, #tpu.memory_space<semaphore_mem>>
        %dma_start3A = tpu.memref_slice %arg3[%mul3A_122] : memref<16384xi32, #tpu.memory_space<hbm>> -> memref<2048xi32, #tpu.memory_space<hbm>>
        %dma_start3A_129 = tpu.memref_slice %arg3[%mul3A_122] : memref<16384xi32, #tpu.memory_space<hbm>> -> memref<2048xi32, #tpu.memory_space<hbm>>
        tpu.enqueue_dma source(%dma_start3A_129 : memref<2048xi32, #tpu.memory_space<hbm>>) target(%arg12 : memref<2048xi32, #tpu.memory_space<vmem>>) target_semaphore(%run_scoped3A : memref<!tpu.dma_semaphore, #tpu.memory_space<semaphore_mem>>)
        %dma_wait3A = tpu.memref_slice %arg3[%mul3A_122] : memref<16384xi32, #tpu.memory_space<hbm>> -> memref<2048xi32, #tpu.memory_space<hbm>>
        %dma_wait3A_130 = tpu.memref_slice %arg3[%mul3A_122] : memref<16384xi32, #tpu.memory_space<hbm>> -> memref<2048xi32, #tpu.memory_space<hbm>>
        tpu.wait_dma2 semaphore(%run_scoped3A : memref<!tpu.dma_semaphore, #tpu.memory_space<semaphore_mem>>) src(%dma_wait3A_130 : memref<2048xi32, #tpu.memory_space<hbm>>) dst(%arg12 : memref<2048xi32, #tpu.memory_space<vmem>>)
        tpu.yield
      }) : () -> ()
      %scan3A_123 = arith.constant 0 : i32
      %scan3A_124 = arith.constant 128 : i32
      %scan3A_125 = arith.addi %scan3A_123, %scan3A_124 : i32
      %scan3A_126 = arith.constant 1 : i32
      %scan3A_127 = scf.for %scan3A_129 = %scan3A_123 to %scan3A_125 step %scan3A_126 iter_args(%scan3A_130 = %scan3A_120) -> (i32)  : i32 {
        %mul3A_131 = arith.constant 16 : i32
        %mul3A_132 = arith.muli %scan3A_129, %mul3A_131 : i32
        %get3A = arith.index_cast %mul3A_132 : i32 to index
        %get3A_133 = tpu.vector_load %arg12[%get3A] {strides = array<i32>} : memref<2048xi32, #tpu.memory_space<vmem>>, vector<16xi32>,
        %shift_right_logical3A_134 = arith.constant 9 : i32
        %shift_right_logical3A_135 = vector.broadcast %shift_right_logical3A_134 : i32 to vector<16xi32>
        %shift_right_logical3A_136 = arith.shrui %get3A_133, %shift_right_logical3A_135 : vector<16xi32>
        %and3A = arith.constant 31 : i32
        %and3A_137 = vector.broadcast %and3A : i32 to vector<16xi32>
        %and3A_138 = arith.andi %shift_right_logical3A_136, %and3A_137 : vector<16xi32>
        %eq3A_139 = vector.broadcast %add3A : i32 to vector<16xi32>
        %eq3A_140 = arith.cmpi eq, %and3A_138, %eq3A_139 : vector<16xi32>
        %convert_element_type3A_141 = arith.extui %eq3A_140 : vector<16xi1> to vector<16xi32>
        %broadcast_in_dim3A = arith.constant true
        %broadcast_in_dim3A_142 = vector.broadcast %broadcast_in_dim3A : i1 to vector<16xi1>
        %masked_cumsum3A = tpu.scan <sum>, %convert_element_type3A_141 masked %broadcast_in_dim3A_142 : vector<16xi32>, vector<16xi1> -> vector<16xi32>
        %add3A_143 = vector.broadcast %scan3A_130 : i32 to vector<16xi32>
        %add3A_144 = arith.addi %add3A_143, %masked_cumsum3A : vector<16xi32>
        %sub3A_145 = arith.constant 1 : i32
        %sub3A_146 = vector.broadcast %sub3A_145 : i32 to vector<16xi32>
        %sub3A_147 = arith.subi %add3A_144, %sub3A_146 : vector<16xi32>
        %min3A_148 = arith.constant 767 : i32
        %min3A_149 = vector.broadcast %min3A_148 : i32 to vector<16xi32>
        %min3A_150 = arith.minsi %sub3A_147, %min3A_149 : vector<16xi32>
        tpu.vector_store_idx %arg21[%min3A_150], %get3A_133 masked %eq3A_140 : memref<768xi32, #tpu.memory_space<vmem>>[vector<16xi32>], vector<16xi32>, vector<16xi1>
        %mul3A_151 = arith.constant 2048 : i32
        %mul3A_152 = arith.muli %scan3A_119, %mul3A_151 : i32
        %mul3A_153 = arith.constant 16 : i32
        %mul3A_154 = arith.muli %scan3A_129, %mul3A_153 : i32
        %add3A_155 = arith.addi %mul3A_152, %mul3A_154 : i32
        %add3A_156 = vector.broadcast %add3A_155 : i32 to vector<16xi32>
        %add3A_157 = arith.addi %add3A_156, %iota3A : vector<16xi32>
        tpu.vector_store_idx %arg22[%min3A_150], %add3A_157 masked %eq3A_140 : memref<768xi32, #tpu.memory_space<vmem>>[vector<16xi32>], vector<16xi32>, vector<16xi1>
        %all_reduce_population_count3A = tpu.all_reduce %eq3A_140 {dim = 0 : i64, kind = #tpu.reduction_kind<sum>} : vector<16xi1> -> vector<16xi32>
        %slice3A = vector.extract_strided_slice %all_reduce_population_count3A {offsets = [0], sizes = [1], strides = [1]} : vector<16xi32> to vector<1xi32>
        %squeeze3A = vector.extract %slice3A[0] : i32 from vector<1xi32>
        %add3A_158 = arith.addi %scan3A_130, %squeeze3A : i32
        scf.yield %add3A_158 : i32
      }
      %scan3A_128 = arith.constant 128 : i32
      scf.yield %scan3A_127 : i32
    }
    %scan3A_26 = arith.constant 8 : i32
    %min3A_27 = arith.constant 768 : i32
    %min3A_28 = arith.minsi %scan3A_25, %min3A_27 : i32
    %scan3A_29 = arith.constant 0 : i32
    %scan3A_30 = arith.constant 0 : i32
    %scan3A_31 = arith.constant 21 : i32
    %scan3A_32 = arith.addi %scan3A_30, %scan3A_31 : i32
    %scan3A_33 = arith.constant 1 : i32
    %scan3A_34 = scf.for %scan3A_119 = %scan3A_30 to %scan3A_32 step %scan3A_33 iter_args(%scan3A_120 = %scan3A_29) -> (i32)  : i32 {
      %mul3A_121 = arith.constant 3 : i32
      %mul3A_122 = arith.muli %mul3A_121, %scan3A_119 : i32
      %add3A_123 = arith.constant 0 : i32
      %add3A_124 = arith.addi %mul3A_122, %add3A_123 : i32
      %mul3A_125 = arith.constant 32 : i32
      %mul3A_126 = arith.muli %add3A_124, %mul3A_125 : i32
      %add3A_127 = arith.addi %add3A, %mul3A_126 : i32
      %mul3A_128 = arith.constant 3 : i32
      %mul3A_129 = arith.muli %mul3A_128, %scan3A_119 : i32
      %add3A_130 = arith.constant 0 : i32
      %add3A_131 = arith.addi %mul3A_129, %add3A_130 : i32
      %add3A_132 = arith.constant 2 : i32
      %add3A_133 = arith.addi %add3A_131, %add3A_132 : i32
      %mul3A_134 = arith.constant 32 : i32
      %mul3A_135 = arith.muli %add3A_133, %mul3A_134 : i32
      %add3A_136 = arith.addi %add3A, %mul3A_135 : i32
      %lt3A_137 = arith.constant 1953 : i32
      %lt3A_138 = arith.cmpi slt, %add3A_136, %lt3A_137 : i32
      %convert_element_type3A_139 = arith.extui %lt3A_138 : i1 to i32
      %cond3A_140 = arith.constant 0 : i32
      %cond3A_141 = arith.cmpi ne, %convert_element_type3A_139, %cond3A_140 : i32
      scf.if %cond3A_141 {
        %mul3A_256 = arith.constant 512 : i32
        %mul3A_257 = arith.muli %add3A_136, %mul3A_256 : i32
        %dma_start3A = arith.constant 0 : i32
        %dma_start3A_258 = tpu.memref_slice %arg4[%dma_start3A, %mul3A_257] : memref<32x1000000xf32, #tpu.memory_space<hbm>> -> memref<32x512xf32, #tpu.memory_space<hbm>>
        %dma_start3A_259 = arith.constant 0 : i32
        %dma_start3A_260 = tpu.memref_slice %arg4[%dma_start3A_259, %mul3A_257] : memref<32x1000000xf32, #tpu.memory_space<hbm>> -> memref<32x512xf32, #tpu.memory_space<hbm>>
        tpu.enqueue_dma source(%dma_start3A_260 : memref<32x512xf32, #tpu.memory_space<hbm>>) target(%arg15 : memref<32x512xf32, #tpu.memory_space<vmem>>) target_semaphore(%arg26 : memref<!tpu.dma_semaphore, #tpu.memory_space<semaphore_mem>>)
        %dma_start3A_261 = arith.constant 0 : i32
        %dma_start3A_262 = tpu.memref_slice %arg6[%dma_start3A_261, %mul3A_257] : memref<32x1000000xf32, #tpu.memory_space<hbm>> -> memref<32x512xf32, #tpu.memory_space<hbm>>
        %dma_start3A_263 = arith.constant 0 : i32
        %dma_start3A_264 = tpu.memref_slice %arg6[%dma_start3A_263, %mul3A_257] : memref<32x1000000xf32, #tpu.memory_space<hbm>> -> memref<32x512xf32, #tpu.memory_space<hbm>>
        tpu.enqueue_dma source(%dma_start3A_264 : memref<32x512xf32, #tpu.memory_space<hbm>>) target(%arg18 : memref<32x512xf32, #tpu.memory_space<vmem>>) target_semaphore(%arg26 : memref<!tpu.dma_semaphore, #tpu.memory_space<semaphore_mem>>)
      } else {
      }
      %lt3A_142 = arith.constant 1953 : i32
      %lt3A_143 = arith.cmpi slt, %add3A_127, %lt3A_142 : i32
      %convert_element_type3A_144 = arith.extui %lt3A_143 : i1 to i32
      %cond3A_145 = arith.constant 0 : i32
      %cond3A_146 = arith.cmpi ne, %convert_element_type3A_144, %cond3A_145 : i32
      scf.if %cond3A_146 {
        %dma_wait3A = arith.constant 0 : i32
        %dma_wait3A_256 = arith.constant 0 : i32
        %dma_wait3A_257 = tpu.memref_slice %arg4[%dma_wait3A, %dma_wait3A_256] : memref<32x1000000xf32, #tpu.memory_space<hbm>> -> memref<32x512xf32, #tpu.memory_space<hbm>>
        %dma_wait3A_258 = arith.constant 0 : i32
        %dma_wait3A_259 = arith.constant 0 : i32
        %dma_wait3A_260 = tpu.memref_slice %arg4[%dma_wait3A_258, %dma_wait3A_259] : memref<32x1000000xf32, #tpu.memory_space<hbm>> -> memref<32x512xf32, #tpu.memory_space<hbm>>
        tpu.wait_dma2 semaphore(%arg24 : memref<!tpu.dma_semaphore, #tpu.memory_space<semaphore_mem>>) src(%dma_wait3A_260 : memref<32x512xf32, #tpu.memory_space<hbm>>) dst(%arg13 : memref<32x512xf32, #tpu.memory_space<vmem>>)
        %dma_wait3A_261 = arith.constant 0 : i32
        %dma_wait3A_262 = arith.constant 0 : i32
        %dma_wait3A_263 = tpu.memref_slice %arg6[%dma_wait3A_261, %dma_wait3A_262] : memref<32x1000000xf32, #tpu.memory_space<hbm>> -> memref<32x512xf32, #tpu.memory_space<hbm>>
        %dma_wait3A_264 = arith.constant 0 : i32
        %dma_wait3A_265 = arith.constant 0 : i32
        %dma_wait3A_266 = tpu.memref_slice %arg6[%dma_wait3A_264, %dma_wait3A_265] : memref<32x1000000xf32, #tpu.memory_space<hbm>> -> memref<32x512xf32, #tpu.memory_space<hbm>>
        tpu.wait_dma2 semaphore(%arg24 : memref<!tpu.dma_semaphore, #tpu.memory_space<semaphore_mem>>) src(%dma_wait3A_266 : memref<32x512xf32, #tpu.memory_space<hbm>>) dst(%arg16 : memref<32x512xf32, #tpu.memory_space<vmem>>)
      } else {
      }
      %lt3A_147 = arith.constant 1953 : i32
      %lt3A_148 = arith.cmpi slt, %add3A_127, %lt3A_147 : i32
      %add3A_149 = arith.constant 16 : i32
      %add3A_150 = arith.addi %min3A_19, %add3A_149 : i32
      %sub3A_151 = arith.constant 1 : i32
      %sub3A_152 = arith.subi %add3A_150, %sub3A_151 : i32
      %shift_right_logical3A_153 = arith.constant 4 : i32
      %shift_right_logical3A_154 = arith.shrui %sub3A_152, %shift_right_logical3A_153 : i32
      %while3A_155 = arith.constant 0 : i32
      %while3A_156 = arith.subi %shift_right_logical3A_154, %while3A_155 : i32
      %while3A_157 = arith.addi %while3A_155, %while3A_156 : i32
      %while3A_158 = arith.constant 1 : i32
      %while3A_159 = arith.divsi %while3A_156, %while3A_158 : i32
      %while3A_160 = arith.muli %while3A_159, %while3A_158 : i32
      %while3A_161 = arith.addi %while3A_155, %while3A_160 : i32
      %while3A_162 = arith.constant 1 : i32
      %while3A_163 = scf.for %while3A_256 = %while3A_155 to %while3A_161 step %while3A_162 iter_args(%while3A_257 = %scan3A_120) -> (i32)  : i32 {
        %mul3A_258 = arith.constant 16 : i32
        %mul3A_259 = arith.muli %while3A_256, %mul3A_258 : i32
        %get3A = arith.index_cast %mul3A_259 : i32 to index
        %get3A_260 = tpu.vector_load %arg19[%get3A] {strides = array<i32>} : memref<768xi32, #tpu.memory_space<vmem>>, vector<16xi32>,
        %mul3A_261 = arith.constant 16 : i32
        %mul3A_262 = arith.muli %while3A_256, %mul3A_261 : i32
        %get3A_263 = arith.index_cast %mul3A_262 : i32 to index
        %get3A_264 = tpu.vector_load %arg20[%get3A_263] {strides = array<i32>} : memref<768xi32, #tpu.memory_space<vmem>>, vector<16xi32>,
        %and3A = arith.constant 16383 : i32
        %and3A_265 = vector.broadcast %and3A : i32 to vector<16xi32>
        %and3A_266 = arith.andi %get3A_264, %and3A_265 : vector<16xi32>
        %shift_right_logical3A_267 = arith.constant 9 : i32
        %shift_right_logical3A_268 = vector.broadcast %shift_right_logical3A_267 : i32 to vector<16xi32>
        %shift_right_logical3A_269 = arith.shrui %get3A_260, %shift_right_logical3A_268 : vector<16xi32>
        %and3A_270 = arith.constant 2047 : i32
        %and3A_271 = vector.broadcast %and3A_270 : i32 to vector<16xi32>
        %and3A_272 = arith.andi %shift_right_logical3A_269, %and3A_271 : vector<16xi32>
        %mul3A_273 = arith.constant 16 : i32
        %mul3A_274 = arith.muli %while3A_256, %mul3A_273 : i32
        %add3A_275 = vector.broadcast %mul3A_274 : i32 to vector<16xi32>
        %add3A_276 = arith.addi %add3A_275, %iota3A : vector<16xi32>
        %lt3A_277 = vector.broadcast %min3A_19 : i32 to vector<16xi32>
        %lt3A_278 = arith.cmpi slt, %add3A_276, %lt3A_277 : vector<16xi32>
        %eq3A_279 = vector.broadcast %add3A_127 : i32 to vector<16xi32>
        %eq3A_280 = arith.cmpi eq, %and3A_272, %eq3A_279 : vector<16xi32>
        %and3A_281 = arith.andi %eq3A_280, %lt3A_278 : vector<16xi1>
        %and3A_282 = vector.broadcast %lt3A_148 : i1 to vector<16xi1>
        %and3A_283 = arith.andi %and3A_281, %and3A_282 : vector<16xi1>
        %all_reduce_population_count3A = tpu.all_reduce %and3A_283 {dim = 0 : i64, kind = #tpu.reduction_kind<sum>} : vector<16xi1> -> vector<16xi32>
        %slice3A = vector.extract_strided_slice %all_reduce_population_count3A {offsets = [0], sizes = [1], strides = [1]} : vector<16xi32> to vector<1xi32>
        %squeeze3A = vector.extract %slice3A[0] : i32 from vector<1xi32>
        %while3A_284 = arith.constant 0 : i32
        %while3A_285 = arith.subi %squeeze3A, %while3A_284 : i32
        %while3A_286 = arith.addi %while3A_284, %while3A_285 : i32
        %while3A_287 = arith.constant 1 : i32
        %while3A_288 = arith.divsi %while3A_285, %while3A_287 : i32
        %while3A_289 = arith.muli %while3A_288, %while3A_287 : i32
        %while3A_290 = arith.addi %while3A_284, %while3A_289 : i32
        %while3A_291 = arith.constant 1 : i32
        %while3A_292:2 = scf.for %while3A_295 = %while3A_284 to %while3A_290 step %while3A_291 iter_args(%while3A_296 = %while3A_257, %while3A_297 = %and3A_283) -> (i32, vector<16xi1>)  : i32 {
          %all_reduce_ffs3A = tpu.all_reduce %while3A_297 {dim = 0 : i64, kind = #tpu.reduction_kind<find_first_set>} : vector<16xi1> -> vector<16xi32>
          %slice3A_298 = vector.extract_strided_slice %all_reduce_ffs3A {offsets = [0], sizes = [1], strides = [1]} : vector<16xi32> to vector<1xi32>
          %squeeze3A_299 = vector.extract %slice3A_298[0] : i32 from vector<1xi32>
          %broadcast_in_dim3A = vector.broadcast %squeeze3A_299 : i32 to vector<16xi32>
          %broadcast_in_dim3A_300 = vector.shape_cast %broadcast_in_dim3A : vector<16xi32> to vector<16x1xi32>
          %gather3A = vector.shape_cast %broadcast_in_dim3A_300 : vector<16x1xi32> to vector<16xi32>
          %gather3A_301 = tpu.dynamic_gather %and3A_266[%gather3A] in [0] : vector<16xi32>, vector<16xi32> -> vector<16xi32>
          %slice3A_302 = vector.extract_strided_slice %gather3A_301 {offsets = [0], sizes = [1], strides = [1]} : vector<16xi32> to vector<1xi32>
          %squeeze3A_303 = vector.extract %slice3A_302[0] : i32 from vector<1xi32>
          %broadcast_in_dim3A_304 = vector.broadcast %squeeze3A_299 : i32 to vector<16xi32>
          %broadcast_in_dim3A_305 = vector.shape_cast %broadcast_in_dim3A_304 : vector<16xi32> to vector<16x1xi32>
          %gather3A_306 = vector.shape_cast %broadcast_in_dim3A_305 : vector<16x1xi32> to vector<16xi32>
          %gather3A_307 = tpu.dynamic_gather %get3A_260[%gather3A_306] in [0] : vector<16xi32>, vector<16xi32> -> vector<16xi32>
          %slice3A_308 = vector.extract_strided_slice %gather3A_307 {offsets = [0], sizes = [1], strides = [1]} : vector<16xi32> to vector<1xi32>
          %squeeze3A_309 = vector.extract %slice3A_308[0] : i32 from vector<1xi32>
          %and3A_310 = arith.constant 511 : i32
          %and3A_311 = arith.andi %squeeze3A_309, %and3A_310 : i32
          %broadcast_in_dim3A_312 = vector.broadcast %and3A_311 : i32 to vector<16xi32>
          %gather3A_313 = tpu.vector_load_idx %arg13[%iota3A, %broadcast_in_dim3A_312] : memref<32x512xf32, #tpu.memory_space<vmem>>[vector<16xi32>, vector<16xi32>], vector<16xf32>,
          %gather3A_314 = tpu.vector_load_idx %arg13[%add3A_3, %broadcast_in_dim3A_312] : memref<32x512xf32, #tpu.memory_space<vmem>>[vector<16xi32>, vector<16xi32>], vector<16xf32>,
          %gather3A_315 = tpu.vector_load_idx %arg16[%iota3A, %broadcast_in_dim3A_312] : memref<32x512xf32, #tpu.memory_space<vmem>>[vector<16xi32>, vector<16xi32>], vector<16xf32>,
          %gather3A_316 = tpu.vector_load_idx %arg16[%add3A_3, %broadcast_in_dim3A_312] : memref<32x512xf32, #tpu.memory_space<vmem>>[vector<16xi32>, vector<16xi32>], vector<16xf32>,
          %shift_right_logical3A_317 = arith.constant 30 : i32
          %shift_right_logical3A_318 = arith.shrui %squeeze3A_309, %shift_right_logical3A_317 : i32
          %and3A_319 = arith.constant 1 : i32
          %and3A_320 = arith.andi %shift_right_logical3A_318, %and3A_319 : i32
          %convert_element_type3A_321 = arith.sitofp %and3A_320 : i32 to f32
          %broadcast_in_dim3A_322 = vector.broadcast %convert_element_type3A_321 : f32 to vector<16xf32>
          %mul3A_323 = arith.mulf %gather3A_313, %broadcast_in_dim3A_322 : vector<16xf32>
          %sub3A_324 = arith.constant 1.000000e+00 : f32
          %sub3A_325 = vector.broadcast %sub3A_324 : f32 to vector<16xf32>
          %sub3A_326 = arith.subf %sub3A_325, %broadcast_in_dim3A_322 : vector<16xf32>
          %mul3A_327 = arith.mulf %gather3A_315, %sub3A_326 : vector<16xf32>
          %add3A_328 = arith.addf %mul3A_323, %mul3A_327 : vector<16xf32>
          %mul3A_329 = arith.mulf %gather3A_314, %broadcast_in_dim3A_322 : vector<16xf32>
          %sub3A_330 = arith.constant 1.000000e+00 : f32
          %sub3A_331 = vector.broadcast %sub3A_330 : f32 to vector<16xf32>
          %sub3A_332 = arith.subf %sub3A_331, %broadcast_in_dim3A_322 : vector<16xf32>
          %mul3A_333 = arith.mulf %gather3A_316, %sub3A_332 : vector<16xf32>
          %add3A_334 = arith.addf %mul3A_329, %mul3A_333 : vector<16xf32>
          %min3A_335 = arith.constant 767 : i32
          %min3A_336 = arith.minsi %while3A_296, %min3A_335 : i32
          %mul3A_337 = arith.constant 32 : i32
          %mul3A_338 = arith.muli %min3A_336, %mul3A_337 : i32
          %swap3A = arith.index_cast %mul3A_338 : i32 to index
          %swap3A_339 = tpu.vector_load %arg23[%swap3A] {strides = array<i32>} : memref<24576xf32, #tpu.memory_space<vmem>>, vector<16xf32>,
          tpu.vector_store %arg23[%swap3A], %add3A_328 {strides = array<i32>} : memref<24576xf32, #tpu.memory_space<vmem>>, vector<16xf32>,
          %add3A_340 = arith.constant 16 : i32
          %add3A_341 = arith.addi %mul3A_338, %add3A_340 : i32
          %swap3A_342 = arith.index_cast %add3A_341 : i32 to index
          %swap3A_343 = tpu.vector_load %arg23[%swap3A_342] {strides = array<i32>} : memref<24576xf32, #tpu.memory_space<vmem>>, vector<16xf32>,
          tpu.vector_store %arg23[%swap3A_342], %add3A_334 {strides = array<i32>} : memref<24576xf32, #tpu.memory_space<vmem>>, vector<16xf32>,
          %mul3A_344 = arith.constant 32 : i32
          %mul3A_345 = arith.muli %squeeze3A_303, %mul3A_344 : i32
          %dma_start3A = tpu.memref_slice %arg23[%mul3A_338] : memref<24576xf32, #tpu.memory_space<vmem>> -> memref<32xf32, #tpu.memory_space<vmem>>
          %dma_start3A_346 = tpu.memref_slice %arg10[%mul3A_345] : memref<524288xf32, #tpu.memory_space<hbm>> -> memref<32xf32, #tpu.memory_space<hbm>>
          %dma_start3A_347 = tpu.memref_slice %arg10[%mul3A_345] : memref<524288xf32, #tpu.memory_space<hbm>> -> memref<32xf32, #tpu.memory_space<hbm>>
          %dma_start3A_348 = tpu.memref_slice %arg23[%mul3A_338] : memref<24576xf32, #tpu.memory_space<vmem>> -> memref<32xf32, #tpu.memory_space<vmem>>
          tpu.enqueue_dma source(%dma_start3A_348 : memref<32xf32, #tpu.memory_space<vmem>>) target(%dma_start3A_347 : memref<32xf32, #tpu.memory_space<hbm>>) target_semaphore(%arg27 : memref<!tpu.dma_semaphore, #tpu.memory_space<semaphore_mem>>)
          %add3A_349 = arith.constant 1 : i32
          %add3A_350 = arith.addi %while3A_296, %add3A_349 : i32
          %ne3A = vector.broadcast %squeeze3A_299 : i32 to vector<16xi32>
          %ne3A_351 = arith.cmpi ne, %iota3A, %ne3A : vector<16xi32>
          %and3A_352 = arith.andi %while3A_297, %ne3A_351 : vector<16xi1>
          scf.yield %add3A_350, %and3A_352 : i32, vector<16xi1>
        }
        %while3A_293 = arith.constant 1 : i32
        %while3A_294:2 = scf.for %while3A_295 = %while3A_290 to %while3A_286 step %while3A_293 iter_args(%while3A_296 = %while3A_292#0, %while3A_297 = %while3A_292#1) -> (i32, vector<16xi1>)  : i32 {
          %all_reduce_ffs3A = tpu.all_reduce %while3A_297 {dim = 0 : i64, kind = #tpu.reduction_kind<find_first_set>} : vector<16xi1> -> vector<16xi32>
          %slice3A_298 = vector.extract_strided_slice %all_reduce_ffs3A {offsets = [0], sizes = [1], strides = [1]} : vector<16xi32> to vector<1xi32>
          %squeeze3A_299 = vector.extract %slice3A_298[0] : i32 from vector<1xi32>
          %broadcast_in_dim3A = vector.broadcast %squeeze3A_299 : i32 to vector<16xi32>
          %broadcast_in_dim3A_300 = vector.shape_cast %broadcast_in_dim3A : vector<16xi32> to vector<16x1xi32>
          %gather3A = vector.shape_cast %broadcast_in_dim3A_300 : vector<16x1xi32> to vector<16xi32>
          %gather3A_301 = tpu.dynamic_gather %and3A_266[%gather3A] in [0] : vector<16xi32>, vector<16xi32> -> vector<16xi32>
          %slice3A_302 = vector.extract_strided_slice %gather3A_301 {offsets = [0], sizes = [1], strides = [1]} : vector<16xi32> to vector<1xi32>
          %squeeze3A_303 = vector.extract %slice3A_302[0] : i32 from vector<1xi32>
          %broadcast_in_dim3A_304 = vector.broadcast %squeeze3A_299 : i32 to vector<16xi32>
          %broadcast_in_dim3A_305 = vector.shape_cast %broadcast_in_dim3A_304 : vector<16xi32> to vector<16x1xi32>
          %gather3A_306 = vector.shape_cast %broadcast_in_dim3A_305 : vector<16x1xi32> to vector<16xi32>
          %gather3A_307 = tpu.dynamic_gather %get3A_260[%gather3A_306] in [0] : vector<16xi32>, vector<16xi32> -> vector<16xi32>
          %slice3A_308 = vector.extract_strided_slice %gather3A_307 {offsets = [0], sizes = [1], strides = [1]} : vector<16xi32> to vector<1xi32>
          %squeeze3A_309 = vector.extract %slice3A_308[0] : i32 from vector<1xi32>
          %and3A_310 = arith.constant 511 : i32
          %and3A_311 = arith.andi %squeeze3A_309, %and3A_310 : i32
          %broadcast_in_dim3A_312 = vector.broadcast %and3A_311 : i32 to vector<16xi32>
          %gather3A_313 = tpu.vector_load_idx %arg13[%iota3A, %broadcast_in_dim3A_312] : memref<32x512xf32, #tpu.memory_space<vmem>>[vector<16xi32>, vector<16xi32>], vector<16xf32>,
          %gather3A_314 = tpu.vector_load_idx %arg13[%add3A_3, %broadcast_in_dim3A_312] : memref<32x512xf32, #tpu.memory_space<vmem>>[vector<16xi32>, vector<16xi32>], vector<16xf32>,
          %gather3A_315 = tpu.vector_load_idx %arg16[%iota3A, %broadcast_in_dim3A_312] : memref<32x512xf32, #tpu.memory_space<vmem>>[vector<16xi32>, vector<16xi32>], vector<16xf32>,
          %gather3A_316 = tpu.vector_load_idx %arg16[%add3A_3, %broadcast_in_dim3A_312] : memref<32x512xf32, #tpu.memory_space<vmem>>[vector<16xi32>, vector<16xi32>], vector<16xf32>,
          %shift_right_logical3A_317 = arith.constant 30 : i32
          %shift_right_logical3A_318 = arith.shrui %squeeze3A_309, %shift_right_logical3A_317 : i32
          %and3A_319 = arith.constant 1 : i32
          %and3A_320 = arith.andi %shift_right_logical3A_318, %and3A_319 : i32
          %convert_element_type3A_321 = arith.sitofp %and3A_320 : i32 to f32
          %broadcast_in_dim3A_322 = vector.broadcast %convert_element_type3A_321 : f32 to vector<16xf32>
          %mul3A_323 = arith.mulf %gather3A_313, %broadcast_in_dim3A_322 : vector<16xf32>
          %sub3A_324 = arith.constant 1.000000e+00 : f32
          %sub3A_325 = vector.broadcast %sub3A_324 : f32 to vector<16xf32>
          %sub3A_326 = arith.subf %sub3A_325, %broadcast_in_dim3A_322 : vector<16xf32>
          %mul3A_327 = arith.mulf %gather3A_315, %sub3A_326 : vector<16xf32>
          %add3A_328 = arith.addf %mul3A_323, %mul3A_327 : vector<16xf32>
          %mul3A_329 = arith.mulf %gather3A_314, %broadcast_in_dim3A_322 : vector<16xf32>
          %sub3A_330 = arith.constant 1.000000e+00 : f32
          %sub3A_331 = vector.broadcast %sub3A_330 : f32 to vector<16xf32>
          %sub3A_332 = arith.subf %sub3A_331, %broadcast_in_dim3A_322 : vector<16xf32>
          %mul3A_333 = arith.mulf %gather3A_316, %sub3A_332 : vector<16xf32>
          %add3A_334 = arith.addf %mul3A_329, %mul3A_333 : vector<16xf32>
          %min3A_335 = arith.constant 767 : i32
          %min3A_336 = arith.minsi %while3A_296, %min3A_335 : i32
          %mul3A_337 = arith.constant 32 : i32
          %mul3A_338 = arith.muli %min3A_336, %mul3A_337 : i32
          %swap3A = arith.index_cast %mul3A_338 : i32 to index
          %swap3A_339 = tpu.vector_load %arg23[%swap3A] {strides = array<i32>} : memref<24576xf32, #tpu.memory_space<vmem>>, vector<16xf32>,
          tpu.vector_store %arg23[%swap3A], %add3A_328 {strides = array<i32>} : memref<24576xf32, #tpu.memory_space<vmem>>, vector<16xf32>,
          %add3A_340 = arith.constant 16 : i32
          %add3A_341 = arith.addi %mul3A_338, %add3A_340 : i32
          %swap3A_342 = arith.index_cast %add3A_341 : i32 to index
          %swap3A_343 = tpu.vector_load %arg23[%swap3A_342] {strides = array<i32>} : memref<24576xf32, #tpu.memory_space<vmem>>, vector<16xf32>,
          tpu.vector_store %arg23[%swap3A_342], %add3A_334 {strides = array<i32>} : memref<24576xf32, #tpu.memory_space<vmem>>, vector<16xf32>,
          %mul3A_344 = arith.constant 32 : i32
          %mul3A_345 = arith.muli %squeeze3A_303, %mul3A_344 : i32
          %dma_start3A = tpu.memref_slice %arg23[%mul3A_338] : memref<24576xf32, #tpu.memory_space<vmem>> -> memref<32xf32, #tpu.memory_space<vmem>>
          %dma_start3A_346 = tpu.memref_slice %arg10[%mul3A_345] : memref<524288xf32, #tpu.memory_space<hbm>> -> memref<32xf32, #tpu.memory_space<hbm>>
          %dma_start3A_347 = tpu.memref_slice %arg10[%mul3A_345] : memref<524288xf32, #tpu.memory_space<hbm>> -> memref<32xf32, #tpu.memory_space<hbm>>
          %dma_start3A_348 = tpu.memref_slice %arg23[%mul3A_338] : memref<24576xf32, #tpu.memory_space<vmem>> -> memref<32xf32, #tpu.memory_space<vmem>>
          tpu.enqueue_dma source(%dma_start3A_348 : memref<32xf32, #tpu.memory_space<vmem>>) target(%dma_start3A_347 : memref<32xf32, #tpu.memory_space<hbm>>) target_semaphore(%arg27 : memref<!tpu.dma_semaphore, #tpu.memory_space<semaphore_mem>>)
          %add3A_349 = arith.constant 1 : i32
          %add3A_350 = arith.addi %while3A_296, %add3A_349 : i32
          %ne3A = vector.broadcast %squeeze3A_299 : i32 to vector<16xi32>
          %ne3A_351 = arith.cmpi ne, %iota3A, %ne3A : vector<16xi32>
          %and3A_352 = arith.andi %while3A_297, %ne3A_351 : vector<16xi1>
          scf.yield %add3A_350, %and3A_352 : i32, vector<16xi1>
        }
        scf.yield %while3A_294#0 : i32
      }
      %while3A_164 = arith.constant 1 : i32
      %while3A_165 = scf.for %while3A_256 = %while3A_161 to %while3A_157 step %while3A_164 iter_args(%while3A_257 = %while3A_163) -> (i32)  : i32 {
        %mul3A_258 = arith.constant 16 : i32
        %mul3A_259 = arith.muli %while3A_256, %mul3A_258 : i32
        %get3A = arith.index_cast %mul3A_259 : i32 to index
        %get3A_260 = tpu.vector_load %arg19[%get3A] {strides = array<i32>} : memref<768xi32, #tpu.memory_space<vmem>>, vector<16xi32>,
        %mul3A_261 = arith.constant 16 : i32
        %mul3A_262 = arith.muli %while3A_256, %mul3A_261 : i32
        %get3A_263 = arith.index_cast %mul3A_262 : i32 to index
        %get3A_264 = tpu.vector_load %arg20[%get3A_263] {strides = array<i32>} : memref<768xi32, #tpu.memory_space<vmem>>, vector<16xi32>,
        %and3A = arith.constant 16383 : i32
        %and3A_265 = vector.broadcast %and3A : i32 to vector<16xi32>
        %and3A_266 = arith.andi %get3A_264, %and3A_265 : vector<16xi32>
        %shift_right_logical3A_267 = arith.constant 9 : i32
        %shift_right_logical3A_268 = vector.broadcast %shift_right_logical3A_267 : i32 to vector<16xi32>
        %shift_right_logical3A_269 = arith.shrui %get3A_260, %shift_right_logical3A_268 : vector<16xi32>
        %and3A_270 = arith.constant 2047 : i32
        %and3A_271 = vector.broadcast %and3A_270 : i32 to vector<16xi32>
        %and3A_272 = arith.andi %shift_right_logical3A_269, %and3A_271 : vector<16xi32>
        %mul3A_273 = arith.constant 16 : i32
        %mul3A_274 = arith.muli %while3A_256, %mul3A_273 : i32
        %add3A_275 = vector.broadcast %mul3A_274 : i32 to vector<16xi32>
        %add3A_276 = arith.addi %add3A_275, %iota3A : vector<16xi32>
        %lt3A_277 = vector.broadcast %min3A_19 : i32 to vector<16xi32>
        %lt3A_278 = arith.cmpi slt, %add3A_276, %lt3A_277 : vector<16xi32>
        %eq3A_279 = vector.broadcast %add3A_127 : i32 to vector<16xi32>
        %eq3A_280 = arith.cmpi eq, %and3A_272, %eq3A_279 : vector<16xi32>
        %and3A_281 = arith.andi %eq3A_280, %lt3A_278 : vector<16xi1>
        %and3A_282 = vector.broadcast %lt3A_148 : i1 to vector<16xi1>
        %and3A_283 = arith.andi %and3A_281, %and3A_282 : vector<16xi1>
        %all_reduce_population_count3A = tpu.all_reduce %and3A_283 {dim = 0 : i64, kind = #tpu.reduction_kind<sum>} : vector<16xi1> -> vector<16xi32>
        %slice3A = vector.extract_strided_slice %all_reduce_population_count3A {offsets = [0], sizes = [1], strides = [1]} : vector<16xi32> to vector<1xi32>
        %squeeze3A = vector.extract %slice3A[0] : i32 from vector<1xi32>
        %while3A_284 = arith.constant 0 : i32
        %while3A_285 = arith.subi %squeeze3A, %while3A_284 : i32
        %while3A_286 = arith.addi %while3A_284, %while3A_285 : i32
        %while3A_287 = arith.constant 1 : i32
        %while3A_288 = arith.divsi %while3A_285, %while3A_287 : i32
        %while3A_289 = arith.muli %while3A_288, %while3A_287 : i32
        %while3A_290 = arith.addi %while3A_284, %while3A_289 : i32
        %while3A_291 = arith.constant 1 : i32
        %while3A_292:2 = scf.for %while3A_295 = %while3A_284 to %while3A_290 step %while3A_291 iter_args(%while3A_296 = %while3A_257, %while3A_297 = %and3A_283) -> (i32, vector<16xi1>)  : i32 {
          %all_reduce_ffs3A = tpu.all_reduce %while3A_297 {dim = 0 : i64, kind = #tpu.reduction_kind<find_first_set>} : vector<16xi1> -> vector<16xi32>
          %slice3A_298 = vector.extract_strided_slice %all_reduce_ffs3A {offsets = [0], sizes = [1], strides = [1]} : vector<16xi32> to vector<1xi32>
          %squeeze3A_299 = vector.extract %slice3A_298[0] : i32 from vector<1xi32>
          %broadcast_in_dim3A = vector.broadcast %squeeze3A_299 : i32 to vector<16xi32>
          %broadcast_in_dim3A_300 = vector.shape_cast %broadcast_in_dim3A : vector<16xi32> to vector<16x1xi32>
          %gather3A = vector.shape_cast %broadcast_in_dim3A_300 : vector<16x1xi32> to vector<16xi32>
          %gather3A_301 = tpu.dynamic_gather %and3A_266[%gather3A] in [0] : vector<16xi32>, vector<16xi32> -> vector<16xi32>
          %slice3A_302 = vector.extract_strided_slice %gather3A_301 {offsets = [0], sizes = [1], strides = [1]} : vector<16xi32> to vector<1xi32>
          %squeeze3A_303 = vector.extract %slice3A_302[0] : i32 from vector<1xi32>
          %broadcast_in_dim3A_304 = vector.broadcast %squeeze3A_299 : i32 to vector<16xi32>
          %broadcast_in_dim3A_305 = vector.shape_cast %broadcast_in_dim3A_304 : vector<16xi32> to vector<16x1xi32>
          %gather3A_306 = vector.shape_cast %broadcast_in_dim3A_305 : vector<16x1xi32> to vector<16xi32>
          %gather3A_307 = tpu.dynamic_gather %get3A_260[%gather3A_306] in [0] : vector<16xi32>, vector<16xi32> -> vector<16xi32>
          %slice3A_308 = vector.extract_strided_slice %gather3A_307 {offsets = [0], sizes = [1], strides = [1]} : vector<16xi32> to vector<1xi32>
          %squeeze3A_309 = vector.extract %slice3A_308[0] : i32 from vector<1xi32>
          %and3A_310 = arith.constant 511 : i32
          %and3A_311 = arith.andi %squeeze3A_309, %and3A_310 : i32
          %broadcast_in_dim3A_312 = vector.broadcast %and3A_311 : i32 to vector<16xi32>
          %gather3A_313 = tpu.vector_load_idx %arg13[%iota3A, %broadcast_in_dim3A_312] : memref<32x512xf32, #tpu.memory_space<vmem>>[vector<16xi32>, vector<16xi32>], vector<16xf32>,
          %gather3A_314 = tpu.vector_load_idx %arg13[%add3A_3, %broadcast_in_dim3A_312] : memref<32x512xf32, #tpu.memory_space<vmem>>[vector<16xi32>, vector<16xi32>], vector<16xf32>,
          %gather3A_315 = tpu.vector_load_idx %arg16[%iota3A, %broadcast_in_dim3A_312] : memref<32x512xf32, #tpu.memory_space<vmem>>[vector<16xi32>, vector<16xi32>], vector<16xf32>,
          %gather3A_316 = tpu.vector_load_idx %arg16[%add3A_3, %broadcast_in_dim3A_312] : memref<32x512xf32, #tpu.memory_space<vmem>>[vector<16xi32>, vector<16xi32>], vector<16xf32>,
          %shift_right_logical3A_317 = arith.constant 30 : i32
          %shift_right_logical3A_318 = arith.shrui %squeeze3A_309, %shift_right_logical3A_317 : i32
          %and3A_319 = arith.constant 1 : i32
          %and3A_320 = arith.andi %shift_right_logical3A_318, %and3A_319 : i32
          %convert_element_type3A_321 = arith.sitofp %and3A_320 : i32 to f32
          %broadcast_in_dim3A_322 = vector.broadcast %convert_element_type3A_321 : f32 to vector<16xf32>
          %mul3A_323 = arith.mulf %gather3A_313, %broadcast_in_dim3A_322 : vector<16xf32>
          %sub3A_324 = arith.constant 1.000000e+00 : f32
          %sub3A_325 = vector.broadcast %sub3A_324 : f32 to vector<16xf32>
          %sub3A_326 = arith.subf %sub3A_325, %broadcast_in_dim3A_322 : vector<16xf32>
          %mul3A_327 = arith.mulf %gather3A_315, %sub3A_326 : vector<16xf32>
          %add3A_328 = arith.addf %mul3A_323, %mul3A_327 : vector<16xf32>
          %mul3A_329 = arith.mulf %gather3A_314, %broadcast_in_dim3A_322 : vector<16xf32>
          %sub3A_330 = arith.constant 1.000000e+00 : f32
          %sub3A_331 = vector.broadcast %sub3A_330 : f32 to vector<16xf32>
          %sub3A_332 = arith.subf %sub3A_331, %broadcast_in_dim3A_322 : vector<16xf32>
          %mul3A_333 = arith.mulf %gather3A_316, %sub3A_332 : vector<16xf32>
          %add3A_334 = arith.addf %mul3A_329, %mul3A_333 : vector<16xf32>
          %min3A_335 = arith.constant 767 : i32
          %min3A_336 = arith.minsi %while3A_296, %min3A_335 : i32
          %mul3A_337 = arith.constant 32 : i32
          %mul3A_338 = arith.muli %min3A_336, %mul3A_337 : i32
          %swap3A = arith.index_cast %mul3A_338 : i32 to index
          %swap3A_339 = tpu.vector_load %arg23[%swap3A] {strides = array<i32>} : memref<24576xf32, #tpu.memory_space<vmem>>, vector<16xf32>,
          tpu.vector_store %arg23[%swap3A], %add3A_328 {strides = array<i32>} : memref<24576xf32, #tpu.memory_space<vmem>>, vector<16xf32>,
          %add3A_340 = arith.constant 16 : i32
          %add3A_341 = arith.addi %mul3A_338, %add3A_340 : i32
          %swap3A_342 = arith.index_cast %add3A_341 : i32 to index
          %swap3A_343 = tpu.vector_load %arg23[%swap3A_342] {strides = array<i32>} : memref<24576xf32, #tpu.memory_space<vmem>>, vector<16xf32>,
          tpu.vector_store %arg23[%swap3A_342], %add3A_334 {strides = array<i32>} : memref<24576xf32, #tpu.memory_space<vmem>>, vector<16xf32>,
          %mul3A_344 = arith.constant 32 : i32
          %mul3A_345 = arith.muli %squeeze3A_303, %mul3A_344 : i32
          %dma_start3A = tpu.memref_slice %arg23[%mul3A_338] : memref<24576xf32, #tpu.memory_space<vmem>> -> memref<32xf32, #tpu.memory_space<vmem>>
          %dma_start3A_346 = tpu.memref_slice %arg10[%mul3A_345] : memref<524288xf32, #tpu.memory_space<hbm>> -> memref<32xf32, #tpu.memory_space<hbm>>
          %dma_start3A_347 = tpu.memref_slice %arg10[%mul3A_345] : memref<524288xf32, #tpu.memory_space<hbm>> -> memref<32xf32, #tpu.memory_space<hbm>>
          %dma_start3A_348 = tpu.memref_slice %arg23[%mul3A_338] : memref<24576xf32, #tpu.memory_space<vmem>> -> memref<32xf32, #tpu.memory_space<vmem>>
          tpu.enqueue_dma source(%dma_start3A_348 : memref<32xf32, #tpu.memory_space<vmem>>) target(%dma_start3A_347 : memref<32xf32, #tpu.memory_space<hbm>>) target_semaphore(%arg27 : memref<!tpu.dma_semaphore, #tpu.memory_space<semaphore_mem>>)
          %add3A_349 = arith.constant 1 : i32
          %add3A_350 = arith.addi %while3A_296, %add3A_349 : i32
          %ne3A = vector.broadcast %squeeze3A_299 : i32 to vector<16xi32>
          %ne3A_351 = arith.cmpi ne, %iota3A, %ne3A : vector<16xi32>
          %and3A_352 = arith.andi %while3A_297, %ne3A_351 : vector<16xi1>
          scf.yield %add3A_350, %and3A_352 : i32, vector<16xi1>
        }
        %while3A_293 = arith.constant 1 : i32
        %while3A_294:2 = scf.for %while3A_295 = %while3A_290 to %while3A_286 step %while3A_293 iter_args(%while3A_296 = %while3A_292#0, %while3A_297 = %while3A_292#1) -> (i32, vector<16xi1>)  : i32 {
          %all_reduce_ffs3A = tpu.all_reduce %while3A_297 {dim = 0 : i64, kind = #tpu.reduction_kind<find_first_set>} : vector<16xi1> -> vector<16xi32>
          %slice3A_298 = vector.extract_strided_slice %all_reduce_ffs3A {offsets = [0], sizes = [1], strides = [1]} : vector<16xi32> to vector<1xi32>
          %squeeze3A_299 = vector.extract %slice3A_298[0] : i32 from vector<1xi32>
          %broadcast_in_dim3A = vector.broadcast %squeeze3A_299 : i32 to vector<16xi32>
          %broadcast_in_dim3A_300 = vector.shape_cast %broadcast_in_dim3A : vector<16xi32> to vector<16x1xi32>
          %gather3A = vector.shape_cast %broadcast_in_dim3A_300 : vector<16x1xi32> to vector<16xi32>
          %gather3A_301 = tpu.dynamic_gather %and3A_266[%gather3A] in [0] : vector<16xi32>, vector<16xi32> -> vector<16xi32>
          %slice3A_302 = vector.extract_strided_slice %gather3A_301 {offsets = [0], sizes = [1], strides = [1]} : vector<16xi32> to vector<1xi32>
          %squeeze3A_303 = vector.extract %slice3A_302[0] : i32 from vector<1xi32>
          %broadcast_in_dim3A_304 = vector.broadcast %squeeze3A_299 : i32 to vector<16xi32>
          %broadcast_in_dim3A_305 = vector.shape_cast %broadcast_in_dim3A_304 : vector<16xi32> to vector<16x1xi32>
          %gather3A_306 = vector.shape_cast %broadcast_in_dim3A_305 : vector<16x1xi32> to vector<16xi32>
          %gather3A_307 = tpu.dynamic_gather %get3A_260[%gather3A_306] in [0] : vector<16xi32>, vector<16xi32> -> vector<16xi32>
          %slice3A_308 = vector.extract_strided_slice %gather3A_307 {offsets = [0], sizes = [1], strides = [1]} : vector<16xi32> to vector<1xi32>
          %squeeze3A_309 = vector.extract %slice3A_308[0] : i32 from vector<1xi32>
          %and3A_310 = arith.constant 511 : i32
          %and3A_311 = arith.andi %squeeze3A_309, %and3A_310 : i32
          %broadcast_in_dim3A_312 = vector.broadcast %and3A_311 : i32 to vector<16xi32>
          %gather3A_313 = tpu.vector_load_idx %arg13[%iota3A, %broadcast_in_dim3A_312] : memref<32x512xf32, #tpu.memory_space<vmem>>[vector<16xi32>, vector<16xi32>], vector<16xf32>,
          %gather3A_314 = tpu.vector_load_idx %arg13[%add3A_3, %broadcast_in_dim3A_312] : memref<32x512xf32, #tpu.memory_space<vmem>>[vector<16xi32>, vector<16xi32>], vector<16xf32>,
          %gather3A_315 = tpu.vector_load_idx %arg16[%iota3A, %broadcast_in_dim3A_312] : memref<32x512xf32, #tpu.memory_space<vmem>>[vector<16xi32>, vector<16xi32>], vector<16xf32>,
          %gather3A_316 = tpu.vector_load_idx %arg16[%add3A_3, %broadcast_in_dim3A_312] : memref<32x512xf32, #tpu.memory_space<vmem>>[vector<16xi32>, vector<16xi32>], vector<16xf32>,
          %shift_right_logical3A_317 = arith.constant 30 : i32
          %shift_right_logical3A_318 = arith.shrui %squeeze3A_309, %shift_right_logical3A_317 : i32
          %and3A_319 = arith.constant 1 : i32
          %and3A_320 = arith.andi %shift_right_logical3A_318, %and3A_319 : i32
          %convert_element_type3A_321 = arith.sitofp %and3A_320 : i32 to f32
          %broadcast_in_dim3A_322 = vector.broadcast %convert_element_type3A_321 : f32 to vector<16xf32>
          %mul3A_323 = arith.mulf %gather3A_313, %broadcast_in_dim3A_322 : vector<16xf32>
          %sub3A_324 = arith.constant 1.000000e+00 : f32
          %sub3A_325 = vector.broadcast %sub3A_324 : f32 to vector<16xf32>
          %sub3A_326 = arith.subf %sub3A_325, %broadcast_in_dim3A_322 : vector<16xf32>
          %mul3A_327 = arith.mulf %gather3A_315, %sub3A_326 : vector<16xf32>
          %add3A_328 = arith.addf %mul3A_323, %mul3A_327 : vector<16xf32>
          %mul3A_329 = arith.mulf %gather3A_314, %broadcast_in_dim3A_322 : vector<16xf32>
          %sub3A_330 = arith.constant 1.000000e+00 : f32
          %sub3A_331 = vector.broadcast %sub3A_330 : f32 to vector<16xf32>
          %sub3A_332 = arith.subf %sub3A_331, %broadcast_in_dim3A_322 : vector<16xf32>
          %mul3A_333 = arith.mulf %gather3A_316, %sub3A_332 : vector<16xf32>
          %add3A_334 = arith.addf %mul3A_329, %mul3A_333 : vector<16xf32>
          %min3A_335 = arith.constant 767 : i32
          %min3A_336 = arith.minsi %while3A_296, %min3A_335 : i32
          %mul3A_337 = arith.constant 32 : i32
          %mul3A_338 = arith.muli %min3A_336, %mul3A_337 : i32
          %swap3A = arith.index_cast %mul3A_338 : i32 to index
          %swap3A_339 = tpu.vector_load %arg23[%swap3A] {strides = array<i32>} : memref<24576xf32, #tpu.memory_space<vmem>>, vector<16xf32>,
          tpu.vector_store %arg23[%swap3A], %add3A_328 {strides = array<i32>} : memref<24576xf32, #tpu.memory_space<vmem>>, vector<16xf32>,
          %add3A_340 = arith.constant 16 : i32
          %add3A_341 = arith.addi %mul3A_338, %add3A_340 : i32
          %swap3A_342 = arith.index_cast %add3A_341 : i32 to index
          %swap3A_343 = tpu.vector_load %arg23[%swap3A_342] {strides = array<i32>} : memref<24576xf32, #tpu.memory_space<vmem>>, vector<16xf32>,
          tpu.vector_store %arg23[%swap3A_342], %add3A_334 {strides = array<i32>} : memref<24576xf32, #tpu.memory_space<vmem>>, vector<16xf32>,
          %mul3A_344 = arith.constant 32 : i32
          %mul3A_345 = arith.muli %squeeze3A_303, %mul3A_344 : i32
          %dma_start3A = tpu.memref_slice %arg23[%mul3A_338] : memref<24576xf32, #tpu.memory_space<vmem>> -> memref<32xf32, #tpu.memory_space<vmem>>
          %dma_start3A_346 = tpu.memref_slice %arg10[%mul3A_345] : memref<524288xf32, #tpu.memory_space<hbm>> -> memref<32xf32, #tpu.memory_space<hbm>>
          %dma_start3A_347 = tpu.memref_slice %arg10[%mul3A_345] : memref<524288xf32, #tpu.memory_space<hbm>> -> memref<32xf32, #tpu.memory_space<hbm>>
          %dma_start3A_348 = tpu.memref_slice %arg23[%mul3A_338] : memref<24576xf32, #tpu.memory_space<vmem>> -> memref<32xf32, #tpu.memory_space<vmem>>
          tpu.enqueue_dma source(%dma_start3A_348 : memref<32xf32, #tpu.memory_space<vmem>>) target(%dma_start3A_347 : memref<32xf32, #tpu.memory_space<hbm>>) target_semaphore(%arg27 : memref<!tpu.dma_semaphore, #tpu.memory_space<semaphore_mem>>)
          %add3A_349 = arith.constant 1 : i32
          %add3A_350 = arith.addi %while3A_296, %add3A_349 : i32
          %ne3A = vector.broadcast %squeeze3A_299 : i32 to vector<16xi32>
          %ne3A_351 = arith.cmpi ne, %iota3A, %ne3A : vector<16xi32>
          %and3A_352 = arith.andi %while3A_297, %ne3A_351 : vector<16xi1>
          scf.yield %add3A_350, %and3A_352 : i32, vector<16xi1>
        }
        scf.yield %while3A_294#0 : i32
      }
      %mul3A_166 = arith.constant 3 : i32
      %mul3A_167 = arith.muli %mul3A_166, %scan3A_119 : i32
      %add3A_168 = arith.constant 1 : i32
      %add3A_169 = arith.addi %mul3A_167, %add3A_168 : i32
      %mul3A_170 = arith.constant 32 : i32
      %mul3A_171 = arith.muli %add3A_169, %mul3A_170 : i32
      %add3A_172 = arith.addi %add3A, %mul3A_171 : i32
      %mul3A_173 = arith.constant 3 : i32
      %mul3A_174 = arith.muli %mul3A_173, %scan3A_119 : i32
      %add3A_175 = arith.constant 1 : i32
      %add3A_176 = arith.addi %mul3A_174, %add3A_175 : i32
      %add3A_177 = arith.constant 2 : i32
      %add3A_178 = arith.addi %add3A_176, %add3A_177 : i32
      %mul3A_179 = arith.constant 32 : i32
      %mul3A_180 = arith.muli %add3A_178, %mul3A_179 : i32
      %add3A_181 = arith.addi %add3A, %mul3A_180 : i32
      %lt3A_182 = arith.constant 1953 : i32
      %lt3A_183 = arith.cmpi slt, %add3A_181, %lt3A_182 : i32
      %convert_element_type3A_184 = arith.extui %lt3A_183 : i1 to i32
      %cond3A_185 = arith.constant 0 : i32
      %cond3A_186 = arith.cmpi ne, %convert_element_type3A_184, %cond3A_185 : i32
      scf.if %cond3A_186 {
        %mul3A_256 = arith.constant 512 : i32
        %mul3A_257 = arith.muli %add3A_181, %mul3A_256 : i32
        %dma_start3A = arith.constant 0 : i32
        %dma_start3A_258 = tpu.memref_slice %arg4[%dma_start3A, %mul3A_257] : memref<32x1000000xf32, #tpu.memory_space<hbm>> -> memref<32x512xf32, #tpu.memory_space<hbm>>
        %dma_start3A_259 = arith.constant 0 : i32
        %dma_start3A_260 = tpu.memref_slice %arg4[%dma_start3A_259, %mul3A_257] : memref<32x1000000xf32, #tpu.memory_space<hbm>> -> memref<32x512xf32, #tpu.memory_space<hbm>>
        tpu.enqueue_dma source(%dma_start3A_260 : memref<32x512xf32, #tpu.memory_space<hbm>>) target(%arg13 : memref<32x512xf32, #tpu.memory_space<vmem>>) target_semaphore(%arg24 : memref<!tpu.dma_semaphore, #tpu.memory_space<semaphore_mem>>)
        %dma_start3A_261 = arith.constant 0 : i32
        %dma_start3A_262 = tpu.memref_slice %arg6[%dma_start3A_261, %mul3A_257] : memref<32x1000000xf32, #tpu.memory_space<hbm>> -> memref<32x512xf32, #tpu.memory_space<hbm>>
        %dma_start3A_263 = arith.constant 0 : i32
        %dma_start3A_264 = tpu.memref_slice %arg6[%dma_start3A_263, %mul3A_257] : memref<32x1000000xf32, #tpu.memory_space<hbm>> -> memref<32x512xf32, #tpu.memory_space<hbm>>
        tpu.enqueue_dma source(%dma_start3A_264 : memref<32x512xf32, #tpu.memory_space<hbm>>) target(%arg16 : memref<32x512xf32, #tpu.memory_space<vmem>>) target_semaphore(%arg24 : memref<!tpu.dma_semaphore, #tpu.memory_space<semaphore_mem>>)
      } else {
      }
      %lt3A_187 = arith.constant 1953 : i32
      %lt3A_188 = arith.cmpi slt, %add3A_172, %lt3A_187 : i32
      %convert_element_type3A_189 = arith.extui %lt3A_188 : i1 to i32
      %cond3A_190 = arith.constant 0 : i32
      %cond3A_191 = arith.cmpi ne, %convert_element_type3A_189, %cond3A_190 : i32
      scf.if %cond3A_191 {
        %dma_wait3A = arith.constant 0 : i32
        %dma_wait3A_256 = arith.constant 0 : i32
        %dma_wait3A_257 = tpu.memref_slice %arg4[%dma_wait3A, %dma_wait3A_256] : memref<32x1000000xf32, #tpu.memory_space<hbm>> -> memref<32x512xf32, #tpu.memory_space<hbm>>
        %dma_wait3A_258 = arith.constant 0 : i32
        %dma_wait3A_259 = arith.constant 0 : i32
        %dma_wait3A_260 = tpu.memref_slice %arg4[%dma_wait3A_258, %dma_wait3A_259] : memref<32x1000000xf32, #tpu.memory_space<hbm>> -> memref<32x512xf32, #tpu.memory_space<hbm>>
        tpu.wait_dma2 semaphore(%arg25 : memref<!tpu.dma_semaphore, #tpu.memory_space<semaphore_mem>>) src(%dma_wait3A_260 : memref<32x512xf32, #tpu.memory_space<hbm>>) dst(%arg14 : memref<32x512xf32, #tpu.memory_space<vmem>>)
        %dma_wait3A_261 = arith.constant 0 : i32
        %dma_wait3A_262 = arith.constant 0 : i32
        %dma_wait3A_263 = tpu.memref_slice %arg6[%dma_wait3A_261, %dma_wait3A_262] : memref<32x1000000xf32, #tpu.memory_space<hbm>> -> memref<32x512xf32, #tpu.memory_space<hbm>>
        %dma_wait3A_264 = arith.constant 0 : i32
        %dma_wait3A_265 = arith.constant 0 : i32
        %dma_wait3A_266 = tpu.memref_slice %arg6[%dma_wait3A_264, %dma_wait3A_265] : memref<32x1000000xf32, #tpu.memory_space<hbm>> -> memref<32x512xf32, #tpu.memory_space<hbm>>
        tpu.wait_dma2 semaphore(%arg25 : memref<!tpu.dma_semaphore, #tpu.memory_space<semaphore_mem>>) src(%dma_wait3A_266 : memref<32x512xf32, #tpu.memory_space<hbm>>) dst(%arg17 : memref<32x512xf32, #tpu.memory_space<vmem>>)
      } else {
      }
      %lt3A_192 = arith.constant 1953 : i32
      %lt3A_193 = arith.cmpi slt, %add3A_172, %lt3A_192 : i32
      %add3A_194 = arith.constant 16 : i32
      %add3A_195 = arith.addi %min3A_19, %add3A_194 : i32
      %sub3A_196 = arith.constant 1 : i32
      %sub3A_197 = arith.subi %add3A_195, %sub3A_196 : i32
      %shift_right_logical3A_198 = arith.constant 4 : i32
      %shift_right_logical3A_199 = arith.shrui %sub3A_197, %shift_right_logical3A_198 : i32
      %while3A_200 = arith.constant 0 : i32
      %while3A_201 = arith.subi %shift_right_logical3A_199, %while3A_200 : i32
      %while3A_202 = arith.addi %while3A_200, %while3A_201 : i32
      %while3A_203 = arith.constant 1 : i32
      %while3A_204 = arith.divsi %while3A_201, %while3A_203 : i32
      %while3A_205 = arith.muli %while3A_204, %while3A_203 : i32
      %while3A_206 = arith.addi %while3A_200, %while3A_205 : i32
      %while3A_207 = arith.constant 1 : i32
      %while3A_208 = scf.for %while3A_256 = %while3A_200 to %while3A_206 step %while3A_207 iter_args(%while3A_257 = %while3A_165) -> (i32)  : i32 {
        %mul3A_258 = arith.constant 16 : i32
        %mul3A_259 = arith.muli %while3A_256, %mul3A_258 : i32
        %get3A = arith.index_cast %mul3A_259 : i32 to index
        %get3A_260 = tpu.vector_load %arg19[%get3A] {strides = array<i32>} : memref<768xi32, #tpu.memory_space<vmem>>, vector<16xi32>,
        %mul3A_261 = arith.constant 16 : i32
        %mul3A_262 = arith.muli %while3A_256, %mul3A_261 : i32
        %get3A_263 = arith.index_cast %mul3A_262 : i32 to index
        %get3A_264 = tpu.vector_load %arg20[%get3A_263] {strides = array<i32>} : memref<768xi32, #tpu.memory_space<vmem>>, vector<16xi32>,
        %and3A = arith.constant 16383 : i32
        %and3A_265 = vector.broadcast %and3A : i32 to vector<16xi32>
        %and3A_266 = arith.andi %get3A_264, %and3A_265 : vector<16xi32>
        %shift_right_logical3A_267 = arith.constant 9 : i32
        %shift_right_logical3A_268 = vector.broadcast %shift_right_logical3A_267 : i32 to vector<16xi32>
        %shift_right_logical3A_269 = arith.shrui %get3A_260, %shift_right_logical3A_268 : vector<16xi32>
        %and3A_270 = arith.constant 2047 : i32
        %and3A_271 = vector.broadcast %and3A_270 : i32 to vector<16xi32>
        %and3A_272 = arith.andi %shift_right_logical3A_269, %and3A_271 : vector<16xi32>
        %mul3A_273 = arith.constant 16 : i32
        %mul3A_274 = arith.muli %while3A_256, %mul3A_273 : i32
        %add3A_275 = vector.broadcast %mul3A_274 : i32 to vector<16xi32>
        %add3A_276 = arith.addi %add3A_275, %iota3A : vector<16xi32>
        %lt3A_277 = vector.broadcast %min3A_19 : i32 to vector<16xi32>
        %lt3A_278 = arith.cmpi slt, %add3A_276, %lt3A_277 : vector<16xi32>
        %eq3A_279 = vector.broadcast %add3A_172 : i32 to vector<16xi32>
        %eq3A_280 = arith.cmpi eq, %and3A_272, %eq3A_279 : vector<16xi32>
        %and3A_281 = arith.andi %eq3A_280, %lt3A_278 : vector<16xi1>
        %and3A_282 = vector.broadcast %lt3A_193 : i1 to vector<16xi1>
        %and3A_283 = arith.andi %and3A_281, %and3A_282 : vector<16xi1>
        %all_reduce_population_count3A = tpu.all_reduce %and3A_283 {dim = 0 : i64, kind = #tpu.reduction_kind<sum>} : vector<16xi1> -> vector<16xi32>
        %slice3A = vector.extract_strided_slice %all_reduce_population_count3A {offsets = [0], sizes = [1], strides = [1]} : vector<16xi32> to vector<1xi32>
        %squeeze3A = vector.extract %slice3A[0] : i32 from vector<1xi32>
        %while3A_284 = arith.constant 0 : i32
        %while3A_285 = arith.subi %squeeze3A, %while3A_284 : i32
        %while3A_286 = arith.addi %while3A_284, %while3A_285 : i32
        %while3A_287 = arith.constant 1 : i32
        %while3A_288 = arith.divsi %while3A_285, %while3A_287 : i32
        %while3A_289 = arith.muli %while3A_288, %while3A_287 : i32
        %while3A_290 = arith.addi %while3A_284, %while3A_289 : i32
        %while3A_291 = arith.constant 1 : i32
        %while3A_292:2 = scf.for %while3A_295 = %while3A_284 to %while3A_290 step %while3A_291 iter_args(%while3A_296 = %while3A_257, %while3A_297 = %and3A_283) -> (i32, vector<16xi1>)  : i32 {
          %all_reduce_ffs3A = tpu.all_reduce %while3A_297 {dim = 0 : i64, kind = #tpu.reduction_kind<find_first_set>} : vector<16xi1> -> vector<16xi32>
          %slice3A_298 = vector.extract_strided_slice %all_reduce_ffs3A {offsets = [0], sizes = [1], strides = [1]} : vector<16xi32> to vector<1xi32>
          %squeeze3A_299 = vector.extract %slice3A_298[0] : i32 from vector<1xi32>
          %broadcast_in_dim3A = vector.broadcast %squeeze3A_299 : i32 to vector<16xi32>
          %broadcast_in_dim3A_300 = vector.shape_cast %broadcast_in_dim3A : vector<16xi32> to vector<16x1xi32>
          %gather3A = vector.shape_cast %broadcast_in_dim3A_300 : vector<16x1xi32> to vector<16xi32>
          %gather3A_301 = tpu.dynamic_gather %and3A_266[%gather3A] in [0] : vector<16xi32>, vector<16xi32> -> vector<16xi32>
          %slice3A_302 = vector.extract_strided_slice %gather3A_301 {offsets = [0], sizes = [1], strides = [1]} : vector<16xi32> to vector<1xi32>
          %squeeze3A_303 = vector.extract %slice3A_302[0] : i32 from vector<1xi32>
          %broadcast_in_dim3A_304 = vector.broadcast %squeeze3A_299 : i32 to vector<16xi32>
          %broadcast_in_dim3A_305 = vector.shape_cast %broadcast_in_dim3A_304 : vector<16xi32> to vector<16x1xi32>
          %gather3A_306 = vector.shape_cast %broadcast_in_dim3A_305 : vector<16x1xi32> to vector<16xi32>
          %gather3A_307 = tpu.dynamic_gather %get3A_260[%gather3A_306] in [0] : vector<16xi32>, vector<16xi32> -> vector<16xi32>
          %slice3A_308 = vector.extract_strided_slice %gather3A_307 {offsets = [0], sizes = [1], strides = [1]} : vector<16xi32> to vector<1xi32>
          %squeeze3A_309 = vector.extract %slice3A_308[0] : i32 from vector<1xi32>
          %and3A_310 = arith.constant 511 : i32
          %and3A_311 = arith.andi %squeeze3A_309, %and3A_310 : i32
          %broadcast_in_dim3A_312 = vector.broadcast %and3A_311 : i32 to vector<16xi32>
          %gather3A_313 = tpu.vector_load_idx %arg14[%iota3A, %broadcast_in_dim3A_312] : memref<32x512xf32, #tpu.memory_space<vmem>>[vector<16xi32>, vector<16xi32>], vector<16xf32>,
          %gather3A_314 = tpu.vector_load_idx %arg14[%add3A_3, %broadcast_in_dim3A_312] : memref<32x512xf32, #tpu.memory_space<vmem>>[vector<16xi32>, vector<16xi32>], vector<16xf32>,
          %gather3A_315 = tpu.vector_load_idx %arg17[%iota3A, %broadcast_in_dim3A_312] : memref<32x512xf32, #tpu.memory_space<vmem>>[vector<16xi32>, vector<16xi32>], vector<16xf32>,
          %gather3A_316 = tpu.vector_load_idx %arg17[%add3A_3, %broadcast_in_dim3A_312] : memref<32x512xf32, #tpu.memory_space<vmem>>[vector<16xi32>, vector<16xi32>], vector<16xf32>,
          %shift_right_logical3A_317 = arith.constant 30 : i32
          %shift_right_logical3A_318 = arith.shrui %squeeze3A_309, %shift_right_logical3A_317 : i32
          %and3A_319 = arith.constant 1 : i32
          %and3A_320 = arith.andi %shift_right_logical3A_318, %and3A_319 : i32
          %convert_element_type3A_321 = arith.sitofp %and3A_320 : i32 to f32
          %broadcast_in_dim3A_322 = vector.broadcast %convert_element_type3A_321 : f32 to vector<16xf32>
          %mul3A_323 = arith.mulf %gather3A_313, %broadcast_in_dim3A_322 : vector<16xf32>
          %sub3A_324 = arith.constant 1.000000e+00 : f32
          %sub3A_325 = vector.broadcast %sub3A_324 : f32 to vector<16xf32>
          %sub3A_326 = arith.subf %sub3A_325, %broadcast_in_dim3A_322 : vector<16xf32>
          %mul3A_327 = arith.mulf %gather3A_315, %sub3A_326 : vector<16xf32>
          %add3A_328 = arith.addf %mul3A_323, %mul3A_327 : vector<16xf32>
          %mul3A_329 = arith.mulf %gather3A_314, %broadcast_in_dim3A_322 : vector<16xf32>
          %sub3A_330 = arith.constant 1.000000e+00 : f32
          %sub3A_331 = vector.broadcast %sub3A_330 : f32 to vector<16xf32>
          %sub3A_332 = arith.subf %sub3A_331, %broadcast_in_dim3A_322 : vector<16xf32>
          %mul3A_333 = arith.mulf %gather3A_316, %sub3A_332 : vector<16xf32>
          %add3A_334 = arith.addf %mul3A_329, %mul3A_333 : vector<16xf32>
          %min3A_335 = arith.constant 767 : i32
          %min3A_336 = arith.minsi %while3A_296, %min3A_335 : i32
          %mul3A_337 = arith.constant 32 : i32
          %mul3A_338 = arith.muli %min3A_336, %mul3A_337 : i32
          %swap3A = arith.index_cast %mul3A_338 : i32 to index
          %swap3A_339 = tpu.vector_load %arg23[%swap3A] {strides = array<i32>} : memref<24576xf32, #tpu.memory_space<vmem>>, vector<16xf32>,
          tpu.vector_store %arg23[%swap3A], %add3A_328 {strides = array<i32>} : memref<24576xf32, #tpu.memory_space<vmem>>, vector<16xf32>,
          %add3A_340 = arith.constant 16 : i32
          %add3A_341 = arith.addi %mul3A_338, %add3A_340 : i32
          %swap3A_342 = arith.index_cast %add3A_341 : i32 to index
          %swap3A_343 = tpu.vector_load %arg23[%swap3A_342] {strides = array<i32>} : memref<24576xf32, #tpu.memory_space<vmem>>, vector<16xf32>,
          tpu.vector_store %arg23[%swap3A_342], %add3A_334 {strides = array<i32>} : memref<24576xf32, #tpu.memory_space<vmem>>, vector<16xf32>,
          %mul3A_344 = arith.constant 32 : i32
          %mul3A_345 = arith.muli %squeeze3A_303, %mul3A_344 : i32
          %dma_start3A = tpu.memref_slice %arg23[%mul3A_338] : memref<24576xf32, #tpu.memory_space<vmem>> -> memref<32xf32, #tpu.memory_space<vmem>>
          %dma_start3A_346 = tpu.memref_slice %arg10[%mul3A_345] : memref<524288xf32, #tpu.memory_space<hbm>> -> memref<32xf32, #tpu.memory_space<hbm>>
          %dma_start3A_347 = tpu.memref_slice %arg10[%mul3A_345] : memref<524288xf32, #tpu.memory_space<hbm>> -> memref<32xf32, #tpu.memory_space<hbm>>
          %dma_start3A_348 = tpu.memref_slice %arg23[%mul3A_338] : memref<24576xf32, #tpu.memory_space<vmem>> -> memref<32xf32, #tpu.memory_space<vmem>>
          tpu.enqueue_dma source(%dma_start3A_348 : memref<32xf32, #tpu.memory_space<vmem>>) target(%dma_start3A_347 : memref<32xf32, #tpu.memory_space<hbm>>) target_semaphore(%arg27 : memref<!tpu.dma_semaphore, #tpu.memory_space<semaphore_mem>>)
          %add3A_349 = arith.constant 1 : i32
          %add3A_350 = arith.addi %while3A_296, %add3A_349 : i32
          %ne3A = vector.broadcast %squeeze3A_299 : i32 to vector<16xi32>
          %ne3A_351 = arith.cmpi ne, %iota3A, %ne3A : vector<16xi32>
          %and3A_352 = arith.andi %while3A_297, %ne3A_351 : vector<16xi1>
          scf.yield %add3A_350, %and3A_352 : i32, vector<16xi1>
        }
        %while3A_293 = arith.constant 1 : i32
        %while3A_294:2 = scf.for %while3A_295 = %while3A_290 to %while3A_286 step %while3A_293 iter_args(%while3A_296 = %while3A_292#0, %while3A_297 = %while3A_292#1) -> (i32, vector<16xi1>)  : i32 {
          %all_reduce_ffs3A = tpu.all_reduce %while3A_297 {dim = 0 : i64, kind = #tpu.reduction_kind<find_first_set>} : vector<16xi1> -> vector<16xi32>
          %slice3A_298 = vector.extract_strided_slice %all_reduce_ffs3A {offsets = [0], sizes = [1], strides = [1]} : vector<16xi32> to vector<1xi32>
          %squeeze3A_299 = vector.extract %slice3A_298[0] : i32 from vector<1xi32>
          %broadcast_in_dim3A = vector.broadcast %squeeze3A_299 : i32 to vector<16xi32>
          %broadcast_in_dim3A_300 = vector.shape_cast %broadcast_in_dim3A : vector<16xi32> to vector<16x1xi32>
          %gather3A = vector.shape_cast %broadcast_in_dim3A_300 : vector<16x1xi32> to vector<16xi32>
          %gather3A_301 = tpu.dynamic_gather %and3A_266[%gather3A] in [0] : vector<16xi32>, vector<16xi32> -> vector<16xi32>
          %slice3A_302 = vector.extract_strided_slice %gather3A_301 {offsets = [0], sizes = [1], strides = [1]} : vector<16xi32> to vector<1xi32>
          %squeeze3A_303 = vector.extract %slice3A_302[0] : i32 from vector<1xi32>
          %broadcast_in_dim3A_304 = vector.broadcast %squeeze3A_299 : i32 to vector<16xi32>
          %broadcast_in_dim3A_305 = vector.shape_cast %broadcast_in_dim3A_304 : vector<16xi32> to vector<16x1xi32>
          %gather3A_306 = vector.shape_cast %broadcast_in_dim3A_305 : vector<16x1xi32> to vector<16xi32>
          %gather3A_307 = tpu.dynamic_gather %get3A_260[%gather3A_306] in [0] : vector<16xi32>, vector<16xi32> -> vector<16xi32>
          %slice3A_308 = vector.extract_strided_slice %gather3A_307 {offsets = [0], sizes = [1], strides = [1]} : vector<16xi32> to vector<1xi32>
          %squeeze3A_309 = vector.extract %slice3A_308[0] : i32 from vector<1xi32>
          %and3A_310 = arith.constant 511 : i32
          %and3A_311 = arith.andi %squeeze3A_309, %and3A_310 : i32
          %broadcast_in_dim3A_312 = vector.broadcast %and3A_311 : i32 to vector<16xi32>
          %gather3A_313 = tpu.vector_load_idx %arg14[%iota3A, %broadcast_in_dim3A_312] : memref<32x512xf32, #tpu.memory_space<vmem>>[vector<16xi32>, vector<16xi32>], vector<16xf32>,
          %gather3A_314 = tpu.vector_load_idx %arg14[%add3A_3, %broadcast_in_dim3A_312] : memref<32x512xf32, #tpu.memory_space<vmem>>[vector<16xi32>, vector<16xi32>], vector<16xf32>,
          %gather3A_315 = tpu.vector_load_idx %arg17[%iota3A, %broadcast_in_dim3A_312] : memref<32x512xf32, #tpu.memory_space<vmem>>[vector<16xi32>, vector<16xi32>], vector<16xf32>,
          %gather3A_316 = tpu.vector_load_idx %arg17[%add3A_3, %broadcast_in_dim3A_312] : memref<32x512xf32, #tpu.memory_space<vmem>>[vector<16xi32>, vector<16xi32>], vector<16xf32>,
          %shift_right_logical3A_317 = arith.constant 30 : i32
          %shift_right_logical3A_318 = arith.shrui %squeeze3A_309, %shift_right_logical3A_317 : i32
          %and3A_319 = arith.constant 1 : i32
          %and3A_320 = arith.andi %shift_right_logical3A_318, %and3A_319 : i32
          %convert_element_type3A_321 = arith.sitofp %and3A_320 : i32 to f32
          %broadcast_in_dim3A_322 = vector.broadcast %convert_element_type3A_321 : f32 to vector<16xf32>
          %mul3A_323 = arith.mulf %gather3A_313, %broadcast_in_dim3A_322 : vector<16xf32>
          %sub3A_324 = arith.constant 1.000000e+00 : f32
          %sub3A_325 = vector.broadcast %sub3A_324 : f32 to vector<16xf32>
          %sub3A_326 = arith.subf %sub3A_325, %broadcast_in_dim3A_322 : vector<16xf32>
          %mul3A_327 = arith.mulf %gather3A_315, %sub3A_326 : vector<16xf32>
          %add3A_328 = arith.addf %mul3A_323, %mul3A_327 : vector<16xf32>
          %mul3A_329 = arith.mulf %gather3A_314, %broadcast_in_dim3A_322 : vector<16xf32>
          %sub3A_330 = arith.constant 1.000000e+00 : f32
          %sub3A_331 = vector.broadcast %sub3A_330 : f32 to vector<16xf32>
          %sub3A_332 = arith.subf %sub3A_331, %broadcast_in_dim3A_322 : vector<16xf32>
          %mul3A_333 = arith.mulf %gather3A_316, %sub3A_332 : vector<16xf32>
          %add3A_334 = arith.addf %mul3A_329, %mul3A_333 : vector<16xf32>
          %min3A_335 = arith.constant 767 : i32
          %min3A_336 = arith.minsi %while3A_296, %min3A_335 : i32
          %mul3A_337 = arith.constant 32 : i32
          %mul3A_338 = arith.muli %min3A_336, %mul3A_337 : i32
          %swap3A = arith.index_cast %mul3A_338 : i32 to index
          %swap3A_339 = tpu.vector_load %arg23[%swap3A] {strides = array<i32>} : memref<24576xf32, #tpu.memory_space<vmem>>, vector<16xf32>,
          tpu.vector_store %arg23[%swap3A], %add3A_328 {strides = array<i32>} : memref<24576xf32, #tpu.memory_space<vmem>>, vector<16xf32>,
          %add3A_340 = arith.constant 16 : i32
          %add3A_341 = arith.addi %mul3A_338, %add3A_340 : i32
          %swap3A_342 = arith.index_cast %add3A_341 : i32 to index
          %swap3A_343 = tpu.vector_load %arg23[%swap3A_342] {strides = array<i32>} : memref<24576xf32, #tpu.memory_space<vmem>>, vector<16xf32>,
          tpu.vector_store %arg23[%swap3A_342], %add3A_334 {strides = array<i32>} : memref<24576xf32, #tpu.memory_space<vmem>>, vector<16xf32>,
          %mul3A_344 = arith.constant 32 : i32
          %mul3A_345 = arith.muli %squeeze3A_303, %mul3A_344 : i32
          %dma_start3A = tpu.memref_slice %arg23[%mul3A_338] : memref<24576xf32, #tpu.memory_space<vmem>> -> memref<32xf32, #tpu.memory_space<vmem>>
          %dma_start3A_346 = tpu.memref_slice %arg10[%mul3A_345] : memref<524288xf32, #tpu.memory_space<hbm>> -> memref<32xf32, #tpu.memory_space<hbm>>
          %dma_start3A_347 = tpu.memref_slice %arg10[%mul3A_345] : memref<524288xf32, #tpu.memory_space<hbm>> -> memref<32xf32, #tpu.memory_space<hbm>>
          %dma_start3A_348 = tpu.memref_slice %arg23[%mul3A_338] : memref<24576xf32, #tpu.memory_space<vmem>> -> memref<32xf32, #tpu.memory_space<vmem>>
          tpu.enqueue_dma source(%dma_start3A_348 : memref<32xf32, #tpu.memory_space<vmem>>) target(%dma_start3A_347 : memref<32xf32, #tpu.memory_space<hbm>>) target_semaphore(%arg27 : memref<!tpu.dma_semaphore, #tpu.memory_space<semaphore_mem>>)
          %add3A_349 = arith.constant 1 : i32
          %add3A_350 = arith.addi %while3A_296, %add3A_349 : i32
          %ne3A = vector.broadcast %squeeze3A_299 : i32 to vector<16xi32>
          %ne3A_351 = arith.cmpi ne, %iota3A, %ne3A : vector<16xi32>
          %and3A_352 = arith.andi %while3A_297, %ne3A_351 : vector<16xi1>
          scf.yield %add3A_350, %and3A_352 : i32, vector<16xi1>
        }
        scf.yield %while3A_294#0 : i32
      }
      %while3A_209 = arith.constant 1 : i32
      %while3A_210 = scf.for %while3A_256 = %while3A_206 to %while3A_202 step %while3A_209 iter_args(%while3A_257 = %while3A_208) -> (i32)  : i32 {
        %mul3A_258 = arith.constant 16 : i32
        %mul3A_259 = arith.muli %while3A_256, %mul3A_258 : i32
        %get3A = arith.index_cast %mul3A_259 : i32 to index
        %get3A_260 = tpu.vector_load %arg19[%get3A] {strides = array<i32>} : memref<768xi32, #tpu.memory_space<vmem>>, vector<16xi32>,
        %mul3A_261 = arith.constant 16 : i32
        %mul3A_262 = arith.muli %while3A_256, %mul3A_261 : i32
        %get3A_263 = arith.index_cast %mul3A_262 : i32 to index
        %get3A_264 = tpu.vector_load %arg20[%get3A_263] {strides = array<i32>} : memref<768xi32, #tpu.memory_space<vmem>>, vector<16xi32>,
        %and3A = arith.constant 16383 : i32
        %and3A_265 = vector.broadcast %and3A : i32 to vector<16xi32>
        %and3A_266 = arith.andi %get3A_264, %and3A_265 : vector<16xi32>
        %shift_right_logical3A_267 = arith.constant 9 : i32
        %shift_right_logical3A_268 = vector.broadcast %shift_right_logical3A_267 : i32 to vector<16xi32>
        %shift_right_logical3A_269 = arith.shrui %get3A_260, %shift_right_logical3A_268 : vector<16xi32>
        %and3A_270 = arith.constant 2047 : i32
        %and3A_271 = vector.broadcast %and3A_270 : i32 to vector<16xi32>
        %and3A_272 = arith.andi %shift_right_logical3A_269, %and3A_271 : vector<16xi32>
        %mul3A_273 = arith.constant 16 : i32
        %mul3A_274 = arith.muli %while3A_256, %mul3A_273 : i32
        %add3A_275 = vector.broadcast %mul3A_274 : i32 to vector<16xi32>
        %add3A_276 = arith.addi %add3A_275, %iota3A : vector<16xi32>
        %lt3A_277 = vector.broadcast %min3A_19 : i32 to vector<16xi32>
        %lt3A_278 = arith.cmpi slt, %add3A_276, %lt3A_277 : vector<16xi32>
        %eq3A_279 = vector.broadcast %add3A_172 : i32 to vector<16xi32>
        %eq3A_280 = arith.cmpi eq, %and3A_272, %eq3A_279 : vector<16xi32>
        %and3A_281 = arith.andi %eq3A_280, %lt3A_278 : vector<16xi1>
        %and3A_282 = vector.broadcast %lt3A_193 : i1 to vector<16xi1>
        %and3A_283 = arith.andi %and3A_281, %and3A_282 : vector<16xi1>
        %all_reduce_population_count3A = tpu.all_reduce %and3A_283 {dim = 0 : i64, kind = #tpu.reduction_kind<sum>} : vector<16xi1> -> vector<16xi32>
        %slice3A = vector.extract_strided_slice %all_reduce_population_count3A {offsets = [0], sizes = [1], strides = [1]} : vector<16xi32> to vector<1xi32>
        %squeeze3A = vector.extract %slice3A[0] : i32 from vector<1xi32>
        %while3A_284 = arith.constant 0 : i32
        %while3A_285 = arith.subi %squeeze3A, %while3A_284 : i32
        %while3A_286 = arith.addi %while3A_284, %while3A_285 : i32
        %while3A_287 = arith.constant 1 : i32
        %while3A_288 = arith.divsi %while3A_285, %while3A_287 : i32
        %while3A_289 = arith.muli %while3A_288, %while3A_287 : i32
        %while3A_290 = arith.addi %while3A_284, %while3A_289 : i32
        %while3A_291 = arith.constant 1 : i32
        %while3A_292:2 = scf.for %while3A_295 = %while3A_284 to %while3A_290 step %while3A_291 iter_args(%while3A_296 = %while3A_257, %while3A_297 = %and3A_283) -> (i32, vector<16xi1>)  : i32 {
          %all_reduce_ffs3A = tpu.all_reduce %while3A_297 {dim = 0 : i64, kind = #tpu.reduction_kind<find_first_set>} : vector<16xi1> -> vector<16xi32>
          %slice3A_298 = vector.extract_strided_slice %all_reduce_ffs3A {offsets = [0], sizes = [1], strides = [1]} : vector<16xi32> to vector<1xi32>
          %squeeze3A_299 = vector.extract %slice3A_298[0] : i32 from vector<1xi32>
          %broadcast_in_dim3A = vector.broadcast %squeeze3A_299 : i32 to vector<16xi32>
          %broadcast_in_dim3A_300 = vector.shape_cast %broadcast_in_dim3A : vector<16xi32> to vector<16x1xi32>
          %gather3A = vector.shape_cast %broadcast_in_dim3A_300 : vector<16x1xi32> to vector<16xi32>
          %gather3A_301 = tpu.dynamic_gather %and3A_266[%gather3A] in [0] : vector<16xi32>, vector<16xi32> -> vector<16xi32>
          %slice3A_302 = vector.extract_strided_slice %gather3A_301 {offsets = [0], sizes = [1], strides = [1]} : vector<16xi32> to vector<1xi32>
          %squeeze3A_303 = vector.extract %slice3A_302[0] : i32 from vector<1xi32>
          %broadcast_in_dim3A_304 = vector.broadcast %squeeze3A_299 : i32 to vector<16xi32>
          %broadcast_in_dim3A_305 = vector.shape_cast %broadcast_in_dim3A_304 : vector<16xi32> to vector<16x1xi32>
          %gather3A_306 = vector.shape_cast %broadcast_in_dim3A_305 : vector<16x1xi32> to vector<16xi32>
          %gather3A_307 = tpu.dynamic_gather %get3A_260[%gather3A_306] in [0] : vector<16xi32>, vector<16xi32> -> vector<16xi32>
          %slice3A_308 = vector.extract_strided_slice %gather3A_307 {offsets = [0], sizes = [1], strides = [1]} : vector<16xi32> to vector<1xi32>
          %squeeze3A_309 = vector.extract %slice3A_308[0] : i32 from vector<1xi32>
          %and3A_310 = arith.constant 511 : i32
          %and3A_311 = arith.andi %squeeze3A_309, %and3A_310 : i32
          %broadcast_in_dim3A_312 = vector.broadcast %and3A_311 : i32 to vector<16xi32>
          %gather3A_313 = tpu.vector_load_idx %arg14[%iota3A, %broadcast_in_dim3A_312] : memref<32x512xf32, #tpu.memory_space<vmem>>[vector<16xi32>, vector<16xi32>], vector<16xf32>,
          %gather3A_314 = tpu.vector_load_idx %arg14[%add3A_3, %broadcast_in_dim3A_312] : memref<32x512xf32, #tpu.memory_space<vmem>>[vector<16xi32>, vector<16xi32>], vector<16xf32>,
          %gather3A_315 = tpu.vector_load_idx %arg17[%iota3A, %broadcast_in_dim3A_312] : memref<32x512xf32, #tpu.memory_space<vmem>>[vector<16xi32>, vector<16xi32>], vector<16xf32>,
          %gather3A_316 = tpu.vector_load_idx %arg17[%add3A_3, %broadcast_in_dim3A_312] : memref<32x512xf32, #tpu.memory_space<vmem>>[vector<16xi32>, vector<16xi32>], vector<16xf32>,
          %shift_right_logical3A_317 = arith.constant 30 : i32
          %shift_right_logical3A_318 = arith.shrui %squeeze3A_309, %shift_right_logical3A_317 : i32
          %and3A_319 = arith.constant 1 : i32
          %and3A_320 = arith.andi %shift_right_logical3A_318, %and3A_319 : i32
          %convert_element_type3A_321 = arith.sitofp %and3A_320 : i32 to f32
          %broadcast_in_dim3A_322 = vector.broadcast %convert_element_type3A_321 : f32 to vector<16xf32>
          %mul3A_323 = arith.mulf %gather3A_313, %broadcast_in_dim3A_322 : vector<16xf32>
          %sub3A_324 = arith.constant 1.000000e+00 : f32
          %sub3A_325 = vector.broadcast %sub3A_324 : f32 to vector<16xf32>
          %sub3A_326 = arith.subf %sub3A_325, %broadcast_in_dim3A_322 : vector<16xf32>
          %mul3A_327 = arith.mulf %gather3A_315, %sub3A_326 : vector<16xf32>
          %add3A_328 = arith.addf %mul3A_323, %mul3A_327 : vector<16xf32>
          %mul3A_329 = arith.mulf %gather3A_314, %broadcast_in_dim3A_322 : vector<16xf32>
          %sub3A_330 = arith.constant 1.000000e+00 : f32
          %sub3A_331 = vector.broadcast %sub3A_330 : f32 to vector<16xf32>
          %sub3A_332 = arith.subf %sub3A_331, %broadcast_in_dim3A_322 : vector<16xf32>
          %mul3A_333 = arith.mulf %gather3A_316, %sub3A_332 : vector<16xf32>
          %add3A_334 = arith.addf %mul3A_329, %mul3A_333 : vector<16xf32>
          %min3A_335 = arith.constant 767 : i32
          %min3A_336 = arith.minsi %while3A_296, %min3A_335 : i32
          %mul3A_337 = arith.constant 32 : i32
          %mul3A_338 = arith.muli %min3A_336, %mul3A_337 : i32
          %swap3A = arith.index_cast %mul3A_338 : i32 to index
          %swap3A_339 = tpu.vector_load %arg23[%swap3A] {strides = array<i32>} : memref<24576xf32, #tpu.memory_space<vmem>>, vector<16xf32>,
          tpu.vector_store %arg23[%swap3A], %add3A_328 {strides = array<i32>} : memref<24576xf32, #tpu.memory_space<vmem>>, vector<16xf32>,
          %add3A_340 = arith.constant 16 : i32
          %add3A_341 = arith.addi %mul3A_338, %add3A_340 : i32
          %swap3A_342 = arith.index_cast %add3A_341 : i32 to index
          %swap3A_343 = tpu.vector_load %arg23[%swap3A_342] {strides = array<i32>} : memref<24576xf32, #tpu.memory_space<vmem>>, vector<16xf32>,
          tpu.vector_store %arg23[%swap3A_342], %add3A_334 {strides = array<i32>} : memref<24576xf32, #tpu.memory_space<vmem>>, vector<16xf32>,
          %mul3A_344 = arith.constant 32 : i32
          %mul3A_345 = arith.muli %squeeze3A_303, %mul3A_344 : i32
          %dma_start3A = tpu.memref_slice %arg23[%mul3A_338] : memref<24576xf32, #tpu.memory_space<vmem>> -> memref<32xf32, #tpu.memory_space<vmem>>
          %dma_start3A_346 = tpu.memref_slice %arg10[%mul3A_345] : memref<524288xf32, #tpu.memory_space<hbm>> -> memref<32xf32, #tpu.memory_space<hbm>>
          %dma_start3A_347 = tpu.memref_slice %arg10[%mul3A_345] : memref<524288xf32, #tpu.memory_space<hbm>> -> memref<32xf32, #tpu.memory_space<hbm>>
          %dma_start3A_348 = tpu.memref_slice %arg23[%mul3A_338] : memref<24576xf32, #tpu.memory_space<vmem>> -> memref<32xf32, #tpu.memory_space<vmem>>
          tpu.enqueue_dma source(%dma_start3A_348 : memref<32xf32, #tpu.memory_space<vmem>>) target(%dma_start3A_347 : memref<32xf32, #tpu.memory_space<hbm>>) target_semaphore(%arg27 : memref<!tpu.dma_semaphore, #tpu.memory_space<semaphore_mem>>)
          %add3A_349 = arith.constant 1 : i32
          %add3A_350 = arith.addi %while3A_296, %add3A_349 : i32
          %ne3A = vector.broadcast %squeeze3A_299 : i32 to vector<16xi32>
          %ne3A_351 = arith.cmpi ne, %iota3A, %ne3A : vector<16xi32>
          %and3A_352 = arith.andi %while3A_297, %ne3A_351 : vector<16xi1>
          scf.yield %add3A_350, %and3A_352 : i32, vector<16xi1>
        }
        %while3A_293 = arith.constant 1 : i32
        %while3A_294:2 = scf.for %while3A_295 = %while3A_290 to %while3A_286 step %while3A_293 iter_args(%while3A_296 = %while3A_292#0, %while3A_297 = %while3A_292#1) -> (i32, vector<16xi1>)  : i32 {
          %all_reduce_ffs3A = tpu.all_reduce %while3A_297 {dim = 0 : i64, kind = #tpu.reduction_kind<find_first_set>} : vector<16xi1> -> vector<16xi32>
          %slice3A_298 = vector.extract_strided_slice %all_reduce_ffs3A {offsets = [0], sizes = [1], strides = [1]} : vector<16xi32> to vector<1xi32>
          %squeeze3A_299 = vector.extract %slice3A_298[0] : i32 from vector<1xi32>
          %broadcast_in_dim3A = vector.broadcast %squeeze3A_299 : i32 to vector<16xi32>
          %broadcast_in_dim3A_300 = vector.shape_cast %broadcast_in_dim3A : vector<16xi32> to vector<16x1xi32>
          %gather3A = vector.shape_cast %broadcast_in_dim3A_300 : vector<16x1xi32> to vector<16xi32>
          %gather3A_301 = tpu.dynamic_gather %and3A_266[%gather3A] in [0] : vector<16xi32>, vector<16xi32> -> vector<16xi32>
          %slice3A_302 = vector.extract_strided_slice %gather3A_301 {offsets = [0], sizes = [1], strides = [1]} : vector<16xi32> to vector<1xi32>
          %squeeze3A_303 = vector.extract %slice3A_302[0] : i32 from vector<1xi32>
          %broadcast_in_dim3A_304 = vector.broadcast %squeeze3A_299 : i32 to vector<16xi32>
          %broadcast_in_dim3A_305 = vector.shape_cast %broadcast_in_dim3A_304 : vector<16xi32> to vector<16x1xi32>
          %gather3A_306 = vector.shape_cast %broadcast_in_dim3A_305 : vector<16x1xi32> to vector<16xi32>
          %gather3A_307 = tpu.dynamic_gather %get3A_260[%gather3A_306] in [0] : vector<16xi32>, vector<16xi32> -> vector<16xi32>
          %slice3A_308 = vector.extract_strided_slice %gather3A_307 {offsets = [0], sizes = [1], strides = [1]} : vector<16xi32> to vector<1xi32>
          %squeeze3A_309 = vector.extract %slice3A_308[0] : i32 from vector<1xi32>
          %and3A_310 = arith.constant 511 : i32
          %and3A_311 = arith.andi %squeeze3A_309, %and3A_310 : i32
          %broadcast_in_dim3A_312 = vector.broadcast %and3A_311 : i32 to vector<16xi32>
          %gather3A_313 = tpu.vector_load_idx %arg14[%iota3A, %broadcast_in_dim3A_312] : memref<32x512xf32, #tpu.memory_space<vmem>>[vector<16xi32>, vector<16xi32>], vector<16xf32>,
          %gather3A_314 = tpu.vector_load_idx %arg14[%add3A_3, %broadcast_in_dim3A_312] : memref<32x512xf32, #tpu.memory_space<vmem>>[vector<16xi32>, vector<16xi32>], vector<16xf32>,
          %gather3A_315 = tpu.vector_load_idx %arg17[%iota3A, %broadcast_in_dim3A_312] : memref<32x512xf32, #tpu.memory_space<vmem>>[vector<16xi32>, vector<16xi32>], vector<16xf32>,
          %gather3A_316 = tpu.vector_load_idx %arg17[%add3A_3, %broadcast_in_dim3A_312] : memref<32x512xf32, #tpu.memory_space<vmem>>[vector<16xi32>, vector<16xi32>], vector<16xf32>,
          %shift_right_logical3A_317 = arith.constant 30 : i32
          %shift_right_logical3A_318 = arith.shrui %squeeze3A_309, %shift_right_logical3A_317 : i32
          %and3A_319 = arith.constant 1 : i32
          %and3A_320 = arith.andi %shift_right_logical3A_318, %and3A_319 : i32
          %convert_element_type3A_321 = arith.sitofp %and3A_320 : i32 to f32
          %broadcast_in_dim3A_322 = vector.broadcast %convert_element_type3A_321 : f32 to vector<16xf32>
          %mul3A_323 = arith.mulf %gather3A_313, %broadcast_in_dim3A_322 : vector<16xf32>
          %sub3A_324 = arith.constant 1.000000e+00 : f32
          %sub3A_325 = vector.broadcast %sub3A_324 : f32 to vector<16xf32>
          %sub3A_326 = arith.subf %sub3A_325, %broadcast_in_dim3A_322 : vector<16xf32>
          %mul3A_327 = arith.mulf %gather3A_315, %sub3A_326 : vector<16xf32>
          %add3A_328 = arith.addf %mul3A_323, %mul3A_327 : vector<16xf32>
          %mul3A_329 = arith.mulf %gather3A_314, %broadcast_in_dim3A_322 : vector<16xf32>
          %sub3A_330 = arith.constant 1.000000e+00 : f32
          %sub3A_331 = vector.broadcast %sub3A_330 : f32 to vector<16xf32>
          %sub3A_332 = arith.subf %sub3A_331, %broadcast_in_dim3A_322 : vector<16xf32>
          %mul3A_333 = arith.mulf %gather3A_316, %sub3A_332 : vector<16xf32>
          %add3A_334 = arith.addf %mul3A_329, %mul3A_333 : vector<16xf32>
          %min3A_335 = arith.constant 767 : i32
          %min3A_336 = arith.minsi %while3A_296, %min3A_335 : i32
          %mul3A_337 = arith.constant 32 : i32
          %mul3A_338 = arith.muli %min3A_336, %mul3A_337 : i32
          %swap3A = arith.index_cast %mul3A_338 : i32 to index
          %swap3A_339 = tpu.vector_load %arg23[%swap3A] {strides = array<i32>} : memref<24576xf32, #tpu.memory_space<vmem>>, vector<16xf32>,
          tpu.vector_store %arg23[%swap3A], %add3A_328 {strides = array<i32>} : memref<24576xf32, #tpu.memory_space<vmem>>, vector<16xf32>,
          %add3A_340 = arith.constant 16 : i32
          %add3A_341 = arith.addi %mul3A_338, %add3A_340 : i32
          %swap3A_342 = arith.index_cast %add3A_341 : i32 to index
          %swap3A_343 = tpu.vector_load %arg23[%swap3A_342] {strides = array<i32>} : memref<24576xf32, #tpu.memory_space<vmem>>, vector<16xf32>,
          tpu.vector_store %arg23[%swap3A_342], %add3A_334 {strides = array<i32>} : memref<24576xf32, #tpu.memory_space<vmem>>, vector<16xf32>,
          %mul3A_344 = arith.constant 32 : i32
          %mul3A_345 = arith.muli %squeeze3A_303, %mul3A_344 : i32
          %dma_start3A = tpu.memref_slice %arg23[%mul3A_338] : memref<24576xf32, #tpu.memory_space<vmem>> -> memref<32xf32, #tpu.memory_space<vmem>>
          %dma_start3A_346 = tpu.memref_slice %arg10[%mul3A_345] : memref<524288xf32, #tpu.memory_space<hbm>> -> memref<32xf32, #tpu.memory_space<hbm>>
          %dma_start3A_347 = tpu.memref_slice %arg10[%mul3A_345] : memref<524288xf32, #tpu.memory_space<hbm>> -> memref<32xf32, #tpu.memory_space<hbm>>
          %dma_start3A_348 = tpu.memref_slice %arg23[%mul3A_338] : memref<24576xf32, #tpu.memory_space<vmem>> -> memref<32xf32, #tpu.memory_space<vmem>>
          tpu.enqueue_dma source(%dma_start3A_348 : memref<32xf32, #tpu.memory_space<vmem>>) target(%dma_start3A_347 : memref<32xf32, #tpu.memory_space<hbm>>) target_semaphore(%arg27 : memref<!tpu.dma_semaphore, #tpu.memory_space<semaphore_mem>>)
          %add3A_349 = arith.constant 1 : i32
          %add3A_350 = arith.addi %while3A_296, %add3A_349 : i32
          %ne3A = vector.broadcast %squeeze3A_299 : i32 to vector<16xi32>
          %ne3A_351 = arith.cmpi ne, %iota3A, %ne3A : vector<16xi32>
          %and3A_352 = arith.andi %while3A_297, %ne3A_351 : vector<16xi1>
          scf.yield %add3A_350, %and3A_352 : i32, vector<16xi1>
        }
        scf.yield %while3A_294#0 : i32
      }
      %mul3A_211 = arith.constant 3 : i32
      %mul3A_212 = arith.muli %mul3A_211, %scan3A_119 : i32
      %add3A_213 = arith.constant 2 : i32
      %add3A_214 = arith.addi %mul3A_212, %add3A_213 : i32
      %mul3A_215 = arith.constant 32 : i32
      %mul3A_216 = arith.muli %add3A_214, %mul3A_215 : i32
      %add3A_217 = arith.addi %add3A, %mul3A_216 : i32
      %mul3A_218 = arith.constant 3 : i32
      %mul3A_219 = arith.muli %mul3A_218, %scan3A_119 : i32
      %add3A_220 = arith.constant 2 : i32
      %add3A_221 = arith.addi %mul3A_219, %add3A_220 : i32
      %add3A_222 = arith.constant 2 : i32
      %add3A_223 = arith.addi %add3A_221, %add3A_222 : i32
      %mul3A_224 = arith.constant 32 : i32
      %mul3A_225 = arith.muli %add3A_223, %mul3A_224 : i32
      %add3A_226 = arith.addi %add3A, %mul3A_225 : i32
      %lt3A_227 = arith.constant 1953 : i32
      %lt3A_228 = arith.cmpi slt, %add3A_226, %lt3A_227 : i32
      %convert_element_type3A_229 = arith.extui %lt3A_228 : i1 to i32
      %cond3A_230 = arith.constant 0 : i32
      %cond3A_231 = arith.cmpi ne, %convert_element_type3A_229, %cond3A_230 : i32
      scf.if %cond3A_231 {
        %mul3A_256 = arith.constant 512 : i32
        %mul3A_257 = arith.muli %add3A_226, %mul3A_256 : i32
        %dma_start3A = arith.constant 0 : i32
        %dma_start3A_258 = tpu.memref_slice %arg4[%dma_start3A, %mul3A_257] : memref<32x1000000xf32, #tpu.memory_space<hbm>> -> memref<32x512xf32, #tpu.memory_space<hbm>>
        %dma_start3A_259 = arith.constant 0 : i32
        %dma_start3A_260 = tpu.memref_slice %arg4[%dma_start3A_259, %mul3A_257] : memref<32x1000000xf32, #tpu.memory_space<hbm>> -> memref<32x512xf32, #tpu.memory_space<hbm>>
        tpu.enqueue_dma source(%dma_start3A_260 : memref<32x512xf32, #tpu.memory_space<hbm>>) target(%arg14 : memref<32x512xf32, #tpu.memory_space<vmem>>) target_semaphore(%arg25 : memref<!tpu.dma_semaphore, #tpu.memory_space<semaphore_mem>>)
        %dma_start3A_261 = arith.constant 0 : i32
        %dma_start3A_262 = tpu.memref_slice %arg6[%dma_start3A_261, %mul3A_257] : memref<32x1000000xf32, #tpu.memory_space<hbm>> -> memref<32x512xf32, #tpu.memory_space<hbm>>
        %dma_start3A_263 = arith.constant 0 : i32
        %dma_start3A_264 = tpu.memref_slice %arg6[%dma_start3A_263, %mul3A_257] : memref<32x1000000xf32, #tpu.memory_space<hbm>> -> memref<32x512xf32, #tpu.memory_space<hbm>>
        tpu.enqueue_dma source(%dma_start3A_264 : memref<32x512xf32, #tpu.memory_space<hbm>>) target(%arg17 : memref<32x512xf32, #tpu.memory_space<vmem>>) target_semaphore(%arg25 : memref<!tpu.dma_semaphore, #tpu.memory_space<semaphore_mem>>)
      } else {
      }
      %lt3A_232 = arith.constant 1953 : i32
      %lt3A_233 = arith.cmpi slt, %add3A_217, %lt3A_232 : i32
      %convert_element_type3A_234 = arith.extui %lt3A_233 : i1 to i32
      %cond3A_235 = arith.constant 0 : i32
      %cond3A_236 = arith.cmpi ne, %convert_element_type3A_234, %cond3A_235 : i32
      scf.if %cond3A_236 {
        %dma_wait3A = arith.constant 0 : i32
        %dma_wait3A_256 = arith.constant 0 : i32
        %dma_wait3A_257 = tpu.memref_slice %arg4[%dma_wait3A, %dma_wait3A_256] : memref<32x1000000xf32, #tpu.memory_space<hbm>> -> memref<32x512xf32, #tpu.memory_space<hbm>>
        %dma_wait3A_258 = arith.constant 0 : i32
        %dma_wait3A_259 = arith.constant 0 : i32
        %dma_wait3A_260 = tpu.memref_slice %arg4[%dma_wait3A_258, %dma_wait3A_259] : memref<32x1000000xf32, #tpu.memory_space<hbm>> -> memref<32x512xf32, #tpu.memory_space<hbm>>
        tpu.wait_dma2 semaphore(%arg26 : memref<!tpu.dma_semaphore, #tpu.memory_space<semaphore_mem>>) src(%dma_wait3A_260 : memref<32x512xf32, #tpu.memory_space<hbm>>) dst(%arg15 : memref<32x512xf32, #tpu.memory_space<vmem>>)
        %dma_wait3A_261 = arith.constant 0 : i32
        %dma_wait3A_262 = arith.constant 0 : i32
        %dma_wait3A_263 = tpu.memref_slice %arg6[%dma_wait3A_261, %dma_wait3A_262] : memref<32x1000000xf32, #tpu.memory_space<hbm>> -> memref<32x512xf32, #tpu.memory_space<hbm>>
        %dma_wait3A_264 = arith.constant 0 : i32
        %dma_wait3A_265 = arith.constant 0 : i32
        %dma_wait3A_266 = tpu.memref_slice %arg6[%dma_wait3A_264, %dma_wait3A_265] : memref<32x1000000xf32, #tpu.memory_space<hbm>> -> memref<32x512xf32, #tpu.memory_space<hbm>>
        tpu.wait_dma2 semaphore(%arg26 : memref<!tpu.dma_semaphore, #tpu.memory_space<semaphore_mem>>) src(%dma_wait3A_266 : memref<32x512xf32, #tpu.memory_space<hbm>>) dst(%arg18 : memref<32x512xf32, #tpu.memory_space<vmem>>)
      } else {
      }
      %lt3A_237 = arith.constant 1953 : i32
      %lt3A_238 = arith.cmpi slt, %add3A_217, %lt3A_237 : i32
      %add3A_239 = arith.constant 16 : i32
      %add3A_240 = arith.addi %min3A_19, %add3A_239 : i32
      %sub3A_241 = arith.constant 1 : i32
      %sub3A_242 = arith.subi %add3A_240, %sub3A_241 : i32
      %shift_right_logical3A_243 = arith.constant 4 : i32
      %shift_right_logical3A_244 = arith.shrui %sub3A_242, %shift_right_logical3A_243 : i32
      %while3A_245 = arith.constant 0 : i32
      %while3A_246 = arith.subi %shift_right_logical3A_244, %while3A_245 : i32
      %while3A_247 = arith.addi %while3A_245, %while3A_246 : i32
      %while3A_248 = arith.constant 1 : i32
      %while3A_249 = arith.divsi %while3A_246, %while3A_248 : i32
      %while3A_250 = arith.muli %while3A_249, %while3A_248 : i32
      %while3A_251 = arith.addi %while3A_245, %while3A_250 : i32
      %while3A_252 = arith.constant 1 : i32
      %while3A_253 = scf.for %while3A_256 = %while3A_245 to %while3A_251 step %while3A_252 iter_args(%while3A_257 = %while3A_210) -> (i32)  : i32 {
        %mul3A_258 = arith.constant 16 : i32
        %mul3A_259 = arith.muli %while3A_256, %mul3A_258 : i32
        %get3A = arith.index_cast %mul3A_259 : i32 to index
        %get3A_260 = tpu.vector_load %arg19[%get3A] {strides = array<i32>} : memref<768xi32, #tpu.memory_space<vmem>>, vector<16xi32>,
        %mul3A_261 = arith.constant 16 : i32
        %mul3A_262 = arith.muli %while3A_256, %mul3A_261 : i32
        %get3A_263 = arith.index_cast %mul3A_262 : i32 to index
        %get3A_264 = tpu.vector_load %arg20[%get3A_263] {strides = array<i32>} : memref<768xi32, #tpu.memory_space<vmem>>, vector<16xi32>,
        %and3A = arith.constant 16383 : i32
        %and3A_265 = vector.broadcast %and3A : i32 to vector<16xi32>
        %and3A_266 = arith.andi %get3A_264, %and3A_265 : vector<16xi32>
        %shift_right_logical3A_267 = arith.constant 9 : i32
        %shift_right_logical3A_268 = vector.broadcast %shift_right_logical3A_267 : i32 to vector<16xi32>
        %shift_right_logical3A_269 = arith.shrui %get3A_260, %shift_right_logical3A_268 : vector<16xi32>
        %and3A_270 = arith.constant 2047 : i32
        %and3A_271 = vector.broadcast %and3A_270 : i32 to vector<16xi32>
        %and3A_272 = arith.andi %shift_right_logical3A_269, %and3A_271 : vector<16xi32>
        %mul3A_273 = arith.constant 16 : i32
        %mul3A_274 = arith.muli %while3A_256, %mul3A_273 : i32
        %add3A_275 = vector.broadcast %mul3A_274 : i32 to vector<16xi32>
        %add3A_276 = arith.addi %add3A_275, %iota3A : vector<16xi32>
        %lt3A_277 = vector.broadcast %min3A_19 : i32 to vector<16xi32>
        %lt3A_278 = arith.cmpi slt, %add3A_276, %lt3A_277 : vector<16xi32>
        %eq3A_279 = vector.broadcast %add3A_217 : i32 to vector<16xi32>
        %eq3A_280 = arith.cmpi eq, %and3A_272, %eq3A_279 : vector<16xi32>
        %and3A_281 = arith.andi %eq3A_280, %lt3A_278 : vector<16xi1>
        %and3A_282 = vector.broadcast %lt3A_238 : i1 to vector<16xi1>
        %and3A_283 = arith.andi %and3A_281, %and3A_282 : vector<16xi1>
        %all_reduce_population_count3A = tpu.all_reduce %and3A_283 {dim = 0 : i64, kind = #tpu.reduction_kind<sum>} : vector<16xi1> -> vector<16xi32>
        %slice3A = vector.extract_strided_slice %all_reduce_population_count3A {offsets = [0], sizes = [1], strides = [1]} : vector<16xi32> to vector<1xi32>
        %squeeze3A = vector.extract %slice3A[0] : i32 from vector<1xi32>
        %while3A_284 = arith.constant 0 : i32
        %while3A_285 = arith.subi %squeeze3A, %while3A_284 : i32
        %while3A_286 = arith.addi %while3A_284, %while3A_285 : i32
        %while3A_287 = arith.constant 1 : i32
        %while3A_288 = arith.divsi %while3A_285, %while3A_287 : i32
        %while3A_289 = arith.muli %while3A_288, %while3A_287 : i32
        %while3A_290 = arith.addi %while3A_284, %while3A_289 : i32
        %while3A_291 = arith.constant 1 : i32
        %while3A_292:2 = scf.for %while3A_295 = %while3A_284 to %while3A_290 step %while3A_291 iter_args(%while3A_296 = %while3A_257, %while3A_297 = %and3A_283) -> (i32, vector<16xi1>)  : i32 {
          %all_reduce_ffs3A = tpu.all_reduce %while3A_297 {dim = 0 : i64, kind = #tpu.reduction_kind<find_first_set>} : vector<16xi1> -> vector<16xi32>
          %slice3A_298 = vector.extract_strided_slice %all_reduce_ffs3A {offsets = [0], sizes = [1], strides = [1]} : vector<16xi32> to vector<1xi32>
          %squeeze3A_299 = vector.extract %slice3A_298[0] : i32 from vector<1xi32>
          %broadcast_in_dim3A = vector.broadcast %squeeze3A_299 : i32 to vector<16xi32>
          %broadcast_in_dim3A_300 = vector.shape_cast %broadcast_in_dim3A : vector<16xi32> to vector<16x1xi32>
          %gather3A = vector.shape_cast %broadcast_in_dim3A_300 : vector<16x1xi32> to vector<16xi32>
          %gather3A_301 = tpu.dynamic_gather %and3A_266[%gather3A] in [0] : vector<16xi32>, vector<16xi32> -> vector<16xi32>
          %slice3A_302 = vector.extract_strided_slice %gather3A_301 {offsets = [0], sizes = [1], strides = [1]} : vector<16xi32> to vector<1xi32>
          %squeeze3A_303 = vector.extract %slice3A_302[0] : i32 from vector<1xi32>
          %broadcast_in_dim3A_304 = vector.broadcast %squeeze3A_299 : i32 to vector<16xi32>
          %broadcast_in_dim3A_305 = vector.shape_cast %broadcast_in_dim3A_304 : vector<16xi32> to vector<16x1xi32>
          %gather3A_306 = vector.shape_cast %broadcast_in_dim3A_305 : vector<16x1xi32> to vector<16xi32>
          %gather3A_307 = tpu.dynamic_gather %get3A_260[%gather3A_306] in [0] : vector<16xi32>, vector<16xi32> -> vector<16xi32>
          %slice3A_308 = vector.extract_strided_slice %gather3A_307 {offsets = [0], sizes = [1], strides = [1]} : vector<16xi32> to vector<1xi32>
          %squeeze3A_309 = vector.extract %slice3A_308[0] : i32 from vector<1xi32>
          %and3A_310 = arith.constant 511 : i32
          %and3A_311 = arith.andi %squeeze3A_309, %and3A_310 : i32
          %broadcast_in_dim3A_312 = vector.broadcast %and3A_311 : i32 to vector<16xi32>
          %gather3A_313 = tpu.vector_load_idx %arg15[%iota3A, %broadcast_in_dim3A_312] : memref<32x512xf32, #tpu.memory_space<vmem>>[vector<16xi32>, vector<16xi32>], vector<16xf32>,
          %gather3A_314 = tpu.vector_load_idx %arg15[%add3A_3, %broadcast_in_dim3A_312] : memref<32x512xf32, #tpu.memory_space<vmem>>[vector<16xi32>, vector<16xi32>], vector<16xf32>,
          %gather3A_315 = tpu.vector_load_idx %arg18[%iota3A, %broadcast_in_dim3A_312] : memref<32x512xf32, #tpu.memory_space<vmem>>[vector<16xi32>, vector<16xi32>], vector<16xf32>,
          %gather3A_316 = tpu.vector_load_idx %arg18[%add3A_3, %broadcast_in_dim3A_312] : memref<32x512xf32, #tpu.memory_space<vmem>>[vector<16xi32>, vector<16xi32>], vector<16xf32>,
          %shift_right_logical3A_317 = arith.constant 30 : i32
          %shift_right_logical3A_318 = arith.shrui %squeeze3A_309, %shift_right_logical3A_317 : i32
          %and3A_319 = arith.constant 1 : i32
          %and3A_320 = arith.andi %shift_right_logical3A_318, %and3A_319 : i32
          %convert_element_type3A_321 = arith.sitofp %and3A_320 : i32 to f32
          %broadcast_in_dim3A_322 = vector.broadcast %convert_element_type3A_321 : f32 to vector<16xf32>
          %mul3A_323 = arith.mulf %gather3A_313, %broadcast_in_dim3A_322 : vector<16xf32>
          %sub3A_324 = arith.constant 1.000000e+00 : f32
          %sub3A_325 = vector.broadcast %sub3A_324 : f32 to vector<16xf32>
          %sub3A_326 = arith.subf %sub3A_325, %broadcast_in_dim3A_322 : vector<16xf32>
          %mul3A_327 = arith.mulf %gather3A_315, %sub3A_326 : vector<16xf32>
          %add3A_328 = arith.addf %mul3A_323, %mul3A_327 : vector<16xf32>
          %mul3A_329 = arith.mulf %gather3A_314, %broadcast_in_dim3A_322 : vector<16xf32>
          %sub3A_330 = arith.constant 1.000000e+00 : f32
          %sub3A_331 = vector.broadcast %sub3A_330 : f32 to vector<16xf32>
          %sub3A_332 = arith.subf %sub3A_331, %broadcast_in_dim3A_322 : vector<16xf32>
          %mul3A_333 = arith.mulf %gather3A_316, %sub3A_332 : vector<16xf32>
          %add3A_334 = arith.addf %mul3A_329, %mul3A_333 : vector<16xf32>
          %min3A_335 = arith.constant 767 : i32
          %min3A_336 = arith.minsi %while3A_296, %min3A_335 : i32
          %mul3A_337 = arith.constant 32 : i32
          %mul3A_338 = arith.muli %min3A_336, %mul3A_337 : i32
          %swap3A = arith.index_cast %mul3A_338 : i32 to index
          %swap3A_339 = tpu.vector_load %arg23[%swap3A] {strides = array<i32>} : memref<24576xf32, #tpu.memory_space<vmem>>, vector<16xf32>,
          tpu.vector_store %arg23[%swap3A], %add3A_328 {strides = array<i32>} : memref<24576xf32, #tpu.memory_space<vmem>>, vector<16xf32>,
          %add3A_340 = arith.constant 16 : i32
          %add3A_341 = arith.addi %mul3A_338, %add3A_340 : i32
          %swap3A_342 = arith.index_cast %add3A_341 : i32 to index
          %swap3A_343 = tpu.vector_load %arg23[%swap3A_342] {strides = array<i32>} : memref<24576xf32, #tpu.memory_space<vmem>>, vector<16xf32>,
          tpu.vector_store %arg23[%swap3A_342], %add3A_334 {strides = array<i32>} : memref<24576xf32, #tpu.memory_space<vmem>>, vector<16xf32>,
          %mul3A_344 = arith.constant 32 : i32
          %mul3A_345 = arith.muli %squeeze3A_303, %mul3A_344 : i32
          %dma_start3A = tpu.memref_slice %arg23[%mul3A_338] : memref<24576xf32, #tpu.memory_space<vmem>> -> memref<32xf32, #tpu.memory_space<vmem>>
          %dma_start3A_346 = tpu.memref_slice %arg10[%mul3A_345] : memref<524288xf32, #tpu.memory_space<hbm>> -> memref<32xf32, #tpu.memory_space<hbm>>
          %dma_start3A_347 = tpu.memref_slice %arg10[%mul3A_345] : memref<524288xf32, #tpu.memory_space<hbm>> -> memref<32xf32, #tpu.memory_space<hbm>>
          %dma_start3A_348 = tpu.memref_slice %arg23[%mul3A_338] : memref<24576xf32, #tpu.memory_space<vmem>> -> memref<32xf32, #tpu.memory_space<vmem>>
          tpu.enqueue_dma source(%dma_start3A_348 : memref<32xf32, #tpu.memory_space<vmem>>) target(%dma_start3A_347 : memref<32xf32, #tpu.memory_space<hbm>>) target_semaphore(%arg27 : memref<!tpu.dma_semaphore, #tpu.memory_space<semaphore_mem>>)
          %add3A_349 = arith.constant 1 : i32
          %add3A_350 = arith.addi %while3A_296, %add3A_349 : i32
          %ne3A = vector.broadcast %squeeze3A_299 : i32 to vector<16xi32>
          %ne3A_351 = arith.cmpi ne, %iota3A, %ne3A : vector<16xi32>
          %and3A_352 = arith.andi %while3A_297, %ne3A_351 : vector<16xi1>
          scf.yield %add3A_350, %and3A_352 : i32, vector<16xi1>
        }
        %while3A_293 = arith.constant 1 : i32
        %while3A_294:2 = scf.for %while3A_295 = %while3A_290 to %while3A_286 step %while3A_293 iter_args(%while3A_296 = %while3A_292#0, %while3A_297 = %while3A_292#1) -> (i32, vector<16xi1>)  : i32 {
          %all_reduce_ffs3A = tpu.all_reduce %while3A_297 {dim = 0 : i64, kind = #tpu.reduction_kind<find_first_set>} : vector<16xi1> -> vector<16xi32>
          %slice3A_298 = vector.extract_strided_slice %all_reduce_ffs3A {offsets = [0], sizes = [1], strides = [1]} : vector<16xi32> to vector<1xi32>
          %squeeze3A_299 = vector.extract %slice3A_298[0] : i32 from vector<1xi32>
          %broadcast_in_dim3A = vector.broadcast %squeeze3A_299 : i32 to vector<16xi32>
          %broadcast_in_dim3A_300 = vector.shape_cast %broadcast_in_dim3A : vector<16xi32> to vector<16x1xi32>
          %gather3A = vector.shape_cast %broadcast_in_dim3A_300 : vector<16x1xi32> to vector<16xi32>
          %gather3A_301 = tpu.dynamic_gather %and3A_266[%gather3A] in [0] : vector<16xi32>, vector<16xi32> -> vector<16xi32>
          %slice3A_302 = vector.extract_strided_slice %gather3A_301 {offsets = [0], sizes = [1], strides = [1]} : vector<16xi32> to vector<1xi32>
          %squeeze3A_303 = vector.extract %slice3A_302[0] : i32 from vector<1xi32>
          %broadcast_in_dim3A_304 = vector.broadcast %squeeze3A_299 : i32 to vector<16xi32>
          %broadcast_in_dim3A_305 = vector.shape_cast %broadcast_in_dim3A_304 : vector<16xi32> to vector<16x1xi32>
          %gather3A_306 = vector.shape_cast %broadcast_in_dim3A_305 : vector<16x1xi32> to vector<16xi32>
          %gather3A_307 = tpu.dynamic_gather %get3A_260[%gather3A_306] in [0] : vector<16xi32>, vector<16xi32> -> vector<16xi32>
          %slice3A_308 = vector.extract_strided_slice %gather3A_307 {offsets = [0], sizes = [1], strides = [1]} : vector<16xi32> to vector<1xi32>
          %squeeze3A_309 = vector.extract %slice3A_308[0] : i32 from vector<1xi32>
          %and3A_310 = arith.constant 511 : i32
          %and3A_311 = arith.andi %squeeze3A_309, %and3A_310 : i32
          %broadcast_in_dim3A_312 = vector.broadcast %and3A_311 : i32 to vector<16xi32>
          %gather3A_313 = tpu.vector_load_idx %arg15[%iota3A, %broadcast_in_dim3A_312] : memref<32x512xf32, #tpu.memory_space<vmem>>[vector<16xi32>, vector<16xi32>], vector<16xf32>,
          %gather3A_314 = tpu.vector_load_idx %arg15[%add3A_3, %broadcast_in_dim3A_312] : memref<32x512xf32, #tpu.memory_space<vmem>>[vector<16xi32>, vector<16xi32>], vector<16xf32>,
          %gather3A_315 = tpu.vector_load_idx %arg18[%iota3A, %broadcast_in_dim3A_312] : memref<32x512xf32, #tpu.memory_space<vmem>>[vector<16xi32>, vector<16xi32>], vector<16xf32>,
          %gather3A_316 = tpu.vector_load_idx %arg18[%add3A_3, %broadcast_in_dim3A_312] : memref<32x512xf32, #tpu.memory_space<vmem>>[vector<16xi32>, vector<16xi32>], vector<16xf32>,
          %shift_right_logical3A_317 = arith.constant 30 : i32
          %shift_right_logical3A_318 = arith.shrui %squeeze3A_309, %shift_right_logical3A_317 : i32
          %and3A_319 = arith.constant 1 : i32
          %and3A_320 = arith.andi %shift_right_logical3A_318, %and3A_319 : i32
          %convert_element_type3A_321 = arith.sitofp %and3A_320 : i32 to f32
          %broadcast_in_dim3A_322 = vector.broadcast %convert_element_type3A_321 : f32 to vector<16xf32>
          %mul3A_323 = arith.mulf %gather3A_313, %broadcast_in_dim3A_322 : vector<16xf32>
          %sub3A_324 = arith.constant 1.000000e+00 : f32
          %sub3A_325 = vector.broadcast %sub3A_324 : f32 to vector<16xf32>
          %sub3A_326 = arith.subf %sub3A_325, %broadcast_in_dim3A_322 : vector<16xf32>
          %mul3A_327 = arith.mulf %gather3A_315, %sub3A_326 : vector<16xf32>
          %add3A_328 = arith.addf %mul3A_323, %mul3A_327 : vector<16xf32>
          %mul3A_329 = arith.mulf %gather3A_314, %broadcast_in_dim3A_322 : vector<16xf32>
          %sub3A_330 = arith.constant 1.000000e+00 : f32
          %sub3A_331 = vector.broadcast %sub3A_330 : f32 to vector<16xf32>
          %sub3A_332 = arith.subf %sub3A_331, %broadcast_in_dim3A_322 : vector<16xf32>
          %mul3A_333 = arith.mulf %gather3A_316, %sub3A_332 : vector<16xf32>
          %add3A_334 = arith.addf %mul3A_329, %mul3A_333 : vector<16xf32>
          %min3A_335 = arith.constant 767 : i32
          %min3A_336 = arith.minsi %while3A_296, %min3A_335 : i32
          %mul3A_337 = arith.constant 32 : i32
          %mul3A_338 = arith.muli %min3A_336, %mul3A_337 : i32
          %swap3A = arith.index_cast %mul3A_338 : i32 to index
          %swap3A_339 = tpu.vector_load %arg23[%swap3A] {strides = array<i32>} : memref<24576xf32, #tpu.memory_space<vmem>>, vector<16xf32>,
          tpu.vector_store %arg23[%swap3A], %add3A_328 {strides = array<i32>} : memref<24576xf32, #tpu.memory_space<vmem>>, vector<16xf32>,
          %add3A_340 = arith.constant 16 : i32
          %add3A_341 = arith.addi %mul3A_338, %add3A_340 : i32
          %swap3A_342 = arith.index_cast %add3A_341 : i32 to index
          %swap3A_343 = tpu.vector_load %arg23[%swap3A_342] {strides = array<i32>} : memref<24576xf32, #tpu.memory_space<vmem>>, vector<16xf32>,
          tpu.vector_store %arg23[%swap3A_342], %add3A_334 {strides = array<i32>} : memref<24576xf32, #tpu.memory_space<vmem>>, vector<16xf32>,
          %mul3A_344 = arith.constant 32 : i32
          %mul3A_345 = arith.muli %squeeze3A_303, %mul3A_344 : i32
          %dma_start3A = tpu.memref_slice %arg23[%mul3A_338] : memref<24576xf32, #tpu.memory_space<vmem>> -> memref<32xf32, #tpu.memory_space<vmem>>
          %dma_start3A_346 = tpu.memref_slice %arg10[%mul3A_345] : memref<524288xf32, #tpu.memory_space<hbm>> -> memref<32xf32, #tpu.memory_space<hbm>>
          %dma_start3A_347 = tpu.memref_slice %arg10[%mul3A_345] : memref<524288xf32, #tpu.memory_space<hbm>> -> memref<32xf32, #tpu.memory_space<hbm>>
          %dma_start3A_348 = tpu.memref_slice %arg23[%mul3A_338] : memref<24576xf32, #tpu.memory_space<vmem>> -> memref<32xf32, #tpu.memory_space<vmem>>
          tpu.enqueue_dma source(%dma_start3A_348 : memref<32xf32, #tpu.memory_space<vmem>>) target(%dma_start3A_347 : memref<32xf32, #tpu.memory_space<hbm>>) target_semaphore(%arg27 : memref<!tpu.dma_semaphore, #tpu.memory_space<semaphore_mem>>)
          %add3A_349 = arith.constant 1 : i32
          %add3A_350 = arith.addi %while3A_296, %add3A_349 : i32
          %ne3A = vector.broadcast %squeeze3A_299 : i32 to vector<16xi32>
          %ne3A_351 = arith.cmpi ne, %iota3A, %ne3A : vector<16xi32>
          %and3A_352 = arith.andi %while3A_297, %ne3A_351 : vector<16xi1>
          scf.yield %add3A_350, %and3A_352 : i32, vector<16xi1>
        }
        scf.yield %while3A_294#0 : i32
      }
      %while3A_254 = arith.constant 1 : i32
      %while3A_255 = scf.for %while3A_256 = %while3A_251 to %while3A_247 step %while3A_254 iter_args(%while3A_257 = %while3A_253) -> (i32)  : i32 {
        %mul3A_258 = arith.constant 16 : i32
        %mul3A_259 = arith.muli %while3A_256, %mul3A_258 : i32
        %get3A = arith.index_cast %mul3A_259 : i32 to index
        %get3A_260 = tpu.vector_load %arg19[%get3A] {strides = array<i32>} : memref<768xi32, #tpu.memory_space<vmem>>, vector<16xi32>,
        %mul3A_261 = arith.constant 16 : i32
        %mul3A_262 = arith.muli %while3A_256, %mul3A_261 : i32
        %get3A_263 = arith.index_cast %mul3A_262 : i32 to index
        %get3A_264 = tpu.vector_load %arg20[%get3A_263] {strides = array<i32>} : memref<768xi32, #tpu.memory_space<vmem>>, vector<16xi32>,
        %and3A = arith.constant 16383 : i32
        %and3A_265 = vector.broadcast %and3A : i32 to vector<16xi32>
        %and3A_266 = arith.andi %get3A_264, %and3A_265 : vector<16xi32>
        %shift_right_logical3A_267 = arith.constant 9 : i32
        %shift_right_logical3A_268 = vector.broadcast %shift_right_logical3A_267 : i32 to vector<16xi32>
        %shift_right_logical3A_269 = arith.shrui %get3A_260, %shift_right_logical3A_268 : vector<16xi32>
        %and3A_270 = arith.constant 2047 : i32
        %and3A_271 = vector.broadcast %and3A_270 : i32 to vector<16xi32>
        %and3A_272 = arith.andi %shift_right_logical3A_269, %and3A_271 : vector<16xi32>
        %mul3A_273 = arith.constant 16 : i32
        %mul3A_274 = arith.muli %while3A_256, %mul3A_273 : i32
        %add3A_275 = vector.broadcast %mul3A_274 : i32 to vector<16xi32>
        %add3A_276 = arith.addi %add3A_275, %iota3A : vector<16xi32>
        %lt3A_277 = vector.broadcast %min3A_19 : i32 to vector<16xi32>
        %lt3A_278 = arith.cmpi slt, %add3A_276, %lt3A_277 : vector<16xi32>
        %eq3A_279 = vector.broadcast %add3A_217 : i32 to vector<16xi32>
        %eq3A_280 = arith.cmpi eq, %and3A_272, %eq3A_279 : vector<16xi32>
        %and3A_281 = arith.andi %eq3A_280, %lt3A_278 : vector<16xi1>
        %and3A_282 = vector.broadcast %lt3A_238 : i1 to vector<16xi1>
        %and3A_283 = arith.andi %and3A_281, %and3A_282 : vector<16xi1>
        %all_reduce_population_count3A = tpu.all_reduce %and3A_283 {dim = 0 : i64, kind = #tpu.reduction_kind<sum>} : vector<16xi1> -> vector<16xi32>
        %slice3A = vector.extract_strided_slice %all_reduce_population_count3A {offsets = [0], sizes = [1], strides = [1]} : vector<16xi32> to vector<1xi32>
        %squeeze3A = vector.extract %slice3A[0] : i32 from vector<1xi32>
        %while3A_284 = arith.constant 0 : i32
        %while3A_285 = arith.subi %squeeze3A, %while3A_284 : i32
        %while3A_286 = arith.addi %while3A_284, %while3A_285 : i32
        %while3A_287 = arith.constant 1 : i32
        %while3A_288 = arith.divsi %while3A_285, %while3A_287 : i32
        %while3A_289 = arith.muli %while3A_288, %while3A_287 : i32
        %while3A_290 = arith.addi %while3A_284, %while3A_289 : i32
        %while3A_291 = arith.constant 1 : i32
        %while3A_292:2 = scf.for %while3A_295 = %while3A_284 to %while3A_290 step %while3A_291 iter_args(%while3A_296 = %while3A_257, %while3A_297 = %and3A_283) -> (i32, vector<16xi1>)  : i32 {
          %all_reduce_ffs3A = tpu.all_reduce %while3A_297 {dim = 0 : i64, kind = #tpu.reduction_kind<find_first_set>} : vector<16xi1> -> vector<16xi32>
          %slice3A_298 = vector.extract_strided_slice %all_reduce_ffs3A {offsets = [0], sizes = [1], strides = [1]} : vector<16xi32> to vector<1xi32>
          %squeeze3A_299 = vector.extract %slice3A_298[0] : i32 from vector<1xi32>
          %broadcast_in_dim3A = vector.broadcast %squeeze3A_299 : i32 to vector<16xi32>
          %broadcast_in_dim3A_300 = vector.shape_cast %broadcast_in_dim3A : vector<16xi32> to vector<16x1xi32>
          %gather3A = vector.shape_cast %broadcast_in_dim3A_300 : vector<16x1xi32> to vector<16xi32>
          %gather3A_301 = tpu.dynamic_gather %and3A_266[%gather3A] in [0] : vector<16xi32>, vector<16xi32> -> vector<16xi32>
          %slice3A_302 = vector.extract_strided_slice %gather3A_301 {offsets = [0], sizes = [1], strides = [1]} : vector<16xi32> to vector<1xi32>
          %squeeze3A_303 = vector.extract %slice3A_302[0] : i32 from vector<1xi32>
          %broadcast_in_dim3A_304 = vector.broadcast %squeeze3A_299 : i32 to vector<16xi32>
          %broadcast_in_dim3A_305 = vector.shape_cast %broadcast_in_dim3A_304 : vector<16xi32> to vector<16x1xi32>
          %gather3A_306 = vector.shape_cast %broadcast_in_dim3A_305 : vector<16x1xi32> to vector<16xi32>
          %gather3A_307 = tpu.dynamic_gather %get3A_260[%gather3A_306] in [0] : vector<16xi32>, vector<16xi32> -> vector<16xi32>
          %slice3A_308 = vector.extract_strided_slice %gather3A_307 {offsets = [0], sizes = [1], strides = [1]} : vector<16xi32> to vector<1xi32>
          %squeeze3A_309 = vector.extract %slice3A_308[0] : i32 from vector<1xi32>
          %and3A_310 = arith.constant 511 : i32
          %and3A_311 = arith.andi %squeeze3A_309, %and3A_310 : i32
          %broadcast_in_dim3A_312 = vector.broadcast %and3A_311 : i32 to vector<16xi32>
          %gather3A_313 = tpu.vector_load_idx %arg15[%iota3A, %broadcast_in_dim3A_312] : memref<32x512xf32, #tpu.memory_space<vmem>>[vector<16xi32>, vector<16xi32>], vector<16xf32>,
          %gather3A_314 = tpu.vector_load_idx %arg15[%add3A_3, %broadcast_in_dim3A_312] : memref<32x512xf32, #tpu.memory_space<vmem>>[vector<16xi32>, vector<16xi32>], vector<16xf32>,
          %gather3A_315 = tpu.vector_load_idx %arg18[%iota3A, %broadcast_in_dim3A_312] : memref<32x512xf32, #tpu.memory_space<vmem>>[vector<16xi32>, vector<16xi32>], vector<16xf32>,
          %gather3A_316 = tpu.vector_load_idx %arg18[%add3A_3, %broadcast_in_dim3A_312] : memref<32x512xf32, #tpu.memory_space<vmem>>[vector<16xi32>, vector<16xi32>], vector<16xf32>,
          %shift_right_logical3A_317 = arith.constant 30 : i32
          %shift_right_logical3A_318 = arith.shrui %squeeze3A_309, %shift_right_logical3A_317 : i32
          %and3A_319 = arith.constant 1 : i32
          %and3A_320 = arith.andi %shift_right_logical3A_318, %and3A_319 : i32
          %convert_element_type3A_321 = arith.sitofp %and3A_320 : i32 to f32
          %broadcast_in_dim3A_322 = vector.broadcast %convert_element_type3A_321 : f32 to vector<16xf32>
          %mul3A_323 = arith.mulf %gather3A_313, %broadcast_in_dim3A_322 : vector<16xf32>
          %sub3A_324 = arith.constant 1.000000e+00 : f32
          %sub3A_325 = vector.broadcast %sub3A_324 : f32 to vector<16xf32>
          %sub3A_326 = arith.subf %sub3A_325, %broadcast_in_dim3A_322 : vector<16xf32>
          %mul3A_327 = arith.mulf %gather3A_315, %sub3A_326 : vector<16xf32>
          %add3A_328 = arith.addf %mul3A_323, %mul3A_327 : vector<16xf32>
          %mul3A_329 = arith.mulf %gather3A_314, %broadcast_in_dim3A_322 : vector<16xf32>
          %sub3A_330 = arith.constant 1.000000e+00 : f32
          %sub3A_331 = vector.broadcast %sub3A_330 : f32 to vector<16xf32>
          %sub3A_332 = arith.subf %sub3A_331, %broadcast_in_dim3A_322 : vector<16xf32>
          %mul3A_333 = arith.mulf %gather3A_316, %sub3A_332 : vector<16xf32>
          %add3A_334 = arith.addf %mul3A_329, %mul3A_333 : vector<16xf32>
          %min3A_335 = arith.constant 767 : i32
          %min3A_336 = arith.minsi %while3A_296, %min3A_335 : i32
          %mul3A_337 = arith.constant 32 : i32
          %mul3A_338 = arith.muli %min3A_336, %mul3A_337 : i32
          %swap3A = arith.index_cast %mul3A_338 : i32 to index
          %swap3A_339 = tpu.vector_load %arg23[%swap3A] {strides = array<i32>} : memref<24576xf32, #tpu.memory_space<vmem>>, vector<16xf32>,
          tpu.vector_store %arg23[%swap3A], %add3A_328 {strides = array<i32>} : memref<24576xf32, #tpu.memory_space<vmem>>, vector<16xf32>,
          %add3A_340 = arith.constant 16 : i32
          %add3A_341 = arith.addi %mul3A_338, %add3A_340 : i32
          %swap3A_342 = arith.index_cast %add3A_341 : i32 to index
          %swap3A_343 = tpu.vector_load %arg23[%swap3A_342] {strides = array<i32>} : memref<24576xf32, #tpu.memory_space<vmem>>, vector<16xf32>,
          tpu.vector_store %arg23[%swap3A_342], %add3A_334 {strides = array<i32>} : memref<24576xf32, #tpu.memory_space<vmem>>, vector<16xf32>,
          %mul3A_344 = arith.constant 32 : i32
          %mul3A_345 = arith.muli %squeeze3A_303, %mul3A_344 : i32
          %dma_start3A = tpu.memref_slice %arg23[%mul3A_338] : memref<24576xf32, #tpu.memory_space<vmem>> -> memref<32xf32, #tpu.memory_space<vmem>>
          %dma_start3A_346 = tpu.memref_slice %arg10[%mul3A_345] : memref<524288xf32, #tpu.memory_space<hbm>> -> memref<32xf32, #tpu.memory_space<hbm>>
          %dma_start3A_347 = tpu.memref_slice %arg10[%mul3A_345] : memref<524288xf32, #tpu.memory_space<hbm>> -> memref<32xf32, #tpu.memory_space<hbm>>
          %dma_start3A_348 = tpu.memref_slice %arg23[%mul3A_338] : memref<24576xf32, #tpu.memory_space<vmem>> -> memref<32xf32, #tpu.memory_space<vmem>>
          tpu.enqueue_dma source(%dma_start3A_348 : memref<32xf32, #tpu.memory_space<vmem>>) target(%dma_start3A_347 : memref<32xf32, #tpu.memory_space<hbm>>) target_semaphore(%arg27 : memref<!tpu.dma_semaphore, #tpu.memory_space<semaphore_mem>>)
          %add3A_349 = arith.constant 1 : i32
          %add3A_350 = arith.addi %while3A_296, %add3A_349 : i32
          %ne3A = vector.broadcast %squeeze3A_299 : i32 to vector<16xi32>
          %ne3A_351 = arith.cmpi ne, %iota3A, %ne3A : vector<16xi32>
          %and3A_352 = arith.andi %while3A_297, %ne3A_351 : vector<16xi1>
          scf.yield %add3A_350, %and3A_352 : i32, vector<16xi1>
        }
        %while3A_293 = arith.constant 1 : i32
        %while3A_294:2 = scf.for %while3A_295 = %while3A_290 to %while3A_286 step %while3A_293 iter_args(%while3A_296 = %while3A_292#0, %while3A_297 = %while3A_292#1) -> (i32, vector<16xi1>)  : i32 {
          %all_reduce_ffs3A = tpu.all_reduce %while3A_297 {dim = 0 : i64, kind = #tpu.reduction_kind<find_first_set>} : vector<16xi1> -> vector<16xi32>
          %slice3A_298 = vector.extract_strided_slice %all_reduce_ffs3A {offsets = [0], sizes = [1], strides = [1]} : vector<16xi32> to vector<1xi32>
          %squeeze3A_299 = vector.extract %slice3A_298[0] : i32 from vector<1xi32>
          %broadcast_in_dim3A = vector.broadcast %squeeze3A_299 : i32 to vector<16xi32>
          %broadcast_in_dim3A_300 = vector.shape_cast %broadcast_in_dim3A : vector<16xi32> to vector<16x1xi32>
          %gather3A = vector.shape_cast %broadcast_in_dim3A_300 : vector<16x1xi32> to vector<16xi32>
          %gather3A_301 = tpu.dynamic_gather %and3A_266[%gather3A] in [0] : vector<16xi32>, vector<16xi32> -> vector<16xi32>
          %slice3A_302 = vector.extract_strided_slice %gather3A_301 {offsets = [0], sizes = [1], strides = [1]} : vector<16xi32> to vector<1xi32>
          %squeeze3A_303 = vector.extract %slice3A_302[0] : i32 from vector<1xi32>
          %broadcast_in_dim3A_304 = vector.broadcast %squeeze3A_299 : i32 to vector<16xi32>
          %broadcast_in_dim3A_305 = vector.shape_cast %broadcast_in_dim3A_304 : vector<16xi32> to vector<16x1xi32>
          %gather3A_306 = vector.shape_cast %broadcast_in_dim3A_305 : vector<16x1xi32> to vector<16xi32>
          %gather3A_307 = tpu.dynamic_gather %get3A_260[%gather3A_306] in [0] : vector<16xi32>, vector<16xi32> -> vector<16xi32>
          %slice3A_308 = vector.extract_strided_slice %gather3A_307 {offsets = [0], sizes = [1], strides = [1]} : vector<16xi32> to vector<1xi32>
          %squeeze3A_309 = vector.extract %slice3A_308[0] : i32 from vector<1xi32>
          %and3A_310 = arith.constant 511 : i32
          %and3A_311 = arith.andi %squeeze3A_309, %and3A_310 : i32
          %broadcast_in_dim3A_312 = vector.broadcast %and3A_311 : i32 to vector<16xi32>
          %gather3A_313 = tpu.vector_load_idx %arg15[%iota3A, %broadcast_in_dim3A_312] : memref<32x512xf32, #tpu.memory_space<vmem>>[vector<16xi32>, vector<16xi32>], vector<16xf32>,
          %gather3A_314 = tpu.vector_load_idx %arg15[%add3A_3, %broadcast_in_dim3A_312] : memref<32x512xf32, #tpu.memory_space<vmem>>[vector<16xi32>, vector<16xi32>], vector<16xf32>,
          %gather3A_315 = tpu.vector_load_idx %arg18[%iota3A, %broadcast_in_dim3A_312] : memref<32x512xf32, #tpu.memory_space<vmem>>[vector<16xi32>, vector<16xi32>], vector<16xf32>,
          %gather3A_316 = tpu.vector_load_idx %arg18[%add3A_3, %broadcast_in_dim3A_312] : memref<32x512xf32, #tpu.memory_space<vmem>>[vector<16xi32>, vector<16xi32>], vector<16xf32>,
          %shift_right_logical3A_317 = arith.constant 30 : i32
          %shift_right_logical3A_318 = arith.shrui %squeeze3A_309, %shift_right_logical3A_317 : i32
          %and3A_319 = arith.constant 1 : i32
          %and3A_320 = arith.andi %shift_right_logical3A_318, %and3A_319 : i32
          %convert_element_type3A_321 = arith.sitofp %and3A_320 : i32 to f32
          %broadcast_in_dim3A_322 = vector.broadcast %convert_element_type3A_321 : f32 to vector<16xf32>
          %mul3A_323 = arith.mulf %gather3A_313, %broadcast_in_dim3A_322 : vector<16xf32>
          %sub3A_324 = arith.constant 1.000000e+00 : f32
          %sub3A_325 = vector.broadcast %sub3A_324 : f32 to vector<16xf32>
          %sub3A_326 = arith.subf %sub3A_325, %broadcast_in_dim3A_322 : vector<16xf32>
          %mul3A_327 = arith.mulf %gather3A_315, %sub3A_326 : vector<16xf32>
          %add3A_328 = arith.addf %mul3A_323, %mul3A_327 : vector<16xf32>
          %mul3A_329 = arith.mulf %gather3A_314, %broadcast_in_dim3A_322 : vector<16xf32>
          %sub3A_330 = arith.constant 1.000000e+00 : f32
          %sub3A_331 = vector.broadcast %sub3A_330 : f32 to vector<16xf32>
          %sub3A_332 = arith.subf %sub3A_331, %broadcast_in_dim3A_322 : vector<16xf32>
          %mul3A_333 = arith.mulf %gather3A_316, %sub3A_332 : vector<16xf32>
          %add3A_334 = arith.addf %mul3A_329, %mul3A_333 : vector<16xf32>
          %min3A_335 = arith.constant 767 : i32
          %min3A_336 = arith.minsi %while3A_296, %min3A_335 : i32
          %mul3A_337 = arith.constant 32 : i32
          %mul3A_338 = arith.muli %min3A_336, %mul3A_337 : i32
          %swap3A = arith.index_cast %mul3A_338 : i32 to index
          %swap3A_339 = tpu.vector_load %arg23[%swap3A] {strides = array<i32>} : memref<24576xf32, #tpu.memory_space<vmem>>, vector<16xf32>,
          tpu.vector_store %arg23[%swap3A], %add3A_328 {strides = array<i32>} : memref<24576xf32, #tpu.memory_space<vmem>>, vector<16xf32>,
          %add3A_340 = arith.constant 16 : i32
          %add3A_341 = arith.addi %mul3A_338, %add3A_340 : i32
          %swap3A_342 = arith.index_cast %add3A_341 : i32 to index
          %swap3A_343 = tpu.vector_load %arg23[%swap3A_342] {strides = array<i32>} : memref<24576xf32, #tpu.memory_space<vmem>>, vector<16xf32>,
          tpu.vector_store %arg23[%swap3A_342], %add3A_334 {strides = array<i32>} : memref<24576xf32, #tpu.memory_space<vmem>>, vector<16xf32>,
          %mul3A_344 = arith.constant 32 : i32
          %mul3A_345 = arith.muli %squeeze3A_303, %mul3A_344 : i32
          %dma_start3A = tpu.memref_slice %arg23[%mul3A_338] : memref<24576xf32, #tpu.memory_space<vmem>> -> memref<32xf32, #tpu.memory_space<vmem>>
          %dma_start3A_346 = tpu.memref_slice %arg10[%mul3A_345] : memref<524288xf32, #tpu.memory_space<hbm>> -> memref<32xf32, #tpu.memory_space<hbm>>
          %dma_start3A_347 = tpu.memref_slice %arg10[%mul3A_345] : memref<524288xf32, #tpu.memory_space<hbm>> -> memref<32xf32, #tpu.memory_space<hbm>>
          %dma_start3A_348 = tpu.memref_slice %arg23[%mul3A_338] : memref<24576xf32, #tpu.memory_space<vmem>> -> memref<32xf32, #tpu.memory_space<vmem>>
          tpu.enqueue_dma source(%dma_start3A_348 : memref<32xf32, #tpu.memory_space<vmem>>) target(%dma_start3A_347 : memref<32xf32, #tpu.memory_space<hbm>>) target_semaphore(%arg27 : memref<!tpu.dma_semaphore, #tpu.memory_space<semaphore_mem>>)
          %add3A_349 = arith.constant 1 : i32
          %add3A_350 = arith.addi %while3A_296, %add3A_349 : i32
          %ne3A = vector.broadcast %squeeze3A_299 : i32 to vector<16xi32>
          %ne3A_351 = arith.cmpi ne, %iota3A, %ne3A : vector<16xi32>
          %and3A_352 = arith.andi %while3A_297, %ne3A_351 : vector<16xi1>
          scf.yield %add3A_350, %and3A_352 : i32, vector<16xi1>
        }
        scf.yield %while3A_294#0 : i32
      }
      scf.yield %while3A_255 : i32
    }
    %scan3A_35 = arith.constant 21 : i32
    %eq3A = arith.constant 1 : i32
    %eq3A_36 = arith.cmpi eq, %add3A, %eq3A : i32
    %convert_element_type3A_37 = arith.extui %eq3A_36 : i1 to i32
    %cond3A_38 = arith.constant 0 : i32
    %cond3A_39 = arith.cmpi ne, %convert_element_type3A_37, %cond3A_38 : i32
    scf.if %cond3A_39 {
      %dma_start3A = arith.constant 0 : i32
      %dma_start3A_119 = arith.constant 0 : i32
      %dma_start3A_120 = tpu.memref_slice %arg13[%dma_start3A, %dma_start3A_119] : memref<32x512xf32, #tpu.memory_space<vmem>> -> memref<32x128xf32, #tpu.memory_space<vmem>>
      %dma_start3A_121 = arith.constant 0 : i32
      %dma_start3A_122 = arith.constant 0 : i32
      %dma_start3A_123 = tpu.memref_slice %arg13[%dma_start3A_121, %dma_start3A_122] : memref<32x512xf32, #tpu.memory_space<vmem>> -> memref<32x128xf32, #tpu.memory_space<vmem>>
      tpu.enqueue_dma source(%arg7 : memref<32x128xf32, #tpu.memory_space<hbm>>) target(%dma_start3A_123 : memref<32x128xf32, #tpu.memory_space<vmem>>) target_semaphore(%arg24 : memref<!tpu.dma_semaphore, #tpu.memory_space<semaphore_mem>>)
      %dma_start3A_124 = arith.constant 0 : i32
      %dma_start3A_125 = arith.constant 0 : i32
      %dma_start3A_126 = tpu.memref_slice %arg16[%dma_start3A_124, %dma_start3A_125] : memref<32x512xf32, #tpu.memory_space<vmem>> -> memref<32x128xf32, #tpu.memory_space<vmem>>
      %dma_start3A_127 = arith.constant 0 : i32
      %dma_start3A_128 = arith.constant 0 : i32
      %dma_start3A_129 = tpu.memref_slice %arg16[%dma_start3A_127, %dma_start3A_128] : memref<32x512xf32, #tpu.memory_space<vmem>> -> memref<32x128xf32, #tpu.memory_space<vmem>>
      tpu.enqueue_dma source(%arg8 : memref<32x128xf32, #tpu.memory_space<hbm>>) target(%dma_start3A_129 : memref<32x128xf32, #tpu.memory_space<vmem>>) target_semaphore(%arg24 : memref<!tpu.dma_semaphore, #tpu.memory_space<semaphore_mem>>)
      %dma_wait3A = arith.constant 0 : i32
      %dma_wait3A_130 = arith.constant 0 : i32
      %dma_wait3A_131 = tpu.memref_slice %arg13[%dma_wait3A, %dma_wait3A_130] : memref<32x512xf32, #tpu.memory_space<vmem>> -> memref<32x128xf32, #tpu.memory_space<vmem>>
      %dma_wait3A_132 = arith.constant 0 : i32
      %dma_wait3A_133 = arith.constant 0 : i32
      %dma_wait3A_134 = tpu.memref_slice %arg13[%dma_wait3A_132, %dma_wait3A_133] : memref<32x512xf32, #tpu.memory_space<vmem>> -> memref<32x128xf32, #tpu.memory_space<vmem>>
      tpu.wait_dma2 semaphore(%arg24 : memref<!tpu.dma_semaphore, #tpu.memory_space<semaphore_mem>>) src(%arg7 : memref<32x128xf32, #tpu.memory_space<hbm>>) dst(%dma_wait3A_134 : memref<32x128xf32, #tpu.memory_space<vmem>>)
      %dma_wait3A_135 = arith.constant 0 : i32
      %dma_wait3A_136 = arith.constant 0 : i32
      %dma_wait3A_137 = tpu.memref_slice %arg16[%dma_wait3A_135, %dma_wait3A_136] : memref<32x512xf32, #tpu.memory_space<vmem>> -> memref<32x128xf32, #tpu.memory_space<vmem>>
      %dma_wait3A_138 = arith.constant 0 : i32
      %dma_wait3A_139 = arith.constant 0 : i32
      %dma_wait3A_140 = tpu.memref_slice %arg16[%dma_wait3A_138, %dma_wait3A_139] : memref<32x512xf32, #tpu.memory_space<vmem>> -> memref<32x128xf32, #tpu.memory_space<vmem>>
      tpu.wait_dma2 semaphore(%arg24 : memref<!tpu.dma_semaphore, #tpu.memory_space<semaphore_mem>>) src(%arg8 : memref<32x128xf32, #tpu.memory_space<hbm>>) dst(%dma_wait3A_140 : memref<32x128xf32, #tpu.memory_space<vmem>>)
    } else {
    }
    %eq3A_40 = arith.constant 1 : i32
    %eq3A_41 = arith.cmpi eq, %add3A, %eq3A_40 : i32
    %add3A_42 = arith.constant 16 : i32
    %add3A_43 = arith.addi %min3A_19, %add3A_42 : i32
    %sub3A = arith.constant 1 : i32
    %sub3A_44 = arith.subi %add3A_43, %sub3A : i32
    %shift_right_logical3A = arith.constant 4 : i32
    %shift_right_logical3A_45 = arith.shrui %sub3A_44, %shift_right_logical3A : i32
    %while3A = arith.constant 0 : i32
    %while3A_46 = arith.subi %shift_right_logical3A_45, %while3A : i32
    %while3A_47 = arith.addi %while3A, %while3A_46 : i32
    %while3A_48 = arith.constant 1 : i32
    %while3A_49 = arith.divsi %while3A_46, %while3A_48 : i32
    %while3A_50 = arith.muli %while3A_49, %while3A_48 : i32
    %while3A_51 = arith.addi %while3A, %while3A_50 : i32
    %while3A_52 = arith.constant 1 : i32
    %while3A_53 = scf.for %while3A_119 = %while3A to %while3A_51 step %while3A_52 iter_args(%while3A_120 = %scan3A_34) -> (i32)  : i32 {
      %mul3A_121 = arith.constant 16 : i32
      %mul3A_122 = arith.muli %while3A_119, %mul3A_121 : i32
      %get3A = arith.index_cast %mul3A_122 : i32 to index
      %get3A_123 = tpu.vector_load %arg19[%get3A] {strides = array<i32>} : memref<768xi32, #tpu.memory_space<vmem>>, vector<16xi32>,
      %mul3A_124 = arith.constant 16 : i32
      %mul3A_125 = arith.muli %while3A_119, %mul3A_124 : i32
      %get3A_126 = arith.index_cast %mul3A_125 : i32 to index
      %get3A_127 = tpu.vector_load %arg20[%get3A_126] {strides = array<i32>} : memref<768xi32, #tpu.memory_space<vmem>>, vector<16xi32>,
      %and3A = arith.constant 16383 : i32
      %and3A_128 = vector.broadcast %and3A : i32 to vector<16xi32>
      %and3A_129 = arith.andi %get3A_127, %and3A_128 : vector<16xi32>
      %shift_right_logical3A_130 = arith.constant 9 : i32
      %shift_right_logical3A_131 = vector.broadcast %shift_right_logical3A_130 : i32 to vector<16xi32>
      %shift_right_logical3A_132 = arith.shrui %get3A_123, %shift_right_logical3A_131 : vector<16xi32>
      %and3A_133 = arith.constant 2047 : i32
      %and3A_134 = vector.broadcast %and3A_133 : i32 to vector<16xi32>
      %and3A_135 = arith.andi %shift_right_logical3A_132, %and3A_134 : vector<16xi32>
      %mul3A_136 = arith.constant 16 : i32
      %mul3A_137 = arith.muli %while3A_119, %mul3A_136 : i32
      %add3A_138 = vector.broadcast %mul3A_137 : i32 to vector<16xi32>
      %add3A_139 = arith.addi %add3A_138, %iota3A : vector<16xi32>
      %lt3A_140 = vector.broadcast %min3A_19 : i32 to vector<16xi32>
      %lt3A_141 = arith.cmpi slt, %add3A_139, %lt3A_140 : vector<16xi32>
      %eq3A_142 = arith.constant 1953 : i32
      %eq3A_143 = vector.broadcast %eq3A_142 : i32 to vector<16xi32>
      %eq3A_144 = arith.cmpi eq, %and3A_135, %eq3A_143 : vector<16xi32>
      %and3A_145 = arith.andi %eq3A_144, %lt3A_141 : vector<16xi1>
      %and3A_146 = vector.broadcast %eq3A_41 : i1 to vector<16xi1>
      %and3A_147 = arith.andi %and3A_145, %and3A_146 : vector<16xi1>
      %all_reduce_population_count3A = tpu.all_reduce %and3A_147 {dim = 0 : i64, kind = #tpu.reduction_kind<sum>} : vector<16xi1> -> vector<16xi32>
      %slice3A = vector.extract_strided_slice %all_reduce_population_count3A {offsets = [0], sizes = [1], strides = [1]} : vector<16xi32> to vector<1xi32>
      %squeeze3A = vector.extract %slice3A[0] : i32 from vector<1xi32>
      %while3A_148 = arith.constant 0 : i32
      %while3A_149 = arith.subi %squeeze3A, %while3A_148 : i32
      %while3A_150 = arith.addi %while3A_148, %while3A_149 : i32
      %while3A_151 = arith.constant 1 : i32
      %while3A_152 = arith.divsi %while3A_149, %while3A_151 : i32
      %while3A_153 = arith.muli %while3A_152, %while3A_151 : i32
      %while3A_154 = arith.addi %while3A_148, %while3A_153 : i32
      %while3A_155 = arith.constant 1 : i32
      %while3A_156:2 = scf.for %while3A_159 = %while3A_148 to %while3A_154 step %while3A_155 iter_args(%while3A_160 = %while3A_120, %while3A_161 = %and3A_147) -> (i32, vector<16xi1>)  : i32 {
        %all_reduce_ffs3A = tpu.all_reduce %while3A_161 {dim = 0 : i64, kind = #tpu.reduction_kind<find_first_set>} : vector<16xi1> -> vector<16xi32>
        %slice3A_162 = vector.extract_strided_slice %all_reduce_ffs3A {offsets = [0], sizes = [1], strides = [1]} : vector<16xi32> to vector<1xi32>
        %squeeze3A_163 = vector.extract %slice3A_162[0] : i32 from vector<1xi32>
        %broadcast_in_dim3A = vector.broadcast %squeeze3A_163 : i32 to vector<16xi32>
        %broadcast_in_dim3A_164 = vector.shape_cast %broadcast_in_dim3A : vector<16xi32> to vector<16x1xi32>
        %gather3A = vector.shape_cast %broadcast_in_dim3A_164 : vector<16x1xi32> to vector<16xi32>
        %gather3A_165 = tpu.dynamic_gather %and3A_129[%gather3A] in [0] : vector<16xi32>, vector<16xi32> -> vector<16xi32>
        %slice3A_166 = vector.extract_strided_slice %gather3A_165 {offsets = [0], sizes = [1], strides = [1]} : vector<16xi32> to vector<1xi32>
        %squeeze3A_167 = vector.extract %slice3A_166[0] : i32 from vector<1xi32>
        %broadcast_in_dim3A_168 = vector.broadcast %squeeze3A_163 : i32 to vector<16xi32>
        %broadcast_in_dim3A_169 = vector.shape_cast %broadcast_in_dim3A_168 : vector<16xi32> to vector<16x1xi32>
        %gather3A_170 = vector.shape_cast %broadcast_in_dim3A_169 : vector<16x1xi32> to vector<16xi32>
        %gather3A_171 = tpu.dynamic_gather %get3A_123[%gather3A_170] in [0] : vector<16xi32>, vector<16xi32> -> vector<16xi32>
        %slice3A_172 = vector.extract_strided_slice %gather3A_171 {offsets = [0], sizes = [1], strides = [1]} : vector<16xi32> to vector<1xi32>
        %squeeze3A_173 = vector.extract %slice3A_172[0] : i32 from vector<1xi32>
        %and3A_174 = arith.constant 511 : i32
        %and3A_175 = arith.andi %squeeze3A_173, %and3A_174 : i32
        %broadcast_in_dim3A_176 = vector.broadcast %and3A_175 : i32 to vector<16xi32>
        %gather3A_177 = tpu.vector_load_idx %arg13[%iota3A, %broadcast_in_dim3A_176] : memref<32x512xf32, #tpu.memory_space<vmem>>[vector<16xi32>, vector<16xi32>], vector<16xf32>,
        %gather3A_178 = tpu.vector_load_idx %arg13[%add3A_3, %broadcast_in_dim3A_176] : memref<32x512xf32, #tpu.memory_space<vmem>>[vector<16xi32>, vector<16xi32>], vector<16xf32>,
        %gather3A_179 = tpu.vector_load_idx %arg16[%iota3A, %broadcast_in_dim3A_176] : memref<32x512xf32, #tpu.memory_space<vmem>>[vector<16xi32>, vector<16xi32>], vector<16xf32>,
        %gather3A_180 = tpu.vector_load_idx %arg16[%add3A_3, %broadcast_in_dim3A_176] : memref<32x512xf32, #tpu.memory_space<vmem>>[vector<16xi32>, vector<16xi32>], vector<16xf32>,
        %shift_right_logical3A_181 = arith.constant 30 : i32
        %shift_right_logical3A_182 = arith.shrui %squeeze3A_173, %shift_right_logical3A_181 : i32
        %and3A_183 = arith.constant 1 : i32
        %and3A_184 = arith.andi %shift_right_logical3A_182, %and3A_183 : i32
        %convert_element_type3A_185 = arith.sitofp %and3A_184 : i32 to f32
        %broadcast_in_dim3A_186 = vector.broadcast %convert_element_type3A_185 : f32 to vector<16xf32>
        %mul3A_187 = arith.mulf %gather3A_177, %broadcast_in_dim3A_186 : vector<16xf32>
        %sub3A_188 = arith.constant 1.000000e+00 : f32
        %sub3A_189 = vector.broadcast %sub3A_188 : f32 to vector<16xf32>
        %sub3A_190 = arith.subf %sub3A_189, %broadcast_in_dim3A_186 : vector<16xf32>
        %mul3A_191 = arith.mulf %gather3A_179, %sub3A_190 : vector<16xf32>
        %add3A_192 = arith.addf %mul3A_187, %mul3A_191 : vector<16xf32>
        %mul3A_193 = arith.mulf %gather3A_178, %broadcast_in_dim3A_186 : vector<16xf32>
        %sub3A_194 = arith.constant 1.000000e+00 : f32
        %sub3A_195 = vector.broadcast %sub3A_194 : f32 to vector<16xf32>
        %sub3A_196 = arith.subf %sub3A_195, %broadcast_in_dim3A_186 : vector<16xf32>
        %mul3A_197 = arith.mulf %gather3A_180, %sub3A_196 : vector<16xf32>
        %add3A_198 = arith.addf %mul3A_193, %mul3A_197 : vector<16xf32>
        %min3A_199 = arith.constant 767 : i32
        %min3A_200 = arith.minsi %while3A_160, %min3A_199 : i32
        %mul3A_201 = arith.constant 32 : i32
        %mul3A_202 = arith.muli %min3A_200, %mul3A_201 : i32
        %swap3A = arith.index_cast %mul3A_202 : i32 to index
        %swap3A_203 = tpu.vector_load %arg23[%swap3A] {strides = array<i32>} : memref<24576xf32, #tpu.memory_space<vmem>>, vector<16xf32>,
        tpu.vector_store %arg23[%swap3A], %add3A_192 {strides = array<i32>} : memref<24576xf32, #tpu.memory_space<vmem>>, vector<16xf32>,
        %add3A_204 = arith.constant 16 : i32
        %add3A_205 = arith.addi %mul3A_202, %add3A_204 : i32
        %swap3A_206 = arith.index_cast %add3A_205 : i32 to index
        %swap3A_207 = tpu.vector_load %arg23[%swap3A_206] {strides = array<i32>} : memref<24576xf32, #tpu.memory_space<vmem>>, vector<16xf32>,
        tpu.vector_store %arg23[%swap3A_206], %add3A_198 {strides = array<i32>} : memref<24576xf32, #tpu.memory_space<vmem>>, vector<16xf32>,
        %mul3A_208 = arith.constant 32 : i32
        %mul3A_209 = arith.muli %squeeze3A_167, %mul3A_208 : i32
        %dma_start3A = tpu.memref_slice %arg23[%mul3A_202] : memref<24576xf32, #tpu.memory_space<vmem>> -> memref<32xf32, #tpu.memory_space<vmem>>
        %dma_start3A_210 = tpu.memref_slice %arg10[%mul3A_209] : memref<524288xf32, #tpu.memory_space<hbm>> -> memref<32xf32, #tpu.memory_space<hbm>>
        %dma_start3A_211 = tpu.memref_slice %arg10[%mul3A_209] : memref<524288xf32, #tpu.memory_space<hbm>> -> memref<32xf32, #tpu.memory_space<hbm>>
        %dma_start3A_212 = tpu.memref_slice %arg23[%mul3A_202] : memref<24576xf32, #tpu.memory_space<vmem>> -> memref<32xf32, #tpu.memory_space<vmem>>
        tpu.enqueue_dma source(%dma_start3A_212 : memref<32xf32, #tpu.memory_space<vmem>>) target(%dma_start3A_211 : memref<32xf32, #tpu.memory_space<hbm>>) target_semaphore(%arg27 : memref<!tpu.dma_semaphore, #tpu.memory_space<semaphore_mem>>)
        %add3A_213 = arith.constant 1 : i32
        %add3A_214 = arith.addi %while3A_160, %add3A_213 : i32
        %ne3A = vector.broadcast %squeeze3A_163 : i32 to vector<16xi32>
        %ne3A_215 = arith.cmpi ne, %iota3A, %ne3A : vector<16xi32>
        %and3A_216 = arith.andi %while3A_161, %ne3A_215 : vector<16xi1>
        scf.yield %add3A_214, %and3A_216 : i32, vector<16xi1>
      }
      %while3A_157 = arith.constant 1 : i32
      %while3A_158:2 = scf.for %while3A_159 = %while3A_154 to %while3A_150 step %while3A_157 iter_args(%while3A_160 = %while3A_156#0, %while3A_161 = %while3A_156#1) -> (i32, vector<16xi1>)  : i32 {
        %all_reduce_ffs3A = tpu.all_reduce %while3A_161 {dim = 0 : i64, kind = #tpu.reduction_kind<find_first_set>} : vector<16xi1> -> vector<16xi32>
        %slice3A_162 = vector.extract_strided_slice %all_reduce_ffs3A {offsets = [0], sizes = [1], strides = [1]} : vector<16xi32> to vector<1xi32>
        %squeeze3A_163 = vector.extract %slice3A_162[0] : i32 from vector<1xi32>
        %broadcast_in_dim3A = vector.broadcast %squeeze3A_163 : i32 to vector<16xi32>
        %broadcast_in_dim3A_164 = vector.shape_cast %broadcast_in_dim3A : vector<16xi32> to vector<16x1xi32>
        %gather3A = vector.shape_cast %broadcast_in_dim3A_164 : vector<16x1xi32> to vector<16xi32>
        %gather3A_165 = tpu.dynamic_gather %and3A_129[%gather3A] in [0] : vector<16xi32>, vector<16xi32> -> vector<16xi32>
        %slice3A_166 = vector.extract_strided_slice %gather3A_165 {offsets = [0], sizes = [1], strides = [1]} : vector<16xi32> to vector<1xi32>
        %squeeze3A_167 = vector.extract %slice3A_166[0] : i32 from vector<1xi32>
        %broadcast_in_dim3A_168 = vector.broadcast %squeeze3A_163 : i32 to vector<16xi32>
        %broadcast_in_dim3A_169 = vector.shape_cast %broadcast_in_dim3A_168 : vector<16xi32> to vector<16x1xi32>
        %gather3A_170 = vector.shape_cast %broadcast_in_dim3A_169 : vector<16x1xi32> to vector<16xi32>
        %gather3A_171 = tpu.dynamic_gather %get3A_123[%gather3A_170] in [0] : vector<16xi32>, vector<16xi32> -> vector<16xi32>
        %slice3A_172 = vector.extract_strided_slice %gather3A_171 {offsets = [0], sizes = [1], strides = [1]} : vector<16xi32> to vector<1xi32>
        %squeeze3A_173 = vector.extract %slice3A_172[0] : i32 from vector<1xi32>
        %and3A_174 = arith.constant 511 : i32
        %and3A_175 = arith.andi %squeeze3A_173, %and3A_174 : i32
        %broadcast_in_dim3A_176 = vector.broadcast %and3A_175 : i32 to vector<16xi32>
        %gather3A_177 = tpu.vector_load_idx %arg13[%iota3A, %broadcast_in_dim3A_176] : memref<32x512xf32, #tpu.memory_space<vmem>>[vector<16xi32>, vector<16xi32>], vector<16xf32>,
        %gather3A_178 = tpu.vector_load_idx %arg13[%add3A_3, %broadcast_in_dim3A_176] : memref<32x512xf32, #tpu.memory_space<vmem>>[vector<16xi32>, vector<16xi32>], vector<16xf32>,
        %gather3A_179 = tpu.vector_load_idx %arg16[%iota3A, %broadcast_in_dim3A_176] : memref<32x512xf32, #tpu.memory_space<vmem>>[vector<16xi32>, vector<16xi32>], vector<16xf32>,
        %gather3A_180 = tpu.vector_load_idx %arg16[%add3A_3, %broadcast_in_dim3A_176] : memref<32x512xf32, #tpu.memory_space<vmem>>[vector<16xi32>, vector<16xi32>], vector<16xf32>,
        %shift_right_logical3A_181 = arith.constant 30 : i32
        %shift_right_logical3A_182 = arith.shrui %squeeze3A_173, %shift_right_logical3A_181 : i32
        %and3A_183 = arith.constant 1 : i32
        %and3A_184 = arith.andi %shift_right_logical3A_182, %and3A_183 : i32
        %convert_element_type3A_185 = arith.sitofp %and3A_184 : i32 to f32
        %broadcast_in_dim3A_186 = vector.broadcast %convert_element_type3A_185 : f32 to vector<16xf32>
        %mul3A_187 = arith.mulf %gather3A_177, %broadcast_in_dim3A_186 : vector<16xf32>
        %sub3A_188 = arith.constant 1.000000e+00 : f32
        %sub3A_189 = vector.broadcast %sub3A_188 : f32 to vector<16xf32>
        %sub3A_190 = arith.subf %sub3A_189, %broadcast_in_dim3A_186 : vector<16xf32>
        %mul3A_191 = arith.mulf %gather3A_179, %sub3A_190 : vector<16xf32>
        %add3A_192 = arith.addf %mul3A_187, %mul3A_191 : vector<16xf32>
        %mul3A_193 = arith.mulf %gather3A_178, %broadcast_in_dim3A_186 : vector<16xf32>
        %sub3A_194 = arith.constant 1.000000e+00 : f32
        %sub3A_195 = vector.broadcast %sub3A_194 : f32 to vector<16xf32>
        %sub3A_196 = arith.subf %sub3A_195, %broadcast_in_dim3A_186 : vector<16xf32>
        %mul3A_197 = arith.mulf %gather3A_180, %sub3A_196 : vector<16xf32>
        %add3A_198 = arith.addf %mul3A_193, %mul3A_197 : vector<16xf32>
        %min3A_199 = arith.constant 767 : i32
        %min3A_200 = arith.minsi %while3A_160, %min3A_199 : i32
        %mul3A_201 = arith.constant 32 : i32
        %mul3A_202 = arith.muli %min3A_200, %mul3A_201 : i32
        %swap3A = arith.index_cast %mul3A_202 : i32 to index
        %swap3A_203 = tpu.vector_load %arg23[%swap3A] {strides = array<i32>} : memref<24576xf32, #tpu.memory_space<vmem>>, vector<16xf32>,
        tpu.vector_store %arg23[%swap3A], %add3A_192 {strides = array<i32>} : memref<24576xf32, #tpu.memory_space<vmem>>, vector<16xf32>,
        %add3A_204 = arith.constant 16 : i32
        %add3A_205 = arith.addi %mul3A_202, %add3A_204 : i32
        %swap3A_206 = arith.index_cast %add3A_205 : i32 to index
        %swap3A_207 = tpu.vector_load %arg23[%swap3A_206] {strides = array<i32>} : memref<24576xf32, #tpu.memory_space<vmem>>, vector<16xf32>,
        tpu.vector_store %arg23[%swap3A_206], %add3A_198 {strides = array<i32>} : memref<24576xf32, #tpu.memory_space<vmem>>, vector<16xf32>,
        %mul3A_208 = arith.constant 32 : i32
        %mul3A_209 = arith.muli %squeeze3A_167, %mul3A_208 : i32
        %dma_start3A = tpu.memref_slice %arg23[%mul3A_202] : memref<24576xf32, #tpu.memory_space<vmem>> -> memref<32xf32, #tpu.memory_space<vmem>>
        %dma_start3A_210 = tpu.memref_slice %arg10[%mul3A_209] : memref<524288xf32, #tpu.memory_space<hbm>> -> memref<32xf32, #tpu.memory_space<hbm>>
        %dma_start3A_211 = tpu.memref_slice %arg10[%mul3A_209] : memref<524288xf32, #tpu.memory_space<hbm>> -> memref<32xf32, #tpu.memory_space<hbm>>
        %dma_start3A_212 = tpu.memref_slice %arg23[%mul3A_202] : memref<24576xf32, #tpu.memory_space<vmem>> -> memref<32xf32, #tpu.memory_space<vmem>>
        tpu.enqueue_dma source(%dma_start3A_212 : memref<32xf32, #tpu.memory_space<vmem>>) target(%dma_start3A_211 : memref<32xf32, #tpu.memory_space<hbm>>) target_semaphore(%arg27 : memref<!tpu.dma_semaphore, #tpu.memory_space<semaphore_mem>>)
        %add3A_213 = arith.constant 1 : i32
        %add3A_214 = arith.addi %while3A_160, %add3A_213 : i32
        %ne3A = vector.broadcast %squeeze3A_163 : i32 to vector<16xi32>
        %ne3A_215 = arith.cmpi ne, %iota3A, %ne3A : vector<16xi32>
        %and3A_216 = arith.andi %while3A_161, %ne3A_215 : vector<16xi1>
        scf.yield %add3A_214, %and3A_216 : i32, vector<16xi1>
      }
      scf.yield %while3A_158#0 : i32
    }
    %while3A_54 = arith.constant 1 : i32
    %while3A_55 = scf.for %while3A_119 = %while3A_51 to %while3A_47 step %while3A_54 iter_args(%while3A_120 = %while3A_53) -> (i32)  : i32 {
      %mul3A_121 = arith.constant 16 : i32
      %mul3A_122 = arith.muli %while3A_119, %mul3A_121 : i32
      %get3A = arith.index_cast %mul3A_122 : i32 to index
      %get3A_123 = tpu.vector_load %arg19[%get3A] {strides = array<i32>} : memref<768xi32, #tpu.memory_space<vmem>>, vector<16xi32>,
      %mul3A_124 = arith.constant 16 : i32
      %mul3A_125 = arith.muli %while3A_119, %mul3A_124 : i32
      %get3A_126 = arith.index_cast %mul3A_125 : i32 to index
      %get3A_127 = tpu.vector_load %arg20[%get3A_126] {strides = array<i32>} : memref<768xi32, #tpu.memory_space<vmem>>, vector<16xi32>,
      %and3A = arith.constant 16383 : i32
      %and3A_128 = vector.broadcast %and3A : i32 to vector<16xi32>
      %and3A_129 = arith.andi %get3A_127, %and3A_128 : vector<16xi32>
      %shift_right_logical3A_130 = arith.constant 9 : i32
      %shift_right_logical3A_131 = vector.broadcast %shift_right_logical3A_130 : i32 to vector<16xi32>
      %shift_right_logical3A_132 = arith.shrui %get3A_123, %shift_right_logical3A_131 : vector<16xi32>
      %and3A_133 = arith.constant 2047 : i32
      %and3A_134 = vector.broadcast %and3A_133 : i32 to vector<16xi32>
      %and3A_135 = arith.andi %shift_right_logical3A_132, %and3A_134 : vector<16xi32>
      %mul3A_136 = arith.constant 16 : i32
      %mul3A_137 = arith.muli %while3A_119, %mul3A_136 : i32
      %add3A_138 = vector.broadcast %mul3A_137 : i32 to vector<16xi32>
      %add3A_139 = arith.addi %add3A_138, %iota3A : vector<16xi32>
      %lt3A_140 = vector.broadcast %min3A_19 : i32 to vector<16xi32>
      %lt3A_141 = arith.cmpi slt, %add3A_139, %lt3A_140 : vector<16xi32>
      %eq3A_142 = arith.constant 1953 : i32
      %eq3A_143 = vector.broadcast %eq3A_142 : i32 to vector<16xi32>
      %eq3A_144 = arith.cmpi eq, %and3A_135, %eq3A_143 : vector<16xi32>
      %and3A_145 = arith.andi %eq3A_144, %lt3A_141 : vector<16xi1>
      %and3A_146 = vector.broadcast %eq3A_41 : i1 to vector<16xi1>
      %and3A_147 = arith.andi %and3A_145, %and3A_146 : vector<16xi1>
      %all_reduce_population_count3A = tpu.all_reduce %and3A_147 {dim = 0 : i64, kind = #tpu.reduction_kind<sum>} : vector<16xi1> -> vector<16xi32>
      %slice3A = vector.extract_strided_slice %all_reduce_population_count3A {offsets = [0], sizes = [1], strides = [1]} : vector<16xi32> to vector<1xi32>
      %squeeze3A = vector.extract %slice3A[0] : i32 from vector<1xi32>
      %while3A_148 = arith.constant 0 : i32
      %while3A_149 = arith.subi %squeeze3A, %while3A_148 : i32
      %while3A_150 = arith.addi %while3A_148, %while3A_149 : i32
      %while3A_151 = arith.constant 1 : i32
      %while3A_152 = arith.divsi %while3A_149, %while3A_151 : i32
      %while3A_153 = arith.muli %while3A_152, %while3A_151 : i32
      %while3A_154 = arith.addi %while3A_148, %while3A_153 : i32
      %while3A_155 = arith.constant 1 : i32
      %while3A_156:2 = scf.for %while3A_159 = %while3A_148 to %while3A_154 step %while3A_155 iter_args(%while3A_160 = %while3A_120, %while3A_161 = %and3A_147) -> (i32, vector<16xi1>)  : i32 {
        %all_reduce_ffs3A = tpu.all_reduce %while3A_161 {dim = 0 : i64, kind = #tpu.reduction_kind<find_first_set>} : vector<16xi1> -> vector<16xi32>
        %slice3A_162 = vector.extract_strided_slice %all_reduce_ffs3A {offsets = [0], sizes = [1], strides = [1]} : vector<16xi32> to vector<1xi32>
        %squeeze3A_163 = vector.extract %slice3A_162[0] : i32 from vector<1xi32>
        %broadcast_in_dim3A = vector.broadcast %squeeze3A_163 : i32 to vector<16xi32>
        %broadcast_in_dim3A_164 = vector.shape_cast %broadcast_in_dim3A : vector<16xi32> to vector<16x1xi32>
        %gather3A = vector.shape_cast %broadcast_in_dim3A_164 : vector<16x1xi32> to vector<16xi32>
        %gather3A_165 = tpu.dynamic_gather %and3A_129[%gather3A] in [0] : vector<16xi32>, vector<16xi32> -> vector<16xi32>
        %slice3A_166 = vector.extract_strided_slice %gather3A_165 {offsets = [0], sizes = [1], strides = [1]} : vector<16xi32> to vector<1xi32>
        %squeeze3A_167 = vector.extract %slice3A_166[0] : i32 from vector<1xi32>
        %broadcast_in_dim3A_168 = vector.broadcast %squeeze3A_163 : i32 to vector<16xi32>
        %broadcast_in_dim3A_169 = vector.shape_cast %broadcast_in_dim3A_168 : vector<16xi32> to vector<16x1xi32>
        %gather3A_170 = vector.shape_cast %broadcast_in_dim3A_169 : vector<16x1xi32> to vector<16xi32>
        %gather3A_171 = tpu.dynamic_gather %get3A_123[%gather3A_170] in [0] : vector<16xi32>, vector<16xi32> -> vector<16xi32>
        %slice3A_172 = vector.extract_strided_slice %gather3A_171 {offsets = [0], sizes = [1], strides = [1]} : vector<16xi32> to vector<1xi32>
        %squeeze3A_173 = vector.extract %slice3A_172[0] : i32 from vector<1xi32>
        %and3A_174 = arith.constant 511 : i32
        %and3A_175 = arith.andi %squeeze3A_173, %and3A_174 : i32
        %broadcast_in_dim3A_176 = vector.broadcast %and3A_175 : i32 to vector<16xi32>
        %gather3A_177 = tpu.vector_load_idx %arg13[%iota3A, %broadcast_in_dim3A_176] : memref<32x512xf32, #tpu.memory_space<vmem>>[vector<16xi32>, vector<16xi32>], vector<16xf32>,
        %gather3A_178 = tpu.vector_load_idx %arg13[%add3A_3, %broadcast_in_dim3A_176] : memref<32x512xf32, #tpu.memory_space<vmem>>[vector<16xi32>, vector<16xi32>], vector<16xf32>,
        %gather3A_179 = tpu.vector_load_idx %arg16[%iota3A, %broadcast_in_dim3A_176] : memref<32x512xf32, #tpu.memory_space<vmem>>[vector<16xi32>, vector<16xi32>], vector<16xf32>,
        %gather3A_180 = tpu.vector_load_idx %arg16[%add3A_3, %broadcast_in_dim3A_176] : memref<32x512xf32, #tpu.memory_space<vmem>>[vector<16xi32>, vector<16xi32>], vector<16xf32>,
        %shift_right_logical3A_181 = arith.constant 30 : i32
        %shift_right_logical3A_182 = arith.shrui %squeeze3A_173, %shift_right_logical3A_181 : i32
        %and3A_183 = arith.constant 1 : i32
        %and3A_184 = arith.andi %shift_right_logical3A_182, %and3A_183 : i32
        %convert_element_type3A_185 = arith.sitofp %and3A_184 : i32 to f32
        %broadcast_in_dim3A_186 = vector.broadcast %convert_element_type3A_185 : f32 to vector<16xf32>
        %mul3A_187 = arith.mulf %gather3A_177, %broadcast_in_dim3A_186 : vector<16xf32>
        %sub3A_188 = arith.constant 1.000000e+00 : f32
        %sub3A_189 = vector.broadcast %sub3A_188 : f32 to vector<16xf32>
        %sub3A_190 = arith.subf %sub3A_189, %broadcast_in_dim3A_186 : vector<16xf32>
        %mul3A_191 = arith.mulf %gather3A_179, %sub3A_190 : vector<16xf32>
        %add3A_192 = arith.addf %mul3A_187, %mul3A_191 : vector<16xf32>
        %mul3A_193 = arith.mulf %gather3A_178, %broadcast_in_dim3A_186 : vector<16xf32>
        %sub3A_194 = arith.constant 1.000000e+00 : f32
        %sub3A_195 = vector.broadcast %sub3A_194 : f32 to vector<16xf32>
        %sub3A_196 = arith.subf %sub3A_195, %broadcast_in_dim3A_186 : vector<16xf32>
        %mul3A_197 = arith.mulf %gather3A_180, %sub3A_196 : vector<16xf32>
        %add3A_198 = arith.addf %mul3A_193, %mul3A_197 : vector<16xf32>
        %min3A_199 = arith.constant 767 : i32
        %min3A_200 = arith.minsi %while3A_160, %min3A_199 : i32
        %mul3A_201 = arith.constant 32 : i32
        %mul3A_202 = arith.muli %min3A_200, %mul3A_201 : i32
        %swap3A = arith.index_cast %mul3A_202 : i32 to index
        %swap3A_203 = tpu.vector_load %arg23[%swap3A] {strides = array<i32>} : memref<24576xf32, #tpu.memory_space<vmem>>, vector<16xf32>,
        tpu.vector_store %arg23[%swap3A], %add3A_192 {strides = array<i32>} : memref<24576xf32, #tpu.memory_space<vmem>>, vector<16xf32>,
        %add3A_204 = arith.constant 16 : i32
        %add3A_205 = arith.addi %mul3A_202, %add3A_204 : i32
        %swap3A_206 = arith.index_cast %add3A_205 : i32 to index
        %swap3A_207 = tpu.vector_load %arg23[%swap3A_206] {strides = array<i32>} : memref<24576xf32, #tpu.memory_space<vmem>>, vector<16xf32>,
        tpu.vector_store %arg23[%swap3A_206], %add3A_198 {strides = array<i32>} : memref<24576xf32, #tpu.memory_space<vmem>>, vector<16xf32>,
        %mul3A_208 = arith.constant 32 : i32
        %mul3A_209 = arith.muli %squeeze3A_167, %mul3A_208 : i32
        %dma_start3A = tpu.memref_slice %arg23[%mul3A_202] : memref<24576xf32, #tpu.memory_space<vmem>> -> memref<32xf32, #tpu.memory_space<vmem>>
        %dma_start3A_210 = tpu.memref_slice %arg10[%mul3A_209] : memref<524288xf32, #tpu.memory_space<hbm>> -> memref<32xf32, #tpu.memory_space<hbm>>
        %dma_start3A_211 = tpu.memref_slice %arg10[%mul3A_209] : memref<524288xf32, #tpu.memory_space<hbm>> -> memref<32xf32, #tpu.memory_space<hbm>>
        %dma_start3A_212 = tpu.memref_slice %arg23[%mul3A_202] : memref<24576xf32, #tpu.memory_space<vmem>> -> memref<32xf32, #tpu.memory_space<vmem>>
        tpu.enqueue_dma source(%dma_start3A_212 : memref<32xf32, #tpu.memory_space<vmem>>) target(%dma_start3A_211 : memref<32xf32, #tpu.memory_space<hbm>>) target_semaphore(%arg27 : memref<!tpu.dma_semaphore, #tpu.memory_space<semaphore_mem>>)
        %add3A_213 = arith.constant 1 : i32
        %add3A_214 = arith.addi %while3A_160, %add3A_213 : i32
        %ne3A = vector.broadcast %squeeze3A_163 : i32 to vector<16xi32>
        %ne3A_215 = arith.cmpi ne, %iota3A, %ne3A : vector<16xi32>
        %and3A_216 = arith.andi %while3A_161, %ne3A_215 : vector<16xi1>
        scf.yield %add3A_214, %and3A_216 : i32, vector<16xi1>
      }
      %while3A_157 = arith.constant 1 : i32
      %while3A_158:2 = scf.for %while3A_159 = %while3A_154 to %while3A_150 step %while3A_157 iter_args(%while3A_160 = %while3A_156#0, %while3A_161 = %while3A_156#1) -> (i32, vector<16xi1>)  : i32 {
        %all_reduce_ffs3A = tpu.all_reduce %while3A_161 {dim = 0 : i64, kind = #tpu.reduction_kind<find_first_set>} : vector<16xi1> -> vector<16xi32>
        %slice3A_162 = vector.extract_strided_slice %all_reduce_ffs3A {offsets = [0], sizes = [1], strides = [1]} : vector<16xi32> to vector<1xi32>
        %squeeze3A_163 = vector.extract %slice3A_162[0] : i32 from vector<1xi32>
        %broadcast_in_dim3A = vector.broadcast %squeeze3A_163 : i32 to vector<16xi32>
        %broadcast_in_dim3A_164 = vector.shape_cast %broadcast_in_dim3A : vector<16xi32> to vector<16x1xi32>
        %gather3A = vector.shape_cast %broadcast_in_dim3A_164 : vector<16x1xi32> to vector<16xi32>
        %gather3A_165 = tpu.dynamic_gather %and3A_129[%gather3A] in [0] : vector<16xi32>, vector<16xi32> -> vector<16xi32>
        %slice3A_166 = vector.extract_strided_slice %gather3A_165 {offsets = [0], sizes = [1], strides = [1]} : vector<16xi32> to vector<1xi32>
        %squeeze3A_167 = vector.extract %slice3A_166[0] : i32 from vector<1xi32>
        %broadcast_in_dim3A_168 = vector.broadcast %squeeze3A_163 : i32 to vector<16xi32>
        %broadcast_in_dim3A_169 = vector.shape_cast %broadcast_in_dim3A_168 : vector<16xi32> to vector<16x1xi32>
        %gather3A_170 = vector.shape_cast %broadcast_in_dim3A_169 : vector<16x1xi32> to vector<16xi32>
        %gather3A_171 = tpu.dynamic_gather %get3A_123[%gather3A_170] in [0] : vector<16xi32>, vector<16xi32> -> vector<16xi32>
        %slice3A_172 = vector.extract_strided_slice %gather3A_171 {offsets = [0], sizes = [1], strides = [1]} : vector<16xi32> to vector<1xi32>
        %squeeze3A_173 = vector.extract %slice3A_172[0] : i32 from vector<1xi32>
        %and3A_174 = arith.constant 511 : i32
        %and3A_175 = arith.andi %squeeze3A_173, %and3A_174 : i32
        %broadcast_in_dim3A_176 = vector.broadcast %and3A_175 : i32 to vector<16xi32>
        %gather3A_177 = tpu.vector_load_idx %arg13[%iota3A, %broadcast_in_dim3A_176] : memref<32x512xf32, #tpu.memory_space<vmem>>[vector<16xi32>, vector<16xi32>], vector<16xf32>,
        %gather3A_178 = tpu.vector_load_idx %arg13[%add3A_3, %broadcast_in_dim3A_176] : memref<32x512xf32, #tpu.memory_space<vmem>>[vector<16xi32>, vector<16xi32>], vector<16xf32>,
        %gather3A_179 = tpu.vector_load_idx %arg16[%iota3A, %broadcast_in_dim3A_176] : memref<32x512xf32, #tpu.memory_space<vmem>>[vector<16xi32>, vector<16xi32>], vector<16xf32>,
        %gather3A_180 = tpu.vector_load_idx %arg16[%add3A_3, %broadcast_in_dim3A_176] : memref<32x512xf32, #tpu.memory_space<vmem>>[vector<16xi32>, vector<16xi32>], vector<16xf32>,
        %shift_right_logical3A_181 = arith.constant 30 : i32
        %shift_right_logical3A_182 = arith.shrui %squeeze3A_173, %shift_right_logical3A_181 : i32
        %and3A_183 = arith.constant 1 : i32
        %and3A_184 = arith.andi %shift_right_logical3A_182, %and3A_183 : i32
        %convert_element_type3A_185 = arith.sitofp %and3A_184 : i32 to f32
        %broadcast_in_dim3A_186 = vector.broadcast %convert_element_type3A_185 : f32 to vector<16xf32>
        %mul3A_187 = arith.mulf %gather3A_177, %broadcast_in_dim3A_186 : vector<16xf32>
        %sub3A_188 = arith.constant 1.000000e+00 : f32
        %sub3A_189 = vector.broadcast %sub3A_188 : f32 to vector<16xf32>
        %sub3A_190 = arith.subf %sub3A_189, %broadcast_in_dim3A_186 : vector<16xf32>
        %mul3A_191 = arith.mulf %gather3A_179, %sub3A_190 : vector<16xf32>
        %add3A_192 = arith.addf %mul3A_187, %mul3A_191 : vector<16xf32>
        %mul3A_193 = arith.mulf %gather3A_178, %broadcast_in_dim3A_186 : vector<16xf32>
        %sub3A_194 = arith.constant 1.000000e+00 : f32
        %sub3A_195 = vector.broadcast %sub3A_194 : f32 to vector<16xf32>
        %sub3A_196 = arith.subf %sub3A_195, %broadcast_in_dim3A_186 : vector<16xf32>
        %mul3A_197 = arith.mulf %gather3A_180, %sub3A_196 : vector<16xf32>
        %add3A_198 = arith.addf %mul3A_193, %mul3A_197 : vector<16xf32>
        %min3A_199 = arith.constant 767 : i32
        %min3A_200 = arith.minsi %while3A_160, %min3A_199 : i32
        %mul3A_201 = arith.constant 32 : i32
        %mul3A_202 = arith.muli %min3A_200, %mul3A_201 : i32
        %swap3A = arith.index_cast %mul3A_202 : i32 to index
        %swap3A_203 = tpu.vector_load %arg23[%swap3A] {strides = array<i32>} : memref<24576xf32, #tpu.memory_space<vmem>>, vector<16xf32>,
        tpu.vector_store %arg23[%swap3A], %add3A_192 {strides = array<i32>} : memref<24576xf32, #tpu.memory_space<vmem>>, vector<16xf32>,
        %add3A_204 = arith.constant 16 : i32
        %add3A_205 = arith.addi %mul3A_202, %add3A_204 : i32
        %swap3A_206 = arith.index_cast %add3A_205 : i32 to index
        %swap3A_207 = tpu.vector_load %arg23[%swap3A_206] {strides = array<i32>} : memref<24576xf32, #tpu.memory_space<vmem>>, vector<16xf32>,
        tpu.vector_store %arg23[%swap3A_206], %add3A_198 {strides = array<i32>} : memref<24576xf32, #tpu.memory_space<vmem>>, vector<16xf32>,
        %mul3A_208 = arith.constant 32 : i32
        %mul3A_209 = arith.muli %squeeze3A_167, %mul3A_208 : i32
        %dma_start3A = tpu.memref_slice %arg23[%mul3A_202] : memref<24576xf32, #tpu.memory_space<vmem>> -> memref<32xf32, #tpu.memory_space<vmem>>
        %dma_start3A_210 = tpu.memref_slice %arg10[%mul3A_209] : memref<524288xf32, #tpu.memory_space<hbm>> -> memref<32xf32, #tpu.memory_space<hbm>>
        %dma_start3A_211 = tpu.memref_slice %arg10[%mul3A_209] : memref<524288xf32, #tpu.memory_space<hbm>> -> memref<32xf32, #tpu.memory_space<hbm>>
        %dma_start3A_212 = tpu.memref_slice %arg23[%mul3A_202] : memref<24576xf32, #tpu.memory_space<vmem>> -> memref<32xf32, #tpu.memory_space<vmem>>
        tpu.enqueue_dma source(%dma_start3A_212 : memref<32xf32, #tpu.memory_space<vmem>>) target(%dma_start3A_211 : memref<32xf32, #tpu.memory_space<hbm>>) target_semaphore(%arg27 : memref<!tpu.dma_semaphore, #tpu.memory_space<semaphore_mem>>)
        %add3A_213 = arith.constant 1 : i32
        %add3A_214 = arith.addi %while3A_160, %add3A_213 : i32
        %ne3A = vector.broadcast %squeeze3A_163 : i32 to vector<16xi32>
        %ne3A_215 = arith.cmpi ne, %iota3A, %ne3A : vector<16xi32>
        %and3A_216 = arith.andi %while3A_161, %ne3A_215 : vector<16xi1>
        scf.yield %add3A_214, %and3A_216 : i32, vector<16xi1>
      }
      scf.yield %while3A_158#0 : i32
    }
    %while3A_56 = arith.constant 0 : i32
    %while3A_57 = arith.constant 0 : i32
    %while3A_58 = arith.subi %while3A_55, %while3A_57 : i32
    %while3A_59 = arith.addi %while3A_57, %while3A_58 : i32
    %while3A_60 = arith.constant 1 : i32
    %while3A_61 = arith.divsi %while3A_58, %while3A_60 : i32
    %while3A_62 = arith.muli %while3A_61, %while3A_60 : i32
    %while3A_63 = arith.addi %while3A_57, %while3A_62 : i32
    %while3A_64 = arith.constant 1 : i32
    scf.for %while3A_119 = %while3A_57 to %while3A_63 step %while3A_64  : i32 {
      %dma_wait3A = arith.constant 0 : i32
      %dma_wait3A_120 = tpu.memref_slice %arg23[%dma_wait3A] : memref<24576xf32, #tpu.memory_space<vmem>> -> memref<32xf32, #tpu.memory_space<vmem>>
      %dma_wait3A_121 = arith.constant 0 : i32
      %dma_wait3A_122 = tpu.memref_slice %arg10[%dma_wait3A_121] : memref<524288xf32, #tpu.memory_space<hbm>> -> memref<32xf32, #tpu.memory_space<hbm>>
      %dma_wait3A_123 = arith.constant 0 : i32
      %dma_wait3A_124 = tpu.memref_slice %arg23[%dma_wait3A_123] : memref<24576xf32, #tpu.memory_space<vmem>> -> memref<32xf32, #tpu.memory_space<vmem>>
      %dma_wait3A_125 = arith.constant 0 : i32
      %dma_wait3A_126 = tpu.memref_slice %arg10[%dma_wait3A_125] : memref<524288xf32, #tpu.memory_space<hbm>> -> memref<32xf32, #tpu.memory_space<hbm>>
      tpu.wait_dma2 semaphore(%arg27 : memref<!tpu.dma_semaphore, #tpu.memory_space<semaphore_mem>>) src(%dma_wait3A_126 : memref<32xf32, #tpu.memory_space<hbm>>) dst(%dma_wait3A_124 : memref<32xf32, #tpu.memory_space<vmem>>)
    }
    %while3A_65 = arith.constant 1 : i32
    scf.for %while3A_119 = %while3A_63 to %while3A_59 step %while3A_65  : i32 {
      %dma_wait3A = arith.constant 0 : i32
      %dma_wait3A_120 = tpu.memref_slice %arg23[%dma_wait3A] : memref<24576xf32, #tpu.memory_space<vmem>> -> memref<32xf32, #tpu.memory_space<vmem>>
      %dma_wait3A_121 = arith.constant 0 : i32
      %dma_wait3A_122 = tpu.memref_slice %arg10[%dma_wait3A_121] : memref<524288xf32, #tpu.memory_space<hbm>> -> memref<32xf32, #tpu.memory_space<hbm>>
      %dma_wait3A_123 = arith.constant 0 : i32
      %dma_wait3A_124 = tpu.memref_slice %arg23[%dma_wait3A_123] : memref<24576xf32, #tpu.memory_space<vmem>> -> memref<32xf32, #tpu.memory_space<vmem>>
      %dma_wait3A_125 = arith.constant 0 : i32
      %dma_wait3A_126 = tpu.memref_slice %arg10[%dma_wait3A_125] : memref<524288xf32, #tpu.memory_space<hbm>> -> memref<32xf32, #tpu.memory_space<hbm>>
      tpu.wait_dma2 semaphore(%arg27 : memref<!tpu.dma_semaphore, #tpu.memory_space<semaphore_mem>>) src(%dma_wait3A_126 : memref<32xf32, #tpu.memory_space<hbm>>) dst(%dma_wait3A_124 : memref<32xf32, #tpu.memory_space<vmem>>)
    }
    %lt3A_66 = arith.constant 195 : i32
    %lt3A_67 = arith.cmpi slt, %add3A, %lt3A_66 : i32
    %convert_element_type3A_68 = arith.extui %lt3A_67 : i1 to i32
    %cond3A_69 = arith.constant 0 : i32
    %cond3A_70 = arith.cmpi ne, %convert_element_type3A_68, %cond3A_69 : i32
    scf.if %cond3A_70 {
      %mul3A_119 = arith.constant 512 : i32
      %mul3A_120 = arith.muli %add3A, %mul3A_119 : i32
      %dma_start3A = arith.constant 0 : i32
      %dma_start3A_121 = tpu.memref_slice %arg5[%dma_start3A, %mul3A_120] : memref<32x100000xf32, #tpu.memory_space<hbm>> -> memref<32x512xf32, #tpu.memory_space<hbm>>
      %dma_start3A_122 = arith.constant 0 : i32
      %dma_start3A_123 = tpu.memref_slice %arg5[%dma_start3A_122, %mul3A_120] : memref<32x100000xf32, #tpu.memory_space<hbm>> -> memref<32x512xf32, #tpu.memory_space<hbm>>
      tpu.enqueue_dma source(%dma_start3A_123 : memref<32x512xf32, #tpu.memory_space<hbm>>) target(%arg13 : memref<32x512xf32, #tpu.memory_space<vmem>>) target_semaphore(%arg24 : memref<!tpu.dma_semaphore, #tpu.memory_space<semaphore_mem>>)
    } else {
    }
    %add3A_71 = arith.constant 32 : i32
    %add3A_72 = arith.addi %add3A, %add3A_71 : i32
    %lt3A_73 = arith.constant 195 : i32
    %lt3A_74 = arith.cmpi slt, %add3A_72, %lt3A_73 : i32
    %convert_element_type3A_75 = arith.extui %lt3A_74 : i1 to i32
    %cond3A_76 = arith.constant 0 : i32
    %cond3A_77 = arith.cmpi ne, %convert_element_type3A_75, %cond3A_76 : i32
    scf.if %cond3A_77 {
      %mul3A_119 = arith.constant 512 : i32
      %mul3A_120 = arith.muli %add3A_72, %mul3A_119 : i32
      %dma_start3A = arith.constant 0 : i32
      %dma_start3A_121 = tpu.memref_slice %arg5[%dma_start3A, %mul3A_120] : memref<32x100000xf32, #tpu.memory_space<hbm>> -> memref<32x512xf32, #tpu.memory_space<hbm>>
      %dma_start3A_122 = arith.constant 0 : i32
      %dma_start3A_123 = tpu.memref_slice %arg5[%dma_start3A_122, %mul3A_120] : memref<32x100000xf32, #tpu.memory_space<hbm>> -> memref<32x512xf32, #tpu.memory_space<hbm>>
      tpu.enqueue_dma source(%dma_start3A_123 : memref<32x512xf32, #tpu.memory_space<hbm>>) target(%arg14 : memref<32x512xf32, #tpu.memory_space<vmem>>) target_semaphore(%arg25 : memref<!tpu.dma_semaphore, #tpu.memory_space<semaphore_mem>>)
    } else {
    }
    %scan3A_78 = arith.constant 0 : i32
    %scan3A_79 = arith.constant 0 : i32
    %scan3A_80 = arith.constant 3 : i32
    %scan3A_81 = arith.addi %scan3A_79, %scan3A_80 : i32
    %scan3A_82 = arith.constant 1 : i32
    %scan3A_83 = scf.for %scan3A_119 = %scan3A_79 to %scan3A_81 step %scan3A_82 iter_args(%scan3A_120 = %scan3A_78) -> (i32)  : i32 {
      %mul3A_121 = arith.constant 3 : i32
      %mul3A_122 = arith.muli %mul3A_121, %scan3A_119 : i32
      %add3A_123 = arith.constant 0 : i32
      %add3A_124 = arith.addi %mul3A_122, %add3A_123 : i32
      %mul3A_125 = arith.constant 32 : i32
      %mul3A_126 = arith.muli %add3A_124, %mul3A_125 : i32
      %add3A_127 = arith.addi %add3A, %mul3A_126 : i32
      %mul3A_128 = arith.constant 3 : i32
      %mul3A_129 = arith.muli %mul3A_128, %scan3A_119 : i32
      %add3A_130 = arith.constant 0 : i32
      %add3A_131 = arith.addi %mul3A_129, %add3A_130 : i32
      %add3A_132 = arith.constant 2 : i32
      %add3A_133 = arith.addi %add3A_131, %add3A_132 : i32
      %mul3A_134 = arith.constant 32 : i32
      %mul3A_135 = arith.muli %add3A_133, %mul3A_134 : i32
      %add3A_136 = arith.addi %add3A, %mul3A_135 : i32
      %lt3A_137 = arith.constant 195 : i32
      %lt3A_138 = arith.cmpi slt, %add3A_136, %lt3A_137 : i32
      %convert_element_type3A_139 = arith.extui %lt3A_138 : i1 to i32
      %cond3A_140 = arith.constant 0 : i32
      %cond3A_141 = arith.cmpi ne, %convert_element_type3A_139, %cond3A_140 : i32
      scf.if %cond3A_141 {
        %mul3A_256 = arith.constant 512 : i32
        %mul3A_257 = arith.muli %add3A_136, %mul3A_256 : i32
        %dma_start3A = arith.constant 0 : i32
        %dma_start3A_258 = tpu.memref_slice %arg5[%dma_start3A, %mul3A_257] : memref<32x100000xf32, #tpu.memory_space<hbm>> -> memref<32x512xf32, #tpu.memory_space<hbm>>
        %dma_start3A_259 = arith.constant 0 : i32
        %dma_start3A_260 = tpu.memref_slice %arg5[%dma_start3A_259, %mul3A_257] : memref<32x100000xf32, #tpu.memory_space<hbm>> -> memref<32x512xf32, #tpu.memory_space<hbm>>
        tpu.enqueue_dma source(%dma_start3A_260 : memref<32x512xf32, #tpu.memory_space<hbm>>) target(%arg15 : memref<32x512xf32, #tpu.memory_space<vmem>>) target_semaphore(%arg26 : memref<!tpu.dma_semaphore, #tpu.memory_space<semaphore_mem>>)
      } else {
      }
      %lt3A_142 = arith.constant 195 : i32
      %lt3A_143 = arith.cmpi slt, %add3A_127, %lt3A_142 : i32
      %convert_element_type3A_144 = arith.extui %lt3A_143 : i1 to i32
      %cond3A_145 = arith.constant 0 : i32
      %cond3A_146 = arith.cmpi ne, %convert_element_type3A_144, %cond3A_145 : i32
      scf.if %cond3A_146 {
        %dma_wait3A = arith.constant 0 : i32
        %dma_wait3A_256 = arith.constant 0 : i32
        %dma_wait3A_257 = tpu.memref_slice %arg5[%dma_wait3A, %dma_wait3A_256] : memref<32x100000xf32, #tpu.memory_space<hbm>> -> memref<32x512xf32, #tpu.memory_space<hbm>>
        %dma_wait3A_258 = arith.constant 0 : i32
        %dma_wait3A_259 = arith.constant 0 : i32
        %dma_wait3A_260 = tpu.memref_slice %arg5[%dma_wait3A_258, %dma_wait3A_259] : memref<32x100000xf32, #tpu.memory_space<hbm>> -> memref<32x512xf32, #tpu.memory_space<hbm>>
        tpu.wait_dma2 semaphore(%arg24 : memref<!tpu.dma_semaphore, #tpu.memory_space<semaphore_mem>>) src(%dma_wait3A_260 : memref<32x512xf32, #tpu.memory_space<hbm>>) dst(%arg13 : memref<32x512xf32, #tpu.memory_space<vmem>>)
      } else {
      }
      %lt3A_147 = arith.constant 195 : i32
      %lt3A_148 = arith.cmpi slt, %add3A_127, %lt3A_147 : i32
      %add3A_149 = arith.constant 16 : i32
      %add3A_150 = arith.addi %min3A_28, %add3A_149 : i32
      %sub3A_151 = arith.constant 1 : i32
      %sub3A_152 = arith.subi %add3A_150, %sub3A_151 : i32
      %shift_right_logical3A_153 = arith.constant 4 : i32
      %shift_right_logical3A_154 = arith.shrui %sub3A_152, %shift_right_logical3A_153 : i32
      %while3A_155 = arith.constant 0 : i32
      %while3A_156 = arith.subi %shift_right_logical3A_154, %while3A_155 : i32
      %while3A_157 = arith.addi %while3A_155, %while3A_156 : i32
      %while3A_158 = arith.constant 1 : i32
      %while3A_159 = arith.divsi %while3A_156, %while3A_158 : i32
      %while3A_160 = arith.muli %while3A_159, %while3A_158 : i32
      %while3A_161 = arith.addi %while3A_155, %while3A_160 : i32
      %while3A_162 = arith.constant 1 : i32
      %while3A_163 = scf.for %while3A_256 = %while3A_155 to %while3A_161 step %while3A_162 iter_args(%while3A_257 = %scan3A_120) -> (i32)  : i32 {
        %mul3A_258 = arith.constant 16 : i32
        %mul3A_259 = arith.muli %while3A_256, %mul3A_258 : i32
        %get3A = arith.index_cast %mul3A_259 : i32 to index
        %get3A_260 = tpu.vector_load %arg21[%get3A] {strides = array<i32>} : memref<768xi32, #tpu.memory_space<vmem>>, vector<16xi32>,
        %mul3A_261 = arith.constant 16 : i32
        %mul3A_262 = arith.muli %while3A_256, %mul3A_261 : i32
        %get3A_263 = arith.index_cast %mul3A_262 : i32 to index
        %get3A_264 = tpu.vector_load %arg22[%get3A_263] {strides = array<i32>} : memref<768xi32, #tpu.memory_space<vmem>>, vector<16xi32>,
        %and3A = arith.constant 16383 : i32
        %and3A_265 = vector.broadcast %and3A : i32 to vector<16xi32>
        %and3A_266 = arith.andi %get3A_264, %and3A_265 : vector<16xi32>
        %shift_right_logical3A_267 = arith.constant 9 : i32
        %shift_right_logical3A_268 = vector.broadcast %shift_right_logical3A_267 : i32 to vector<16xi32>
        %shift_right_logical3A_269 = arith.shrui %get3A_260, %shift_right_logical3A_268 : vector<16xi32>
        %and3A_270 = arith.constant 2047 : i32
        %and3A_271 = vector.broadcast %and3A_270 : i32 to vector<16xi32>
        %and3A_272 = arith.andi %shift_right_logical3A_269, %and3A_271 : vector<16xi32>
        %mul3A_273 = arith.constant 16 : i32
        %mul3A_274 = arith.muli %while3A_256, %mul3A_273 : i32
        %add3A_275 = vector.broadcast %mul3A_274 : i32 to vector<16xi32>
        %add3A_276 = arith.addi %add3A_275, %iota3A : vector<16xi32>
        %lt3A_277 = vector.broadcast %min3A_28 : i32 to vector<16xi32>
        %lt3A_278 = arith.cmpi slt, %add3A_276, %lt3A_277 : vector<16xi32>
        %eq3A_279 = vector.broadcast %add3A_127 : i32 to vector<16xi32>
        %eq3A_280 = arith.cmpi eq, %and3A_272, %eq3A_279 : vector<16xi32>
        %and3A_281 = arith.andi %eq3A_280, %lt3A_278 : vector<16xi1>
        %and3A_282 = vector.broadcast %lt3A_148 : i1 to vector<16xi1>
        %and3A_283 = arith.andi %and3A_281, %and3A_282 : vector<16xi1>
        %all_reduce_population_count3A = tpu.all_reduce %and3A_283 {dim = 0 : i64, kind = #tpu.reduction_kind<sum>} : vector<16xi1> -> vector<16xi32>
        %slice3A = vector.extract_strided_slice %all_reduce_population_count3A {offsets = [0], sizes = [1], strides = [1]} : vector<16xi32> to vector<1xi32>
        %squeeze3A = vector.extract %slice3A[0] : i32 from vector<1xi32>
        %while3A_284 = arith.constant 0 : i32
        %while3A_285 = arith.subi %squeeze3A, %while3A_284 : i32
        %while3A_286 = arith.addi %while3A_284, %while3A_285 : i32
        %while3A_287 = arith.constant 1 : i32
        %while3A_288 = arith.divsi %while3A_285, %while3A_287 : i32
        %while3A_289 = arith.muli %while3A_288, %while3A_287 : i32
        %while3A_290 = arith.addi %while3A_284, %while3A_289 : i32
        %while3A_291 = arith.constant 1 : i32
        %while3A_292:2 = scf.for %while3A_295 = %while3A_284 to %while3A_290 step %while3A_291 iter_args(%while3A_296 = %while3A_257, %while3A_297 = %and3A_283) -> (i32, vector<16xi1>)  : i32 {
          %all_reduce_ffs3A = tpu.all_reduce %while3A_297 {dim = 0 : i64, kind = #tpu.reduction_kind<find_first_set>} : vector<16xi1> -> vector<16xi32>
          %slice3A_298 = vector.extract_strided_slice %all_reduce_ffs3A {offsets = [0], sizes = [1], strides = [1]} : vector<16xi32> to vector<1xi32>
          %squeeze3A_299 = vector.extract %slice3A_298[0] : i32 from vector<1xi32>
          %broadcast_in_dim3A = vector.broadcast %squeeze3A_299 : i32 to vector<16xi32>
          %broadcast_in_dim3A_300 = vector.shape_cast %broadcast_in_dim3A : vector<16xi32> to vector<16x1xi32>
          %gather3A = vector.shape_cast %broadcast_in_dim3A_300 : vector<16x1xi32> to vector<16xi32>
          %gather3A_301 = tpu.dynamic_gather %and3A_266[%gather3A] in [0] : vector<16xi32>, vector<16xi32> -> vector<16xi32>
          %slice3A_302 = vector.extract_strided_slice %gather3A_301 {offsets = [0], sizes = [1], strides = [1]} : vector<16xi32> to vector<1xi32>
          %squeeze3A_303 = vector.extract %slice3A_302[0] : i32 from vector<1xi32>
          %broadcast_in_dim3A_304 = vector.broadcast %squeeze3A_299 : i32 to vector<16xi32>
          %broadcast_in_dim3A_305 = vector.shape_cast %broadcast_in_dim3A_304 : vector<16xi32> to vector<16x1xi32>
          %gather3A_306 = vector.shape_cast %broadcast_in_dim3A_305 : vector<16x1xi32> to vector<16xi32>
          %gather3A_307 = tpu.dynamic_gather %get3A_260[%gather3A_306] in [0] : vector<16xi32>, vector<16xi32> -> vector<16xi32>
          %slice3A_308 = vector.extract_strided_slice %gather3A_307 {offsets = [0], sizes = [1], strides = [1]} : vector<16xi32> to vector<1xi32>
          %squeeze3A_309 = vector.extract %slice3A_308[0] : i32 from vector<1xi32>
          %and3A_310 = arith.constant 511 : i32
          %and3A_311 = arith.andi %squeeze3A_309, %and3A_310 : i32
          %broadcast_in_dim3A_312 = vector.broadcast %and3A_311 : i32 to vector<16xi32>
          %gather3A_313 = tpu.vector_load_idx %arg13[%iota3A, %broadcast_in_dim3A_312] : memref<32x512xf32, #tpu.memory_space<vmem>>[vector<16xi32>, vector<16xi32>], vector<16xf32>,
          %gather3A_314 = tpu.vector_load_idx %arg13[%add3A_3, %broadcast_in_dim3A_312] : memref<32x512xf32, #tpu.memory_space<vmem>>[vector<16xi32>, vector<16xi32>], vector<16xf32>,
          %min3A_315 = arith.constant 767 : i32
          %min3A_316 = arith.minsi %while3A_296, %min3A_315 : i32
          %mul3A_317 = arith.constant 32 : i32
          %mul3A_318 = arith.muli %min3A_316, %mul3A_317 : i32
          %swap3A = arith.index_cast %mul3A_318 : i32 to index
          %swap3A_319 = tpu.vector_load %arg23[%swap3A] {strides = array<i32>} : memref<24576xf32, #tpu.memory_space<vmem>>, vector<16xf32>,
          tpu.vector_store %arg23[%swap3A], %gather3A_313 {strides = array<i32>} : memref<24576xf32, #tpu.memory_space<vmem>>, vector<16xf32>,
          %add3A_320 = arith.constant 16 : i32
          %add3A_321 = arith.addi %mul3A_318, %add3A_320 : i32
          %swap3A_322 = arith.index_cast %add3A_321 : i32 to index
          %swap3A_323 = tpu.vector_load %arg23[%swap3A_322] {strides = array<i32>} : memref<24576xf32, #tpu.memory_space<vmem>>, vector<16xf32>,
          tpu.vector_store %arg23[%swap3A_322], %gather3A_314 {strides = array<i32>} : memref<24576xf32, #tpu.memory_space<vmem>>, vector<16xf32>,
          %mul3A_324 = arith.constant 32 : i32
          %mul3A_325 = arith.muli %squeeze3A_303, %mul3A_324 : i32
          %dma_start3A = tpu.memref_slice %arg23[%mul3A_318] : memref<24576xf32, #tpu.memory_space<vmem>> -> memref<32xf32, #tpu.memory_space<vmem>>
          %dma_start3A_326 = tpu.memref_slice %arg11[%mul3A_325] : memref<524288xf32, #tpu.memory_space<hbm>> -> memref<32xf32, #tpu.memory_space<hbm>>
          %dma_start3A_327 = tpu.memref_slice %arg11[%mul3A_325] : memref<524288xf32, #tpu.memory_space<hbm>> -> memref<32xf32, #tpu.memory_space<hbm>>
          %dma_start3A_328 = tpu.memref_slice %arg23[%mul3A_318] : memref<24576xf32, #tpu.memory_space<vmem>> -> memref<32xf32, #tpu.memory_space<vmem>>
          tpu.enqueue_dma source(%dma_start3A_328 : memref<32xf32, #tpu.memory_space<vmem>>) target(%dma_start3A_327 : memref<32xf32, #tpu.memory_space<hbm>>) target_semaphore(%arg27 : memref<!tpu.dma_semaphore, #tpu.memory_space<semaphore_mem>>)
          %add3A_329 = arith.constant 1 : i32
          %add3A_330 = arith.addi %while3A_296, %add3A_329 : i32
          %ne3A = vector.broadcast %squeeze3A_299 : i32 to vector<16xi32>
          %ne3A_331 = arith.cmpi ne, %iota3A, %ne3A : vector<16xi32>
          %and3A_332 = arith.andi %while3A_297, %ne3A_331 : vector<16xi1>
          scf.yield %add3A_330, %and3A_332 : i32, vector<16xi1>
        }
        %while3A_293 = arith.constant 1 : i32
        %while3A_294:2 = scf.for %while3A_295 = %while3A_290 to %while3A_286 step %while3A_293 iter_args(%while3A_296 = %while3A_292#0, %while3A_297 = %while3A_292#1) -> (i32, vector<16xi1>)  : i32 {
          %all_reduce_ffs3A = tpu.all_reduce %while3A_297 {dim = 0 : i64, kind = #tpu.reduction_kind<find_first_set>} : vector<16xi1> -> vector<16xi32>
          %slice3A_298 = vector.extract_strided_slice %all_reduce_ffs3A {offsets = [0], sizes = [1], strides = [1]} : vector<16xi32> to vector<1xi32>
          %squeeze3A_299 = vector.extract %slice3A_298[0] : i32 from vector<1xi32>
          %broadcast_in_dim3A = vector.broadcast %squeeze3A_299 : i32 to vector<16xi32>
          %broadcast_in_dim3A_300 = vector.shape_cast %broadcast_in_dim3A : vector<16xi32> to vector<16x1xi32>
          %gather3A = vector.shape_cast %broadcast_in_dim3A_300 : vector<16x1xi32> to vector<16xi32>
          %gather3A_301 = tpu.dynamic_gather %and3A_266[%gather3A] in [0] : vector<16xi32>, vector<16xi32> -> vector<16xi32>
          %slice3A_302 = vector.extract_strided_slice %gather3A_301 {offsets = [0], sizes = [1], strides = [1]} : vector<16xi32> to vector<1xi32>
          %squeeze3A_303 = vector.extract %slice3A_302[0] : i32 from vector<1xi32>
          %broadcast_in_dim3A_304 = vector.broadcast %squeeze3A_299 : i32 to vector<16xi32>
          %broadcast_in_dim3A_305 = vector.shape_cast %broadcast_in_dim3A_304 : vector<16xi32> to vector<16x1xi32>
          %gather3A_306 = vector.shape_cast %broadcast_in_dim3A_305 : vector<16x1xi32> to vector<16xi32>
          %gather3A_307 = tpu.dynamic_gather %get3A_260[%gather3A_306] in [0] : vector<16xi32>, vector<16xi32> -> vector<16xi32>
          %slice3A_308 = vector.extract_strided_slice %gather3A_307 {offsets = [0], sizes = [1], strides = [1]} : vector<16xi32> to vector<1xi32>
          %squeeze3A_309 = vector.extract %slice3A_308[0] : i32 from vector<1xi32>
          %and3A_310 = arith.constant 511 : i32
          %and3A_311 = arith.andi %squeeze3A_309, %and3A_310 : i32
          %broadcast_in_dim3A_312 = vector.broadcast %and3A_311 : i32 to vector<16xi32>
          %gather3A_313 = tpu.vector_load_idx %arg13[%iota3A, %broadcast_in_dim3A_312] : memref<32x512xf32, #tpu.memory_space<vmem>>[vector<16xi32>, vector<16xi32>], vector<16xf32>,
          %gather3A_314 = tpu.vector_load_idx %arg13[%add3A_3, %broadcast_in_dim3A_312] : memref<32x512xf32, #tpu.memory_space<vmem>>[vector<16xi32>, vector<16xi32>], vector<16xf32>,
          %min3A_315 = arith.constant 767 : i32
          %min3A_316 = arith.minsi %while3A_296, %min3A_315 : i32
          %mul3A_317 = arith.constant 32 : i32
          %mul3A_318 = arith.muli %min3A_316, %mul3A_317 : i32
          %swap3A = arith.index_cast %mul3A_318 : i32 to index
          %swap3A_319 = tpu.vector_load %arg23[%swap3A] {strides = array<i32>} : memref<24576xf32, #tpu.memory_space<vmem>>, vector<16xf32>,
          tpu.vector_store %arg23[%swap3A], %gather3A_313 {strides = array<i32>} : memref<24576xf32, #tpu.memory_space<vmem>>, vector<16xf32>,
          %add3A_320 = arith.constant 16 : i32
          %add3A_321 = arith.addi %mul3A_318, %add3A_320 : i32
          %swap3A_322 = arith.index_cast %add3A_321 : i32 to index
          %swap3A_323 = tpu.vector_load %arg23[%swap3A_322] {strides = array<i32>} : memref<24576xf32, #tpu.memory_space<vmem>>, vector<16xf32>,
          tpu.vector_store %arg23[%swap3A_322], %gather3A_314 {strides = array<i32>} : memref<24576xf32, #tpu.memory_space<vmem>>, vector<16xf32>,
          %mul3A_324 = arith.constant 32 : i32
          %mul3A_325 = arith.muli %squeeze3A_303, %mul3A_324 : i32
          %dma_start3A = tpu.memref_slice %arg23[%mul3A_318] : memref<24576xf32, #tpu.memory_space<vmem>> -> memref<32xf32, #tpu.memory_space<vmem>>
          %dma_start3A_326 = tpu.memref_slice %arg11[%mul3A_325] : memref<524288xf32, #tpu.memory_space<hbm>> -> memref<32xf32, #tpu.memory_space<hbm>>
          %dma_start3A_327 = tpu.memref_slice %arg11[%mul3A_325] : memref<524288xf32, #tpu.memory_space<hbm>> -> memref<32xf32, #tpu.memory_space<hbm>>
          %dma_start3A_328 = tpu.memref_slice %arg23[%mul3A_318] : memref<24576xf32, #tpu.memory_space<vmem>> -> memref<32xf32, #tpu.memory_space<vmem>>
          tpu.enqueue_dma source(%dma_start3A_328 : memref<32xf32, #tpu.memory_space<vmem>>) target(%dma_start3A_327 : memref<32xf32, #tpu.memory_space<hbm>>) target_semaphore(%arg27 : memref<!tpu.dma_semaphore, #tpu.memory_space<semaphore_mem>>)
          %add3A_329 = arith.constant 1 : i32
          %add3A_330 = arith.addi %while3A_296, %add3A_329 : i32
          %ne3A = vector.broadcast %squeeze3A_299 : i32 to vector<16xi32>
          %ne3A_331 = arith.cmpi ne, %iota3A, %ne3A : vector<16xi32>
          %and3A_332 = arith.andi %while3A_297, %ne3A_331 : vector<16xi1>
          scf.yield %add3A_330, %and3A_332 : i32, vector<16xi1>
        }
        scf.yield %while3A_294#0 : i32
      }
      %while3A_164 = arith.constant 1 : i32
      %while3A_165 = scf.for %while3A_256 = %while3A_161 to %while3A_157 step %while3A_164 iter_args(%while3A_257 = %while3A_163) -> (i32)  : i32 {
        %mul3A_258 = arith.constant 16 : i32
        %mul3A_259 = arith.muli %while3A_256, %mul3A_258 : i32
        %get3A = arith.index_cast %mul3A_259 : i32 to index
        %get3A_260 = tpu.vector_load %arg21[%get3A] {strides = array<i32>} : memref<768xi32, #tpu.memory_space<vmem>>, vector<16xi32>,
        %mul3A_261 = arith.constant 16 : i32
        %mul3A_262 = arith.muli %while3A_256, %mul3A_261 : i32
        %get3A_263 = arith.index_cast %mul3A_262 : i32 to index
        %get3A_264 = tpu.vector_load %arg22[%get3A_263] {strides = array<i32>} : memref<768xi32, #tpu.memory_space<vmem>>, vector<16xi32>,
        %and3A = arith.constant 16383 : i32
        %and3A_265 = vector.broadcast %and3A : i32 to vector<16xi32>
        %and3A_266 = arith.andi %get3A_264, %and3A_265 : vector<16xi32>
        %shift_right_logical3A_267 = arith.constant 9 : i32
        %shift_right_logical3A_268 = vector.broadcast %shift_right_logical3A_267 : i32 to vector<16xi32>
        %shift_right_logical3A_269 = arith.shrui %get3A_260, %shift_right_logical3A_268 : vector<16xi32>
        %and3A_270 = arith.constant 2047 : i32
        %and3A_271 = vector.broadcast %and3A_270 : i32 to vector<16xi32>
        %and3A_272 = arith.andi %shift_right_logical3A_269, %and3A_271 : vector<16xi32>
        %mul3A_273 = arith.constant 16 : i32
        %mul3A_274 = arith.muli %while3A_256, %mul3A_273 : i32
        %add3A_275 = vector.broadcast %mul3A_274 : i32 to vector<16xi32>
        %add3A_276 = arith.addi %add3A_275, %iota3A : vector<16xi32>
        %lt3A_277 = vector.broadcast %min3A_28 : i32 to vector<16xi32>
        %lt3A_278 = arith.cmpi slt, %add3A_276, %lt3A_277 : vector<16xi32>
        %eq3A_279 = vector.broadcast %add3A_127 : i32 to vector<16xi32>
        %eq3A_280 = arith.cmpi eq, %and3A_272, %eq3A_279 : vector<16xi32>
        %and3A_281 = arith.andi %eq3A_280, %lt3A_278 : vector<16xi1>
        %and3A_282 = vector.broadcast %lt3A_148 : i1 to vector<16xi1>
        %and3A_283 = arith.andi %and3A_281, %and3A_282 : vector<16xi1>
        %all_reduce_population_count3A = tpu.all_reduce %and3A_283 {dim = 0 : i64, kind = #tpu.reduction_kind<sum>} : vector<16xi1> -> vector<16xi32>
        %slice3A = vector.extract_strided_slice %all_reduce_population_count3A {offsets = [0], sizes = [1], strides = [1]} : vector<16xi32> to vector<1xi32>
        %squeeze3A = vector.extract %slice3A[0] : i32 from vector<1xi32>
        %while3A_284 = arith.constant 0 : i32
        %while3A_285 = arith.subi %squeeze3A, %while3A_284 : i32
        %while3A_286 = arith.addi %while3A_284, %while3A_285 : i32
        %while3A_287 = arith.constant 1 : i32
        %while3A_288 = arith.divsi %while3A_285, %while3A_287 : i32
        %while3A_289 = arith.muli %while3A_288, %while3A_287 : i32
        %while3A_290 = arith.addi %while3A_284, %while3A_289 : i32
        %while3A_291 = arith.constant 1 : i32
        %while3A_292:2 = scf.for %while3A_295 = %while3A_284 to %while3A_290 step %while3A_291 iter_args(%while3A_296 = %while3A_257, %while3A_297 = %and3A_283) -> (i32, vector<16xi1>)  : i32 {
          %all_reduce_ffs3A = tpu.all_reduce %while3A_297 {dim = 0 : i64, kind = #tpu.reduction_kind<find_first_set>} : vector<16xi1> -> vector<16xi32>
          %slice3A_298 = vector.extract_strided_slice %all_reduce_ffs3A {offsets = [0], sizes = [1], strides = [1]} : vector<16xi32> to vector<1xi32>
          %squeeze3A_299 = vector.extract %slice3A_298[0] : i32 from vector<1xi32>
          %broadcast_in_dim3A = vector.broadcast %squeeze3A_299 : i32 to vector<16xi32>
          %broadcast_in_dim3A_300 = vector.shape_cast %broadcast_in_dim3A : vector<16xi32> to vector<16x1xi32>
          %gather3A = vector.shape_cast %broadcast_in_dim3A_300 : vector<16x1xi32> to vector<16xi32>
          %gather3A_301 = tpu.dynamic_gather %and3A_266[%gather3A] in [0] : vector<16xi32>, vector<16xi32> -> vector<16xi32>
          %slice3A_302 = vector.extract_strided_slice %gather3A_301 {offsets = [0], sizes = [1], strides = [1]} : vector<16xi32> to vector<1xi32>
          %squeeze3A_303 = vector.extract %slice3A_302[0] : i32 from vector<1xi32>
          %broadcast_in_dim3A_304 = vector.broadcast %squeeze3A_299 : i32 to vector<16xi32>
          %broadcast_in_dim3A_305 = vector.shape_cast %broadcast_in_dim3A_304 : vector<16xi32> to vector<16x1xi32>
          %gather3A_306 = vector.shape_cast %broadcast_in_dim3A_305 : vector<16x1xi32> to vector<16xi32>
          %gather3A_307 = tpu.dynamic_gather %get3A_260[%gather3A_306] in [0] : vector<16xi32>, vector<16xi32> -> vector<16xi32>
          %slice3A_308 = vector.extract_strided_slice %gather3A_307 {offsets = [0], sizes = [1], strides = [1]} : vector<16xi32> to vector<1xi32>
          %squeeze3A_309 = vector.extract %slice3A_308[0] : i32 from vector<1xi32>
          %and3A_310 = arith.constant 511 : i32
          %and3A_311 = arith.andi %squeeze3A_309, %and3A_310 : i32
          %broadcast_in_dim3A_312 = vector.broadcast %and3A_311 : i32 to vector<16xi32>
          %gather3A_313 = tpu.vector_load_idx %arg13[%iota3A, %broadcast_in_dim3A_312] : memref<32x512xf32, #tpu.memory_space<vmem>>[vector<16xi32>, vector<16xi32>], vector<16xf32>,
          %gather3A_314 = tpu.vector_load_idx %arg13[%add3A_3, %broadcast_in_dim3A_312] : memref<32x512xf32, #tpu.memory_space<vmem>>[vector<16xi32>, vector<16xi32>], vector<16xf32>,
          %min3A_315 = arith.constant 767 : i32
          %min3A_316 = arith.minsi %while3A_296, %min3A_315 : i32
          %mul3A_317 = arith.constant 32 : i32
          %mul3A_318 = arith.muli %min3A_316, %mul3A_317 : i32
          %swap3A = arith.index_cast %mul3A_318 : i32 to index
          %swap3A_319 = tpu.vector_load %arg23[%swap3A] {strides = array<i32>} : memref<24576xf32, #tpu.memory_space<vmem>>, vector<16xf32>,
          tpu.vector_store %arg23[%swap3A], %gather3A_313 {strides = array<i32>} : memref<24576xf32, #tpu.memory_space<vmem>>, vector<16xf32>,
          %add3A_320 = arith.constant 16 : i32
          %add3A_321 = arith.addi %mul3A_318, %add3A_320 : i32
          %swap3A_322 = arith.index_cast %add3A_321 : i32 to index
          %swap3A_323 = tpu.vector_load %arg23[%swap3A_322] {strides = array<i32>} : memref<24576xf32, #tpu.memory_space<vmem>>, vector<16xf32>,
          tpu.vector_store %arg23[%swap3A_322], %gather3A_314 {strides = array<i32>} : memref<24576xf32, #tpu.memory_space<vmem>>, vector<16xf32>,
          %mul3A_324 = arith.constant 32 : i32
          %mul3A_325 = arith.muli %squeeze3A_303, %mul3A_324 : i32
          %dma_start3A = tpu.memref_slice %arg23[%mul3A_318] : memref<24576xf32, #tpu.memory_space<vmem>> -> memref<32xf32, #tpu.memory_space<vmem>>
          %dma_start3A_326 = tpu.memref_slice %arg11[%mul3A_325] : memref<524288xf32, #tpu.memory_space<hbm>> -> memref<32xf32, #tpu.memory_space<hbm>>
          %dma_start3A_327 = tpu.memref_slice %arg11[%mul3A_325] : memref<524288xf32, #tpu.memory_space<hbm>> -> memref<32xf32, #tpu.memory_space<hbm>>
          %dma_start3A_328 = tpu.memref_slice %arg23[%mul3A_318] : memref<24576xf32, #tpu.memory_space<vmem>> -> memref<32xf32, #tpu.memory_space<vmem>>
          tpu.enqueue_dma source(%dma_start3A_328 : memref<32xf32, #tpu.memory_space<vmem>>) target(%dma_start3A_327 : memref<32xf32, #tpu.memory_space<hbm>>) target_semaphore(%arg27 : memref<!tpu.dma_semaphore, #tpu.memory_space<semaphore_mem>>)
          %add3A_329 = arith.constant 1 : i32
          %add3A_330 = arith.addi %while3A_296, %add3A_329 : i32
          %ne3A = vector.broadcast %squeeze3A_299 : i32 to vector<16xi32>
          %ne3A_331 = arith.cmpi ne, %iota3A, %ne3A : vector<16xi32>
          %and3A_332 = arith.andi %while3A_297, %ne3A_331 : vector<16xi1>
          scf.yield %add3A_330, %and3A_332 : i32, vector<16xi1>
        }
        %while3A_293 = arith.constant 1 : i32
        %while3A_294:2 = scf.for %while3A_295 = %while3A_290 to %while3A_286 step %while3A_293 iter_args(%while3A_296 = %while3A_292#0, %while3A_297 = %while3A_292#1) -> (i32, vector<16xi1>)  : i32 {
          %all_reduce_ffs3A = tpu.all_reduce %while3A_297 {dim = 0 : i64, kind = #tpu.reduction_kind<find_first_set>} : vector<16xi1> -> vector<16xi32>
          %slice3A_298 = vector.extract_strided_slice %all_reduce_ffs3A {offsets = [0], sizes = [1], strides = [1]} : vector<16xi32> to vector<1xi32>
          %squeeze3A_299 = vector.extract %slice3A_298[0] : i32 from vector<1xi32>
          %broadcast_in_dim3A = vector.broadcast %squeeze3A_299 : i32 to vector<16xi32>
          %broadcast_in_dim3A_300 = vector.shape_cast %broadcast_in_dim3A : vector<16xi32> to vector<16x1xi32>
          %gather3A = vector.shape_cast %broadcast_in_dim3A_300 : vector<16x1xi32> to vector<16xi32>
          %gather3A_301 = tpu.dynamic_gather %and3A_266[%gather3A] in [0] : vector<16xi32>, vector<16xi32> -> vector<16xi32>
          %slice3A_302 = vector.extract_strided_slice %gather3A_301 {offsets = [0], sizes = [1], strides = [1]} : vector<16xi32> to vector<1xi32>
          %squeeze3A_303 = vector.extract %slice3A_302[0] : i32 from vector<1xi32>
          %broadcast_in_dim3A_304 = vector.broadcast %squeeze3A_299 : i32 to vector<16xi32>
          %broadcast_in_dim3A_305 = vector.shape_cast %broadcast_in_dim3A_304 : vector<16xi32> to vector<16x1xi32>
          %gather3A_306 = vector.shape_cast %broadcast_in_dim3A_305 : vector<16x1xi32> to vector<16xi32>
          %gather3A_307 = tpu.dynamic_gather %get3A_260[%gather3A_306] in [0] : vector<16xi32>, vector<16xi32> -> vector<16xi32>
          %slice3A_308 = vector.extract_strided_slice %gather3A_307 {offsets = [0], sizes = [1], strides = [1]} : vector<16xi32> to vector<1xi32>
          %squeeze3A_309 = vector.extract %slice3A_308[0] : i32 from vector<1xi32>
          %and3A_310 = arith.constant 511 : i32
          %and3A_311 = arith.andi %squeeze3A_309, %and3A_310 : i32
          %broadcast_in_dim3A_312 = vector.broadcast %and3A_311 : i32 to vector<16xi32>
          %gather3A_313 = tpu.vector_load_idx %arg13[%iota3A, %broadcast_in_dim3A_312] : memref<32x512xf32, #tpu.memory_space<vmem>>[vector<16xi32>, vector<16xi32>], vector<16xf32>,
          %gather3A_314 = tpu.vector_load_idx %arg13[%add3A_3, %broadcast_in_dim3A_312] : memref<32x512xf32, #tpu.memory_space<vmem>>[vector<16xi32>, vector<16xi32>], vector<16xf32>,
          %min3A_315 = arith.constant 767 : i32
          %min3A_316 = arith.minsi %while3A_296, %min3A_315 : i32
          %mul3A_317 = arith.constant 32 : i32
          %mul3A_318 = arith.muli %min3A_316, %mul3A_317 : i32
          %swap3A = arith.index_cast %mul3A_318 : i32 to index
          %swap3A_319 = tpu.vector_load %arg23[%swap3A] {strides = array<i32>} : memref<24576xf32, #tpu.memory_space<vmem>>, vector<16xf32>,
          tpu.vector_store %arg23[%swap3A], %gather3A_313 {strides = array<i32>} : memref<24576xf32, #tpu.memory_space<vmem>>, vector<16xf32>,
          %add3A_320 = arith.constant 16 : i32
          %add3A_321 = arith.addi %mul3A_318, %add3A_320 : i32
          %swap3A_322 = arith.index_cast %add3A_321 : i32 to index
          %swap3A_323 = tpu.vector_load %arg23[%swap3A_322] {strides = array<i32>} : memref<24576xf32, #tpu.memory_space<vmem>>, vector<16xf32>,
          tpu.vector_store %arg23[%swap3A_322], %gather3A_314 {strides = array<i32>} : memref<24576xf32, #tpu.memory_space<vmem>>, vector<16xf32>,
          %mul3A_324 = arith.constant 32 : i32
          %mul3A_325 = arith.muli %squeeze3A_303, %mul3A_324 : i32
          %dma_start3A = tpu.memref_slice %arg23[%mul3A_318] : memref<24576xf32, #tpu.memory_space<vmem>> -> memref<32xf32, #tpu.memory_space<vmem>>
          %dma_start3A_326 = tpu.memref_slice %arg11[%mul3A_325] : memref<524288xf32, #tpu.memory_space<hbm>> -> memref<32xf32, #tpu.memory_space<hbm>>
          %dma_start3A_327 = tpu.memref_slice %arg11[%mul3A_325] : memref<524288xf32, #tpu.memory_space<hbm>> -> memref<32xf32, #tpu.memory_space<hbm>>
          %dma_start3A_328 = tpu.memref_slice %arg23[%mul3A_318] : memref<24576xf32, #tpu.memory_space<vmem>> -> memref<32xf32, #tpu.memory_space<vmem>>
          tpu.enqueue_dma source(%dma_start3A_328 : memref<32xf32, #tpu.memory_space<vmem>>) target(%dma_start3A_327 : memref<32xf32, #tpu.memory_space<hbm>>) target_semaphore(%arg27 : memref<!tpu.dma_semaphore, #tpu.memory_space<semaphore_mem>>)
          %add3A_329 = arith.constant 1 : i32
          %add3A_330 = arith.addi %while3A_296, %add3A_329 : i32
          %ne3A = vector.broadcast %squeeze3A_299 : i32 to vector<16xi32>
          %ne3A_331 = arith.cmpi ne, %iota3A, %ne3A : vector<16xi32>
          %and3A_332 = arith.andi %while3A_297, %ne3A_331 : vector<16xi1>
          scf.yield %add3A_330, %and3A_332 : i32, vector<16xi1>
        }
        scf.yield %while3A_294#0 : i32
      }
      %mul3A_166 = arith.constant 3 : i32
      %mul3A_167 = arith.muli %mul3A_166, %scan3A_119 : i32
      %add3A_168 = arith.constant 1 : i32
      %add3A_169 = arith.addi %mul3A_167, %add3A_168 : i32
      %mul3A_170 = arith.constant 32 : i32
      %mul3A_171 = arith.muli %add3A_169, %mul3A_170 : i32
      %add3A_172 = arith.addi %add3A, %mul3A_171 : i32
      %mul3A_173 = arith.constant 3 : i32
      %mul3A_174 = arith.muli %mul3A_173, %scan3A_119 : i32
      %add3A_175 = arith.constant 1 : i32
      %add3A_176 = arith.addi %mul3A_174, %add3A_175 : i32
      %add3A_177 = arith.constant 2 : i32
      %add3A_178 = arith.addi %add3A_176, %add3A_177 : i32
      %mul3A_179 = arith.constant 32 : i32
      %mul3A_180 = arith.muli %add3A_178, %mul3A_179 : i32
      %add3A_181 = arith.addi %add3A, %mul3A_180 : i32
      %lt3A_182 = arith.constant 195 : i32
      %lt3A_183 = arith.cmpi slt, %add3A_181, %lt3A_182 : i32
      %convert_element_type3A_184 = arith.extui %lt3A_183 : i1 to i32
      %cond3A_185 = arith.constant 0 : i32
      %cond3A_186 = arith.cmpi ne, %convert_element_type3A_184, %cond3A_185 : i32
      scf.if %cond3A_186 {
        %mul3A_256 = arith.constant 512 : i32
        %mul3A_257 = arith.muli %add3A_181, %mul3A_256 : i32
        %dma_start3A = arith.constant 0 : i32
        %dma_start3A_258 = tpu.memref_slice %arg5[%dma_start3A, %mul3A_257] : memref<32x100000xf32, #tpu.memory_space<hbm>> -> memref<32x512xf32, #tpu.memory_space<hbm>>
        %dma_start3A_259 = arith.constant 0 : i32
        %dma_start3A_260 = tpu.memref_slice %arg5[%dma_start3A_259, %mul3A_257] : memref<32x100000xf32, #tpu.memory_space<hbm>> -> memref<32x512xf32, #tpu.memory_space<hbm>>
        tpu.enqueue_dma source(%dma_start3A_260 : memref<32x512xf32, #tpu.memory_space<hbm>>) target(%arg13 : memref<32x512xf32, #tpu.memory_space<vmem>>) target_semaphore(%arg24 : memref<!tpu.dma_semaphore, #tpu.memory_space<semaphore_mem>>)
      } else {
      }
      %lt3A_187 = arith.constant 195 : i32
      %lt3A_188 = arith.cmpi slt, %add3A_172, %lt3A_187 : i32
      %convert_element_type3A_189 = arith.extui %lt3A_188 : i1 to i32
      %cond3A_190 = arith.constant 0 : i32
      %cond3A_191 = arith.cmpi ne, %convert_element_type3A_189, %cond3A_190 : i32
      scf.if %cond3A_191 {
        %dma_wait3A = arith.constant 0 : i32
        %dma_wait3A_256 = arith.constant 0 : i32
        %dma_wait3A_257 = tpu.memref_slice %arg5[%dma_wait3A, %dma_wait3A_256] : memref<32x100000xf32, #tpu.memory_space<hbm>> -> memref<32x512xf32, #tpu.memory_space<hbm>>
        %dma_wait3A_258 = arith.constant 0 : i32
        %dma_wait3A_259 = arith.constant 0 : i32
        %dma_wait3A_260 = tpu.memref_slice %arg5[%dma_wait3A_258, %dma_wait3A_259] : memref<32x100000xf32, #tpu.memory_space<hbm>> -> memref<32x512xf32, #tpu.memory_space<hbm>>
        tpu.wait_dma2 semaphore(%arg25 : memref<!tpu.dma_semaphore, #tpu.memory_space<semaphore_mem>>) src(%dma_wait3A_260 : memref<32x512xf32, #tpu.memory_space<hbm>>) dst(%arg14 : memref<32x512xf32, #tpu.memory_space<vmem>>)
      } else {
      }
      %lt3A_192 = arith.constant 195 : i32
      %lt3A_193 = arith.cmpi slt, %add3A_172, %lt3A_192 : i32
      %add3A_194 = arith.constant 16 : i32
      %add3A_195 = arith.addi %min3A_28, %add3A_194 : i32
      %sub3A_196 = arith.constant 1 : i32
      %sub3A_197 = arith.subi %add3A_195, %sub3A_196 : i32
      %shift_right_logical3A_198 = arith.constant 4 : i32
      %shift_right_logical3A_199 = arith.shrui %sub3A_197, %shift_right_logical3A_198 : i32
      %while3A_200 = arith.constant 0 : i32
      %while3A_201 = arith.subi %shift_right_logical3A_199, %while3A_200 : i32
      %while3A_202 = arith.addi %while3A_200, %while3A_201 : i32
      %while3A_203 = arith.constant 1 : i32
      %while3A_204 = arith.divsi %while3A_201, %while3A_203 : i32
      %while3A_205 = arith.muli %while3A_204, %while3A_203 : i32
      %while3A_206 = arith.addi %while3A_200, %while3A_205 : i32
      %while3A_207 = arith.constant 1 : i32
      %while3A_208 = scf.for %while3A_256 = %while3A_200 to %while3A_206 step %while3A_207 iter_args(%while3A_257 = %while3A_165) -> (i32)  : i32 {
        %mul3A_258 = arith.constant 16 : i32
        %mul3A_259 = arith.muli %while3A_256, %mul3A_258 : i32
        %get3A = arith.index_cast %mul3A_259 : i32 to index
        %get3A_260 = tpu.vector_load %arg21[%get3A] {strides = array<i32>} : memref<768xi32, #tpu.memory_space<vmem>>, vector<16xi32>,
        %mul3A_261 = arith.constant 16 : i32
        %mul3A_262 = arith.muli %while3A_256, %mul3A_261 : i32
        %get3A_263 = arith.index_cast %mul3A_262 : i32 to index
        %get3A_264 = tpu.vector_load %arg22[%get3A_263] {strides = array<i32>} : memref<768xi32, #tpu.memory_space<vmem>>, vector<16xi32>,
        %and3A = arith.constant 16383 : i32
        %and3A_265 = vector.broadcast %and3A : i32 to vector<16xi32>
        %and3A_266 = arith.andi %get3A_264, %and3A_265 : vector<16xi32>
        %shift_right_logical3A_267 = arith.constant 9 : i32
        %shift_right_logical3A_268 = vector.broadcast %shift_right_logical3A_267 : i32 to vector<16xi32>
        %shift_right_logical3A_269 = arith.shrui %get3A_260, %shift_right_logical3A_268 : vector<16xi32>
        %and3A_270 = arith.constant 2047 : i32
        %and3A_271 = vector.broadcast %and3A_270 : i32 to vector<16xi32>
        %and3A_272 = arith.andi %shift_right_logical3A_269, %and3A_271 : vector<16xi32>
        %mul3A_273 = arith.constant 16 : i32
        %mul3A_274 = arith.muli %while3A_256, %mul3A_273 : i32
        %add3A_275 = vector.broadcast %mul3A_274 : i32 to vector<16xi32>
        %add3A_276 = arith.addi %add3A_275, %iota3A : vector<16xi32>
        %lt3A_277 = vector.broadcast %min3A_28 : i32 to vector<16xi32>
        %lt3A_278 = arith.cmpi slt, %add3A_276, %lt3A_277 : vector<16xi32>
        %eq3A_279 = vector.broadcast %add3A_172 : i32 to vector<16xi32>
        %eq3A_280 = arith.cmpi eq, %and3A_272, %eq3A_279 : vector<16xi32>
        %and3A_281 = arith.andi %eq3A_280, %lt3A_278 : vector<16xi1>
        %and3A_282 = vector.broadcast %lt3A_193 : i1 to vector<16xi1>
        %and3A_283 = arith.andi %and3A_281, %and3A_282 : vector<16xi1>
        %all_reduce_population_count3A = tpu.all_reduce %and3A_283 {dim = 0 : i64, kind = #tpu.reduction_kind<sum>} : vector<16xi1> -> vector<16xi32>
        %slice3A = vector.extract_strided_slice %all_reduce_population_count3A {offsets = [0], sizes = [1], strides = [1]} : vector<16xi32> to vector<1xi32>
        %squeeze3A = vector.extract %slice3A[0] : i32 from vector<1xi32>
        %while3A_284 = arith.constant 0 : i32
        %while3A_285 = arith.subi %squeeze3A, %while3A_284 : i32
        %while3A_286 = arith.addi %while3A_284, %while3A_285 : i32
        %while3A_287 = arith.constant 1 : i32
        %while3A_288 = arith.divsi %while3A_285, %while3A_287 : i32
        %while3A_289 = arith.muli %while3A_288, %while3A_287 : i32
        %while3A_290 = arith.addi %while3A_284, %while3A_289 : i32
        %while3A_291 = arith.constant 1 : i32
        %while3A_292:2 = scf.for %while3A_295 = %while3A_284 to %while3A_290 step %while3A_291 iter_args(%while3A_296 = %while3A_257, %while3A_297 = %and3A_283) -> (i32, vector<16xi1>)  : i32 {
          %all_reduce_ffs3A = tpu.all_reduce %while3A_297 {dim = 0 : i64, kind = #tpu.reduction_kind<find_first_set>} : vector<16xi1> -> vector<16xi32>
          %slice3A_298 = vector.extract_strided_slice %all_reduce_ffs3A {offsets = [0], sizes = [1], strides = [1]} : vector<16xi32> to vector<1xi32>
          %squeeze3A_299 = vector.extract %slice3A_298[0] : i32 from vector<1xi32>
          %broadcast_in_dim3A = vector.broadcast %squeeze3A_299 : i32 to vector<16xi32>
          %broadcast_in_dim3A_300 = vector.shape_cast %broadcast_in_dim3A : vector<16xi32> to vector<16x1xi32>
          %gather3A = vector.shape_cast %broadcast_in_dim3A_300 : vector<16x1xi32> to vector<16xi32>
          %gather3A_301 = tpu.dynamic_gather %and3A_266[%gather3A] in [0] : vector<16xi32>, vector<16xi32> -> vector<16xi32>
          %slice3A_302 = vector.extract_strided_slice %gather3A_301 {offsets = [0], sizes = [1], strides = [1]} : vector<16xi32> to vector<1xi32>
          %squeeze3A_303 = vector.extract %slice3A_302[0] : i32 from vector<1xi32>
          %broadcast_in_dim3A_304 = vector.broadcast %squeeze3A_299 : i32 to vector<16xi32>
          %broadcast_in_dim3A_305 = vector.shape_cast %broadcast_in_dim3A_304 : vector<16xi32> to vector<16x1xi32>
          %gather3A_306 = vector.shape_cast %broadcast_in_dim3A_305 : vector<16x1xi32> to vector<16xi32>
          %gather3A_307 = tpu.dynamic_gather %get3A_260[%gather3A_306] in [0] : vector<16xi32>, vector<16xi32> -> vector<16xi32>
          %slice3A_308 = vector.extract_strided_slice %gather3A_307 {offsets = [0], sizes = [1], strides = [1]} : vector<16xi32> to vector<1xi32>
          %squeeze3A_309 = vector.extract %slice3A_308[0] : i32 from vector<1xi32>
          %and3A_310 = arith.constant 511 : i32
          %and3A_311 = arith.andi %squeeze3A_309, %and3A_310 : i32
          %broadcast_in_dim3A_312 = vector.broadcast %and3A_311 : i32 to vector<16xi32>
          %gather3A_313 = tpu.vector_load_idx %arg14[%iota3A, %broadcast_in_dim3A_312] : memref<32x512xf32, #tpu.memory_space<vmem>>[vector<16xi32>, vector<16xi32>], vector<16xf32>,
          %gather3A_314 = tpu.vector_load_idx %arg14[%add3A_3, %broadcast_in_dim3A_312] : memref<32x512xf32, #tpu.memory_space<vmem>>[vector<16xi32>, vector<16xi32>], vector<16xf32>,
          %min3A_315 = arith.constant 767 : i32
          %min3A_316 = arith.minsi %while3A_296, %min3A_315 : i32
          %mul3A_317 = arith.constant 32 : i32
          %mul3A_318 = arith.muli %min3A_316, %mul3A_317 : i32
          %swap3A = arith.index_cast %mul3A_318 : i32 to index
          %swap3A_319 = tpu.vector_load %arg23[%swap3A] {strides = array<i32>} : memref<24576xf32, #tpu.memory_space<vmem>>, vector<16xf32>,
          tpu.vector_store %arg23[%swap3A], %gather3A_313 {strides = array<i32>} : memref<24576xf32, #tpu.memory_space<vmem>>, vector<16xf32>,
          %add3A_320 = arith.constant 16 : i32
          %add3A_321 = arith.addi %mul3A_318, %add3A_320 : i32
          %swap3A_322 = arith.index_cast %add3A_321 : i32 to index
          %swap3A_323 = tpu.vector_load %arg23[%swap3A_322] {strides = array<i32>} : memref<24576xf32, #tpu.memory_space<vmem>>, vector<16xf32>,
          tpu.vector_store %arg23[%swap3A_322], %gather3A_314 {strides = array<i32>} : memref<24576xf32, #tpu.memory_space<vmem>>, vector<16xf32>,
          %mul3A_324 = arith.constant 32 : i32
          %mul3A_325 = arith.muli %squeeze3A_303, %mul3A_324 : i32
          %dma_start3A = tpu.memref_slice %arg23[%mul3A_318] : memref<24576xf32, #tpu.memory_space<vmem>> -> memref<32xf32, #tpu.memory_space<vmem>>
          %dma_start3A_326 = tpu.memref_slice %arg11[%mul3A_325] : memref<524288xf32, #tpu.memory_space<hbm>> -> memref<32xf32, #tpu.memory_space<hbm>>
          %dma_start3A_327 = tpu.memref_slice %arg11[%mul3A_325] : memref<524288xf32, #tpu.memory_space<hbm>> -> memref<32xf32, #tpu.memory_space<hbm>>
          %dma_start3A_328 = tpu.memref_slice %arg23[%mul3A_318] : memref<24576xf32, #tpu.memory_space<vmem>> -> memref<32xf32, #tpu.memory_space<vmem>>
          tpu.enqueue_dma source(%dma_start3A_328 : memref<32xf32, #tpu.memory_space<vmem>>) target(%dma_start3A_327 : memref<32xf32, #tpu.memory_space<hbm>>) target_semaphore(%arg27 : memref<!tpu.dma_semaphore, #tpu.memory_space<semaphore_mem>>)
          %add3A_329 = arith.constant 1 : i32
          %add3A_330 = arith.addi %while3A_296, %add3A_329 : i32
          %ne3A = vector.broadcast %squeeze3A_299 : i32 to vector<16xi32>
          %ne3A_331 = arith.cmpi ne, %iota3A, %ne3A : vector<16xi32>
          %and3A_332 = arith.andi %while3A_297, %ne3A_331 : vector<16xi1>
          scf.yield %add3A_330, %and3A_332 : i32, vector<16xi1>
        }
        %while3A_293 = arith.constant 1 : i32
        %while3A_294:2 = scf.for %while3A_295 = %while3A_290 to %while3A_286 step %while3A_293 iter_args(%while3A_296 = %while3A_292#0, %while3A_297 = %while3A_292#1) -> (i32, vector<16xi1>)  : i32 {
          %all_reduce_ffs3A = tpu.all_reduce %while3A_297 {dim = 0 : i64, kind = #tpu.reduction_kind<find_first_set>} : vector<16xi1> -> vector<16xi32>
          %slice3A_298 = vector.extract_strided_slice %all_reduce_ffs3A {offsets = [0], sizes = [1], strides = [1]} : vector<16xi32> to vector<1xi32>
          %squeeze3A_299 = vector.extract %slice3A_298[0] : i32 from vector<1xi32>
          %broadcast_in_dim3A = vector.broadcast %squeeze3A_299 : i32 to vector<16xi32>
          %broadcast_in_dim3A_300 = vector.shape_cast %broadcast_in_dim3A : vector<16xi32> to vector<16x1xi32>
          %gather3A = vector.shape_cast %broadcast_in_dim3A_300 : vector<16x1xi32> to vector<16xi32>
          %gather3A_301 = tpu.dynamic_gather %and3A_266[%gather3A] in [0] : vector<16xi32>, vector<16xi32> -> vector<16xi32>
          %slice3A_302 = vector.extract_strided_slice %gather3A_301 {offsets = [0], sizes = [1], strides = [1]} : vector<16xi32> to vector<1xi32>
          %squeeze3A_303 = vector.extract %slice3A_302[0] : i32 from vector<1xi32>
          %broadcast_in_dim3A_304 = vector.broadcast %squeeze3A_299 : i32 to vector<16xi32>
          %broadcast_in_dim3A_305 = vector.shape_cast %broadcast_in_dim3A_304 : vector<16xi32> to vector<16x1xi32>
          %gather3A_306 = vector.shape_cast %broadcast_in_dim3A_305 : vector<16x1xi32> to vector<16xi32>
          %gather3A_307 = tpu.dynamic_gather %get3A_260[%gather3A_306] in [0] : vector<16xi32>, vector<16xi32> -> vector<16xi32>
          %slice3A_308 = vector.extract_strided_slice %gather3A_307 {offsets = [0], sizes = [1], strides = [1]} : vector<16xi32> to vector<1xi32>
          %squeeze3A_309 = vector.extract %slice3A_308[0] : i32 from vector<1xi32>
          %and3A_310 = arith.constant 511 : i32
          %and3A_311 = arith.andi %squeeze3A_309, %and3A_310 : i32
          %broadcast_in_dim3A_312 = vector.broadcast %and3A_311 : i32 to vector<16xi32>
          %gather3A_313 = tpu.vector_load_idx %arg14[%iota3A, %broadcast_in_dim3A_312] : memref<32x512xf32, #tpu.memory_space<vmem>>[vector<16xi32>, vector<16xi32>], vector<16xf32>,
          %gather3A_314 = tpu.vector_load_idx %arg14[%add3A_3, %broadcast_in_dim3A_312] : memref<32x512xf32, #tpu.memory_space<vmem>>[vector<16xi32>, vector<16xi32>], vector<16xf32>,
          %min3A_315 = arith.constant 767 : i32
          %min3A_316 = arith.minsi %while3A_296, %min3A_315 : i32
          %mul3A_317 = arith.constant 32 : i32
          %mul3A_318 = arith.muli %min3A_316, %mul3A_317 : i32
          %swap3A = arith.index_cast %mul3A_318 : i32 to index
          %swap3A_319 = tpu.vector_load %arg23[%swap3A] {strides = array<i32>} : memref<24576xf32, #tpu.memory_space<vmem>>, vector<16xf32>,
          tpu.vector_store %arg23[%swap3A], %gather3A_313 {strides = array<i32>} : memref<24576xf32, #tpu.memory_space<vmem>>, vector<16xf32>,
          %add3A_320 = arith.constant 16 : i32
          %add3A_321 = arith.addi %mul3A_318, %add3A_320 : i32
          %swap3A_322 = arith.index_cast %add3A_321 : i32 to index
          %swap3A_323 = tpu.vector_load %arg23[%swap3A_322] {strides = array<i32>} : memref<24576xf32, #tpu.memory_space<vmem>>, vector<16xf32>,
          tpu.vector_store %arg23[%swap3A_322], %gather3A_314 {strides = array<i32>} : memref<24576xf32, #tpu.memory_space<vmem>>, vector<16xf32>,
          %mul3A_324 = arith.constant 32 : i32
          %mul3A_325 = arith.muli %squeeze3A_303, %mul3A_324 : i32
          %dma_start3A = tpu.memref_slice %arg23[%mul3A_318] : memref<24576xf32, #tpu.memory_space<vmem>> -> memref<32xf32, #tpu.memory_space<vmem>>
          %dma_start3A_326 = tpu.memref_slice %arg11[%mul3A_325] : memref<524288xf32, #tpu.memory_space<hbm>> -> memref<32xf32, #tpu.memory_space<hbm>>
          %dma_start3A_327 = tpu.memref_slice %arg11[%mul3A_325] : memref<524288xf32, #tpu.memory_space<hbm>> -> memref<32xf32, #tpu.memory_space<hbm>>
          %dma_start3A_328 = tpu.memref_slice %arg23[%mul3A_318] : memref<24576xf32, #tpu.memory_space<vmem>> -> memref<32xf32, #tpu.memory_space<vmem>>
          tpu.enqueue_dma source(%dma_start3A_328 : memref<32xf32, #tpu.memory_space<vmem>>) target(%dma_start3A_327 : memref<32xf32, #tpu.memory_space<hbm>>) target_semaphore(%arg27 : memref<!tpu.dma_semaphore, #tpu.memory_space<semaphore_mem>>)
          %add3A_329 = arith.constant 1 : i32
          %add3A_330 = arith.addi %while3A_296, %add3A_329 : i32
          %ne3A = vector.broadcast %squeeze3A_299 : i32 to vector<16xi32>
          %ne3A_331 = arith.cmpi ne, %iota3A, %ne3A : vector<16xi32>
          %and3A_332 = arith.andi %while3A_297, %ne3A_331 : vector<16xi1>
          scf.yield %add3A_330, %and3A_332 : i32, vector<16xi1>
        }
        scf.yield %while3A_294#0 : i32
      }
      %while3A_209 = arith.constant 1 : i32
      %while3A_210 = scf.for %while3A_256 = %while3A_206 to %while3A_202 step %while3A_209 iter_args(%while3A_257 = %while3A_208) -> (i32)  : i32 {
        %mul3A_258 = arith.constant 16 : i32
        %mul3A_259 = arith.muli %while3A_256, %mul3A_258 : i32
        %get3A = arith.index_cast %mul3A_259 : i32 to index
        %get3A_260 = tpu.vector_load %arg21[%get3A] {strides = array<i32>} : memref<768xi32, #tpu.memory_space<vmem>>, vector<16xi32>,
        %mul3A_261 = arith.constant 16 : i32
        %mul3A_262 = arith.muli %while3A_256, %mul3A_261 : i32
        %get3A_263 = arith.index_cast %mul3A_262 : i32 to index
        %get3A_264 = tpu.vector_load %arg22[%get3A_263] {strides = array<i32>} : memref<768xi32, #tpu.memory_space<vmem>>, vector<16xi32>,
        %and3A = arith.constant 16383 : i32
        %and3A_265 = vector.broadcast %and3A : i32 to vector<16xi32>
        %and3A_266 = arith.andi %get3A_264, %and3A_265 : vector<16xi32>
        %shift_right_logical3A_267 = arith.constant 9 : i32
        %shift_right_logical3A_268 = vector.broadcast %shift_right_logical3A_267 : i32 to vector<16xi32>
        %shift_right_logical3A_269 = arith.shrui %get3A_260, %shift_right_logical3A_268 : vector<16xi32>
        %and3A_270 = arith.constant 2047 : i32
        %and3A_271 = vector.broadcast %and3A_270 : i32 to vector<16xi32>
        %and3A_272 = arith.andi %shift_right_logical3A_269, %and3A_271 : vector<16xi32>
        %mul3A_273 = arith.constant 16 : i32
        %mul3A_274 = arith.muli %while3A_256, %mul3A_273 : i32
        %add3A_275 = vector.broadcast %mul3A_274 : i32 to vector<16xi32>
        %add3A_276 = arith.addi %add3A_275, %iota3A : vector<16xi32>
        %lt3A_277 = vector.broadcast %min3A_28 : i32 to vector<16xi32>
        %lt3A_278 = arith.cmpi slt, %add3A_276, %lt3A_277 : vector<16xi32>
        %eq3A_279 = vector.broadcast %add3A_172 : i32 to vector<16xi32>
        %eq3A_280 = arith.cmpi eq, %and3A_272, %eq3A_279 : vector<16xi32>
        %and3A_281 = arith.andi %eq3A_280, %lt3A_278 : vector<16xi1>
        %and3A_282 = vector.broadcast %lt3A_193 : i1 to vector<16xi1>
        %and3A_283 = arith.andi %and3A_281, %and3A_282 : vector<16xi1>
        %all_reduce_population_count3A = tpu.all_reduce %and3A_283 {dim = 0 : i64, kind = #tpu.reduction_kind<sum>} : vector<16xi1> -> vector<16xi32>
        %slice3A = vector.extract_strided_slice %all_reduce_population_count3A {offsets = [0], sizes = [1], strides = [1]} : vector<16xi32> to vector<1xi32>
        %squeeze3A = vector.extract %slice3A[0] : i32 from vector<1xi32>
        %while3A_284 = arith.constant 0 : i32
        %while3A_285 = arith.subi %squeeze3A, %while3A_284 : i32
        %while3A_286 = arith.addi %while3A_284, %while3A_285 : i32
        %while3A_287 = arith.constant 1 : i32
        %while3A_288 = arith.divsi %while3A_285, %while3A_287 : i32
        %while3A_289 = arith.muli %while3A_288, %while3A_287 : i32
        %while3A_290 = arith.addi %while3A_284, %while3A_289 : i32
        %while3A_291 = arith.constant 1 : i32
        %while3A_292:2 = scf.for %while3A_295 = %while3A_284 to %while3A_290 step %while3A_291 iter_args(%while3A_296 = %while3A_257, %while3A_297 = %and3A_283) -> (i32, vector<16xi1>)  : i32 {
          %all_reduce_ffs3A = tpu.all_reduce %while3A_297 {dim = 0 : i64, kind = #tpu.reduction_kind<find_first_set>} : vector<16xi1> -> vector<16xi32>
          %slice3A_298 = vector.extract_strided_slice %all_reduce_ffs3A {offsets = [0], sizes = [1], strides = [1]} : vector<16xi32> to vector<1xi32>
          %squeeze3A_299 = vector.extract %slice3A_298[0] : i32 from vector<1xi32>
          %broadcast_in_dim3A = vector.broadcast %squeeze3A_299 : i32 to vector<16xi32>
          %broadcast_in_dim3A_300 = vector.shape_cast %broadcast_in_dim3A : vector<16xi32> to vector<16x1xi32>
          %gather3A = vector.shape_cast %broadcast_in_dim3A_300 : vector<16x1xi32> to vector<16xi32>
          %gather3A_301 = tpu.dynamic_gather %and3A_266[%gather3A] in [0] : vector<16xi32>, vector<16xi32> -> vector<16xi32>
          %slice3A_302 = vector.extract_strided_slice %gather3A_301 {offsets = [0], sizes = [1], strides = [1]} : vector<16xi32> to vector<1xi32>
          %squeeze3A_303 = vector.extract %slice3A_302[0] : i32 from vector<1xi32>
          %broadcast_in_dim3A_304 = vector.broadcast %squeeze3A_299 : i32 to vector<16xi32>
          %broadcast_in_dim3A_305 = vector.shape_cast %broadcast_in_dim3A_304 : vector<16xi32> to vector<16x1xi32>
          %gather3A_306 = vector.shape_cast %broadcast_in_dim3A_305 : vector<16x1xi32> to vector<16xi32>
          %gather3A_307 = tpu.dynamic_gather %get3A_260[%gather3A_306] in [0] : vector<16xi32>, vector<16xi32> -> vector<16xi32>
          %slice3A_308 = vector.extract_strided_slice %gather3A_307 {offsets = [0], sizes = [1], strides = [1]} : vector<16xi32> to vector<1xi32>
          %squeeze3A_309 = vector.extract %slice3A_308[0] : i32 from vector<1xi32>
          %and3A_310 = arith.constant 511 : i32
          %and3A_311 = arith.andi %squeeze3A_309, %and3A_310 : i32
          %broadcast_in_dim3A_312 = vector.broadcast %and3A_311 : i32 to vector<16xi32>
          %gather3A_313 = tpu.vector_load_idx %arg14[%iota3A, %broadcast_in_dim3A_312] : memref<32x512xf32, #tpu.memory_space<vmem>>[vector<16xi32>, vector<16xi32>], vector<16xf32>,
          %gather3A_314 = tpu.vector_load_idx %arg14[%add3A_3, %broadcast_in_dim3A_312] : memref<32x512xf32, #tpu.memory_space<vmem>>[vector<16xi32>, vector<16xi32>], vector<16xf32>,
          %min3A_315 = arith.constant 767 : i32
          %min3A_316 = arith.minsi %while3A_296, %min3A_315 : i32
          %mul3A_317 = arith.constant 32 : i32
          %mul3A_318 = arith.muli %min3A_316, %mul3A_317 : i32
          %swap3A = arith.index_cast %mul3A_318 : i32 to index
          %swap3A_319 = tpu.vector_load %arg23[%swap3A] {strides = array<i32>} : memref<24576xf32, #tpu.memory_space<vmem>>, vector<16xf32>,
          tpu.vector_store %arg23[%swap3A], %gather3A_313 {strides = array<i32>} : memref<24576xf32, #tpu.memory_space<vmem>>, vector<16xf32>,
          %add3A_320 = arith.constant 16 : i32
          %add3A_321 = arith.addi %mul3A_318, %add3A_320 : i32
          %swap3A_322 = arith.index_cast %add3A_321 : i32 to index
          %swap3A_323 = tpu.vector_load %arg23[%swap3A_322] {strides = array<i32>} : memref<24576xf32, #tpu.memory_space<vmem>>, vector<16xf32>,
          tpu.vector_store %arg23[%swap3A_322], %gather3A_314 {strides = array<i32>} : memref<24576xf32, #tpu.memory_space<vmem>>, vector<16xf32>,
          %mul3A_324 = arith.constant 32 : i32
          %mul3A_325 = arith.muli %squeeze3A_303, %mul3A_324 : i32
          %dma_start3A = tpu.memref_slice %arg23[%mul3A_318] : memref<24576xf32, #tpu.memory_space<vmem>> -> memref<32xf32, #tpu.memory_space<vmem>>
          %dma_start3A_326 = tpu.memref_slice %arg11[%mul3A_325] : memref<524288xf32, #tpu.memory_space<hbm>> -> memref<32xf32, #tpu.memory_space<hbm>>
          %dma_start3A_327 = tpu.memref_slice %arg11[%mul3A_325] : memref<524288xf32, #tpu.memory_space<hbm>> -> memref<32xf32, #tpu.memory_space<hbm>>
          %dma_start3A_328 = tpu.memref_slice %arg23[%mul3A_318] : memref<24576xf32, #tpu.memory_space<vmem>> -> memref<32xf32, #tpu.memory_space<vmem>>
          tpu.enqueue_dma source(%dma_start3A_328 : memref<32xf32, #tpu.memory_space<vmem>>) target(%dma_start3A_327 : memref<32xf32, #tpu.memory_space<hbm>>) target_semaphore(%arg27 : memref<!tpu.dma_semaphore, #tpu.memory_space<semaphore_mem>>)
          %add3A_329 = arith.constant 1 : i32
          %add3A_330 = arith.addi %while3A_296, %add3A_329 : i32
          %ne3A = vector.broadcast %squeeze3A_299 : i32 to vector<16xi32>
          %ne3A_331 = arith.cmpi ne, %iota3A, %ne3A : vector<16xi32>
          %and3A_332 = arith.andi %while3A_297, %ne3A_331 : vector<16xi1>
          scf.yield %add3A_330, %and3A_332 : i32, vector<16xi1>
        }
        %while3A_293 = arith.constant 1 : i32
        %while3A_294:2 = scf.for %while3A_295 = %while3A_290 to %while3A_286 step %while3A_293 iter_args(%while3A_296 = %while3A_292#0, %while3A_297 = %while3A_292#1) -> (i32, vector<16xi1>)  : i32 {
          %all_reduce_ffs3A = tpu.all_reduce %while3A_297 {dim = 0 : i64, kind = #tpu.reduction_kind<find_first_set>} : vector<16xi1> -> vector<16xi32>
          %slice3A_298 = vector.extract_strided_slice %all_reduce_ffs3A {offsets = [0], sizes = [1], strides = [1]} : vector<16xi32> to vector<1xi32>
          %squeeze3A_299 = vector.extract %slice3A_298[0] : i32 from vector<1xi32>
          %broadcast_in_dim3A = vector.broadcast %squeeze3A_299 : i32 to vector<16xi32>
          %broadcast_in_dim3A_300 = vector.shape_cast %broadcast_in_dim3A : vector<16xi32> to vector<16x1xi32>
          %gather3A = vector.shape_cast %broadcast_in_dim3A_300 : vector<16x1xi32> to vector<16xi32>
          %gather3A_301 = tpu.dynamic_gather %and3A_266[%gather3A] in [0] : vector<16xi32>, vector<16xi32> -> vector<16xi32>
          %slice3A_302 = vector.extract_strided_slice %gather3A_301 {offsets = [0], sizes = [1], strides = [1]} : vector<16xi32> to vector<1xi32>
          %squeeze3A_303 = vector.extract %slice3A_302[0] : i32 from vector<1xi32>
          %broadcast_in_dim3A_304 = vector.broadcast %squeeze3A_299 : i32 to vector<16xi32>
          %broadcast_in_dim3A_305 = vector.shape_cast %broadcast_in_dim3A_304 : vector<16xi32> to vector<16x1xi32>
          %gather3A_306 = vector.shape_cast %broadcast_in_dim3A_305 : vector<16x1xi32> to vector<16xi32>
          %gather3A_307 = tpu.dynamic_gather %get3A_260[%gather3A_306] in [0] : vector<16xi32>, vector<16xi32> -> vector<16xi32>
          %slice3A_308 = vector.extract_strided_slice %gather3A_307 {offsets = [0], sizes = [1], strides = [1]} : vector<16xi32> to vector<1xi32>
          %squeeze3A_309 = vector.extract %slice3A_308[0] : i32 from vector<1xi32>
          %and3A_310 = arith.constant 511 : i32
          %and3A_311 = arith.andi %squeeze3A_309, %and3A_310 : i32
          %broadcast_in_dim3A_312 = vector.broadcast %and3A_311 : i32 to vector<16xi32>
          %gather3A_313 = tpu.vector_load_idx %arg14[%iota3A, %broadcast_in_dim3A_312] : memref<32x512xf32, #tpu.memory_space<vmem>>[vector<16xi32>, vector<16xi32>], vector<16xf32>,
          %gather3A_314 = tpu.vector_load_idx %arg14[%add3A_3, %broadcast_in_dim3A_312] : memref<32x512xf32, #tpu.memory_space<vmem>>[vector<16xi32>, vector<16xi32>], vector<16xf32>,
          %min3A_315 = arith.constant 767 : i32
          %min3A_316 = arith.minsi %while3A_296, %min3A_315 : i32
          %mul3A_317 = arith.constant 32 : i32
          %mul3A_318 = arith.muli %min3A_316, %mul3A_317 : i32
          %swap3A = arith.index_cast %mul3A_318 : i32 to index
          %swap3A_319 = tpu.vector_load %arg23[%swap3A] {strides = array<i32>} : memref<24576xf32, #tpu.memory_space<vmem>>, vector<16xf32>,
          tpu.vector_store %arg23[%swap3A], %gather3A_313 {strides = array<i32>} : memref<24576xf32, #tpu.memory_space<vmem>>, vector<16xf32>,
          %add3A_320 = arith.constant 16 : i32
          %add3A_321 = arith.addi %mul3A_318, %add3A_320 : i32
          %swap3A_322 = arith.index_cast %add3A_321 : i32 to index
          %swap3A_323 = tpu.vector_load %arg23[%swap3A_322] {strides = array<i32>} : memref<24576xf32, #tpu.memory_space<vmem>>, vector<16xf32>,
          tpu.vector_store %arg23[%swap3A_322], %gather3A_314 {strides = array<i32>} : memref<24576xf32, #tpu.memory_space<vmem>>, vector<16xf32>,
          %mul3A_324 = arith.constant 32 : i32
          %mul3A_325 = arith.muli %squeeze3A_303, %mul3A_324 : i32
          %dma_start3A = tpu.memref_slice %arg23[%mul3A_318] : memref<24576xf32, #tpu.memory_space<vmem>> -> memref<32xf32, #tpu.memory_space<vmem>>
          %dma_start3A_326 = tpu.memref_slice %arg11[%mul3A_325] : memref<524288xf32, #tpu.memory_space<hbm>> -> memref<32xf32, #tpu.memory_space<hbm>>
          %dma_start3A_327 = tpu.memref_slice %arg11[%mul3A_325] : memref<524288xf32, #tpu.memory_space<hbm>> -> memref<32xf32, #tpu.memory_space<hbm>>
          %dma_start3A_328 = tpu.memref_slice %arg23[%mul3A_318] : memref<24576xf32, #tpu.memory_space<vmem>> -> memref<32xf32, #tpu.memory_space<vmem>>
          tpu.enqueue_dma source(%dma_start3A_328 : memref<32xf32, #tpu.memory_space<vmem>>) target(%dma_start3A_327 : memref<32xf32, #tpu.memory_space<hbm>>) target_semaphore(%arg27 : memref<!tpu.dma_semaphore, #tpu.memory_space<semaphore_mem>>)
          %add3A_329 = arith.constant 1 : i32
          %add3A_330 = arith.addi %while3A_296, %add3A_329 : i32
          %ne3A = vector.broadcast %squeeze3A_299 : i32 to vector<16xi32>
          %ne3A_331 = arith.cmpi ne, %iota3A, %ne3A : vector<16xi32>
          %and3A_332 = arith.andi %while3A_297, %ne3A_331 : vector<16xi1>
          scf.yield %add3A_330, %and3A_332 : i32, vector<16xi1>
        }
        scf.yield %while3A_294#0 : i32
      }
      %mul3A_211 = arith.constant 3 : i32
      %mul3A_212 = arith.muli %mul3A_211, %scan3A_119 : i32
      %add3A_213 = arith.constant 2 : i32
      %add3A_214 = arith.addi %mul3A_212, %add3A_213 : i32
      %mul3A_215 = arith.constant 32 : i32
      %mul3A_216 = arith.muli %add3A_214, %mul3A_215 : i32
      %add3A_217 = arith.addi %add3A, %mul3A_216 : i32
      %mul3A_218 = arith.constant 3 : i32
      %mul3A_219 = arith.muli %mul3A_218, %scan3A_119 : i32
      %add3A_220 = arith.constant 2 : i32
      %add3A_221 = arith.addi %mul3A_219, %add3A_220 : i32
      %add3A_222 = arith.constant 2 : i32
      %add3A_223 = arith.addi %add3A_221, %add3A_222 : i32
      %mul3A_224 = arith.constant 32 : i32
      %mul3A_225 = arith.muli %add3A_223, %mul3A_224 : i32
      %add3A_226 = arith.addi %add3A, %mul3A_225 : i32
      %lt3A_227 = arith.constant 195 : i32
      %lt3A_228 = arith.cmpi slt, %add3A_226, %lt3A_227 : i32
      %convert_element_type3A_229 = arith.extui %lt3A_228 : i1 to i32
      %cond3A_230 = arith.constant 0 : i32
      %cond3A_231 = arith.cmpi ne, %convert_element_type3A_229, %cond3A_230 : i32
      scf.if %cond3A_231 {
        %mul3A_256 = arith.constant 512 : i32
        %mul3A_257 = arith.muli %add3A_226, %mul3A_256 : i32
        %dma_start3A = arith.constant 0 : i32
        %dma_start3A_258 = tpu.memref_slice %arg5[%dma_start3A, %mul3A_257] : memref<32x100000xf32, #tpu.memory_space<hbm>> -> memref<32x512xf32, #tpu.memory_space<hbm>>
        %dma_start3A_259 = arith.constant 0 : i32
        %dma_start3A_260 = tpu.memref_slice %arg5[%dma_start3A_259, %mul3A_257] : memref<32x100000xf32, #tpu.memory_space<hbm>> -> memref<32x512xf32, #tpu.memory_space<hbm>>
        tpu.enqueue_dma source(%dma_start3A_260 : memref<32x512xf32, #tpu.memory_space<hbm>>) target(%arg14 : memref<32x512xf32, #tpu.memory_space<vmem>>) target_semaphore(%arg25 : memref<!tpu.dma_semaphore, #tpu.memory_space<semaphore_mem>>)
      } else {
      }
      %lt3A_232 = arith.constant 195 : i32
      %lt3A_233 = arith.cmpi slt, %add3A_217, %lt3A_232 : i32
      %convert_element_type3A_234 = arith.extui %lt3A_233 : i1 to i32
      %cond3A_235 = arith.constant 0 : i32
      %cond3A_236 = arith.cmpi ne, %convert_element_type3A_234, %cond3A_235 : i32
      scf.if %cond3A_236 {
        %dma_wait3A = arith.constant 0 : i32
        %dma_wait3A_256 = arith.constant 0 : i32
        %dma_wait3A_257 = tpu.memref_slice %arg5[%dma_wait3A, %dma_wait3A_256] : memref<32x100000xf32, #tpu.memory_space<hbm>> -> memref<32x512xf32, #tpu.memory_space<hbm>>
        %dma_wait3A_258 = arith.constant 0 : i32
        %dma_wait3A_259 = arith.constant 0 : i32
        %dma_wait3A_260 = tpu.memref_slice %arg5[%dma_wait3A_258, %dma_wait3A_259] : memref<32x100000xf32, #tpu.memory_space<hbm>> -> memref<32x512xf32, #tpu.memory_space<hbm>>
        tpu.wait_dma2 semaphore(%arg26 : memref<!tpu.dma_semaphore, #tpu.memory_space<semaphore_mem>>) src(%dma_wait3A_260 : memref<32x512xf32, #tpu.memory_space<hbm>>) dst(%arg15 : memref<32x512xf32, #tpu.memory_space<vmem>>)
      } else {
      }
      %lt3A_237 = arith.constant 195 : i32
      %lt3A_238 = arith.cmpi slt, %add3A_217, %lt3A_237 : i32
      %add3A_239 = arith.constant 16 : i32
      %add3A_240 = arith.addi %min3A_28, %add3A_239 : i32
      %sub3A_241 = arith.constant 1 : i32
      %sub3A_242 = arith.subi %add3A_240, %sub3A_241 : i32
      %shift_right_logical3A_243 = arith.constant 4 : i32
      %shift_right_logical3A_244 = arith.shrui %sub3A_242, %shift_right_logical3A_243 : i32
      %while3A_245 = arith.constant 0 : i32
      %while3A_246 = arith.subi %shift_right_logical3A_244, %while3A_245 : i32
      %while3A_247 = arith.addi %while3A_245, %while3A_246 : i32
      %while3A_248 = arith.constant 1 : i32
      %while3A_249 = arith.divsi %while3A_246, %while3A_248 : i32
      %while3A_250 = arith.muli %while3A_249, %while3A_248 : i32
      %while3A_251 = arith.addi %while3A_245, %while3A_250 : i32
      %while3A_252 = arith.constant 1 : i32
      %while3A_253 = scf.for %while3A_256 = %while3A_245 to %while3A_251 step %while3A_252 iter_args(%while3A_257 = %while3A_210) -> (i32)  : i32 {
        %mul3A_258 = arith.constant 16 : i32
        %mul3A_259 = arith.muli %while3A_256, %mul3A_258 : i32
        %get3A = arith.index_cast %mul3A_259 : i32 to index
        %get3A_260 = tpu.vector_load %arg21[%get3A] {strides = array<i32>} : memref<768xi32, #tpu.memory_space<vmem>>, vector<16xi32>,
        %mul3A_261 = arith.constant 16 : i32
        %mul3A_262 = arith.muli %while3A_256, %mul3A_261 : i32
        %get3A_263 = arith.index_cast %mul3A_262 : i32 to index
        %get3A_264 = tpu.vector_load %arg22[%get3A_263] {strides = array<i32>} : memref<768xi32, #tpu.memory_space<vmem>>, vector<16xi32>,
        %and3A = arith.constant 16383 : i32
        %and3A_265 = vector.broadcast %and3A : i32 to vector<16xi32>
        %and3A_266 = arith.andi %get3A_264, %and3A_265 : vector<16xi32>
        %shift_right_logical3A_267 = arith.constant 9 : i32
        %shift_right_logical3A_268 = vector.broadcast %shift_right_logical3A_267 : i32 to vector<16xi32>
        %shift_right_logical3A_269 = arith.shrui %get3A_260, %shift_right_logical3A_268 : vector<16xi32>
        %and3A_270 = arith.constant 2047 : i32
        %and3A_271 = vector.broadcast %and3A_270 : i32 to vector<16xi32>
        %and3A_272 = arith.andi %shift_right_logical3A_269, %and3A_271 : vector<16xi32>
        %mul3A_273 = arith.constant 16 : i32
        %mul3A_274 = arith.muli %while3A_256, %mul3A_273 : i32
        %add3A_275 = vector.broadcast %mul3A_274 : i32 to vector<16xi32>
        %add3A_276 = arith.addi %add3A_275, %iota3A : vector<16xi32>
        %lt3A_277 = vector.broadcast %min3A_28 : i32 to vector<16xi32>
        %lt3A_278 = arith.cmpi slt, %add3A_276, %lt3A_277 : vector<16xi32>
        %eq3A_279 = vector.broadcast %add3A_217 : i32 to vector<16xi32>
        %eq3A_280 = arith.cmpi eq, %and3A_272, %eq3A_279 : vector<16xi32>
        %and3A_281 = arith.andi %eq3A_280, %lt3A_278 : vector<16xi1>
        %and3A_282 = vector.broadcast %lt3A_238 : i1 to vector<16xi1>
        %and3A_283 = arith.andi %and3A_281, %and3A_282 : vector<16xi1>
        %all_reduce_population_count3A = tpu.all_reduce %and3A_283 {dim = 0 : i64, kind = #tpu.reduction_kind<sum>} : vector<16xi1> -> vector<16xi32>
        %slice3A = vector.extract_strided_slice %all_reduce_population_count3A {offsets = [0], sizes = [1], strides = [1]} : vector<16xi32> to vector<1xi32>
        %squeeze3A = vector.extract %slice3A[0] : i32 from vector<1xi32>
        %while3A_284 = arith.constant 0 : i32
        %while3A_285 = arith.subi %squeeze3A, %while3A_284 : i32
        %while3A_286 = arith.addi %while3A_284, %while3A_285 : i32
        %while3A_287 = arith.constant 1 : i32
        %while3A_288 = arith.divsi %while3A_285, %while3A_287 : i32
        %while3A_289 = arith.muli %while3A_288, %while3A_287 : i32
        %while3A_290 = arith.addi %while3A_284, %while3A_289 : i32
        %while3A_291 = arith.constant 1 : i32
        %while3A_292:2 = scf.for %while3A_295 = %while3A_284 to %while3A_290 step %while3A_291 iter_args(%while3A_296 = %while3A_257, %while3A_297 = %and3A_283) -> (i32, vector<16xi1>)  : i32 {
          %all_reduce_ffs3A = tpu.all_reduce %while3A_297 {dim = 0 : i64, kind = #tpu.reduction_kind<find_first_set>} : vector<16xi1> -> vector<16xi32>
          %slice3A_298 = vector.extract_strided_slice %all_reduce_ffs3A {offsets = [0], sizes = [1], strides = [1]} : vector<16xi32> to vector<1xi32>
          %squeeze3A_299 = vector.extract %slice3A_298[0] : i32 from vector<1xi32>
          %broadcast_in_dim3A = vector.broadcast %squeeze3A_299 : i32 to vector<16xi32>
          %broadcast_in_dim3A_300 = vector.shape_cast %broadcast_in_dim3A : vector<16xi32> to vector<16x1xi32>
          %gather3A = vector.shape_cast %broadcast_in_dim3A_300 : vector<16x1xi32> to vector<16xi32>
          %gather3A_301 = tpu.dynamic_gather %and3A_266[%gather3A] in [0] : vector<16xi32>, vector<16xi32> -> vector<16xi32>
          %slice3A_302 = vector.extract_strided_slice %gather3A_301 {offsets = [0], sizes = [1], strides = [1]} : vector<16xi32> to vector<1xi32>
          %squeeze3A_303 = vector.extract %slice3A_302[0] : i32 from vector<1xi32>
          %broadcast_in_dim3A_304 = vector.broadcast %squeeze3A_299 : i32 to vector<16xi32>
          %broadcast_in_dim3A_305 = vector.shape_cast %broadcast_in_dim3A_304 : vector<16xi32> to vector<16x1xi32>
          %gather3A_306 = vector.shape_cast %broadcast_in_dim3A_305 : vector<16x1xi32> to vector<16xi32>
          %gather3A_307 = tpu.dynamic_gather %get3A_260[%gather3A_306] in [0] : vector<16xi32>, vector<16xi32> -> vector<16xi32>
          %slice3A_308 = vector.extract_strided_slice %gather3A_307 {offsets = [0], sizes = [1], strides = [1]} : vector<16xi32> to vector<1xi32>
          %squeeze3A_309 = vector.extract %slice3A_308[0] : i32 from vector<1xi32>
          %and3A_310 = arith.constant 511 : i32
          %and3A_311 = arith.andi %squeeze3A_309, %and3A_310 : i32
          %broadcast_in_dim3A_312 = vector.broadcast %and3A_311 : i32 to vector<16xi32>
          %gather3A_313 = tpu.vector_load_idx %arg15[%iota3A, %broadcast_in_dim3A_312] : memref<32x512xf32, #tpu.memory_space<vmem>>[vector<16xi32>, vector<16xi32>], vector<16xf32>,
          %gather3A_314 = tpu.vector_load_idx %arg15[%add3A_3, %broadcast_in_dim3A_312] : memref<32x512xf32, #tpu.memory_space<vmem>>[vector<16xi32>, vector<16xi32>], vector<16xf32>,
          %min3A_315 = arith.constant 767 : i32
          %min3A_316 = arith.minsi %while3A_296, %min3A_315 : i32
          %mul3A_317 = arith.constant 32 : i32
          %mul3A_318 = arith.muli %min3A_316, %mul3A_317 : i32
          %swap3A = arith.index_cast %mul3A_318 : i32 to index
          %swap3A_319 = tpu.vector_load %arg23[%swap3A] {strides = array<i32>} : memref<24576xf32, #tpu.memory_space<vmem>>, vector<16xf32>,
          tpu.vector_store %arg23[%swap3A], %gather3A_313 {strides = array<i32>} : memref<24576xf32, #tpu.memory_space<vmem>>, vector<16xf32>,
          %add3A_320 = arith.constant 16 : i32
          %add3A_321 = arith.addi %mul3A_318, %add3A_320 : i32
          %swap3A_322 = arith.index_cast %add3A_321 : i32 to index
          %swap3A_323 = tpu.vector_load %arg23[%swap3A_322] {strides = array<i32>} : memref<24576xf32, #tpu.memory_space<vmem>>, vector<16xf32>,
          tpu.vector_store %arg23[%swap3A_322], %gather3A_314 {strides = array<i32>} : memref<24576xf32, #tpu.memory_space<vmem>>, vector<16xf32>,
          %mul3A_324 = arith.constant 32 : i32
          %mul3A_325 = arith.muli %squeeze3A_303, %mul3A_324 : i32
          %dma_start3A = tpu.memref_slice %arg23[%mul3A_318] : memref<24576xf32, #tpu.memory_space<vmem>> -> memref<32xf32, #tpu.memory_space<vmem>>
          %dma_start3A_326 = tpu.memref_slice %arg11[%mul3A_325] : memref<524288xf32, #tpu.memory_space<hbm>> -> memref<32xf32, #tpu.memory_space<hbm>>
          %dma_start3A_327 = tpu.memref_slice %arg11[%mul3A_325] : memref<524288xf32, #tpu.memory_space<hbm>> -> memref<32xf32, #tpu.memory_space<hbm>>
          %dma_start3A_328 = tpu.memref_slice %arg23[%mul3A_318] : memref<24576xf32, #tpu.memory_space<vmem>> -> memref<32xf32, #tpu.memory_space<vmem>>
          tpu.enqueue_dma source(%dma_start3A_328 : memref<32xf32, #tpu.memory_space<vmem>>) target(%dma_start3A_327 : memref<32xf32, #tpu.memory_space<hbm>>) target_semaphore(%arg27 : memref<!tpu.dma_semaphore, #tpu.memory_space<semaphore_mem>>)
          %add3A_329 = arith.constant 1 : i32
          %add3A_330 = arith.addi %while3A_296, %add3A_329 : i32
          %ne3A = vector.broadcast %squeeze3A_299 : i32 to vector<16xi32>
          %ne3A_331 = arith.cmpi ne, %iota3A, %ne3A : vector<16xi32>
          %and3A_332 = arith.andi %while3A_297, %ne3A_331 : vector<16xi1>
          scf.yield %add3A_330, %and3A_332 : i32, vector<16xi1>
        }
        %while3A_293 = arith.constant 1 : i32
        %while3A_294:2 = scf.for %while3A_295 = %while3A_290 to %while3A_286 step %while3A_293 iter_args(%while3A_296 = %while3A_292#0, %while3A_297 = %while3A_292#1) -> (i32, vector<16xi1>)  : i32 {
          %all_reduce_ffs3A = tpu.all_reduce %while3A_297 {dim = 0 : i64, kind = #tpu.reduction_kind<find_first_set>} : vector<16xi1> -> vector<16xi32>
          %slice3A_298 = vector.extract_strided_slice %all_reduce_ffs3A {offsets = [0], sizes = [1], strides = [1]} : vector<16xi32> to vector<1xi32>
          %squeeze3A_299 = vector.extract %slice3A_298[0] : i32 from vector<1xi32>
          %broadcast_in_dim3A = vector.broadcast %squeeze3A_299 : i32 to vector<16xi32>
          %broadcast_in_dim3A_300 = vector.shape_cast %broadcast_in_dim3A : vector<16xi32> to vector<16x1xi32>
          %gather3A = vector.shape_cast %broadcast_in_dim3A_300 : vector<16x1xi32> to vector<16xi32>
          %gather3A_301 = tpu.dynamic_gather %and3A_266[%gather3A] in [0] : vector<16xi32>, vector<16xi32> -> vector<16xi32>
          %slice3A_302 = vector.extract_strided_slice %gather3A_301 {offsets = [0], sizes = [1], strides = [1]} : vector<16xi32> to vector<1xi32>
          %squeeze3A_303 = vector.extract %slice3A_302[0] : i32 from vector<1xi32>
          %broadcast_in_dim3A_304 = vector.broadcast %squeeze3A_299 : i32 to vector<16xi32>
          %broadcast_in_dim3A_305 = vector.shape_cast %broadcast_in_dim3A_304 : vector<16xi32> to vector<16x1xi32>
          %gather3A_306 = vector.shape_cast %broadcast_in_dim3A_305 : vector<16x1xi32> to vector<16xi32>
          %gather3A_307 = tpu.dynamic_gather %get3A_260[%gather3A_306] in [0] : vector<16xi32>, vector<16xi32> -> vector<16xi32>
          %slice3A_308 = vector.extract_strided_slice %gather3A_307 {offsets = [0], sizes = [1], strides = [1]} : vector<16xi32> to vector<1xi32>
          %squeeze3A_309 = vector.extract %slice3A_308[0] : i32 from vector<1xi32>
          %and3A_310 = arith.constant 511 : i32
          %and3A_311 = arith.andi %squeeze3A_309, %and3A_310 : i32
          %broadcast_in_dim3A_312 = vector.broadcast %and3A_311 : i32 to vector<16xi32>
          %gather3A_313 = tpu.vector_load_idx %arg15[%iota3A, %broadcast_in_dim3A_312] : memref<32x512xf32, #tpu.memory_space<vmem>>[vector<16xi32>, vector<16xi32>], vector<16xf32>,
          %gather3A_314 = tpu.vector_load_idx %arg15[%add3A_3, %broadcast_in_dim3A_312] : memref<32x512xf32, #tpu.memory_space<vmem>>[vector<16xi32>, vector<16xi32>], vector<16xf32>,
          %min3A_315 = arith.constant 767 : i32
          %min3A_316 = arith.minsi %while3A_296, %min3A_315 : i32
          %mul3A_317 = arith.constant 32 : i32
          %mul3A_318 = arith.muli %min3A_316, %mul3A_317 : i32
          %swap3A = arith.index_cast %mul3A_318 : i32 to index
          %swap3A_319 = tpu.vector_load %arg23[%swap3A] {strides = array<i32>} : memref<24576xf32, #tpu.memory_space<vmem>>, vector<16xf32>,
          tpu.vector_store %arg23[%swap3A], %gather3A_313 {strides = array<i32>} : memref<24576xf32, #tpu.memory_space<vmem>>, vector<16xf32>,
          %add3A_320 = arith.constant 16 : i32
          %add3A_321 = arith.addi %mul3A_318, %add3A_320 : i32
          %swap3A_322 = arith.index_cast %add3A_321 : i32 to index
          %swap3A_323 = tpu.vector_load %arg23[%swap3A_322] {strides = array<i32>} : memref<24576xf32, #tpu.memory_space<vmem>>, vector<16xf32>,
          tpu.vector_store %arg23[%swap3A_322], %gather3A_314 {strides = array<i32>} : memref<24576xf32, #tpu.memory_space<vmem>>, vector<16xf32>,
          %mul3A_324 = arith.constant 32 : i32
          %mul3A_325 = arith.muli %squeeze3A_303, %mul3A_324 : i32
          %dma_start3A = tpu.memref_slice %arg23[%mul3A_318] : memref<24576xf32, #tpu.memory_space<vmem>> -> memref<32xf32, #tpu.memory_space<vmem>>
          %dma_start3A_326 = tpu.memref_slice %arg11[%mul3A_325] : memref<524288xf32, #tpu.memory_space<hbm>> -> memref<32xf32, #tpu.memory_space<hbm>>
          %dma_start3A_327 = tpu.memref_slice %arg11[%mul3A_325] : memref<524288xf32, #tpu.memory_space<hbm>> -> memref<32xf32, #tpu.memory_space<hbm>>
          %dma_start3A_328 = tpu.memref_slice %arg23[%mul3A_318] : memref<24576xf32, #tpu.memory_space<vmem>> -> memref<32xf32, #tpu.memory_space<vmem>>
          tpu.enqueue_dma source(%dma_start3A_328 : memref<32xf32, #tpu.memory_space<vmem>>) target(%dma_start3A_327 : memref<32xf32, #tpu.memory_space<hbm>>) target_semaphore(%arg27 : memref<!tpu.dma_semaphore, #tpu.memory_space<semaphore_mem>>)
          %add3A_329 = arith.constant 1 : i32
          %add3A_330 = arith.addi %while3A_296, %add3A_329 : i32
          %ne3A = vector.broadcast %squeeze3A_299 : i32 to vector<16xi32>
          %ne3A_331 = arith.cmpi ne, %iota3A, %ne3A : vector<16xi32>
          %and3A_332 = arith.andi %while3A_297, %ne3A_331 : vector<16xi1>
          scf.yield %add3A_330, %and3A_332 : i32, vector<16xi1>
        }
        scf.yield %while3A_294#0 : i32
      }
      %while3A_254 = arith.constant 1 : i32
      %while3A_255 = scf.for %while3A_256 = %while3A_251 to %while3A_247 step %while3A_254 iter_args(%while3A_257 = %while3A_253) -> (i32)  : i32 {
        %mul3A_258 = arith.constant 16 : i32
        %mul3A_259 = arith.muli %while3A_256, %mul3A_258 : i32
        %get3A = arith.index_cast %mul3A_259 : i32 to index
        %get3A_260 = tpu.vector_load %arg21[%get3A] {strides = array<i32>} : memref<768xi32, #tpu.memory_space<vmem>>, vector<16xi32>,
        %mul3A_261 = arith.constant 16 : i32
        %mul3A_262 = arith.muli %while3A_256, %mul3A_261 : i32
        %get3A_263 = arith.index_cast %mul3A_262 : i32 to index
        %get3A_264 = tpu.vector_load %arg22[%get3A_263] {strides = array<i32>} : memref<768xi32, #tpu.memory_space<vmem>>, vector<16xi32>,
        %and3A = arith.constant 16383 : i32
        %and3A_265 = vector.broadcast %and3A : i32 to vector<16xi32>
        %and3A_266 = arith.andi %get3A_264, %and3A_265 : vector<16xi32>
        %shift_right_logical3A_267 = arith.constant 9 : i32
        %shift_right_logical3A_268 = vector.broadcast %shift_right_logical3A_267 : i32 to vector<16xi32>
        %shift_right_logical3A_269 = arith.shrui %get3A_260, %shift_right_logical3A_268 : vector<16xi32>
        %and3A_270 = arith.constant 2047 : i32
        %and3A_271 = vector.broadcast %and3A_270 : i32 to vector<16xi32>
        %and3A_272 = arith.andi %shift_right_logical3A_269, %and3A_271 : vector<16xi32>
        %mul3A_273 = arith.constant 16 : i32
        %mul3A_274 = arith.muli %while3A_256, %mul3A_273 : i32
        %add3A_275 = vector.broadcast %mul3A_274 : i32 to vector<16xi32>
        %add3A_276 = arith.addi %add3A_275, %iota3A : vector<16xi32>
        %lt3A_277 = vector.broadcast %min3A_28 : i32 to vector<16xi32>
        %lt3A_278 = arith.cmpi slt, %add3A_276, %lt3A_277 : vector<16xi32>
        %eq3A_279 = vector.broadcast %add3A_217 : i32 to vector<16xi32>
        %eq3A_280 = arith.cmpi eq, %and3A_272, %eq3A_279 : vector<16xi32>
        %and3A_281 = arith.andi %eq3A_280, %lt3A_278 : vector<16xi1>
        %and3A_282 = vector.broadcast %lt3A_238 : i1 to vector<16xi1>
        %and3A_283 = arith.andi %and3A_281, %and3A_282 : vector<16xi1>
        %all_reduce_population_count3A = tpu.all_reduce %and3A_283 {dim = 0 : i64, kind = #tpu.reduction_kind<sum>} : vector<16xi1> -> vector<16xi32>
        %slice3A = vector.extract_strided_slice %all_reduce_population_count3A {offsets = [0], sizes = [1], strides = [1]} : vector<16xi32> to vector<1xi32>
        %squeeze3A = vector.extract %slice3A[0] : i32 from vector<1xi32>
        %while3A_284 = arith.constant 0 : i32
        %while3A_285 = arith.subi %squeeze3A, %while3A_284 : i32
        %while3A_286 = arith.addi %while3A_284, %while3A_285 : i32
        %while3A_287 = arith.constant 1 : i32
        %while3A_288 = arith.divsi %while3A_285, %while3A_287 : i32
        %while3A_289 = arith.muli %while3A_288, %while3A_287 : i32
        %while3A_290 = arith.addi %while3A_284, %while3A_289 : i32
        %while3A_291 = arith.constant 1 : i32
        %while3A_292:2 = scf.for %while3A_295 = %while3A_284 to %while3A_290 step %while3A_291 iter_args(%while3A_296 = %while3A_257, %while3A_297 = %and3A_283) -> (i32, vector<16xi1>)  : i32 {
          %all_reduce_ffs3A = tpu.all_reduce %while3A_297 {dim = 0 : i64, kind = #tpu.reduction_kind<find_first_set>} : vector<16xi1> -> vector<16xi32>
          %slice3A_298 = vector.extract_strided_slice %all_reduce_ffs3A {offsets = [0], sizes = [1], strides = [1]} : vector<16xi32> to vector<1xi32>
          %squeeze3A_299 = vector.extract %slice3A_298[0] : i32 from vector<1xi32>
          %broadcast_in_dim3A = vector.broadcast %squeeze3A_299 : i32 to vector<16xi32>
          %broadcast_in_dim3A_300 = vector.shape_cast %broadcast_in_dim3A : vector<16xi32> to vector<16x1xi32>
          %gather3A = vector.shape_cast %broadcast_in_dim3A_300 : vector<16x1xi32> to vector<16xi32>
          %gather3A_301 = tpu.dynamic_gather %and3A_266[%gather3A] in [0] : vector<16xi32>, vector<16xi32> -> vector<16xi32>
          %slice3A_302 = vector.extract_strided_slice %gather3A_301 {offsets = [0], sizes = [1], strides = [1]} : vector<16xi32> to vector<1xi32>
          %squeeze3A_303 = vector.extract %slice3A_302[0] : i32 from vector<1xi32>
          %broadcast_in_dim3A_304 = vector.broadcast %squeeze3A_299 : i32 to vector<16xi32>
          %broadcast_in_dim3A_305 = vector.shape_cast %broadcast_in_dim3A_304 : vector<16xi32> to vector<16x1xi32>
          %gather3A_306 = vector.shape_cast %broadcast_in_dim3A_305 : vector<16x1xi32> to vector<16xi32>
          %gather3A_307 = tpu.dynamic_gather %get3A_260[%gather3A_306] in [0] : vector<16xi32>, vector<16xi32> -> vector<16xi32>
          %slice3A_308 = vector.extract_strided_slice %gather3A_307 {offsets = [0], sizes = [1], strides = [1]} : vector<16xi32> to vector<1xi32>
          %squeeze3A_309 = vector.extract %slice3A_308[0] : i32 from vector<1xi32>
          %and3A_310 = arith.constant 511 : i32
          %and3A_311 = arith.andi %squeeze3A_309, %and3A_310 : i32
          %broadcast_in_dim3A_312 = vector.broadcast %and3A_311 : i32 to vector<16xi32>
          %gather3A_313 = tpu.vector_load_idx %arg15[%iota3A, %broadcast_in_dim3A_312] : memref<32x512xf32, #tpu.memory_space<vmem>>[vector<16xi32>, vector<16xi32>], vector<16xf32>,
          %gather3A_314 = tpu.vector_load_idx %arg15[%add3A_3, %broadcast_in_dim3A_312] : memref<32x512xf32, #tpu.memory_space<vmem>>[vector<16xi32>, vector<16xi32>], vector<16xf32>,
          %min3A_315 = arith.constant 767 : i32
          %min3A_316 = arith.minsi %while3A_296, %min3A_315 : i32
          %mul3A_317 = arith.constant 32 : i32
          %mul3A_318 = arith.muli %min3A_316, %mul3A_317 : i32
          %swap3A = arith.index_cast %mul3A_318 : i32 to index
          %swap3A_319 = tpu.vector_load %arg23[%swap3A] {strides = array<i32>} : memref<24576xf32, #tpu.memory_space<vmem>>, vector<16xf32>,
          tpu.vector_store %arg23[%swap3A], %gather3A_313 {strides = array<i32>} : memref<24576xf32, #tpu.memory_space<vmem>>, vector<16xf32>,
          %add3A_320 = arith.constant 16 : i32
          %add3A_321 = arith.addi %mul3A_318, %add3A_320 : i32
          %swap3A_322 = arith.index_cast %add3A_321 : i32 to index
          %swap3A_323 = tpu.vector_load %arg23[%swap3A_322] {strides = array<i32>} : memref<24576xf32, #tpu.memory_space<vmem>>, vector<16xf32>,
          tpu.vector_store %arg23[%swap3A_322], %gather3A_314 {strides = array<i32>} : memref<24576xf32, #tpu.memory_space<vmem>>, vector<16xf32>,
          %mul3A_324 = arith.constant 32 : i32
          %mul3A_325 = arith.muli %squeeze3A_303, %mul3A_324 : i32
          %dma_start3A = tpu.memref_slice %arg23[%mul3A_318] : memref<24576xf32, #tpu.memory_space<vmem>> -> memref<32xf32, #tpu.memory_space<vmem>>
          %dma_start3A_326 = tpu.memref_slice %arg11[%mul3A_325] : memref<524288xf32, #tpu.memory_space<hbm>> -> memref<32xf32, #tpu.memory_space<hbm>>
          %dma_start3A_327 = tpu.memref_slice %arg11[%mul3A_325] : memref<524288xf32, #tpu.memory_space<hbm>> -> memref<32xf32, #tpu.memory_space<hbm>>
          %dma_start3A_328 = tpu.memref_slice %arg23[%mul3A_318] : memref<24576xf32, #tpu.memory_space<vmem>> -> memref<32xf32, #tpu.memory_space<vmem>>
          tpu.enqueue_dma source(%dma_start3A_328 : memref<32xf32, #tpu.memory_space<vmem>>) target(%dma_start3A_327 : memref<32xf32, #tpu.memory_space<hbm>>) target_semaphore(%arg27 : memref<!tpu.dma_semaphore, #tpu.memory_space<semaphore_mem>>)
          %add3A_329 = arith.constant 1 : i32
          %add3A_330 = arith.addi %while3A_296, %add3A_329 : i32
          %ne3A = vector.broadcast %squeeze3A_299 : i32 to vector<16xi32>
          %ne3A_331 = arith.cmpi ne, %iota3A, %ne3A : vector<16xi32>
          %and3A_332 = arith.andi %while3A_297, %ne3A_331 : vector<16xi1>
          scf.yield %add3A_330, %and3A_332 : i32, vector<16xi1>
        }
        %while3A_293 = arith.constant 1 : i32
        %while3A_294:2 = scf.for %while3A_295 = %while3A_290 to %while3A_286 step %while3A_293 iter_args(%while3A_296 = %while3A_292#0, %while3A_297 = %while3A_292#1) -> (i32, vector<16xi1>)  : i32 {
          %all_reduce_ffs3A = tpu.all_reduce %while3A_297 {dim = 0 : i64, kind = #tpu.reduction_kind<find_first_set>} : vector<16xi1> -> vector<16xi32>
          %slice3A_298 = vector.extract_strided_slice %all_reduce_ffs3A {offsets = [0], sizes = [1], strides = [1]} : vector<16xi32> to vector<1xi32>
          %squeeze3A_299 = vector.extract %slice3A_298[0] : i32 from vector<1xi32>
          %broadcast_in_dim3A = vector.broadcast %squeeze3A_299 : i32 to vector<16xi32>
          %broadcast_in_dim3A_300 = vector.shape_cast %broadcast_in_dim3A : vector<16xi32> to vector<16x1xi32>
          %gather3A = vector.shape_cast %broadcast_in_dim3A_300 : vector<16x1xi32> to vector<16xi32>
          %gather3A_301 = tpu.dynamic_gather %and3A_266[%gather3A] in [0] : vector<16xi32>, vector<16xi32> -> vector<16xi32>
          %slice3A_302 = vector.extract_strided_slice %gather3A_301 {offsets = [0], sizes = [1], strides = [1]} : vector<16xi32> to vector<1xi32>
          %squeeze3A_303 = vector.extract %slice3A_302[0] : i32 from vector<1xi32>
          %broadcast_in_dim3A_304 = vector.broadcast %squeeze3A_299 : i32 to vector<16xi32>
          %broadcast_in_dim3A_305 = vector.shape_cast %broadcast_in_dim3A_304 : vector<16xi32> to vector<16x1xi32>
          %gather3A_306 = vector.shape_cast %broadcast_in_dim3A_305 : vector<16x1xi32> to vector<16xi32>
          %gather3A_307 = tpu.dynamic_gather %get3A_260[%gather3A_306] in [0] : vector<16xi32>, vector<16xi32> -> vector<16xi32>
          %slice3A_308 = vector.extract_strided_slice %gather3A_307 {offsets = [0], sizes = [1], strides = [1]} : vector<16xi32> to vector<1xi32>
          %squeeze3A_309 = vector.extract %slice3A_308[0] : i32 from vector<1xi32>
          %and3A_310 = arith.constant 511 : i32
          %and3A_311 = arith.andi %squeeze3A_309, %and3A_310 : i32
          %broadcast_in_dim3A_312 = vector.broadcast %and3A_311 : i32 to vector<16xi32>
          %gather3A_313 = tpu.vector_load_idx %arg15[%iota3A, %broadcast_in_dim3A_312] : memref<32x512xf32, #tpu.memory_space<vmem>>[vector<16xi32>, vector<16xi32>], vector<16xf32>,
          %gather3A_314 = tpu.vector_load_idx %arg15[%add3A_3, %broadcast_in_dim3A_312] : memref<32x512xf32, #tpu.memory_space<vmem>>[vector<16xi32>, vector<16xi32>], vector<16xf32>,
          %min3A_315 = arith.constant 767 : i32
          %min3A_316 = arith.minsi %while3A_296, %min3A_315 : i32
          %mul3A_317 = arith.constant 32 : i32
          %mul3A_318 = arith.muli %min3A_316, %mul3A_317 : i32
          %swap3A = arith.index_cast %mul3A_318 : i32 to index
          %swap3A_319 = tpu.vector_load %arg23[%swap3A] {strides = array<i32>} : memref<24576xf32, #tpu.memory_space<vmem>>, vector<16xf32>,
          tpu.vector_store %arg23[%swap3A], %gather3A_313 {strides = array<i32>} : memref<24576xf32, #tpu.memory_space<vmem>>, vector<16xf32>,
          %add3A_320 = arith.constant 16 : i32
          %add3A_321 = arith.addi %mul3A_318, %add3A_320 : i32
          %swap3A_322 = arith.index_cast %add3A_321 : i32 to index
          %swap3A_323 = tpu.vector_load %arg23[%swap3A_322] {strides = array<i32>} : memref<24576xf32, #tpu.memory_space<vmem>>, vector<16xf32>,
          tpu.vector_store %arg23[%swap3A_322], %gather3A_314 {strides = array<i32>} : memref<24576xf32, #tpu.memory_space<vmem>>, vector<16xf32>,
          %mul3A_324 = arith.constant 32 : i32
          %mul3A_325 = arith.muli %squeeze3A_303, %mul3A_324 : i32
          %dma_start3A = tpu.memref_slice %arg23[%mul3A_318] : memref<24576xf32, #tpu.memory_space<vmem>> -> memref<32xf32, #tpu.memory_space<vmem>>
          %dma_start3A_326 = tpu.memref_slice %arg11[%mul3A_325] : memref<524288xf32, #tpu.memory_space<hbm>> -> memref<32xf32, #tpu.memory_space<hbm>>
          %dma_start3A_327 = tpu.memref_slice %arg11[%mul3A_325] : memref<524288xf32, #tpu.memory_space<hbm>> -> memref<32xf32, #tpu.memory_space<hbm>>
          %dma_start3A_328 = tpu.memref_slice %arg23[%mul3A_318] : memref<24576xf32, #tpu.memory_space<vmem>> -> memref<32xf32, #tpu.memory_space<vmem>>
          tpu.enqueue_dma source(%dma_start3A_328 : memref<32xf32, #tpu.memory_space<vmem>>) target(%dma_start3A_327 : memref<32xf32, #tpu.memory_space<hbm>>) target_semaphore(%arg27 : memref<!tpu.dma_semaphore, #tpu.memory_space<semaphore_mem>>)
          %add3A_329 = arith.constant 1 : i32
          %add3A_330 = arith.addi %while3A_296, %add3A_329 : i32
          %ne3A = vector.broadcast %squeeze3A_299 : i32 to vector<16xi32>
          %ne3A_331 = arith.cmpi ne, %iota3A, %ne3A : vector<16xi32>
          %and3A_332 = arith.andi %while3A_297, %ne3A_331 : vector<16xi1>
          scf.yield %add3A_330, %and3A_332 : i32, vector<16xi1>
        }
        scf.yield %while3A_294#0 : i32
      }
      scf.yield %while3A_255 : i32
    }
    %scan3A_84 = arith.constant 3 : i32
    %eq3A_85 = arith.constant 3 : i32
    %eq3A_86 = arith.cmpi eq, %add3A, %eq3A_85 : i32
    %convert_element_type3A_87 = arith.extui %eq3A_86 : i1 to i32
    %cond3A_88 = arith.constant 0 : i32
    %cond3A_89 = arith.cmpi ne, %convert_element_type3A_87, %cond3A_88 : i32
    scf.if %cond3A_89 {
      %dma_start3A = arith.constant 0 : i32
      %dma_start3A_119 = arith.constant 0 : i32
      %dma_start3A_120 = tpu.memref_slice %arg13[%dma_start3A, %dma_start3A_119] : memref<32x512xf32, #tpu.memory_space<vmem>> -> memref<32x256xf32, #tpu.memory_space<vmem>>
      %dma_start3A_121 = arith.constant 0 : i32
      %dma_start3A_122 = arith.constant 0 : i32
      %dma_start3A_123 = tpu.memref_slice %arg13[%dma_start3A_121, %dma_start3A_122] : memref<32x512xf32, #tpu.memory_space<vmem>> -> memref<32x256xf32, #tpu.memory_space<vmem>>
      tpu.enqueue_dma source(%arg9 : memref<32x256xf32, #tpu.memory_space<hbm>>) target(%dma_start3A_123 : memref<32x256xf32, #tpu.memory_space<vmem>>) target_semaphore(%arg24 : memref<!tpu.dma_semaphore, #tpu.memory_space<semaphore_mem>>)
      %dma_wait3A = arith.constant 0 : i32
      %dma_wait3A_124 = arith.constant 0 : i32
      %dma_wait3A_125 = tpu.memref_slice %arg13[%dma_wait3A, %dma_wait3A_124] : memref<32x512xf32, #tpu.memory_space<vmem>> -> memref<32x256xf32, #tpu.memory_space<vmem>>
      %dma_wait3A_126 = arith.constant 0 : i32
      %dma_wait3A_127 = arith.constant 0 : i32
      %dma_wait3A_128 = tpu.memref_slice %arg13[%dma_wait3A_126, %dma_wait3A_127] : memref<32x512xf32, #tpu.memory_space<vmem>> -> memref<32x256xf32, #tpu.memory_space<vmem>>
      tpu.wait_dma2 semaphore(%arg24 : memref<!tpu.dma_semaphore, #tpu.memory_space<semaphore_mem>>) src(%arg9 : memref<32x256xf32, #tpu.memory_space<hbm>>) dst(%dma_wait3A_128 : memref<32x256xf32, #tpu.memory_space<vmem>>)
    } else {
    }
    %eq3A_90 = arith.constant 3 : i32
    %eq3A_91 = arith.cmpi eq, %add3A, %eq3A_90 : i32
    %add3A_92 = arith.constant 16 : i32
    %add3A_93 = arith.addi %min3A_28, %add3A_92 : i32
    %sub3A_94 = arith.constant 1 : i32
    %sub3A_95 = arith.subi %add3A_93, %sub3A_94 : i32
    %shift_right_logical3A_96 = arith.constant 4 : i32
    %shift_right_logical3A_97 = arith.shrui %sub3A_95, %shift_right_logical3A_96 : i32
    %while3A_98 = arith.constant 0 : i32
    %while3A_99 = arith.subi %shift_right_logical3A_97, %while3A_98 : i32
    %while3A_100 = arith.addi %while3A_98, %while3A_99 : i32
    %while3A_101 = arith.constant 1 : i32
    %while3A_102 = arith.divsi %while3A_99, %while3A_101 : i32
    %while3A_103 = arith.muli %while3A_102, %while3A_101 : i32
    %while3A_104 = arith.addi %while3A_98, %while3A_103 : i32
    %while3A_105 = arith.constant 1 : i32
    %while3A_106 = scf.for %while3A_119 = %while3A_98 to %while3A_104 step %while3A_105 iter_args(%while3A_120 = %scan3A_83) -> (i32)  : i32 {
      %mul3A_121 = arith.constant 16 : i32
      %mul3A_122 = arith.muli %while3A_119, %mul3A_121 : i32
      %get3A = arith.index_cast %mul3A_122 : i32 to index
      %get3A_123 = tpu.vector_load %arg21[%get3A] {strides = array<i32>} : memref<768xi32, #tpu.memory_space<vmem>>, vector<16xi32>,
      %mul3A_124 = arith.constant 16 : i32
      %mul3A_125 = arith.muli %while3A_119, %mul3A_124 : i32
      %get3A_126 = arith.index_cast %mul3A_125 : i32 to index
      %get3A_127 = tpu.vector_load %arg22[%get3A_126] {strides = array<i32>} : memref<768xi32, #tpu.memory_space<vmem>>, vector<16xi32>,
      %and3A = arith.constant 16383 : i32
      %and3A_128 = vector.broadcast %and3A : i32 to vector<16xi32>
      %and3A_129 = arith.andi %get3A_127, %and3A_128 : vector<16xi32>
      %shift_right_logical3A_130 = arith.constant 9 : i32
      %shift_right_logical3A_131 = vector.broadcast %shift_right_logical3A_130 : i32 to vector<16xi32>
      %shift_right_logical3A_132 = arith.shrui %get3A_123, %shift_right_logical3A_131 : vector<16xi32>
      %and3A_133 = arith.constant 2047 : i32
      %and3A_134 = vector.broadcast %and3A_133 : i32 to vector<16xi32>
      %and3A_135 = arith.andi %shift_right_logical3A_132, %and3A_134 : vector<16xi32>
      %mul3A_136 = arith.constant 16 : i32
      %mul3A_137 = arith.muli %while3A_119, %mul3A_136 : i32
      %add3A_138 = vector.broadcast %mul3A_137 : i32 to vector<16xi32>
      %add3A_139 = arith.addi %add3A_138, %iota3A : vector<16xi32>
      %lt3A_140 = vector.broadcast %min3A_28 : i32 to vector<16xi32>
      %lt3A_141 = arith.cmpi slt, %add3A_139, %lt3A_140 : vector<16xi32>
      %eq3A_142 = arith.constant 195 : i32
      %eq3A_143 = vector.broadcast %eq3A_142 : i32 to vector<16xi32>
      %eq3A_144 = arith.cmpi eq, %and3A_135, %eq3A_143 : vector<16xi32>
      %and3A_145 = arith.andi %eq3A_144, %lt3A_141 : vector<16xi1>
      %and3A_146 = vector.broadcast %eq3A_91 : i1 to vector<16xi1>
      %and3A_147 = arith.andi %and3A_145, %and3A_146 : vector<16xi1>
      %all_reduce_population_count3A = tpu.all_reduce %and3A_147 {dim = 0 : i64, kind = #tpu.reduction_kind<sum>} : vector<16xi1> -> vector<16xi32>
      %slice3A = vector.extract_strided_slice %all_reduce_population_count3A {offsets = [0], sizes = [1], strides = [1]} : vector<16xi32> to vector<1xi32>
      %squeeze3A = vector.extract %slice3A[0] : i32 from vector<1xi32>
      %while3A_148 = arith.constant 0 : i32
      %while3A_149 = arith.subi %squeeze3A, %while3A_148 : i32
      %while3A_150 = arith.addi %while3A_148, %while3A_149 : i32
      %while3A_151 = arith.constant 1 : i32
      %while3A_152 = arith.divsi %while3A_149, %while3A_151 : i32
      %while3A_153 = arith.muli %while3A_152, %while3A_151 : i32
      %while3A_154 = arith.addi %while3A_148, %while3A_153 : i32
      %while3A_155 = arith.constant 1 : i32
      %while3A_156:2 = scf.for %while3A_159 = %while3A_148 to %while3A_154 step %while3A_155 iter_args(%while3A_160 = %while3A_120, %while3A_161 = %and3A_147) -> (i32, vector<16xi1>)  : i32 {
        %all_reduce_ffs3A = tpu.all_reduce %while3A_161 {dim = 0 : i64, kind = #tpu.reduction_kind<find_first_set>} : vector<16xi1> -> vector<16xi32>
        %slice3A_162 = vector.extract_strided_slice %all_reduce_ffs3A {offsets = [0], sizes = [1], strides = [1]} : vector<16xi32> to vector<1xi32>
        %squeeze3A_163 = vector.extract %slice3A_162[0] : i32 from vector<1xi32>
        %broadcast_in_dim3A = vector.broadcast %squeeze3A_163 : i32 to vector<16xi32>
        %broadcast_in_dim3A_164 = vector.shape_cast %broadcast_in_dim3A : vector<16xi32> to vector<16x1xi32>
        %gather3A = vector.shape_cast %broadcast_in_dim3A_164 : vector<16x1xi32> to vector<16xi32>
        %gather3A_165 = tpu.dynamic_gather %and3A_129[%gather3A] in [0] : vector<16xi32>, vector<16xi32> -> vector<16xi32>
        %slice3A_166 = vector.extract_strided_slice %gather3A_165 {offsets = [0], sizes = [1], strides = [1]} : vector<16xi32> to vector<1xi32>
        %squeeze3A_167 = vector.extract %slice3A_166[0] : i32 from vector<1xi32>
        %broadcast_in_dim3A_168 = vector.broadcast %squeeze3A_163 : i32 to vector<16xi32>
        %broadcast_in_dim3A_169 = vector.shape_cast %broadcast_in_dim3A_168 : vector<16xi32> to vector<16x1xi32>
        %gather3A_170 = vector.shape_cast %broadcast_in_dim3A_169 : vector<16x1xi32> to vector<16xi32>
        %gather3A_171 = tpu.dynamic_gather %get3A_123[%gather3A_170] in [0] : vector<16xi32>, vector<16xi32> -> vector<16xi32>
        %slice3A_172 = vector.extract_strided_slice %gather3A_171 {offsets = [0], sizes = [1], strides = [1]} : vector<16xi32> to vector<1xi32>
        %squeeze3A_173 = vector.extract %slice3A_172[0] : i32 from vector<1xi32>
        %and3A_174 = arith.constant 511 : i32
        %and3A_175 = arith.andi %squeeze3A_173, %and3A_174 : i32
        %broadcast_in_dim3A_176 = vector.broadcast %and3A_175 : i32 to vector<16xi32>
        %gather3A_177 = tpu.vector_load_idx %arg13[%iota3A, %broadcast_in_dim3A_176] : memref<32x512xf32, #tpu.memory_space<vmem>>[vector<16xi32>, vector<16xi32>], vector<16xf32>,
        %gather3A_178 = tpu.vector_load_idx %arg13[%add3A_3, %broadcast_in_dim3A_176] : memref<32x512xf32, #tpu.memory_space<vmem>>[vector<16xi32>, vector<16xi32>], vector<16xf32>,
        %min3A_179 = arith.constant 767 : i32
        %min3A_180 = arith.minsi %while3A_160, %min3A_179 : i32
        %mul3A_181 = arith.constant 32 : i32
        %mul3A_182 = arith.muli %min3A_180, %mul3A_181 : i32
        %swap3A = arith.index_cast %mul3A_182 : i32 to index
        %swap3A_183 = tpu.vector_load %arg23[%swap3A] {strides = array<i32>} : memref<24576xf32, #tpu.memory_space<vmem>>, vector<16xf32>,
        tpu.vector_store %arg23[%swap3A], %gather3A_177 {strides = array<i32>} : memref<24576xf32, #tpu.memory_space<vmem>>, vector<16xf32>,
        %add3A_184 = arith.constant 16 : i32
        %add3A_185 = arith.addi %mul3A_182, %add3A_184 : i32
        %swap3A_186 = arith.index_cast %add3A_185 : i32 to index
        %swap3A_187 = tpu.vector_load %arg23[%swap3A_186] {strides = array<i32>} : memref<24576xf32, #tpu.memory_space<vmem>>, vector<16xf32>,
        tpu.vector_store %arg23[%swap3A_186], %gather3A_178 {strides = array<i32>} : memref<24576xf32, #tpu.memory_space<vmem>>, vector<16xf32>,
        %mul3A_188 = arith.constant 32 : i32
        %mul3A_189 = arith.muli %squeeze3A_167, %mul3A_188 : i32
        %dma_start3A = tpu.memref_slice %arg23[%mul3A_182] : memref<24576xf32, #tpu.memory_space<vmem>> -> memref<32xf32, #tpu.memory_space<vmem>>
        %dma_start3A_190 = tpu.memref_slice %arg11[%mul3A_189] : memref<524288xf32, #tpu.memory_space<hbm>> -> memref<32xf32, #tpu.memory_space<hbm>>
        %dma_start3A_191 = tpu.memref_slice %arg11[%mul3A_189] : memref<524288xf32, #tpu.memory_space<hbm>> -> memref<32xf32, #tpu.memory_space<hbm>>
        %dma_start3A_192 = tpu.memref_slice %arg23[%mul3A_182] : memref<24576xf32, #tpu.memory_space<vmem>> -> memref<32xf32, #tpu.memory_space<vmem>>
        tpu.enqueue_dma source(%dma_start3A_192 : memref<32xf32, #tpu.memory_space<vmem>>) target(%dma_start3A_191 : memref<32xf32, #tpu.memory_space<hbm>>) target_semaphore(%arg27 : memref<!tpu.dma_semaphore, #tpu.memory_space<semaphore_mem>>)
        %add3A_193 = arith.constant 1 : i32
        %add3A_194 = arith.addi %while3A_160, %add3A_193 : i32
        %ne3A = vector.broadcast %squeeze3A_163 : i32 to vector<16xi32>
        %ne3A_195 = arith.cmpi ne, %iota3A, %ne3A : vector<16xi32>
        %and3A_196 = arith.andi %while3A_161, %ne3A_195 : vector<16xi1>
        scf.yield %add3A_194, %and3A_196 : i32, vector<16xi1>
      }
      %while3A_157 = arith.constant 1 : i32
      %while3A_158:2 = scf.for %while3A_159 = %while3A_154 to %while3A_150 step %while3A_157 iter_args(%while3A_160 = %while3A_156#0, %while3A_161 = %while3A_156#1) -> (i32, vector<16xi1>)  : i32 {
        %all_reduce_ffs3A = tpu.all_reduce %while3A_161 {dim = 0 : i64, kind = #tpu.reduction_kind<find_first_set>} : vector<16xi1> -> vector<16xi32>
        %slice3A_162 = vector.extract_strided_slice %all_reduce_ffs3A {offsets = [0], sizes = [1], strides = [1]} : vector<16xi32> to vector<1xi32>
        %squeeze3A_163 = vector.extract %slice3A_162[0] : i32 from vector<1xi32>
        %broadcast_in_dim3A = vector.broadcast %squeeze3A_163 : i32 to vector<16xi32>
        %broadcast_in_dim3A_164 = vector.shape_cast %broadcast_in_dim3A : vector<16xi32> to vector<16x1xi32>
        %gather3A = vector.shape_cast %broadcast_in_dim3A_164 : vector<16x1xi32> to vector<16xi32>
        %gather3A_165 = tpu.dynamic_gather %and3A_129[%gather3A] in [0] : vector<16xi32>, vector<16xi32> -> vector<16xi32>
        %slice3A_166 = vector.extract_strided_slice %gather3A_165 {offsets = [0], sizes = [1], strides = [1]} : vector<16xi32> to vector<1xi32>
        %squeeze3A_167 = vector.extract %slice3A_166[0] : i32 from vector<1xi32>
        %broadcast_in_dim3A_168 = vector.broadcast %squeeze3A_163 : i32 to vector<16xi32>
        %broadcast_in_dim3A_169 = vector.shape_cast %broadcast_in_dim3A_168 : vector<16xi32> to vector<16x1xi32>
        %gather3A_170 = vector.shape_cast %broadcast_in_dim3A_169 : vector<16x1xi32> to vector<16xi32>
        %gather3A_171 = tpu.dynamic_gather %get3A_123[%gather3A_170] in [0] : vector<16xi32>, vector<16xi32> -> vector<16xi32>
        %slice3A_172 = vector.extract_strided_slice %gather3A_171 {offsets = [0], sizes = [1], strides = [1]} : vector<16xi32> to vector<1xi32>
        %squeeze3A_173 = vector.extract %slice3A_172[0] : i32 from vector<1xi32>
        %and3A_174 = arith.constant 511 : i32
        %and3A_175 = arith.andi %squeeze3A_173, %and3A_174 : i32
        %broadcast_in_dim3A_176 = vector.broadcast %and3A_175 : i32 to vector<16xi32>
        %gather3A_177 = tpu.vector_load_idx %arg13[%iota3A, %broadcast_in_dim3A_176] : memref<32x512xf32, #tpu.memory_space<vmem>>[vector<16xi32>, vector<16xi32>], vector<16xf32>,
        %gather3A_178 = tpu.vector_load_idx %arg13[%add3A_3, %broadcast_in_dim3A_176] : memref<32x512xf32, #tpu.memory_space<vmem>>[vector<16xi32>, vector<16xi32>], vector<16xf32>,
        %min3A_179 = arith.constant 767 : i32
        %min3A_180 = arith.minsi %while3A_160, %min3A_179 : i32
        %mul3A_181 = arith.constant 32 : i32
        %mul3A_182 = arith.muli %min3A_180, %mul3A_181 : i32
        %swap3A = arith.index_cast %mul3A_182 : i32 to index
        %swap3A_183 = tpu.vector_load %arg23[%swap3A] {strides = array<i32>} : memref<24576xf32, #tpu.memory_space<vmem>>, vector<16xf32>,
        tpu.vector_store %arg23[%swap3A], %gather3A_177 {strides = array<i32>} : memref<24576xf32, #tpu.memory_space<vmem>>, vector<16xf32>,
        %add3A_184 = arith.constant 16 : i32
        %add3A_185 = arith.addi %mul3A_182, %add3A_184 : i32
        %swap3A_186 = arith.index_cast %add3A_185 : i32 to index
        %swap3A_187 = tpu.vector_load %arg23[%swap3A_186] {strides = array<i32>} : memref<24576xf32, #tpu.memory_space<vmem>>, vector<16xf32>,
        tpu.vector_store %arg23[%swap3A_186], %gather3A_178 {strides = array<i32>} : memref<24576xf32, #tpu.memory_space<vmem>>, vector<16xf32>,
        %mul3A_188 = arith.constant 32 : i32
        %mul3A_189 = arith.muli %squeeze3A_167, %mul3A_188 : i32
        %dma_start3A = tpu.memref_slice %arg23[%mul3A_182] : memref<24576xf32, #tpu.memory_space<vmem>> -> memref<32xf32, #tpu.memory_space<vmem>>
        %dma_start3A_190 = tpu.memref_slice %arg11[%mul3A_189] : memref<524288xf32, #tpu.memory_space<hbm>> -> memref<32xf32, #tpu.memory_space<hbm>>
        %dma_start3A_191 = tpu.memref_slice %arg11[%mul3A_189] : memref<524288xf32, #tpu.memory_space<hbm>> -> memref<32xf32, #tpu.memory_space<hbm>>
        %dma_start3A_192 = tpu.memref_slice %arg23[%mul3A_182] : memref<24576xf32, #tpu.memory_space<vmem>> -> memref<32xf32, #tpu.memory_space<vmem>>
        tpu.enqueue_dma source(%dma_start3A_192 : memref<32xf32, #tpu.memory_space<vmem>>) target(%dma_start3A_191 : memref<32xf32, #tpu.memory_space<hbm>>) target_semaphore(%arg27 : memref<!tpu.dma_semaphore, #tpu.memory_space<semaphore_mem>>)
        %add3A_193 = arith.constant 1 : i32
        %add3A_194 = arith.addi %while3A_160, %add3A_193 : i32
        %ne3A = vector.broadcast %squeeze3A_163 : i32 to vector<16xi32>
        %ne3A_195 = arith.cmpi ne, %iota3A, %ne3A : vector<16xi32>
        %and3A_196 = arith.andi %while3A_161, %ne3A_195 : vector<16xi1>
        scf.yield %add3A_194, %and3A_196 : i32, vector<16xi1>
      }
      scf.yield %while3A_158#0 : i32
    }
    %while3A_107 = arith.constant 1 : i32
    %while3A_108 = scf.for %while3A_119 = %while3A_104 to %while3A_100 step %while3A_107 iter_args(%while3A_120 = %while3A_106) -> (i32)  : i32 {
      %mul3A_121 = arith.constant 16 : i32
      %mul3A_122 = arith.muli %while3A_119, %mul3A_121 : i32
      %get3A = arith.index_cast %mul3A_122 : i32 to index
      %get3A_123 = tpu.vector_load %arg21[%get3A] {strides = array<i32>} : memref<768xi32, #tpu.memory_space<vmem>>, vector<16xi32>,
      %mul3A_124 = arith.constant 16 : i32
      %mul3A_125 = arith.muli %while3A_119, %mul3A_124 : i32
      %get3A_126 = arith.index_cast %mul3A_125 : i32 to index
      %get3A_127 = tpu.vector_load %arg22[%get3A_126] {strides = array<i32>} : memref<768xi32, #tpu.memory_space<vmem>>, vector<16xi32>,
      %and3A = arith.constant 16383 : i32
      %and3A_128 = vector.broadcast %and3A : i32 to vector<16xi32>
      %and3A_129 = arith.andi %get3A_127, %and3A_128 : vector<16xi32>
      %shift_right_logical3A_130 = arith.constant 9 : i32
      %shift_right_logical3A_131 = vector.broadcast %shift_right_logical3A_130 : i32 to vector<16xi32>
      %shift_right_logical3A_132 = arith.shrui %get3A_123, %shift_right_logical3A_131 : vector<16xi32>
      %and3A_133 = arith.constant 2047 : i32
      %and3A_134 = vector.broadcast %and3A_133 : i32 to vector<16xi32>
      %and3A_135 = arith.andi %shift_right_logical3A_132, %and3A_134 : vector<16xi32>
      %mul3A_136 = arith.constant 16 : i32
      %mul3A_137 = arith.muli %while3A_119, %mul3A_136 : i32
      %add3A_138 = vector.broadcast %mul3A_137 : i32 to vector<16xi32>
      %add3A_139 = arith.addi %add3A_138, %iota3A : vector<16xi32>
      %lt3A_140 = vector.broadcast %min3A_28 : i32 to vector<16xi32>
      %lt3A_141 = arith.cmpi slt, %add3A_139, %lt3A_140 : vector<16xi32>
      %eq3A_142 = arith.constant 195 : i32
      %eq3A_143 = vector.broadcast %eq3A_142 : i32 to vector<16xi32>
      %eq3A_144 = arith.cmpi eq, %and3A_135, %eq3A_143 : vector<16xi32>
      %and3A_145 = arith.andi %eq3A_144, %lt3A_141 : vector<16xi1>
      %and3A_146 = vector.broadcast %eq3A_91 : i1 to vector<16xi1>
      %and3A_147 = arith.andi %and3A_145, %and3A_146 : vector<16xi1>
      %all_reduce_population_count3A = tpu.all_reduce %and3A_147 {dim = 0 : i64, kind = #tpu.reduction_kind<sum>} : vector<16xi1> -> vector<16xi32>
      %slice3A = vector.extract_strided_slice %all_reduce_population_count3A {offsets = [0], sizes = [1], strides = [1]} : vector<16xi32> to vector<1xi32>
      %squeeze3A = vector.extract %slice3A[0] : i32 from vector<1xi32>
      %while3A_148 = arith.constant 0 : i32
      %while3A_149 = arith.subi %squeeze3A, %while3A_148 : i32
      %while3A_150 = arith.addi %while3A_148, %while3A_149 : i32
      %while3A_151 = arith.constant 1 : i32
      %while3A_152 = arith.divsi %while3A_149, %while3A_151 : i32
      %while3A_153 = arith.muli %while3A_152, %while3A_151 : i32
      %while3A_154 = arith.addi %while3A_148, %while3A_153 : i32
      %while3A_155 = arith.constant 1 : i32
      %while3A_156:2 = scf.for %while3A_159 = %while3A_148 to %while3A_154 step %while3A_155 iter_args(%while3A_160 = %while3A_120, %while3A_161 = %and3A_147) -> (i32, vector<16xi1>)  : i32 {
        %all_reduce_ffs3A = tpu.all_reduce %while3A_161 {dim = 0 : i64, kind = #tpu.reduction_kind<find_first_set>} : vector<16xi1> -> vector<16xi32>
        %slice3A_162 = vector.extract_strided_slice %all_reduce_ffs3A {offsets = [0], sizes = [1], strides = [1]} : vector<16xi32> to vector<1xi32>
        %squeeze3A_163 = vector.extract %slice3A_162[0] : i32 from vector<1xi32>
        %broadcast_in_dim3A = vector.broadcast %squeeze3A_163 : i32 to vector<16xi32>
        %broadcast_in_dim3A_164 = vector.shape_cast %broadcast_in_dim3A : vector<16xi32> to vector<16x1xi32>
        %gather3A = vector.shape_cast %broadcast_in_dim3A_164 : vector<16x1xi32> to vector<16xi32>
        %gather3A_165 = tpu.dynamic_gather %and3A_129[%gather3A] in [0] : vector<16xi32>, vector<16xi32> -> vector<16xi32>
        %slice3A_166 = vector.extract_strided_slice %gather3A_165 {offsets = [0], sizes = [1], strides = [1]} : vector<16xi32> to vector<1xi32>
        %squeeze3A_167 = vector.extract %slice3A_166[0] : i32 from vector<1xi32>
        %broadcast_in_dim3A_168 = vector.broadcast %squeeze3A_163 : i32 to vector<16xi32>
        %broadcast_in_dim3A_169 = vector.shape_cast %broadcast_in_dim3A_168 : vector<16xi32> to vector<16x1xi32>
        %gather3A_170 = vector.shape_cast %broadcast_in_dim3A_169 : vector<16x1xi32> to vector<16xi32>
        %gather3A_171 = tpu.dynamic_gather %get3A_123[%gather3A_170] in [0] : vector<16xi32>, vector<16xi32> -> vector<16xi32>
        %slice3A_172 = vector.extract_strided_slice %gather3A_171 {offsets = [0], sizes = [1], strides = [1]} : vector<16xi32> to vector<1xi32>
        %squeeze3A_173 = vector.extract %slice3A_172[0] : i32 from vector<1xi32>
        %and3A_174 = arith.constant 511 : i32
        %and3A_175 = arith.andi %squeeze3A_173, %and3A_174 : i32
        %broadcast_in_dim3A_176 = vector.broadcast %and3A_175 : i32 to vector<16xi32>
        %gather3A_177 = tpu.vector_load_idx %arg13[%iota3A, %broadcast_in_dim3A_176] : memref<32x512xf32, #tpu.memory_space<vmem>>[vector<16xi32>, vector<16xi32>], vector<16xf32>,
        %gather3A_178 = tpu.vector_load_idx %arg13[%add3A_3, %broadcast_in_dim3A_176] : memref<32x512xf32, #tpu.memory_space<vmem>>[vector<16xi32>, vector<16xi32>], vector<16xf32>,
        %min3A_179 = arith.constant 767 : i32
        %min3A_180 = arith.minsi %while3A_160, %min3A_179 : i32
        %mul3A_181 = arith.constant 32 : i32
        %mul3A_182 = arith.muli %min3A_180, %mul3A_181 : i32
        %swap3A = arith.index_cast %mul3A_182 : i32 to index
        %swap3A_183 = tpu.vector_load %arg23[%swap3A] {strides = array<i32>} : memref<24576xf32, #tpu.memory_space<vmem>>, vector<16xf32>,
        tpu.vector_store %arg23[%swap3A], %gather3A_177 {strides = array<i32>} : memref<24576xf32, #tpu.memory_space<vmem>>, vector<16xf32>,
        %add3A_184 = arith.constant 16 : i32
        %add3A_185 = arith.addi %mul3A_182, %add3A_184 : i32
        %swap3A_186 = arith.index_cast %add3A_185 : i32 to index
        %swap3A_187 = tpu.vector_load %arg23[%swap3A_186] {strides = array<i32>} : memref<24576xf32, #tpu.memory_space<vmem>>, vector<16xf32>,
        tpu.vector_store %arg23[%swap3A_186], %gather3A_178 {strides = array<i32>} : memref<24576xf32, #tpu.memory_space<vmem>>, vector<16xf32>,
        %mul3A_188 = arith.constant 32 : i32
        %mul3A_189 = arith.muli %squeeze3A_167, %mul3A_188 : i32
        %dma_start3A = tpu.memref_slice %arg23[%mul3A_182] : memref<24576xf32, #tpu.memory_space<vmem>> -> memref<32xf32, #tpu.memory_space<vmem>>
        %dma_start3A_190 = tpu.memref_slice %arg11[%mul3A_189] : memref<524288xf32, #tpu.memory_space<hbm>> -> memref<32xf32, #tpu.memory_space<hbm>>
        %dma_start3A_191 = tpu.memref_slice %arg11[%mul3A_189] : memref<524288xf32, #tpu.memory_space<hbm>> -> memref<32xf32, #tpu.memory_space<hbm>>
        %dma_start3A_192 = tpu.memref_slice %arg23[%mul3A_182] : memref<24576xf32, #tpu.memory_space<vmem>> -> memref<32xf32, #tpu.memory_space<vmem>>
        tpu.enqueue_dma source(%dma_start3A_192 : memref<32xf32, #tpu.memory_space<vmem>>) target(%dma_start3A_191 : memref<32xf32, #tpu.memory_space<hbm>>) target_semaphore(%arg27 : memref<!tpu.dma_semaphore, #tpu.memory_space<semaphore_mem>>)
        %add3A_193 = arith.constant 1 : i32
        %add3A_194 = arith.addi %while3A_160, %add3A_193 : i32
        %ne3A = vector.broadcast %squeeze3A_163 : i32 to vector<16xi32>
        %ne3A_195 = arith.cmpi ne, %iota3A, %ne3A : vector<16xi32>
        %and3A_196 = arith.andi %while3A_161, %ne3A_195 : vector<16xi1>
        scf.yield %add3A_194, %and3A_196 : i32, vector<16xi1>
      }
      %while3A_157 = arith.constant 1 : i32
      %while3A_158:2 = scf.for %while3A_159 = %while3A_154 to %while3A_150 step %while3A_157 iter_args(%while3A_160 = %while3A_156#0, %while3A_161 = %while3A_156#1) -> (i32, vector<16xi1>)  : i32 {
        %all_reduce_ffs3A = tpu.all_reduce %while3A_161 {dim = 0 : i64, kind = #tpu.reduction_kind<find_first_set>} : vector<16xi1> -> vector<16xi32>
        %slice3A_162 = vector.extract_strided_slice %all_reduce_ffs3A {offsets = [0], sizes = [1], strides = [1]} : vector<16xi32> to vector<1xi32>
        %squeeze3A_163 = vector.extract %slice3A_162[0] : i32 from vector<1xi32>
        %broadcast_in_dim3A = vector.broadcast %squeeze3A_163 : i32 to vector<16xi32>
        %broadcast_in_dim3A_164 = vector.shape_cast %broadcast_in_dim3A : vector<16xi32> to vector<16x1xi32>
        %gather3A = vector.shape_cast %broadcast_in_dim3A_164 : vector<16x1xi32> to vector<16xi32>
        %gather3A_165 = tpu.dynamic_gather %and3A_129[%gather3A] in [0] : vector<16xi32>, vector<16xi32> -> vector<16xi32>
        %slice3A_166 = vector.extract_strided_slice %gather3A_165 {offsets = [0], sizes = [1], strides = [1]} : vector<16xi32> to vector<1xi32>
        %squeeze3A_167 = vector.extract %slice3A_166[0] : i32 from vector<1xi32>
        %broadcast_in_dim3A_168 = vector.broadcast %squeeze3A_163 : i32 to vector<16xi32>
        %broadcast_in_dim3A_169 = vector.shape_cast %broadcast_in_dim3A_168 : vector<16xi32> to vector<16x1xi32>
        %gather3A_170 = vector.shape_cast %broadcast_in_dim3A_169 : vector<16x1xi32> to vector<16xi32>
        %gather3A_171 = tpu.dynamic_gather %get3A_123[%gather3A_170] in [0] : vector<16xi32>, vector<16xi32> -> vector<16xi32>
        %slice3A_172 = vector.extract_strided_slice %gather3A_171 {offsets = [0], sizes = [1], strides = [1]} : vector<16xi32> to vector<1xi32>
        %squeeze3A_173 = vector.extract %slice3A_172[0] : i32 from vector<1xi32>
        %and3A_174 = arith.constant 511 : i32
        %and3A_175 = arith.andi %squeeze3A_173, %and3A_174 : i32
        %broadcast_in_dim3A_176 = vector.broadcast %and3A_175 : i32 to vector<16xi32>
        %gather3A_177 = tpu.vector_load_idx %arg13[%iota3A, %broadcast_in_dim3A_176] : memref<32x512xf32, #tpu.memory_space<vmem>>[vector<16xi32>, vector<16xi32>], vector<16xf32>,
        %gather3A_178 = tpu.vector_load_idx %arg13[%add3A_3, %broadcast_in_dim3A_176] : memref<32x512xf32, #tpu.memory_space<vmem>>[vector<16xi32>, vector<16xi32>], vector<16xf32>,
        %min3A_179 = arith.constant 767 : i32
        %min3A_180 = arith.minsi %while3A_160, %min3A_179 : i32
        %mul3A_181 = arith.constant 32 : i32
        %mul3A_182 = arith.muli %min3A_180, %mul3A_181 : i32
        %swap3A = arith.index_cast %mul3A_182 : i32 to index
        %swap3A_183 = tpu.vector_load %arg23[%swap3A] {strides = array<i32>} : memref<24576xf32, #tpu.memory_space<vmem>>, vector<16xf32>,
        tpu.vector_store %arg23[%swap3A], %gather3A_177 {strides = array<i32>} : memref<24576xf32, #tpu.memory_space<vmem>>, vector<16xf32>,
        %add3A_184 = arith.constant 16 : i32
        %add3A_185 = arith.addi %mul3A_182, %add3A_184 : i32
        %swap3A_186 = arith.index_cast %add3A_185 : i32 to index
        %swap3A_187 = tpu.vector_load %arg23[%swap3A_186] {strides = array<i32>} : memref<24576xf32, #tpu.memory_space<vmem>>, vector<16xf32>,
        tpu.vector_store %arg23[%swap3A_186], %gather3A_178 {strides = array<i32>} : memref<24576xf32, #tpu.memory_space<vmem>>, vector<16xf32>,
        %mul3A_188 = arith.constant 32 : i32
        %mul3A_189 = arith.muli %squeeze3A_167, %mul3A_188 : i32
        %dma_start3A = tpu.memref_slice %arg23[%mul3A_182] : memref<24576xf32, #tpu.memory_space<vmem>> -> memref<32xf32, #tpu.memory_space<vmem>>
        %dma_start3A_190 = tpu.memref_slice %arg11[%mul3A_189] : memref<524288xf32, #tpu.memory_space<hbm>> -> memref<32xf32, #tpu.memory_space<hbm>>
        %dma_start3A_191 = tpu.memref_slice %arg11[%mul3A_189] : memref<524288xf32, #tpu.memory_space<hbm>> -> memref<32xf32, #tpu.memory_space<hbm>>
        %dma_start3A_192 = tpu.memref_slice %arg23[%mul3A_182] : memref<24576xf32, #tpu.memory_space<vmem>> -> memref<32xf32, #tpu.memory_space<vmem>>
        tpu.enqueue_dma source(%dma_start3A_192 : memref<32xf32, #tpu.memory_space<vmem>>) target(%dma_start3A_191 : memref<32xf32, #tpu.memory_space<hbm>>) target_semaphore(%arg27 : memref<!tpu.dma_semaphore, #tpu.memory_space<semaphore_mem>>)
        %add3A_193 = arith.constant 1 : i32
        %add3A_194 = arith.addi %while3A_160, %add3A_193 : i32
        %ne3A = vector.broadcast %squeeze3A_163 : i32 to vector<16xi32>
        %ne3A_195 = arith.cmpi ne, %iota3A, %ne3A : vector<16xi32>
        %and3A_196 = arith.andi %while3A_161, %ne3A_195 : vector<16xi1>
        scf.yield %add3A_194, %and3A_196 : i32, vector<16xi1>
      }
      scf.yield %while3A_158#0 : i32
    }
    %while3A_109 = arith.constant 0 : i32
    %while3A_110 = arith.constant 0 : i32
    %while3A_111 = arith.subi %while3A_108, %while3A_110 : i32
    %while3A_112 = arith.addi %while3A_110, %while3A_111 : i32
    %while3A_113 = arith.constant 1 : i32
    %while3A_114 = arith.divsi %while3A_111, %while3A_113 : i32
    %while3A_115 = arith.muli %while3A_114, %while3A_113 : i32
    %while3A_116 = arith.addi %while3A_110, %while3A_115 : i32
    %while3A_117 = arith.constant 1 : i32
    scf.for %while3A_119 = %while3A_110 to %while3A_116 step %while3A_117  : i32 {
      %dma_wait3A = arith.constant 0 : i32
      %dma_wait3A_120 = tpu.memref_slice %arg23[%dma_wait3A] : memref<24576xf32, #tpu.memory_space<vmem>> -> memref<32xf32, #tpu.memory_space<vmem>>
      %dma_wait3A_121 = arith.constant 0 : i32
      %dma_wait3A_122 = tpu.memref_slice %arg10[%dma_wait3A_121] : memref<524288xf32, #tpu.memory_space<hbm>> -> memref<32xf32, #tpu.memory_space<hbm>>
      %dma_wait3A_123 = arith.constant 0 : i32
      %dma_wait3A_124 = tpu.memref_slice %arg23[%dma_wait3A_123] : memref<24576xf32, #tpu.memory_space<vmem>> -> memref<32xf32, #tpu.memory_space<vmem>>
      %dma_wait3A_125 = arith.constant 0 : i32
      %dma_wait3A_126 = tpu.memref_slice %arg10[%dma_wait3A_125] : memref<524288xf32, #tpu.memory_space<hbm>> -> memref<32xf32, #tpu.memory_space<hbm>>
      tpu.wait_dma2 semaphore(%arg27 : memref<!tpu.dma_semaphore, #tpu.memory_space<semaphore_mem>>) src(%dma_wait3A_126 : memref<32xf32, #tpu.memory_space<hbm>>) dst(%dma_wait3A_124 : memref<32xf32, #tpu.memory_space<vmem>>)
    }
    %while3A_118 = arith.constant 1 : i32
    scf.for %while3A_119 = %while3A_116 to %while3A_112 step %while3A_118  : i32 {
      %dma_wait3A = arith.constant 0 : i32
      %dma_wait3A_120 = tpu.memref_slice %arg23[%dma_wait3A] : memref<24576xf32, #tpu.memory_space<vmem>> -> memref<32xf32, #tpu.memory_space<vmem>>
      %dma_wait3A_121 = arith.constant 0 : i32
      %dma_wait3A_122 = tpu.memref_slice %arg10[%dma_wait3A_121] : memref<524288xf32, #tpu.memory_space<hbm>> -> memref<32xf32, #tpu.memory_space<hbm>>
      %dma_wait3A_123 = arith.constant 0 : i32
      %dma_wait3A_124 = tpu.memref_slice %arg23[%dma_wait3A_123] : memref<24576xf32, #tpu.memory_space<vmem>> -> memref<32xf32, #tpu.memory_space<vmem>>
      %dma_wait3A_125 = arith.constant 0 : i32
      %dma_wait3A_126 = tpu.memref_slice %arg10[%dma_wait3A_125] : memref<524288xf32, #tpu.memory_space<hbm>> -> memref<32xf32, #tpu.memory_space<hbm>>
      tpu.wait_dma2 semaphore(%arg27 : memref<!tpu.dma_semaphore, #tpu.memory_space<semaphore_mem>>) src(%dma_wait3A_126 : memref<32xf32, #tpu.memory_space<hbm>>) dst(%dma_wait3A_124 : memref<32xf32, #tpu.memory_space<vmem>>)
    }
    return
  }
}

</mosaic_0001>

<sc_bundles>
// kernel: kernel.4.cloned.1.call-start
scs
__scs_entry_jumppad:
0x0: {  	(pc) =	sbr.rel $0x88, $3  }
0x1: {  	(tag) =	ssettag $0x0;
	lr =	simm.s32 $0x1  }
0x2: {  	[smem:$0x3F9B] =	sst lr;
	_ =	strace $0xD0000000  }
0x3: {  	_ = 	snop  }
0x4: {  	_ = 	snop  }
0x5: {  	_ = 	snop  }
0x6: {  	_ = 	snop  }
0x7: {  	_ = 	snop  }
__scs_overlays_trampoline_lowered:
0x8: {  	[smem:$0x3FAA] =	sst s0  }
0x9: {  	[smem:$0x3FAB] =	sst s1  }
0xa: {  	[smem:$0x3FAC] =	sst s2  }
0xb: {  	[smem:$0x3FAD] =	sst s3  }
0xc: {  	[smem:$0x3FAE] =	sst s4  }
0xd: {  	[smem:$0x3FAF] =	sst s5  }
0xe: {  	[smem:$0x3FB0] =	sst s6  }
0xf: {  	[smem:$0x3FB1] =	sst s7  }
0x10: {  	[smem:$0x3FB2] =	sst s8  }
0x11: {  	[smem:$0x3FB3] =	sst s9;
	s0 =	simm.s32 @!p0 $0x0  }
0x12: {  	s1 =	sld [smem:$0x3F99];
	s0 =	simm.s32 @p0 $0x1  }
0x13: {  	[smem:$0x3FB4] =	sst s0;
	s0 =	simm.s32 @!p1 $0x0  }
0x14: {  	s2 =	sld [smem:$0x3F98];
	s0 =	simm.s32 @p1 $0x1  }
0x15: {  	[smem:$0x3FB5] =	sst s0;
	s0 =	simm.s32 @!p2 $0x0  }
0x16: {  	s3 =	sld [smem:$0x3FDB];
	s0 =	simm.s32 @p2 $0x1  }
0x17: {  	s4 =	simm.s32 $0x1BF5;
	[smem:$0x3FB7] =	sst s0  }
0x18: {  	s0 =	sld [smem:$0x3F9A];
	_ =	swait.ge [sflag:s4], $0x0  }
0x19: {  	s7 =	sld [smem:$0x3F9B]  }
0x1a: {  	s8 =	sadd.s32 $0xFFFFE003, lr  }
0x1b: {  	s9 =	sadd.s32 $0xFFFFFEF7, lr;
	s5 =	simm.s32 $0xFFFFFFFF;
	p2 =	slt.u32 s8, $0xFFFFF086  }
0x1c: {  	p1 =	slt.u32 s9, $0xF7A;
	s5 =	simm.s32 @!p2 $0x0  }
0x1d: {  	s5 =	simm.s32 @p1 $0x1;
	p0 =	seq.s32 s7, s2  }
0x1e: {  	s7 =	smul.u32 @!p0 $0xF7A, s2;
	p2 =	seq.s32 @!p0 s5, $0x0  }
0x1f: {  	s9 =	smul.u32 $0xF7A, s1;
	s8 =	simm.s32 @!p0 $0x1BF5;
	p2 =	por !p2, p0  }
0x20: {  	[sflag:s8] =	ssyncset.s32 @!p0 $0xFFFFF086;
	s6 =	sadd.s32 @!p0 s3, s7;
	s7 =	simm.s32 @!p0 $0x108  }
0x21: {  	s3 =	sadd.s32 s3, s9;
	s6 =	sadd.s32 @!p0 $0x88, s6;
	s7 =	simm.s32 @p2 $0x1082  }
0x22: {  	[simem:s7], [sflag:s8] =	dma.local @!p0 [hbm:s6], $0xF7A  }
0x23: {  	s9 =	sor.u32 $0xD0000000, s2;
	s6 =	simm.s32 $0x108;
	_ =	swait.ge @!p0 [sflag:s8], $0x0  }
0x24: {  	s3 =	sadd.s32 $0x88, s3;
	s6 =	simm.s32 @!p1 $0x1082;
	[sflag:s4] =	ssyncset.s32 $0xFFFFF086  }
0x25: {  	[simem:s6], [sflag:s4] =	dma.local [hbm:s3], $0xF7A  }
0x26: {  	[smem:$0x3F9B] =	sst s1;
	(tag) =	ssettag s2;
	_ =	strace s9  }
0x27: {  	s1 =	sld [smem:$0x3FAB]  }
0x28: {  	s2 =	sld [smem:$0x3FAC]  }
0x29: {  	s4 =	sld [smem:$0x3FAE]  }
0x2a: {  	p0 =	seq.s32 s5, $0x0;
	s5 =	sld [smem:$0x3FAF]  }
0x2b: {  	s6 =	sld [smem:$0x3FB0]  }
0x2c: {  	s7 =	sld [smem:$0x3FB1]  }
0x2d: {  	s3 =	simm.s32 $0x108;
	s8 =	sld [smem:$0x3FB2]  }
0x2e: {  	s3 =	simm.s32 @!p0 $0x1082;
	s9 =	sld [smem:$0x3FB3]  }
0x2f: {  	lr =	sadd.s32 s0, s3;
	s0 =	sld [smem:$0x3FAA]  }
0x30: {  	s3 =	sld [smem:$0x3FAD]  }
0x31: {  	[smem:$0x3FB6] =	sst s10  }
0x32: {  	s10 =	sld [smem:$0x3FB4];
	_ =	sdelay $0x3  }
0x33: {  	p0 =	seq.s32 s10, $0x1;
	s10 =	sld [smem:$0x3FB6];
	_ =	sdelay $0x3  }
0x34: {  	[smem:$0x3FB6] =	sst s10  }
0x35: {  	s10 =	sld [smem:$0x3FB5];
	_ =	sdelay $0x3  }
0x36: {  	p1 =	seq.s32 s10, $0x1;
	s10 =	sld [smem:$0x3FB6];
	_ =	sdelay $0x3  }
0x37: {  	[smem:$0x3FB6] =	sst s10  }
0x38: {  	s10 =	sld [smem:$0x3FB7]  }
0x39: {  	_ = 	snop;
	(pc) =	sbr.ind lr, $3  }
0x3a: {  	_ = 	snop  }
0x3b: {  	_ = 	snop  }
0x3c: {  	p2 =	seq.s32 s10, $0x1;
	s10 =	sld [smem:$0x3FB6]  }
0x3d: {  	_ =	shalt  }
0x3e: {  	_ =	shalt  }
0x3f: {  	_ =	shalt  }
0x40: {  	_ =	shalt  }
0x41: {  	_ =	shalt  }
0x42: {  	_ =	shalt  }
0x43: {  	_ =	shalt  }
0x44: {  	_ =	shalt  }
0x45: {  	_ =	shalt  }
0x46: {  	_ =	shalt  }
0x47: {  	_ =	shalt  }
0x48: {  	_ =	shalt  }
0x49: {  	_ =	shalt  }
0x4a: {  	_ =	shalt  }
0x4b: {  	_ =	shalt  }
0x4c: {  	_ =	shalt  }
0x4d: {  	_ =	shalt  }
0x4e: {  	_ =	shalt  }
0x4f: {  	_ =	shalt  }
0x50: {  	_ =	shalt  }
0x51: {  	_ =	shalt  }
0x52: {  	_ =	shalt  }
0x53: {  	_ =	shalt  }
0x54: {  	_ =	shalt  }
0x55: {  	_ =	shalt  }
0x56: {  	_ =	shalt  }
0x57: {  	_ =	shalt  }
0x58: {  	_ =	shalt  }
0x59: {  	_ =	shalt  }
0x5a: {  	_ =	shalt  }
0x5b: {  	_ =	shalt  }
0x5c: {  	_ =	shalt  }
0x5d: {  	_ =	shalt  }
0x5e: {  	_ =	shalt  }
0x5f: {  	_ =	shalt  }
0x60: {  	_ =	shalt  }
0x61: {  	_ =	shalt  }
0x62: {  	_ =	shalt  }
0x63: {  	_ =	shalt  }
0x64: {  	_ =	shalt  }
0x65: {  	_ =	shalt  }
0x66: {  	_ =	shalt  }
0x67: {  	_ =	shalt  }
0x68: {  	_ =	shalt  }
0x69: {  	_ =	shalt  }
0x6a: {  	_ =	shalt  }
0x6b: {  	_ =	shalt  }
0x6c: {  	_ =	shalt  }
0x6d: {  	_ =	shalt  }
0x6e: {  	_ =	shalt  }
0x6f: {  	_ =	shalt  }
0x70: {  	_ =	shalt  }
0x71: {  	_ =	shalt  }
0x72: {  	_ =	shalt  }
0x73: {  	_ =	shalt  }
0x74: {  	_ =	shalt  }
0x75: {  	_ =	shalt  }
0x76: {  	_ =	shalt  }
0x77: {  	_ =	shalt  }
0x78: {  	_ =	shalt  }
0x79: {  	_ =	shalt  }
0x7a: {  	_ =	shalt  }
0x7b: {  	_ =	shalt  }
0x7c: {  	_ =	shalt  }
0x7d: {  	_ =	shalt  }
0x7e: {  	_ =	shalt  }
0x7f: {  	_ =	shalt  }
0x80: {  	_ =	shalt  }
0x81: {  	_ =	shalt  }
0x82: {  	_ =	shalt  }
0x83: {  	_ =	shalt  }
0x84: {  	_ =	shalt  }
0x85: {  	_ =	shalt  }
0x86: {  	_ =	shalt  }
0x87: {  	_ =	shalt  }
.Lfunc_end0:
.L_simem_size_0:
called_computation_lowered:
.L_overlay_start_0:
0x88: {  	s2 =	sld [smem:$0x3FD9]  }
0x89: {  	s3 =	sld [smem:$0x3FFE];
	_ =	sdelay $0x1  }
0x8a: {  	s1 =	srdreg.scid  }
0x8b: {  	s0 =	sand.u32 $0x1, s1  }
0x8c: {  	s17 =	sshll.u32 s0, $0xA;
	s2 =	sadd.s32 s3, s2  }
0x8d: {  	s2 =	sadd.s32 s2, s17  }
0x8e: {  	[smem:$0x3FC2] =	sst s2  }
0x8f: {  	_ = 	snop  }
0x90: {  	s2 =	sld [smem:$0x3FC8]  }
0x91: {  	s18 =	sld [smem:$0x3FC6]  }
0x92: {  	s4 =	sld [smem:$0x3FC5]  }
0x93: {  	s5 =	sld [smem:$0x3FC4]  }
0x94: {  	s6 =	sld [smem:$0x3FD0];
	(tm) =	ssettm $0x1  }
0x95: {  	s7 =	sld [smem:$0x3FFB];
	_ =	sdelay $0x3  }
0x96: {  	_ =	strace s7  }
0x97: {  	s7 =	sld [smem:$0x3FFC];
	_ =	sdelay $0x3  }
0x98: {  	_ =	strace s7  }
0x99: {  	s7 =	sld [smem:$0x3FFD];
	_ =	sdelay $0x3  }
0x9a: {  	_ =	strace s7  }
0x9b: {  	_ =	strace $0x8FFFFFFF  }
0x9c: {  	s19 =	sld [smem:$0x3FDB];
	_ =	sdelay $0x1  }
0x9d: {  	s8 =	simm.s32 $_scs_section_size  }
0x9e: {  	s9 =	simm.s32 $_size__tile_overlayer_lowered;
	s10 =	simm.s32 $_tile_overlayer_lowered  }
0x9f: {  	s22 =	simm.s32 $0x1BFF;
	s21 =	sshll.u32 s10, $0x1;
	s7 =	sadd.s32 s8, s19  }
0xa0: {  	s11 =	simm.s32 $0x0;
	s20 =	sshll.u32 s9, $0x1;
	s9 =	sadd.s32 s21, s7  }
0xa1: {  	[timem:s11], [sflag:s22] =	dma.local [hbm:s9], s20  }
0xa2: {  	_ =	swait.ge [sflag:s22], s20  }
0xa3: {  	s8 =	ssub.s32 $0x0, s20;
	[sflag:s22] =	ssyncset.done $0x0  }
0xa4: {  	[sflag:s22] =	ssyncadd.s32 s8;
	_ =	sdelay $0x1  }
0xa5: {  	s23 =	simm.s32 $0x1B8B  }
0xa6: {  	_ =	swait.ge [sflag:s23], $0x1  }
0xa7: {  	[sflag:s23] =	ssyncset.done $0x0  }
0xa8: {  	s25 =	simm.s32 $0x1B8E;
	s24 =	sld [smem:$0x3FFE];
	[sflag:s23] =	ssyncadd.s32 $0xFFFFFFFF  }
0xa9: {  	s26 =	simm.s32 $execute0_lowered;
	[smem:$0x3FD2] =	sst s25  }
0xaa: {  	s9 =	sshll.u32 s26, $0x1;
	_ =	strace $0x80000046;
	[dreg:$0x1] =	wrdreg $0xFFFFFFFF  }
0xab: {  	s28 =	simm.s32 $_size_execute0_lowered;
	s7 =	sadd.s32 s7, s9;
	[dreg:$0x0] =	wrdreg $0x0  }
0xac: {  	s9 =	sshll.u32 s28, $0x1;
	[dreg:$0x2] =	wrdreg s7  }
0xad: {  	[dreg:$0x3] =	wrdreg s9  }
0xae: {  	[dreg:$0x4] =	wrdreg $0xC0  }
0xaf: {  	_ =	task [dreg:s11], $0x5FFFF  }
0xb0: {  	[dreg:$0x1] =	wrdreg $0xFFFFFFFF  }
0xb1: {  	[dreg:$0x0] =	wrdreg $0x60  }
0xb2: {  	[dreg:$0x2] =	wrdreg s6  }
0xb3: {  	[dreg:$0x3] =	wrdreg s2  }
0xb4: {  	[dreg:$0x4] =	wrdreg s18  }
0xb5: {  	[dreg:$0x5] =	wrdreg s4  }
0xb6: {  	[dreg:$0x6] =	wrdreg s5  }
0xb7: {  	[dreg:$0x7] =	wrdreg s24  }
0xb8: {  	[dreg:$0x8] =	wrdreg $0x9  }
0xb9: {  	_ =	task.clear_ibuf [dreg:s11], $0x9FFFF;
	_ =	strace $0x90000046  }
0xba: {  	s29 =	simm.s32 $0x9;
	_ =	strace $0x80000048  }
0xbb: {  	_ =	swait.ge [sflag:s29], $0x1  }
0xbc: {  	[sflag:s29] =	ssyncadd.s32 $0xFFFFFFFF  }
0xbd: {  	_ =	strace $0x90000048  }
0xbe: {  	_ =	sfence  }
0xbf: {  	s30 =	sld [smem:$0x0];
	_ =	sdelay $0x2  }
0xc0: {  	s31 =	sshll.u32 s1, $0xD;
	s1 =	sshrl.u32 s1, $0x2  }
0xc1: {  	s3 =	sand.u32 $0x4000, s31;
	s1 =	sadd.s32 s1, s30  }
0xc2: {  	s0 =	sor.u32 s3, s0;
	s1 =	sshll.u32 s1, $0x11  }
0xc3: {  	s0 =	sor.u32 s1, s0  }
0xc4: {  	s0 =	sadd.s32 $0x8F2B, s0  }
0xc5: {  	[sflag:s0] =	ssyncadd.remote.s32 $0x1  }
0xc6: {  	_ =	sfence.sel $0xFFFF  }
0xc7: {  	[dreg:$0x0] =	wrdreg $0xFFFFFFFF;
	(pc) =	sbr.abs _section_cstart, $3  }
0xc8: {  	[dreg:$0x1] =	wrdreg $0xFFFFFFFF  }
0xc9: {  	_ =	task.clear_ibuf [dreg:s11], $0x2FFFF;
	_ =	strace $0x9FFFFFFF  }
0xca: {  	(tm) =	ssettm $0x7FFFFFFF  }
0xcb: {  	_ =	shalt  }
tec
execute0_lowered:
.L_overlay_start_1:
0x0: {  	(tag) =	ssettag $0x1  }
0x1: {  	s7 =	rddreg [dreg:$0x0]  }
0x2: {  	s8 =	rddreg [dreg:$0x1]  }
0x3: {  	s5 =	rddreg [dreg:$0x2]  }
0x4: {  	s9 =	rddreg [dreg:$0x3]  }
0x5: {  	s10 =	rddreg [dreg:$0x4]  }
0x6: {  	s0 =	rddreg [dreg:$0x5];
	s6 =	simm.s32 $0x0  }
0x7: {  	[smem:$0x7FF] =	sst s6;
	s1 =	sadd.s32 $0xC00, s0  }
0x8: {  	s2 =	sadd.s32 $0xE00, s0;
	_ =	strace $0x80000047;
	[dreg:$0x7] =	wrdreg s1  }
0x9: {  	s28 =	sadd.s32 $0x1000, s0;
	[dreg:$0x8] =	wrdreg s2  }
0xa: {  	s19 =	sadd.s32 $0xC80, s0;
	[dreg:$0x9] =	wrdreg s28  }
0xb: {  	s20 =	sadd.s32 $0xD00, s0;
	[dreg:$0x12] =	wrdreg s19  }
0xc: {  	s26 =	srdreg.scid;
	s21 =	sadd.s32 $0xD80, s0;
	[dreg:$0x13] =	wrdreg s20  }
0xd: {  	s3 =	stileid.u32;
	s22 =	sadd.s32 $0xE80, s0;
	[dreg:$0x14] =	wrdreg s21  }
0xe: {  	s3 =	sshll.u32 s3, $0x1;
	s23 =	sadd.s32 $0xF00, s0;
	[dreg:$0x15] =	wrdreg s22  }
0xf: {  	s11 =	sadd.s32 $0x1400, s0;
	s24 =	sadd.s32 $0xF80, s0;
	[dreg:$0x16] =	wrdreg s23  }
0x10: {  	s13 =	sadd.s32 $0x11400, s0;
	s25 =	sadd.s32 $0x1100, s0;
	[dreg:$0x17] =	wrdreg s24  }
0x11: {  	s1 =	sand.u32 $0x1, s26;
	[dreg:$0x18] =	wrdreg s25;
	s26 =	sadd.s32 $0x1200, s0  }
0x12: {  	vm0 =	vmxor vm0, vm0;
	s0 =	sadd.s32 $0x1300, s0;
	s19 =	simm.s32 $0x18800;
	s20 =	simm.s32 $0x18B00  }
0x13: {  	v0 =	vimm.s32 $0x1380;
	vm1 =	vcmask $0x300;
	vm2 =	vcmask $0x704;
	s21 =	simm.s32 $0x18E00;
	s22 =	simm.s32 $0x19100;
	s23 =	simm.s32 $0x1  }
0x14: {  	v1 =	vimm.s32 $0x3380;
	vm3 =	vcmask $0xB08;
	v3 =	vimm.s32 $0x0;
	s24 =	simm.s32 $0x4;
	s29 =	ssub.s32 $0x2, s1;
	[dreg:$0x19] =	wrdreg s26  }
0x15: {  	v4 =	vlaneseq.u32;
	v0 =	vsel vm1, $0x0, v0;
	v1 =	vsel vm1, $0x2000, v1;
	s12 =	sor.u32 s1, s3;
	[dreg:$0x1a] =	wrdreg s0;
	s4 =	sshrl.u32 s29, $0x1  }
0x16: {  	vm1 =	vcmask $0xF0C;
	v0 =	vsel vm2, $0x80, v0;
	v1 =	vsel vm2, $0x2080, v1;
	s31 =	sshll.u32 s12, $0x9;
	s28 =	sor.u32 $0x40, s12;
	[dreg:$0xa] =	wrdreg s12  }
0x17: {  	vm2 =	vcmask $0x1310;
	v0 =	vsel vm3, $0x100, v0;
	v1 =	vsel vm3, $0x2100, v1;
	s30 =	ssub.s32 s29, s4;
	s4 =	sadd.s32 s5, s31;
	[dreg:$0x1b] =	wrdreg s28  }
0x18: {  	s25 =	simm.s32 $0x8800;
	vm3 =	vcmask $0x1714;
	v0 =	vsel vm1, $0x180, v0;
	v1 =	vsel vm1, $0x2180, v1;
	s14 =	sadd.s32 s10, s31;
	[dreg:$0xb] =	wrdreg s4  }
0x19: {  	s26 =	simm.s32 $0x14800;
	vm1 =	vcmask $0x1B18;
	v2 =	vmov s12;
	v0 =	vsel vm2, $0x200, v0;
	s2 =	sadd.s32 s9, s31;
	[dreg:$0xc] =	wrdreg s14  }
0x1a: {  	p1 =	seq.s32 s12, $0x1;
	v1 =	vsel vm2, $0x2200, v1;
	vm2 =	vcmask $0x1F1C;
	s29 =	sor.u32 $0x20, s12;
	[dreg:$0xf] =	wrdreg s2;
	v0 =	vsel vm3, $0x280, v0  }
0x1b: {  	s15 =	sor.u32 $0x4000, s31;
	s31 =	sor.u32 $0x80, s12;
	v1 =	vsel vm3, $0x2280, v1;
	vm3 =	vcmask $0x2320;
	[dreg:$0x1c] =	wrdreg s29;
	v0 =	vsel vm1, $0x300, v0  }
0x1c: {  	p2 =	seq.s32 s12, $0x3;
	s16 =	sadd.s32 s5, s15;
	[dreg:$0x1e] =	wrdreg s31;
	v1 =	vsel vm1, $0x2300, v1;
	vm1 =	vcmask $0x2724;
	v0 =	vsel vm2, $0x380, v0  }
0x1d: {  	p0 =	sne.s32 s12, $0x1;
	s17 =	sadd.s32 s10, s15;
	[dreg:$0xd] =	wrdreg s16;
	v1 =	vsel vm2, $0x2380, v1;
	vm2 =	vcmask $0x2B28;
	v0 =	vsel vm3, $0x1000, v0  }
0x1e: {  	s0 =	simm.s32 @!p0 $0x0;
	s18 =	sadd.s32 s9, s15;
	[dreg:$0xe] =	wrdreg s17;
	v1 =	vsel vm3, $0x3000, v1;
	vm3 =	vcmask $0x2F2C;
	v0 =	vsel vm1, $0x1080, v0  }
0x1f: {  	s1 =	smax.u32 s30, $0x1;
	s0 =	simm.s32 @p0 $0x1;
	[dreg:$0x10] =	wrdreg s18;
	v1 =	vsel vm1, $0x3080, v1;
	vm1 =	vcmask $0x3330;
	v0 =	vsel vm2, $0x1100, v0  }
.Ltmp0:
0x20: {  	p0 =	sne.s32 s12, $0x3;
	[dreg:$0x11] =	wrdreg s1;
	v1 =	vsel vm2, $0x3100, v1;
	vm2 =	vcmask $0x3734;
	v0 =	vsel vm3, $0x1180, v0;
	(pc) =	sbr.rel .LBB2_1-.Ltmp0, $4  }
0x21: {  	s30 =	sor.u32 $0x60, s12;
	s14 =	simm.s32 $0x800;
	[smem:$0x7FC] =	sst s0;
	v1 =	vsel vm3, $0x3180, v1;
	vm3 =	vcmask $0x3B38;
	v0 =	vsel vm1, $0x1200, v0  }
0x22: {  	s15 =	simm.s32 $0xC800;
	s0 =	simm.s32 @!p0 $0x0;
	[dreg:$0x1d] =	wrdreg s30;
	v1 =	vsel vm1, $0x3200, v1;
	vm1 =	vmmov vm0;
	v0 =	vsel vm2, $0x1280, v0  }
0x23: {  	s16 =	simm.s32 $0x4800;
	s17 =	simm.s32 $0x10800;
	s0 =	simm.s32 @p0 $0x1;
	v1 =	vsel vm2, $0x3280, v1;
	vm2 =	vmmov vm0;
	vm1 =	vmneg @p1 vm1  }
0x24: {  	s18 =	simm.s32 $0x5;
	s1 =	simm.s32 $0x0;
	[smem:$0x7FD] =	sst s0;
	v0 =	vsel vm3, $0x1300, v0;
	v1 =	vsel vm3, $0x3300, v1;
	vm2 =	vmneg @p2 vm2  }
.LBB2_120:
0x25: {  	[sflag:s24] =	ssyncadd.s32 $0xFFFFFFE0  }
.LBB2_121:
0x26: {  	s1 =	sadd.s32 $0x1, s1;
	s0 =	rddreg [dreg:$0x11]  }
0x27: {  	p0 =	sne.s32 s1, s0  }
.Ltmp1:
0x28: {  	_ = 	snop;
	(pc) =	sbr.rel @!p0 .LBB2_122-.Ltmp1, $1  }
0x29: {  	_ =	sdelay $0x3  }
.LBB2_1:
0x2a: {  	[dreg:$0x1f] =	wrdreg s1  }
0x2b: {  	s0 =	rddreg [dreg:$0xb]  }
0x2c: {  	s28 =	simm.s32 $0x1000;
	s2 =	simm.s32 $0x7A1400;
	s29 =	rddreg [dreg:$0xc]  }
0x2d: {  	[tilespmem:s14], [sflag:$0x1] =	stream.strided.gather [hbm4b:s0+s28], $0x4000, s2, s28, $0x38;
	[tilespmem:$0x1F400] =	vst v63  }
0x2e: {  	s30 =	rddreg [dreg:$0xd]  }
0x2f: {  	[tilespmem:s15], [sflag:$0x1] =	stream.strided.gather [hbm4b:s29+s28], $0x4000, s2, s28, $0x38;
	[tilespmem:$0x1F400] =	vst v63  }
0x30: {  	s31 =	rddreg [dreg:$0xe]  }
0x31: {  	[tilespmem:s16], [sflag:$0x2] =	stream.strided.gather [hbm4b:s30+s28], $0x4000, s2, s28, $0x38;
	[tilespmem:$0x1F400] =	vst v63  }
0x32: {  	s3 =	simm.s32 $0x0;
	s1 =	simm.s32 $0x0;
	s9 =	simm.s32 $0x0  }
0x33: {  	[tilespmem:s17], [sflag:$0x2] =	stream.strided.gather [hbm4b:s31+s28], $0x4000, s2, s28, $0x38;
	[tilespmem:$0x1F400] =	vst v63  }
.LBB2_2:
0x34: {  	s0 =	sshll.u32 s9, $0x8  }
0x35: {  	s2 =	simm.s32 $0x0;
	s0 =	sadd.s32 s7, s0  }
0x36: {  	[tilespmem:s2], [sflag:$0x5] =	stream.linear.gather [hbm4b:s0+s2], $0x800, $0x38;
	[tilespmem:$0x1F400] =	vst v63  }
0x37: {  	_ =	swait.ge [sflag:s18], $0x800  }
0x38: {  	[sflag:s18] =	ssyncset.done $0x0  }
0x39: {  	s30 =	simm.s32 $0x0;
	[sflag:s18] =	ssyncadd.s32 $0xFFFFF800  }
0x3a: {  	v5 =	vld [tilespmem:s30+$0x0];
	_ =	sdelay $0x4  }
0x3b: {  	v6 =	vshrl.u32 v5, $0x9  }
0x3c: {  	v6 =	vand.u32 $0x1F, v6  }
0x3d: {  	vm3 =	veq.s32 v6, v2  }
0x3e: {  	v6 =	vsel vm3, $0x1, v3;
	v7 =	vmpcnt.ones.xlane vm3  }
0x3f: {  	(xrf0) =	vadd.scan.msk.s32 $0xffff, v6  }
0x40: {  	(v2sf) =	vpush v7, $0x0;
	_ =	sdelay $0x1  }
0x41: {  	v6 =	vmov s1  }
0x42: {  	v6 =	vadd.s32 $0xFFFFFFFF, v6  }
0x43: {  	v6 =	vbroadcast v6, $0x0  }
0x44: {  	v7, _, _ =	vpop (xrf0)  }
0x45: {  	v6 =	vadd.s32 v7, v6  }
0x46: {  	vm4 =	vlt.s32 v6, $0x2FF  }
0x47: {  	v6 =	vnsel vm4, $0x2FF, v6;
	_ =	sdelay $0x4  }
0x48: {  	[tilespmem:v6+s19+$0x0] =	vst.idx.msk vm3, v5;
	v5 =	vor.u32 s3, v4  }
0x49: {  	s31 =	simm.s32 $0x10;
	[tilespmem:v6+s20+$0x0] =	vst.idx.msk vm3, v5  }
0x4a: {  	s4 =	simm.s32 $0x80;
	s2 =	smov.u32 s3;
	v5 =	vld [tilespmem:s31+$0x0];
	s0 =	spop (v2sf)  }
.LBB2_3:
0x4b: {  	s1 =	sadd.s32 s1, s0  }
0x4c: {  	s2 =	sadd.s32 $0x10, s2;
	s0 =	smov.u32 s4;
	s5 =	sadd.s32 $0x40, s4  }
0x4d: {  	p1 =	sne.s32 s4, $0x1FC0;
	v6 =	vmov s1  }
0x4e: {  	v6 =	vadd.s32 $0xFFFFFFFF, v6;
	_ =	sdelay $0x1  }
0x4f: {  	v7 =	vshrl.u32 v5, $0x9  }
0x50: {  	v7 =	vand.u32 $0x1F, v7  }
0x51: {  	vm3 =	veq.s32 v7, v2  }
0x52: {  	v7 =	vsel vm3, $0x1, v3;
	v8 =	vmpcnt.ones.xlane vm3  }
0x53: {  	(xrf0) =	vadd.scan.msk.s32 $0xffff, v7  }
0x54: {  	(v2sf) =	vpush v8, $0x0;
	_ =	sdelay $0x3  }
0x55: {  	v6 =	vbroadcast v6, $0x0  }
0x56: {  	v7, _, _ =	vpop (xrf0)  }
0x57: {  	v6 =	vadd.s32 v7, v6  }
0x58: {  	vm4 =	vlt.s32 v6, $0x2FF  }
0x59: {  	v6 =	vnsel vm4, $0x2FF, v6;
	_ =	sdelay $0x2  }
.Ltmp2:
0x5a: {  	(pc) =	sbr.rel @p1 .LBB2_3-.Ltmp2, $4  }
0x5b: {  	_ = 	snop  }
0x5c: {  	[tilespmem:v6+s19+$0x0] =	vst.idx.msk vm3, v5;
	v5 =	vor.u32 s2, v4  }
0x5d: {  	s0 =	sshra.s32 s0, $0x2;
	[tilespmem:v6+s20+$0x0] =	vst.idx.msk vm3, v5  }
0x5e: {  	s4 =	smov.u32 s5;
	v5 =	vld [tilespmem:s0+$0x0];
	s0 =	spop (v2sf)  }
0x5f: {  	_ =	sdelay $0x3  }
0x60: {  	v6 =	vshrl.u32 v5, $0x9  }
0x61: {  	v6 =	vand.u32 $0x1F, v6  }
0x62: {  	vm3 =	veq.s32 v6, v2  }
0x63: {  	v6 =	vmpcnt.ones.xlane vm3;
	_ =	sdelay $0x1  }
0x64: {  	v7 =	vsel vm3, $0x1, v3;
	(v2sf) =	vpush v6, $0x0  }
0x65: {  	(xrf0) =	vadd.scan.msk.s32 $0xffff, v7;
	_ =	sdelay $0x1  }
0x66: {  	s0 =	sadd.s32 s1, s0  }
0x67: {  	v6 =	vmov s0  }
0x68: {  	v6 =	vadd.s32 $0xFFFFFFFF, v6  }
0x69: {  	v6 =	vbroadcast v6, $0x0  }
0x6a: {  	v7, _, _ =	vpop (xrf0)  }
0x6b: {  	v6 =	vadd.s32 v7, v6  }
0x6c: {  	vm4 =	vlt.s32 v6, $0x2FF  }
0x6d: {  	s9 =	sadd.s32 $0x1, s9;
	v6 =	vnsel vm4, $0x2FF, v6  }
0x6e: {  	p0 =	sne.s32 s9, $0x8  }
.Ltmp3:
0x6f: {  	_ = 	snop;
	(pc) =	sbr.rel @p0 .LBB2_2-.Ltmp3, $4  }
0x70: {  	_ = 	snop  }
0x71: {  	s30 =	sadd.s32 $0x10, s2  }
0x72: {  	[tilespmem:v6+s19+$0x0] =	vst.idx.msk vm3, v5;
	v5 =	vor.u32 s30, v4;
	s31 =	spop (v2sf)  }
0x73: {  	s3 =	sadd.s32 $0x800, s3;
	s2 =	simm.s32 $0x0;
	[tilespmem:v6+s20+$0x0] =	vst.idx.msk vm3, v5;
	s1 =	sadd.s32 s0, s31  }
0x74: {  	s3 =	simm.s32 $0x0;
	s30 =	simm.s32 $0x0;
	s9 =	simm.s32 $0x0  }
.LBB2_6:
0x75: {  	s0 =	sshll.u32 s9, $0x8  }
0x76: {  	s0 =	sadd.s32 s8, s0  }
0x77: {  	[tilespmem:s2], [sflag:$0x5] =	stream.linear.gather [hbm4b:s0+s2], $0x800, $0x38;
	[tilespmem:$0x1F400] =	vst v63  }
0x78: {  	_ =	swait.ge [sflag:s18], $0x800  }
0x79: {  	[sflag:s18] =	ssyncset.done $0x0  }
0x7a: {  	s29 =	simm.s32 $0x0;
	[sflag:s18] =	ssyncadd.s32 $0xFFFFF800  }
0x7b: {  	v5 =	vld [tilespmem:s29+$0x0];
	_ =	sdelay $0x4  }
0x7c: {  	v6 =	vshrl.u32 v5, $0x9  }
0x7d: {  	v6 =	vand.u32 $0x1F, v6  }
0x7e: {  	vm3 =	veq.s32 v6, v2  }
0x7f: {  	v6 =	vsel vm3, $0x1, v3;
	v7 =	vmpcnt.ones.xlane vm3  }
0x80: {  	(xrf0) =	vadd.scan.msk.s32 $0xffff, v6  }
0x81: {  	(v2sf) =	vpush v7, $0x0;
	_ =	sdelay $0x1  }
0x82: {  	v6 =	vmov s30  }
0x83: {  	v6 =	vadd.s32 $0xFFFFFFFF, v6  }
0x84: {  	v6 =	vbroadcast v6, $0x0  }
0x85: {  	v7, _, _ =	vpop (xrf0)  }
0x86: {  	v6 =	vadd.s32 v7, v6  }
0x87: {  	vm4 =	vlt.s32 v6, $0x2FF  }
0x88: {  	v6 =	vnsel vm4, $0x2FF, v6;
	_ =	sdelay $0x4  }
0x89: {  	[tilespmem:v6+s21+$0x0] =	vst.idx.msk vm3, v5;
	v5 =	vor.u32 s3, v4  }
0x8a: {  	s31 =	simm.s32 $0x10;
	[tilespmem:v6+s22+$0x0] =	vst.idx.msk vm3, v5  }
0x8b: {  	s5 =	simm.s32 $0x80;
	s4 =	smov.u32 s3;
	v5 =	vld [tilespmem:s31+$0x0];
	s0 =	spop (v2sf)  }
.LBB2_7:
0x8c: {  	s30 =	sadd.s32 s30, s0  }
0x8d: {  	s4 =	sadd.s32 $0x10, s4;
	s0 =	smov.u32 s5;
	s10 =	sadd.s32 $0x40, s5  }
0x8e: {  	p1 =	sne.s32 s5, $0x1FC0;
	v6 =	vmov s30  }
0x8f: {  	v6 =	vadd.s32 $0xFFFFFFFF, v6;
	_ =	sdelay $0x1  }
0x90: {  	v7 =	vshrl.u32 v5, $0x9  }
0x91: {  	v7 =	vand.u32 $0x1F, v7  }
0x92: {  	vm3 =	veq.s32 v7, v2  }
0x93: {  	v7 =	vsel vm3, $0x1, v3;
	v8 =	vmpcnt.ones.xlane vm3  }
0x94: {  	(xrf0) =	vadd.scan.msk.s32 $0xffff, v7  }
0x95: {  	(v2sf) =	vpush v8, $0x0;
	_ =	sdelay $0x3  }
0x96: {  	v6 =	vbroadcast v6, $0x0  }
0x97: {  	v7, _, _ =	vpop (xrf0)  }
0x98: {  	v6 =	vadd.s32 v7, v6  }
0x99: {  	vm4 =	vlt.s32 v6, $0x2FF  }
0x9a: {  	v6 =	vnsel vm4, $0x2FF, v6;
	_ =	sdelay $0x2  }
.Ltmp4:
0x9b: {  	(pc) =	sbr.rel @p1 .LBB2_7-.Ltmp4, $4  }
0x9c: {  	_ = 	snop  }
0x9d: {  	[tilespmem:v6+s21+$0x0] =	vst.idx.msk vm3, v5;
	v5 =	vor.u32 s4, v4  }
0x9e: {  	s0 =	sshra.s32 s0, $0x2;
	[tilespmem:v6+s22+$0x0] =	vst.idx.msk vm3, v5  }
0x9f: {  	s5 =	smov.u32 s10;
	v5 =	vld [tilespmem:s0+$0x0];
	s0 =	spop (v2sf)  }
0xa0: {  	_ =	sdelay $0x3  }
0xa1: {  	v6 =	vshrl.u32 v5, $0x9  }
0xa2: {  	v6 =	vand.u32 $0x1F, v6  }
0xa3: {  	vm3 =	veq.s32 v6, v2  }
0xa4: {  	v6 =	vmpcnt.ones.xlane vm3;
	_ =	sdelay $0x1  }
0xa5: {  	v7 =	vsel vm3, $0x1, v3;
	(v2sf) =	vpush v6, $0x0  }
0xa6: {  	(xrf0) =	vadd.scan.msk.s32 $0xffff, v7;
	_ =	sdelay $0x1  }
0xa7: {  	s0 =	sadd.s32 s30, s0  }
0xa8: {  	v6 =	vmov s0  }
0xa9: {  	v6 =	vadd.s32 $0xFFFFFFFF, v6  }
0xaa: {  	v6 =	vbroadcast v6, $0x0  }
0xab: {  	v7, _, _ =	vpop (xrf0)  }
0xac: {  	v6 =	vadd.s32 v7, v6  }
0xad: {  	vm4 =	vlt.s32 v6, $0x2FF  }
0xae: {  	s9 =	sadd.s32 $0x1, s9;
	v6 =	vnsel vm4, $0x2FF, v6  }
0xaf: {  	p0 =	sne.s32 s9, $0x8  }
.Ltmp5:
0xb0: {  	_ = 	snop;
	(pc) =	sbr.rel @p0 .LBB2_6-.Ltmp5, $4  }
0xb1: {  	_ = 	snop  }
0xb2: {  	s4 =	sadd.s32 $0x10, s4  }
0xb3: {  	[tilespmem:v6+s21+$0x0] =	vst.idx.msk vm3, v5;
	v5 =	vor.u32 s4, v4;
	s31 =	spop (v2sf)  }
0xb4: {  	s3 =	sadd.s32 $0x800, s3;
	[tilespmem:v6+s22+$0x0] =	vst.idx.msk vm3, v5;
	s30 =	sadd.s32 s0, s31  }
.Ltmp6:
0xb5: {  	p0 =	slt.s32 s1, $0x300;
	(pc) =	sbr.rel .LBB2_10-.Ltmp6, $4  }
0xb6: {  	s1 =	simm.s32 @!p0 $0x300  }
0xb7: {  	s0 =	sadd.s32 $0xF, s1  }
0xb8: {  	s29 =	sshrl.u32 s0, $0x4  }
0xb9: {  	s7 =	simm.s32 $0x0;
	s9 =	simm.s32 $0x0;
	v5 =	vmov s1;
	p2 =	seq.s32 s29, $0x0  }
.LBB2_49:
0xba: {  	s9 =	sadd.s32 $0x1, s9  }
0xbb: {  	p0 =	sne.s32 s9, $0x15  }
.Ltmp7:
0xbc: {  	_ = 	snop;
	(pc) =	sbr.rel @!p0 .LBB2_50-.Ltmp7, $1  }
0xbd: {  	_ =	sdelay $0x3  }
.LBB2_10:
0xbe: {  	s1 =	smul.u32 $0x60, s9  }
0xbf: {  	s0 =	rddreg [dreg:$0x1b]  }
0xc0: {  	s28 =	sadd.s32 s0, s1  }
0xc1: {  	p3 =	sgt.u32 s28, $0x7A0  }
0xc2: {  	s2 =	rddreg [dreg:$0x2];
	s0 =	sshll.u32 @!p3 s28, $0x9;
	s3 =	simm.s32 @!p3 $0x1000  }
0xc3: {  	s4 =	simm.s32 @!p3 $0x7A1400;
	s10 =	simm.s32 @!p3 $0x8800;
	s2 =	sadd.s32 @!p3 s2, s0  }
0xc4: {  	[tilespmem:s10], [sflag:$0x3] =	stream.strided.gather @!p3 [hbm4b:s2+s3], $0x4000, s4, s3, $0x38;
	[tilespmem:$0x1F400] =	vst v63  }
0xc5: {  	s2 =	rddreg [dreg:$0x4]  }
0xc6: {  	s0 =	sadd.s32 @!p3 s2, s0;
	s2 =	simm.s32 @!p3 $0x14800  }
0xc7: {  	[tilespmem:s2], [sflag:$0x3] =	stream.strided.gather @!p3 [hbm4b:s0+s3], $0x4000, s4, s3, $0x38;
	[tilespmem:$0x1F400] =	vst v63  }
0xc8: {  	_ =	swait.ge [sflag:s23], $0x4000  }
.Ltmp8:
0xc9: {  	[sflag:s23] =	ssyncset.done $0x0;
	(pc) =	sbr.rel @p2 .LBB2_23-.Ltmp8, $4  }
0xca: {  	[sflag:s23] =	ssyncadd.s32 $0xFFFFC000  }
0xcb: {  	_ =	swait.ge [sflag:s23], $0x4000  }
0xcc: {  	[sflag:s23] =	ssyncset.done $0x0  }
0xcd: {  	[sflag:s23] =	ssyncadd.s32 $0xFFFFC000  }
.Ltmp9:
0xce: {  	(pc) =	sbr.rel .LBB2_12-.Ltmp9, $4  }
0xcf: {  	_ = 	snop  }
0xd0: {  	s0 =	rddreg [dreg:$0xa]  }
0xd1: {  	s0 =	sor.u32 s0, s1  }
0xd2: {  	s2 =	simm.s32 $0x0;
	v6 =	vmov s0  }
.LBB2_14:
0xd3: {  	s10 =	smov.u32 s7  }
.LBB2_21:
0xd4: {  	v7 =	vadd.f32 @p1 v11, v12;
	s0 =	sshra.s32 @p1 s0, $0x2  }
0xd5: {  	[tilespmem:s0+$0x19400] =	vst @p1 v13  }
0xd6: {  	s8 =	sadd.s32 @p1 s11, s12;
	s5 =	sadd.s32 @p1 $0x19400, s0;
	[tilespmem:s0+$0x19410] =	vst @p1 v7  }
0xd7: {  	[hbm4b:s8+s6] =	stream.linear.scatter @p1 [tilespmem:s5], [sflag:$0x4], $0x20, $0x38;
	[tilespmem:$0x1F400] =	vst v63  }
0xd8: {  	v7 =	vld.idx.msk @p4 [tilespmem:v9+s15+$0x0], $0xffff  }
0xd9: {  	s0 =	scvt.s32.f32 @p4 s4;
	v8 =	vld.idx.msk @p4 [tilespmem:v10+s15+$0x0], $0xffff  }
0xda: {  	v10 =	vld.idx.msk @p4 [tilespmem:v10+s14+$0x0], $0xffff  }
0xdb: {  	v9 =	vld.idx.msk @p4 [tilespmem:v9+s14+$0x0], $0xffff;
	v11 =	vmov @p4 s0  }
0xdc: {  	s4 =	sadd.s32 @p1 $0x1, s10;
	s8 =	smov.u32 s7;
	v11 =	vsub.f32 @p4 $1.000000000e+00, v11;
	s12 =	spop (v2sf)  }
0xdd: {  	s8 =	smov.u32 @p1 s4;
	s31 =	sand.u32 $0x1FF, s12  }
0xde: {  	p0 =	slt.s32 @p4 s8, $0x2FF;
	v57 =	vmov s31;
	v8 =	vmul.f32 @p4 v11, v8  }
0xdf: {  	s4 =	smov.u32 s8;
	p0 =	por !p0, !p4;
	v7 =	vmul.f32 @p4 v11, v7;
	v10 =	vmul.f32 @p4 s0, v10;
	v58 =	vshll.u32 v57, $0x3  }
0xe0: {  	s4 =	simm.s32 @p0 $0x2FF;
	v9 =	vmul.f32 @p4 s0, v9;
	v59 =	vand.u32 $0x7F, v57;
	v60 =	vand.u32 $0xC00, v58  }
0xe1: {  	s0 =	sshll.u32 @p4 s4, $0x7;
	v8 =	vadd.f32 @p4 v8, v10;
	v11 =	vor.u32 v59, v60  }
0xe2: {  	s0 =	smov.u32 @p4 s0;
	v9 =	vpsel p4, v9, v0;
	v7 =	vpsel p4, v7, v0;
	v61 =	vor.u32 v1, v11  }
0xe3: {  	s0 =	sshra.s32 @p4 s0, $0x2;
	v7 =	vadd.f32 @p4 v7, v9;
	v11 =	vor.u32 v0, v11;
	v8 =	vpsel p4, v8, v0  }
0xe4: {  	s3 =	smov.u32 @p4 s3;
	[tilespmem:s0+$0x19400] =	vst @p4 v8  }
0xe5: {  	s3 =	sadd.s32 @p4 s11, s3;
	s4 =	sadd.s32 @p4 $0x19400, s0;
	[tilespmem:s0+$0x19410] =	vst @p4 v7  }
0xe6: {  	[hbm4b:s3+s6] =	stream.linear.scatter @p4 [tilespmem:s4], [sflag:$0x4], $0x20, $0x38;
	[tilespmem:$0x1F400] =	vst v63  }
0xe7: {  	s5 =	sshrl.u32 s12, $0x1E;
	v7 =	vld.idx.msk [tilespmem:v61+s15+$0x0], $0xffff  }
0xe8: {  	s0 =	sand.u32 $0x1, s5;
	v8 =	vld.idx.msk [tilespmem:v11+s15+$0x0], $0xffff  }
0xe9: {  	s0 =	scvt.s32.f32 s0;
	v62 =	vld.idx.msk [tilespmem:v11+s14+$0x0], $0xffff  }
0xea: {  	v10 =	vld.idx.msk [tilespmem:v61+s14+$0x0], $0xffff  }
0xeb: {  	v63 =	vmov s0  }
0xec: {  	s3 =	sadd.s32 @p4 $0x1, s8;
	v11 =	vsub.f32 $1.000000000e+00, v63  }
0xed: {  	s7 =	smov.u32 @p4 s3  }
0xee: {  	p0 =	slt.s32 s7, $0x2FF;
	v8 =	vmul.f32 v11, v8;
	v9 =	vmul.f32 s0, v62  }
0xef: {  	s3 =	sadd.s32 $0x1, s7;
	s7 =	simm.s32 @!p0 $0x2FF;
	v7 =	vmul.f32 v11, v7;
	v10 =	vmul.f32 s0, v10  }
0xf0: {  	s10 =	spop (v2sf);
	s12 =	sshll.u32 s7, $0x7;
	v8 =	vadd.f32 v8, v9  }
0xf1: {  	s4 =	sshra.s32 s12, $0x2;
	s0 =	sshll.u32 s10, $0x2;
	v7 =	vadd.f32 v7, v10  }
0xf2: {  	s0 =	sand.u32 $0x1FFFFFFC, s0;
	[tilespmem:s4+$0x19400] =	vst v8  }
0xf3: {  	s7 =	smov.u32 s3;
	s31 =	sadd.s32 $0x19400, s4;
	s0 =	sadd.s32 s11, s0;
	[tilespmem:s4+$0x19410] =	vst v7  }
0xf4: {  	[hbm4b:s0+s6] =	stream.linear.scatter [tilespmem:s31], [sflag:$0x4], $0x20, $0x38;
	[tilespmem:$0x1F400] =	vst v63  }
.LBB2_22:
0xf5: {  	s2 =	sadd.s32 $0x1, s2  }
0xf6: {  	p0 =	sne.s32 s2, s29  }
.Ltmp10:
0xf7: {  	_ = 	snop;
	(pc) =	sbr.rel @!p0 .LBB2_23-.Ltmp10, $1  }
0xf8: {  	_ =	sdelay $0x3  }
.LBB2_12:
0xf9: {  	s3 =	sshll.u32 s2, $0x4  }
0xfa: {  	v7 =	vld [tilespmem:s3+$0x18800];
	_ =	sdelay $0x4  }
0xfb: {  	v8 =	vshrl.u32 v7, $0x9  }
0xfc: {  	v9 =	vor.u32 s3, v4;
	v8 =	vand.u32 $0x7FF, v8  }
0xfd: {  	vm3 =	vlt.s32 v9, v5;
	vm4 =	veq.s32 v8, v6  }
0xfe: {  	vm3 =	vmand vm3, vm4  }
0xff: {  	v8 =	vmpcnt.ones.xlane vm3;
	_ =	sdelay $0x1  }
0x100: {  	(v2sf) =	vpush v8, $0x0;
	_ =	sdelay $0xe  }
0x101: {  	s0 =	spop (v2sf)  }
0x102: {  	p0 =	slt.s32 s0, $0x1  }
.Ltmp11:
0x103: {  	_ = 	snop;
	(pc) =	sbr.rel @p0 .LBB2_22-.Ltmp11, $2  }
0x104: {  	_ =	sdelay $0x2  }
0x105: {  	v8 =	vld [tilespmem:s3+$0x18B00]  }
0x106: {  	v9 =	vmctz.xlane vm3;
	_ =	sdelay $0x1  }
0x107: {  	v9 =	vbroadcast v9, $0x0;
	_ =	sdelay $0x1  }
0x108: {  	v10 =	vperm.xlane v7, v9;
	_ =	sdelay $0x1  }
0x109: {  	(v2sf) =	vpush v10, $0x0  }
0x10a: {  	p0 =	sne.s32 s0, $0x1  }
.Ltmp12:
0x10b: {  	_ = 	snop;
	(pc) =	sbr.rel @!p0 .LBB2_14-.Ltmp12, $4  }
0x10c: {  	v8 =	vand.u32 $0x3FFF, v8  }
0x10d: {  	v11 =	vperm.xlane v8, v9  }
0x10e: {  	vm4 =	vne.s32 v9, v4  }
0x10f: {  	s0 =	sadd.s32 $0xFFFFFFFF, s0;
	p4 =	por $0x0, $0x0;
	p1 =	por $0x0, $0x0;
	vm3 =	vmand vm3, vm4;
	(v2sf) =	vpush v11, $0x0  }
0x110: {  	_ =	sdelay $0x3  }
0x111: {  	v9 =	vmctz.xlane vm3;
	_ =	sdelay $0x1  }
0x112: {  	v9 =	vbroadcast v9, $0x0;
	_ =	sdelay $0x1  }
0x113: {  	v11 =	vperm.xlane v7, v9;
	_ =	sdelay $0x1  }
0x114: {  	s3 =	spop (v2sf);
	(v2sf) =	vpush v11, $0x0  }
0x115: {  	p0 =	sne.s32 s0, $0x1;
	s4 =	sand.u32 $0x1FF, s3  }
.Ltmp13:
0x116: {  	v10 =	vmov s4;
	(pc) =	sbr.rel @!p0 .LBB2_16-.Ltmp13, $4  }
0x117: {  	vm4 =	vne.s32 v9, v4;
	v12 =	vshll.u32 v10, $0x3  }
0x118: {  	v9 =	vperm.xlane v8, v9;
	v10 =	vand.u32 $0x7F, v10;
	v12 =	vand.u32 $0xC00, v12;
	s31 =	spop (v2sf)  }
0x119: {  	s0 =	sadd.s32 $0xFFFFFFFF, s0;
	vm3 =	vmand vm3, vm4;
	s3 =	sshrl.u32 s3, $0x1E;
	v11 =	vor.u32 v10, v12;
	s10 =	sshll.u32 s31, $0x2  }
0x11a: {  	p4 =	por $0x1, $0x1;
	s4 =	sand.u32 $0x1, s3;
	(v2sf) =	vpush v9, $0x0;
	v10 =	vor.u32 v0, v11;
	v9 =	vor.u32 v1, v11;
	s3 =	sand.u32 $0x1FFFFFFC, s10  }
0x11b: {  	_ =	sdelay $0x3  }
0x11c: {  	v11 =	vmctz.xlane vm3;
	_ =	sdelay $0x1  }
0x11d: {  	v11 =	vbroadcast v11, $0x0  }
0x11e: {  	v12 =	vld.idx.msk [tilespmem:v9+s15+$0x0], $0xffff;
	s10 =	scvt.s32.f32 s4  }
0x11f: {  	v13 =	vld.idx.msk [tilespmem:v10+s15+$0x0], $0xffff;
	v14 =	vperm.xlane v7, v11  }
0x120: {  	v10 =	vld.idx.msk [tilespmem:v10+s14+$0x0], $0xffff;
	v15 =	vmov s10  }
0x121: {  	v9 =	vld.idx.msk [tilespmem:v9+s14+$0x0], $0xffff;
	vm4 =	vne.s32 v11, v4;
	v11 =	vperm.xlane v8, v11;
	s8 =	spop (v2sf);
	(v2sf) =	vpush v14, $0x0  }
0x122: {  	p0 =	sne.s32 s0, $0x1;
	v15 =	vsub.f32 $1.000000000e+00, v15;
	s12 =	sand.u32 $0x1FF, s8  }
.Ltmp14:
0x123: {  	p1 =	slt.s32 s7, $0x2FF;
	s5 =	smov.u32 s7;
	(v2sf) =	vpush v11, $0x0;
	v14 =	vmov s12;
	(pc) =	sbr.rel @!p0 .LBB2_18-.Ltmp14, $4  }
0x124: {  	s5 =	simm.s32 @!p1 $0x2FF;
	vm3 =	vmand vm3, vm4;
	v13 =	vmul.f32 v15, v13;
	v11 =	vshll.u32 v14, $0x3  }
0x125: {  	p1 =	por $0x1, $0x1;
	v17 =	vmul.f32 s10, v10;
	s4 =	sshrl.u32 s8, $0x1E;
	v14 =	vand.u32 $0x7F, v14;
	v16 =	vand.u32 $0xC00, v11;
	s31 =	spop (v2sf)  }
0x126: {  	s12 =	sadd.s32 $0xFFFFFFFF, s0;
	s4 =	sand.u32 $0x1, s4;
	v11 =	vmul.f32 v15, v12;
	v12 =	vmul.f32 s10, v9;
	v14 =	vor.u32 v14, v16;
	s8 =	sshll.u32 s31, $0x2  }
0x127: {  	v13 =	vadd.f32 v13, v17;
	s0 =	sshll.u32 s5, $0x7;
	s10 =	smov.u32 s7;
	v10 =	vor.u32 v0, v14;
	v9 =	vor.u32 v1, v14;
	s31 =	sand.u32 $0x1FFFFFFC, s8  }
.LBB2_19:
0x128: {  	p5 =	sne.s32 s12, $0x1;
	v11 =	vadd.f32 v11, v12;
	s0 =	sshra.s32 s0, $0x2;
	s10 =	sadd.s32 $0x1, s10  }
0x129: {  	s12 =	sadd.s32 $0xFFFFFFFF, s12;
	s8 =	sadd.s32 s11, s3;
	s5 =	sadd.s32 $0x19400, s0;
	[tilespmem:s0+$0x19400] =	vst v13  }
0x12a: {  	v12 =	vmctz.xlane vm3;
	s3 =	smov.u32 s31;
	[tilespmem:s0+$0x19410] =	vst v11  }
0x12b: {  	[hbm4b:s8+s6] =	stream.linear.scatter [tilespmem:s5], [sflag:$0x4], $0x20, $0x38;
	[tilespmem:$0x1F400] =	vst v63  }
0x12c: {  	v11 =	vbroadcast v12, $0x0;
	v12 =	vld.idx.msk [tilespmem:v9+s15+$0x0], $0xffff  }
0x12d: {  	v13 =	vld.idx.msk [tilespmem:v10+s15+$0x0], $0xffff  }
0x12e: {  	s0 =	scvt.s32.f32 s4;
	v14 =	vperm.xlane v8, v11;
	v15 =	vperm.xlane v7, v11;
	vm4 =	vne.s32 v11, v4;
	v10 =	vld.idx.msk [tilespmem:v10+s14+$0x0], $0xffff  }
0x12f: {  	vm3 =	vmand vm3, vm4;
	v9 =	vld.idx.msk [tilespmem:v9+s14+$0x0], $0xffff  }
0x130: {  	v11 =	vmov s0;
	s4 =	spop (v2sf)  }
0x131: {  	v11 =	vsub.f32 $1.000000000e+00, v11;
	(v2sf) =	vpush v15, $0x0;
	s5 =	sand.u32 $0x1FF, s4  }
0x132: {  	(v2sf) =	vpush v14, $0x0;
	s4 =	sshrl.u32 s4, $0x1E;
	s8 =	spop (v2sf);
	v14 =	vmov s5  }
.Ltmp15:
0x133: {  	s4 =	sand.u32 $0x1, s4;
	s5 =	sshll.u32 s8, $0x2;
	v13 =	vmul.f32 v11, v13;
	v15 =	vshll.u32 v14, $0x3;
	(pc) =	sbr.rel @p5 .LBB2_19-.Ltmp15, $4  }
0x134: {  	v11 =	vmul.f32 v11, v12;
	s31 =	sand.u32 $0x1FFFFFFC, s5;
	v12 =	vand.u32 $0x7F, v14;
	v14 =	vand.u32 $0xC00, v15  }
0x135: {  	p0 =	slt.s32 s10, $0x2FF;
	v15 =	vmul.f32 s0, v10;
	v14 =	vor.u32 v12, v14;
	v12 =	vmul.f32 s0, v9;
	s0 =	smov.u32 s10  }
0x136: {  	s0 =	simm.s32 @!p0 $0x2FF  }
0x137: {  	v10 =	vor.u32 v0, v14;
	v9 =	vor.u32 v1, v14;
	v13 =	vadd.f32 v13, v15;
	s0 =	sshll.u32 s0, $0x7  }
.Ltmp16:
0x138: {  	(pc) =	sbr.rel .LBB2_21-.Ltmp16, $2  }
0x139: {  	_ =	sdelay $0x2  }
0x13a: {  	s12 =	smov.u32 s3;
	s3 =	smov.u32 s31  }
.LBB2_16:
.Ltmp17:
0x13b: {  	(pc) =	sbr.rel .LBB2_21-.Ltmp17, $2  }
0x13c: {  	_ =	sdelay $0x2  }
0x13d: {  	s10 =	smov.u32 s7  }
.LBB2_18:
.Ltmp18:
0x13e: {  	(pc) =	sbr.rel .LBB2_21-.Ltmp18, $2  }
0x13f: {  	_ =	sdelay $0x2  }
0x140: {  	s12 =	smov.u32 s3;
	s10 =	smov.u32 s7;
	s3 =	smov.u32 s31  }
.LBB2_23:
0x141: {  	s0 =	rddreg [dreg:$0x1d]  }
0x142: {  	s0 =	sadd.s32 s0, s1  }
0x143: {  	s31 =	rddreg [dreg:$0x1c];
	p0 =	sgt.u32 s0, $0x7A0  }
0x144: {  	s2 =	sshll.u32 @!p0 s0, $0x9;
	s0 =	rddreg [dreg:$0x2];
	s3 =	simm.s32 @!p0 $0x1000  }
0x145: {  	s4 =	simm.s32 @!p0 $0x7A1400;
	s5 =	simm.s32 @!p0 $0x800;
	s0 =	sadd.s32 @!p0 s0, s2  }
0x146: {  	[tilespmem:s5], [sflag:$0x1] =	stream.strided.gather @!p0 [hbm4b:s0+s3], $0x4000, s4, s3, $0x38;
	[tilespmem:$0x1F400] =	vst v63  }
0x147: {  	s5 =	rddreg [dreg:$0x4]  }
0x148: {  	s0 =	sadd.s32 s31, s1;
	s2 =	sadd.s32 @!p0 s5, s2;
	s5 =	simm.s32 @!p0 $0xC800  }
0x149: {  	[tilespmem:s5], [sflag:$0x1] =	stream.strided.gather @!p0 [hbm4b:s2+s3], $0x4000, s4, s3, $0x38;
	[tilespmem:$0x1F400] =	vst v63  }
0x14a: {  	p0 =	sgt.u32 s0, $0x7A0  }
0x14b: {  	s2 =	simm.s32 @!p0 $0x2  }
0x14c: {  	_ =	swait.ge @!p0 [sflag:s2], $0x4000  }
.Ltmp19:
0x14d: {  	[sflag:s2] =	ssyncset.done @!p0 $0x0;
	(pc) =	sbr.rel @p2 .LBB2_36-.Ltmp19, $4  }
0x14e: {  	[sflag:s2] =	ssyncadd.s32 @!p0 $0xFFFFC000  }
0x14f: {  	_ =	swait.ge @!p0 [sflag:s2], $0x4000  }
0x150: {  	[sflag:s2] =	ssyncset.done @!p0 $0x0  }
0x151: {  	[sflag:s2] =	ssyncadd.s32 @!p0 $0xFFFFC000  }
.Ltmp20:
0x152: {  	(pc) =	sbr.rel .LBB2_25-.Ltmp20, $3  }
0x153: {  	_ =	sdelay $0x1  }
0x154: {  	p0 =	slt.u32 s0, $0x7A1;
	vm3 =	vmmov vm0  }
0x155: {  	v6 =	vmov s0;
	s2 =	simm.s32 $0x0;
	vm3 =	vmneg @p0 vm3  }
.LBB2_27:
0x156: {  	s10 =	smov.u32 s7  }
.LBB2_34:
0x157: {  	v7 =	vadd.f32 @p1 v11, v12;
	s0 =	sshra.s32 @p1 s0, $0x2  }
0x158: {  	[tilespmem:s0+$0x19400] =	vst @p1 v13  }
0x159: {  	s8 =	sadd.s32 @p1 s11, s12;
	s5 =	sadd.s32 @p1 $0x19400, s0;
	[tilespmem:s0+$0x19410] =	vst @p1 v7  }
0x15a: {  	[hbm4b:s8+s6] =	stream.linear.scatter @p1 [tilespmem:s5], [sflag:$0x4], $0x20, $0x38;
	[tilespmem:$0x1F400] =	vst v63  }
0x15b: {  	v7 =	vld.idx.msk @p4 [tilespmem:v9+s17+$0x0], $0xffff  }
0x15c: {  	s0 =	scvt.s32.f32 @p4 s4;
	v8 =	vld.idx.msk @p4 [tilespmem:v10+s17+$0x0], $0xffff  }
0x15d: {  	v10 =	vld.idx.msk @p4 [tilespmem:v10+s16+$0x0], $0xffff  }
0x15e: {  	v9 =	vld.idx.msk @p4 [tilespmem:v9+s16+$0x0], $0xffff;
	v11 =	vmov @p4 s0  }
0x15f: {  	s4 =	sadd.s32 @p1 $0x1, s10;
	s8 =	smov.u32 s7;
	v11 =	vsub.f32 @p4 $1.000000000e+00, v11;
	s12 =	spop (v2sf)  }
0x160: {  	s8 =	smov.u32 @p1 s4;
	s31 =	sand.u32 $0x1FF, s12  }
0x161: {  	p0 =	slt.s32 @p4 s8, $0x2FF;
	v57 =	vmov s31;
	v8 =	vmul.f32 @p4 v11, v8  }
0x162: {  	s4 =	smov.u32 s8;
	p0 =	por !p0, !p4;
	v7 =	vmul.f32 @p4 v11, v7;
	v10 =	vmul.f32 @p4 s0, v10;
	v58 =	vshll.u32 v57, $0x3  }
0x163: {  	s4 =	simm.s32 @p0 $0x2FF;
	v9 =	vmul.f32 @p4 s0, v9;
	v59 =	vand.u32 $0x7F, v57;
	v60 =	vand.u32 $0xC00, v58  }
0x164: {  	s0 =	sshll.u32 @p4 s4, $0x7;
	v8 =	vadd.f32 @p4 v8, v10;
	v11 =	vor.u32 v59, v60  }
0x165: {  	s0 =	smov.u32 @p4 s0;
	v9 =	vpsel p4, v9, v0;
	v7 =	vpsel p4, v7, v0;
	v61 =	vor.u32 v1, v11  }
0x166: {  	s0 =	sshra.s32 @p4 s0, $0x2;
	v7 =	vadd.f32 @p4 v7, v9;
	v11 =	vor.u32 v0, v11;
	v8 =	vpsel p4, v8, v0  }
0x167: {  	s3 =	smov.u32 @p4 s3;
	[tilespmem:s0+$0x19400] =	vst @p4 v8  }
0x168: {  	s3 =	sadd.s32 @p4 s11, s3;
	s4 =	sadd.s32 @p4 $0x19400, s0;
	[tilespmem:s0+$0x19410] =	vst @p4 v7  }
0x169: {  	[hbm4b:s3+s6] =	stream.linear.scatter @p4 [tilespmem:s4], [sflag:$0x4], $0x20, $0x38;
	[tilespmem:$0x1F400] =	vst v63  }
0x16a: {  	s5 =	sshrl.u32 s12, $0x1E;
	v7 =	vld.idx.msk [tilespmem:v61+s17+$0x0], $0xffff  }
0x16b: {  	s0 =	sand.u32 $0x1, s5;
	v8 =	vld.idx.msk [tilespmem:v11+s17+$0x0], $0xffff  }
0x16c: {  	s0 =	scvt.s32.f32 s0;
	v62 =	vld.idx.msk [tilespmem:v11+s16+$0x0], $0xffff  }
0x16d: {  	v10 =	vld.idx.msk [tilespmem:v61+s16+$0x0], $0xffff  }
0x16e: {  	v63 =	vmov s0  }
0x16f: {  	s3 =	sadd.s32 @p4 $0x1, s8;
	v11 =	vsub.f32 $1.000000000e+00, v63  }
0x170: {  	s7 =	smov.u32 @p4 s3  }
0x171: {  	p0 =	slt.s32 s7, $0x2FF;
	v8 =	vmul.f32 v11, v8;
	v9 =	vmul.f32 s0, v62  }
0x172: {  	s3 =	sadd.s32 $0x1, s7;
	s7 =	simm.s32 @!p0 $0x2FF;
	v7 =	vmul.f32 v11, v7;
	v10 =	vmul.f32 s0, v10  }
0x173: {  	s10 =	spop (v2sf);
	s12 =	sshll.u32 s7, $0x7;
	v8 =	vadd.f32 v8, v9  }
0x174: {  	s4 =	sshra.s32 s12, $0x2;
	s0 =	sshll.u32 s10, $0x2;
	v7 =	vadd.f32 v7, v10  }
0x175: {  	s0 =	sand.u32 $0x1FFFFFFC, s0;
	[tilespmem:s4+$0x19400] =	vst v8  }
0x176: {  	s7 =	smov.u32 s3;
	s31 =	sadd.s32 $0x19400, s4;
	s0 =	sadd.s32 s11, s0;
	[tilespmem:s4+$0x19410] =	vst v7  }
0x177: {  	[hbm4b:s0+s6] =	stream.linear.scatter [tilespmem:s31], [sflag:$0x4], $0x20, $0x38;
	[tilespmem:$0x1F400] =	vst v63  }
.LBB2_35:
0x178: {  	s2 =	sadd.s32 $0x1, s2  }
0x179: {  	p0 =	sne.s32 s2, s29  }
.Ltmp21:
0x17a: {  	_ = 	snop;
	(pc) =	sbr.rel @!p0 .LBB2_36-.Ltmp21, $1  }
0x17b: {  	_ =	sdelay $0x3  }
.LBB2_25:
0x17c: {  	s3 =	sshll.u32 s2, $0x4  }
0x17d: {  	v7 =	vld [tilespmem:s3+$0x18800];
	_ =	sdelay $0x4  }
0x17e: {  	v8 =	vshrl.u32 v7, $0x9  }
0x17f: {  	v9 =	vor.u32 s3, v4;
	v8 =	vand.u32 $0x7FF, v8  }
0x180: {  	vm4 =	vlt.s32 v9, v5;
	vm5 =	veq.s32 v8, v6  }
0x181: {  	vm4 =	vmand vm4, vm5  }
0x182: {  	vm4 =	vmand vm3, vm4  }
0x183: {  	v8 =	vmpcnt.ones.xlane vm4;
	_ =	sdelay $0x1  }
0x184: {  	(v2sf) =	vpush v8, $0x0;
	_ =	sdelay $0xe  }
0x185: {  	s0 =	spop (v2sf)  }
0x186: {  	p0 =	slt.s32 s0, $0x1  }
.Ltmp22:
0x187: {  	_ = 	snop;
	(pc) =	sbr.rel @p0 .LBB2_35-.Ltmp22, $2  }
0x188: {  	_ =	sdelay $0x2  }
0x189: {  	v8 =	vld [tilespmem:s3+$0x18B00]  }
0x18a: {  	v9 =	vmctz.xlane vm4;
	_ =	sdelay $0x1  }
0x18b: {  	v9 =	vbroadcast v9, $0x0;
	_ =	sdelay $0x1  }
0x18c: {  	v10 =	vperm.xlane v7, v9;
	_ =	sdelay $0x1  }
0x18d: {  	(v2sf) =	vpush v10, $0x0  }
0x18e: {  	p0 =	sne.s32 s0, $0x1  }
.Ltmp23:
0x18f: {  	_ = 	snop;
	(pc) =	sbr.rel @!p0 .LBB2_27-.Ltmp23, $4  }
0x190: {  	v8 =	vand.u32 $0x3FFF, v8  }
0x191: {  	v11 =	vperm.xlane v8, v9  }
0x192: {  	vm5 =	vne.s32 v9, v4  }
0x193: {  	s0 =	sadd.s32 $0xFFFFFFFF, s0;
	p4 =	por $0x0, $0x0;
	p1 =	por $0x0, $0x0;
	vm4 =	vmand vm4, vm5;
	(v2sf) =	vpush v11, $0x0  }
0x194: {  	_ =	sdelay $0x3  }
0x195: {  	v9 =	vmctz.xlane vm4;
	_ =	sdelay $0x1  }
0x196: {  	v9 =	vbroadcast v9, $0x0;
	_ =	sdelay $0x1  }
0x197: {  	v11 =	vperm.xlane v7, v9;
	_ =	sdelay $0x1  }
0x198: {  	s3 =	spop (v2sf);
	(v2sf) =	vpush v11, $0x0  }
0x199: {  	p0 =	sne.s32 s0, $0x1;
	s4 =	sand.u32 $0x1FF, s3  }
.Ltmp24:
0x19a: {  	v10 =	vmov s4;
	(pc) =	sbr.rel @!p0 .LBB2_29-.Ltmp24, $4  }
0x19b: {  	vm5 =	vne.s32 v9, v4;
	v12 =	vshll.u32 v10, $0x3  }
0x19c: {  	v9 =	vperm.xlane v8, v9;
	v10 =	vand.u32 $0x7F, v10;
	v12 =	vand.u32 $0xC00, v12;
	s31 =	spop (v2sf)  }
0x19d: {  	s0 =	sadd.s32 $0xFFFFFFFF, s0;
	vm4 =	vmand vm4, vm5;
	s3 =	sshrl.u32 s3, $0x1E;
	v11 =	vor.u32 v10, v12;
	s5 =	sshll.u32 s31, $0x2  }
0x19e: {  	p4 =	por $0x1, $0x1;
	s4 =	sand.u32 $0x1, s3;
	(v2sf) =	vpush v9, $0x0;
	v10 =	vor.u32 v0, v11;
	v9 =	vor.u32 v1, v11;
	s3 =	sand.u32 $0x1FFFFFFC, s5  }
0x19f: {  	_ =	sdelay $0x3  }
0x1a0: {  	v11 =	vmctz.xlane vm4;
	_ =	sdelay $0x1  }
0x1a1: {  	v11 =	vbroadcast v11, $0x0  }
0x1a2: {  	v12 =	vld.idx.msk [tilespmem:v9+s17+$0x0], $0xffff;
	s5 =	scvt.s32.f32 s4  }
0x1a3: {  	v13 =	vld.idx.msk [tilespmem:v10+s17+$0x0], $0xffff;
	v14 =	vperm.xlane v7, v11  }
0x1a4: {  	v10 =	vld.idx.msk [tilespmem:v10+s16+$0x0], $0xffff;
	v15 =	vmov s5  }
0x1a5: {  	v9 =	vld.idx.msk [tilespmem:v9+s16+$0x0], $0xffff;
	vm5 =	vne.s32 v11, v4;
	v11 =	vperm.xlane v8, v11;
	s10 =	spop (v2sf);
	(v2sf) =	vpush v14, $0x0  }
0x1a6: {  	p0 =	sne.s32 s0, $0x1;
	v15 =	vsub.f32 $1.000000000e+00, v15;
	s8 =	sand.u32 $0x1FF, s10  }
.Ltmp25:
0x1a7: {  	(v2sf) =	vpush v11, $0x0;
	v14 =	vmov s8;
	(pc) =	sbr.rel @!p0 .LBB2_31-.Ltmp25, $4  }
0x1a8: {  	s12 =	sadd.s32 $0xFFFFFFFF, s0;
	p1 =	slt.s32 s7, $0x2FF;
	vm4 =	vmand vm4, vm5;
	v13 =	vmul.f32 v15, v13;
	s4 =	sshrl.u32 s10, $0x1E;
	v11 =	vshll.u32 v14, $0x3  }
0x1a9: {  	v17 =	vmul.f32 s5, v10;
	s10 =	smov.u32 s7;
	s4 =	sand.u32 $0x1, s4;
	v14 =	vand.u32 $0x7F, v14;
	v16 =	vand.u32 $0xC00, v11;
	s8 =	spop (v2sf)  }
0x1aa: {  	s10 =	simm.s32 @!p1 $0x2FF;
	p1 =	por $0x1, $0x1;
	v11 =	vmul.f32 v15, v12;
	v12 =	vmul.f32 s5, v9;
	v14 =	vor.u32 v14, v16;
	s8 =	sshll.u32 s8, $0x2  }
0x1ab: {  	v13 =	vadd.f32 v13, v17;
	s0 =	sshll.u32 s10, $0x7;
	s10 =	smov.u32 s7;
	v10 =	vor.u32 v0, v14;
	v9 =	vor.u32 v1, v14;
	s31 =	sand.u32 $0x1FFFFFFC, s8  }
.LBB2_32:
0x1ac: {  	p5 =	sne.s32 s12, $0x1;
	v11 =	vadd.f32 v11, v12;
	s0 =	sshra.s32 s0, $0x2;
	s10 =	sadd.s32 $0x1, s10  }
0x1ad: {  	s12 =	sadd.s32 $0xFFFFFFFF, s12;
	s8 =	sadd.s32 s11, s3;
	s5 =	sadd.s32 $0x19400, s0;
	[tilespmem:s0+$0x19400] =	vst v13  }
0x1ae: {  	v12 =	vmctz.xlane vm4;
	s3 =	smov.u32 s31;
	[tilespmem:s0+$0x19410] =	vst v11  }
0x1af: {  	[hbm4b:s8+s6] =	stream.linear.scatter [tilespmem:s5], [sflag:$0x4], $0x20, $0x38;
	[tilespmem:$0x1F400] =	vst v63  }
0x1b0: {  	v11 =	vbroadcast v12, $0x0;
	v12 =	vld.idx.msk [tilespmem:v9+s17+$0x0], $0xffff  }
0x1b1: {  	v13 =	vld.idx.msk [tilespmem:v10+s17+$0x0], $0xffff  }
0x1b2: {  	s0 =	scvt.s32.f32 s4;
	v14 =	vperm.xlane v8, v11;
	v15 =	vperm.xlane v7, v11;
	vm5 =	vne.s32 v11, v4;
	v10 =	vld.idx.msk [tilespmem:v10+s16+$0x0], $0xffff  }
0x1b3: {  	vm4 =	vmand vm4, vm5;
	v9 =	vld.idx.msk [tilespmem:v9+s16+$0x0], $0xffff  }
0x1b4: {  	v11 =	vmov s0;
	s4 =	spop (v2sf)  }
0x1b5: {  	v11 =	vsub.f32 $1.000000000e+00, v11;
	(v2sf) =	vpush v15, $0x0;
	s5 =	sand.u32 $0x1FF, s4  }
0x1b6: {  	(v2sf) =	vpush v14, $0x0;
	s4 =	sshrl.u32 s4, $0x1E;
	s8 =	spop (v2sf);
	v14 =	vmov s5  }
.Ltmp26:
0x1b7: {  	s4 =	sand.u32 $0x1, s4;
	s5 =	sshll.u32 s8, $0x2;
	v13 =	vmul.f32 v11, v13;
	v15 =	vshll.u32 v14, $0x3;
	(pc) =	sbr.rel @p5 .LBB2_32-.Ltmp26, $4  }
0x1b8: {  	v11 =	vmul.f32 v11, v12;
	s31 =	sand.u32 $0x1FFFFFFC, s5;
	v12 =	vand.u32 $0x7F, v14;
	v14 =	vand.u32 $0xC00, v15  }
0x1b9: {  	p0 =	slt.s32 s10, $0x2FF;
	v15 =	vmul.f32 s0, v10;
	v14 =	vor.u32 v12, v14;
	v12 =	vmul.f32 s0, v9;
	s0 =	smov.u32 s10  }
0x1ba: {  	s0 =	simm.s32 @!p0 $0x2FF  }
0x1bb: {  	v10 =	vor.u32 v0, v14;
	v9 =	vor.u32 v1, v14;
	v13 =	vadd.f32 v13, v15;
	s0 =	sshll.u32 s0, $0x7  }
.Ltmp27:
0x1bc: {  	(pc) =	sbr.rel .LBB2_34-.Ltmp27, $2  }
0x1bd: {  	_ =	sdelay $0x2  }
0x1be: {  	s12 =	smov.u32 s3;
	s3 =	smov.u32 s31  }
.LBB2_29:
.Ltmp28:
0x1bf: {  	(pc) =	sbr.rel .LBB2_34-.Ltmp28, $2  }
0x1c0: {  	_ =	sdelay $0x2  }
0x1c1: {  	s10 =	smov.u32 s7  }
.LBB2_31:
.Ltmp29:
0x1c2: {  	(pc) =	sbr.rel .LBB2_34-.Ltmp29, $2  }
0x1c3: {  	_ =	sdelay $0x2  }
0x1c4: {  	s12 =	smov.u32 s3;
	s10 =	smov.u32 s7;
	s3 =	smov.u32 s31  }
.LBB2_36:
0x1c5: {  	s0 =	rddreg [dreg:$0x1e]  }
0x1c6: {  	s0 =	sadd.s32 s0, s1  }
0x1c7: {  	p0 =	sgt.u32 s0, $0x7A0  }
0x1c8: {  	s1 =	rddreg [dreg:$0x2];
	s0 =	sshll.u32 @!p0 s0, $0x9;
	s2 =	simm.s32 @!p0 $0x1000  }
0x1c9: {  	s3 =	simm.s32 @!p0 $0x7A1400;
	s4 =	simm.s32 @!p0 $0x4800;
	s1 =	sadd.s32 @!p0 s1, s0  }
0x1ca: {  	[tilespmem:s4], [sflag:$0x2] =	stream.strided.gather @!p0 [hbm4b:s1+s2], $0x4000, s3, s2, $0x38;
	[tilespmem:$0x1F400] =	vst v63  }
0x1cb: {  	s1 =	rddreg [dreg:$0x4]  }
0x1cc: {  	s0 =	sadd.s32 @!p0 s1, s0;
	s1 =	simm.s32 @!p0 $0x10800  }
0x1cd: {  	[tilespmem:s1], [sflag:$0x2] =	stream.strided.gather @!p0 [hbm4b:s0+s2], $0x4000, s3, s2, $0x38;
	[tilespmem:$0x1F400] =	vst v63  }
0x1ce: {  	s0 =	simm.s32 @!p3 $0x3  }
0x1cf: {  	_ =	swait.ge @!p3 [sflag:s0], $0x4000  }
.Ltmp30:
0x1d0: {  	[sflag:s0] =	ssyncset.done @!p3 $0x0;
	(pc) =	sbr.rel @p2 .LBB2_49-.Ltmp30, $4  }
0x1d1: {  	[sflag:s0] =	ssyncadd.s32 @!p3 $0xFFFFC000  }
0x1d2: {  	_ =	swait.ge @!p3 [sflag:s0], $0x4000  }
0x1d3: {  	[sflag:s0] =	ssyncset.done @!p3 $0x0  }
0x1d4: {  	[sflag:s0] =	ssyncadd.s32 @!p3 $0xFFFFC000  }
.Ltmp31:
0x1d5: {  	(pc) =	sbr.rel .LBB2_38-.Ltmp31, $3  }
0x1d6: {  	_ =	sdelay $0x1  }
0x1d7: {  	p0 =	slt.u32 s28, $0x7A1;
	vm3 =	vmmov vm0  }
0x1d8: {  	v6 =	vmov s28;
	s1 =	simm.s32 $0x0;
	vm3 =	vmneg @p0 vm3  }
.LBB2_40:
0x1d9: {  	s4 =	smov.u32 s7  }
.LBB2_47:
0x1da: {  	v7 =	vadd.f32 @p1 v11, v12;
	s0 =	sshra.s32 @p1 s0, $0x2  }
0x1db: {  	[tilespmem:s0+$0x19400] =	vst @p1 v13  }
0x1dc: {  	s8 =	sadd.s32 @p1 s11, s10;
	s5 =	sadd.s32 @p1 $0x19400, s0;
	[tilespmem:s0+$0x19410] =	vst @p1 v7  }
0x1dd: {  	[hbm4b:s8+s6] =	stream.linear.scatter @p1 [tilespmem:s5], [sflag:$0x4], $0x20, $0x38;
	[tilespmem:$0x1F400] =	vst v63  }
0x1de: {  	v7 =	vld.idx.msk @p3 [tilespmem:v9+s26+$0x0], $0xffff  }
0x1df: {  	s0 =	scvt.s32.f32 @p3 s3;
	v8 =	vld.idx.msk @p3 [tilespmem:v10+s26+$0x0], $0xffff  }
0x1e0: {  	v10 =	vld.idx.msk @p3 [tilespmem:v10+s25+$0x0], $0xffff  }
0x1e1: {  	v9 =	vld.idx.msk @p3 [tilespmem:v9+s25+$0x0], $0xffff;
	v11 =	vmov @p3 s0  }
0x1e2: {  	s3 =	sadd.s32 @p1 $0x1, s4;
	s5 =	smov.u32 s7;
	v11 =	vsub.f32 @p3 $1.000000000e+00, v11;
	s28 =	spop (v2sf)  }
0x1e3: {  	s5 =	smov.u32 @p1 s3;
	s31 =	sand.u32 $0x1FF, s28  }
0x1e4: {  	p0 =	slt.s32 @p3 s5, $0x2FF;
	v57 =	vmov s31;
	v8 =	vmul.f32 @p3 v11, v8  }
0x1e5: {  	s3 =	smov.u32 s5;
	p0 =	por !p0, !p3;
	v7 =	vmul.f32 @p3 v11, v7;
	v10 =	vmul.f32 @p3 s0, v10;
	v58 =	vshll.u32 v57, $0x3  }
0x1e6: {  	s3 =	simm.s32 @p0 $0x2FF;
	v9 =	vmul.f32 @p3 s0, v9;
	v59 =	vand.u32 $0x7F, v57;
	v60 =	vand.u32 $0xC00, v58  }
0x1e7: {  	s0 =	sshll.u32 @p3 s3, $0x7;
	v8 =	vadd.f32 @p3 v8, v10;
	v11 =	vor.u32 v59, v60  }
0x1e8: {  	s0 =	smov.u32 @p3 s0;
	v9 =	vpsel p3, v9, v0;
	v7 =	vpsel p3, v7, v0;
	v61 =	vor.u32 v1, v11  }
0x1e9: {  	s0 =	sshra.s32 @p3 s0, $0x2;
	v7 =	vadd.f32 @p3 v7, v9;
	v11 =	vor.u32 v0, v11;
	v8 =	vpsel p3, v8, v0  }
0x1ea: {  	s2 =	smov.u32 @p3 s2;
	[tilespmem:s0+$0x19400] =	vst @p3 v8  }
0x1eb: {  	s2 =	sadd.s32 @p3 s11, s2;
	s3 =	sadd.s32 @p3 $0x19400, s0;
	[tilespmem:s0+$0x19410] =	vst @p3 v7  }
0x1ec: {  	[hbm4b:s2+s6] =	stream.linear.scatter @p3 [tilespmem:s3], [sflag:$0x4], $0x20, $0x38;
	[tilespmem:$0x1F400] =	vst v63  }
0x1ed: {  	s10 =	sshrl.u32 s28, $0x1E;
	v7 =	vld.idx.msk [tilespmem:v61+s26+$0x0], $0xffff  }
0x1ee: {  	s0 =	sand.u32 $0x1, s10;
	v8 =	vld.idx.msk [tilespmem:v11+s26+$0x0], $0xffff  }
0x1ef: {  	s0 =	scvt.s32.f32 s0;
	v62 =	vld.idx.msk [tilespmem:v11+s25+$0x0], $0xffff  }
0x1f0: {  	v10 =	vld.idx.msk [tilespmem:v61+s25+$0x0], $0xffff  }
0x1f1: {  	v63 =	vmov s0  }
0x1f2: {  	s2 =	sadd.s32 @p3 $0x1, s5;
	v11 =	vsub.f32 $1.000000000e+00, v63  }
0x1f3: {  	s7 =	smov.u32 @p3 s2  }
0x1f4: {  	p0 =	slt.s32 s7, $0x2FF;
	v8 =	vmul.f32 v11, v8;
	v9 =	vmul.f32 s0, v62  }
0x1f5: {  	s2 =	sadd.s32 $0x1, s7;
	s7 =	simm.s32 @!p0 $0x2FF;
	v7 =	vmul.f32 v11, v7;
	v10 =	vmul.f32 s0, v10  }
0x1f6: {  	s12 =	spop (v2sf);
	s28 =	sshll.u32 s7, $0x7;
	v8 =	vadd.f32 v8, v9  }
0x1f7: {  	s3 =	sshra.s32 s28, $0x2;
	s0 =	sshll.u32 s12, $0x2;
	v7 =	vadd.f32 v7, v10  }
0x1f8: {  	s0 =	sand.u32 $0x1FFFFFFC, s0;
	[tilespmem:s3+$0x19400] =	vst v8  }
0x1f9: {  	s7 =	smov.u32 s2;
	s31 =	sadd.s32 $0x19400, s3;
	s0 =	sadd.s32 s11, s0;
	[tilespmem:s3+$0x19410] =	vst v7  }
0x1fa: {  	[hbm4b:s0+s6] =	stream.linear.scatter [tilespmem:s31], [sflag:$0x4], $0x20, $0x38;
	[tilespmem:$0x1F400] =	vst v63  }
.LBB2_48:
0x1fb: {  	s1 =	sadd.s32 $0x1, s1  }
0x1fc: {  	p0 =	sne.s32 s1, s29  }
.Ltmp32:
0x1fd: {  	_ = 	snop;
	(pc) =	sbr.rel @!p0 .LBB2_49-.Ltmp32, $1  }
0x1fe: {  	_ =	sdelay $0x3  }
.LBB2_38:
0x1ff: {  	s2 =	sshll.u32 s1, $0x4  }
0x200: {  	v7 =	vld [tilespmem:s2+$0x18800];
	_ =	sdelay $0x4  }
0x201: {  	v8 =	vshrl.u32 v7, $0x9  }
0x202: {  	v9 =	vor.u32 s2, v4;
	v8 =	vand.u32 $0x7FF, v8  }
0x203: {  	vm4 =	vlt.s32 v9, v5;
	vm5 =	veq.s32 v8, v6  }
0x204: {  	vm4 =	vmand vm4, vm5  }
0x205: {  	vm4 =	vmand vm3, vm4  }
0x206: {  	v8 =	vmpcnt.ones.xlane vm4;
	_ =	sdelay $0x1  }
0x207: {  	(v2sf) =	vpush v8, $0x0;
	_ =	sdelay $0xe  }
0x208: {  	s0 =	spop (v2sf)  }
0x209: {  	p0 =	slt.s32 s0, $0x1  }
.Ltmp33:
0x20a: {  	_ = 	snop;
	(pc) =	sbr.rel @p0 .LBB2_48-.Ltmp33, $2  }
0x20b: {  	_ =	sdelay $0x2  }
0x20c: {  	v8 =	vld [tilespmem:s2+$0x18B00]  }
0x20d: {  	v9 =	vmctz.xlane vm4;
	_ =	sdelay $0x1  }
0x20e: {  	v9 =	vbroadcast v9, $0x0;
	_ =	sdelay $0x1  }
0x20f: {  	v10 =	vperm.xlane v7, v9;
	_ =	sdelay $0x1  }
0x210: {  	(v2sf) =	vpush v10, $0x0  }
0x211: {  	p0 =	sne.s32 s0, $0x1  }
.Ltmp34:
0x212: {  	_ = 	snop;
	(pc) =	sbr.rel @!p0 .LBB2_40-.Ltmp34, $4  }
0x213: {  	v8 =	vand.u32 $0x3FFF, v8  }
0x214: {  	v11 =	vperm.xlane v8, v9  }
0x215: {  	vm5 =	vne.s32 v9, v4  }
0x216: {  	s0 =	sadd.s32 $0xFFFFFFFF, s0;
	p3 =	por $0x0, $0x0;
	p1 =	por $0x0, $0x0;
	vm4 =	vmand vm4, vm5;
	(v2sf) =	vpush v11, $0x0  }
0x217: {  	_ =	sdelay $0x3  }
0x218: {  	v9 =	vmctz.xlane vm4;
	_ =	sdelay $0x1  }
0x219: {  	v9 =	vbroadcast v9, $0x0;
	_ =	sdelay $0x1  }
0x21a: {  	v11 =	vperm.xlane v7, v9;
	_ =	sdelay $0x1  }
0x21b: {  	s2 =	spop (v2sf);
	(v2sf) =	vpush v11, $0x0  }
0x21c: {  	p0 =	sne.s32 s0, $0x1;
	s3 =	sand.u32 $0x1FF, s2  }
.Ltmp35:
0x21d: {  	v10 =	vmov s3;
	(pc) =	sbr.rel @!p0 .LBB2_42-.Ltmp35, $4  }
0x21e: {  	vm5 =	vne.s32 v9, v4;
	v12 =	vshll.u32 v10, $0x3  }
0x21f: {  	v9 =	vperm.xlane v8, v9;
	v10 =	vand.u32 $0x7F, v10;
	v12 =	vand.u32 $0xC00, v12;
	s31 =	spop (v2sf)  }
0x220: {  	s0 =	sadd.s32 $0xFFFFFFFF, s0;
	vm4 =	vmand vm4, vm5;
	s2 =	sshrl.u32 s2, $0x1E;
	v11 =	vor.u32 v10, v12;
	s4 =	sshll.u32 s31, $0x2  }
0x221: {  	p3 =	por $0x1, $0x1;
	s3 =	sand.u32 $0x1, s2;
	(v2sf) =	vpush v9, $0x0;
	v10 =	vor.u32 v0, v11;
	v9 =	vor.u32 v1, v11;
	s2 =	sand.u32 $0x1FFFFFFC, s4  }
0x222: {  	_ =	sdelay $0x3  }
0x223: {  	v11 =	vmctz.xlane vm4;
	_ =	sdelay $0x1  }
0x224: {  	v11 =	vbroadcast v11, $0x0  }
0x225: {  	v12 =	vld.idx.msk [tilespmem:v9+s26+$0x0], $0xffff;
	s4 =	scvt.s32.f32 s3  }
0x226: {  	v13 =	vld.idx.msk [tilespmem:v10+s26+$0x0], $0xffff;
	v14 =	vperm.xlane v7, v11  }
0x227: {  	v10 =	vld.idx.msk [tilespmem:v10+s25+$0x0], $0xffff;
	v15 =	vmov s4  }
0x228: {  	v9 =	vld.idx.msk [tilespmem:v9+s25+$0x0], $0xffff;
	vm5 =	vne.s32 v11, v4;
	v11 =	vperm.xlane v8, v11;
	s8 =	spop (v2sf);
	(v2sf) =	vpush v14, $0x0  }
0x229: {  	p0 =	sne.s32 s0, $0x1;
	v15 =	vsub.f32 $1.000000000e+00, v15;
	s5 =	sand.u32 $0x1FF, s8  }
.Ltmp36:
0x22a: {  	(v2sf) =	vpush v11, $0x0;
	v14 =	vmov s5;
	(pc) =	sbr.rel @!p0 .LBB2_44-.Ltmp36, $4  }
0x22b: {  	s10 =	sadd.s32 $0xFFFFFFFF, s0;
	p1 =	slt.s32 s7, $0x2FF;
	vm4 =	vmand vm4, vm5;
	v13 =	vmul.f32 v15, v13;
	s12 =	sshrl.u32 s8, $0x1E;
	v11 =	vshll.u32 v14, $0x3  }
0x22c: {  	v17 =	vmul.f32 s4, v10;
	s8 =	smov.u32 s7;
	s3 =	sand.u32 $0x1, s12;
	v14 =	vand.u32 $0x7F, v14;
	v16 =	vand.u32 $0xC00, v11;
	s28 =	spop (v2sf)  }
0x22d: {  	s8 =	simm.s32 @!p1 $0x2FF;
	p1 =	por $0x1, $0x1;
	v11 =	vmul.f32 v15, v12;
	v12 =	vmul.f32 s4, v9;
	v14 =	vor.u32 v14, v16;
	s31 =	sshll.u32 s28, $0x2  }
0x22e: {  	v13 =	vadd.f32 v13, v17;
	s0 =	sshll.u32 s8, $0x7;
	s4 =	smov.u32 s7;
	v10 =	vor.u32 v0, v14;
	v9 =	vor.u32 v1, v14;
	s12 =	sand.u32 $0x1FFFFFFC, s31  }
.LBB2_45:
0x22f: {  	p4 =	sne.s32 s10, $0x1;
	v11 =	vadd.f32 v11, v12;
	s0 =	sshra.s32 s0, $0x2;
	s4 =	sadd.s32 $0x1, s4  }
0x230: {  	s10 =	sadd.s32 $0xFFFFFFFF, s10;
	s8 =	sadd.s32 s11, s2;
	s5 =	sadd.s32 $0x19400, s0;
	[tilespmem:s0+$0x19400] =	vst v13  }
0x231: {  	v12 =	vmctz.xlane vm4;
	s2 =	smov.u32 s12;
	[tilespmem:s0+$0x19410] =	vst v11  }
0x232: {  	[hbm4b:s8+s6] =	stream.linear.scatter [tilespmem:s5], [sflag:$0x4], $0x20, $0x38;
	[tilespmem:$0x1F400] =	vst v63  }
0x233: {  	v11 =	vbroadcast v12, $0x0;
	v12 =	vld.idx.msk [tilespmem:v9+s26+$0x0], $0xffff  }
0x234: {  	v13 =	vld.idx.msk [tilespmem:v10+s26+$0x0], $0xffff  }
0x235: {  	s0 =	scvt.s32.f32 s3;
	v14 =	vperm.xlane v8, v11;
	v15 =	vperm.xlane v7, v11;
	vm5 =	vne.s32 v11, v4;
	v10 =	vld.idx.msk [tilespmem:v10+s25+$0x0], $0xffff  }
0x236: {  	vm4 =	vmand vm4, vm5;
	v9 =	vld.idx.msk [tilespmem:v9+s25+$0x0], $0xffff  }
0x237: {  	v11 =	vmov s0;
	s3 =	spop (v2sf)  }
0x238: {  	v11 =	vsub.f32 $1.000000000e+00, v11;
	(v2sf) =	vpush v15, $0x0;
	s5 =	sand.u32 $0x1FF, s3  }
0x239: {  	(v2sf) =	vpush v14, $0x0;
	s3 =	sshrl.u32 s3, $0x1E;
	s8 =	spop (v2sf);
	v14 =	vmov s5  }
.Ltmp37:
0x23a: {  	s3 =	sand.u32 $0x1, s3;
	s5 =	sshll.u32 s8, $0x2;
	v13 =	vmul.f32 v11, v13;
	v15 =	vshll.u32 v14, $0x3;
	(pc) =	sbr.rel @p4 .LBB2_45-.Ltmp37, $4  }
0x23b: {  	v11 =	vmul.f32 v11, v12;
	s12 =	sand.u32 $0x1FFFFFFC, s5;
	v12 =	vand.u32 $0x7F, v14;
	v14 =	vand.u32 $0xC00, v15  }
0x23c: {  	p0 =	slt.s32 s4, $0x2FF;
	v15 =	vmul.f32 s0, v10;
	v14 =	vor.u32 v12, v14;
	v12 =	vmul.f32 s0, v9;
	s0 =	smov.u32 s4  }
0x23d: {  	s0 =	simm.s32 @!p0 $0x2FF  }
0x23e: {  	v10 =	vor.u32 v0, v14;
	v9 =	vor.u32 v1, v14;
	v13 =	vadd.f32 v13, v15;
	s0 =	sshll.u32 s0, $0x7  }
.Ltmp38:
0x23f: {  	(pc) =	sbr.rel .LBB2_47-.Ltmp38, $2  }
0x240: {  	_ =	sdelay $0x2  }
0x241: {  	s10 =	smov.u32 s2;
	s2 =	smov.u32 s12  }
.LBB2_42:
.Ltmp39:
0x242: {  	(pc) =	sbr.rel .LBB2_47-.Ltmp39, $2  }
0x243: {  	_ =	sdelay $0x2  }
0x244: {  	s4 =	smov.u32 s7  }
.LBB2_44:
.Ltmp40:
0x245: {  	(pc) =	sbr.rel .LBB2_47-.Ltmp40, $2  }
0x246: {  	_ =	sdelay $0x2  }
0x247: {  	s10 =	smov.u32 s2;
	s4 =	smov.u32 s7;
	s2 =	smov.u32 s12  }
.LBB2_50:
0x248: {  	s0 =	sld [smem:$0x7FC];
	_ =	sdelay $0x2  }
0x249: {  	p1 =	seq.s32 s0, $0x1  }
0x24a: {  	s2 =	rddreg [dreg:$0x7];
	s0 =	simm.s32 @!p1 $0x0;
	s1 =	simm.s32 @!p1 $0x800  }
0x24b: {  	[tilespmem:s1], [sflag:$0x1] =	stream.linear.gather @!p1 [hbm4b:s2+s0], $0x400, $0x38;
	[tilespmem:$0x1F400] =	vst v63  }
0x24c: {  	s1 =	simm.s32 @!p1 $0x1800;
	s2 =	rddreg [dreg:$0x12]  }
0x24d: {  	[tilespmem:s1], [sflag:$0x1] =	stream.linear.gather @!p1 [hbm4b:s2+s0], $0x400, $0x38;
	[tilespmem:$0x1F400] =	vst v63  }
0x24e: {  	s1 =	simm.s32 @!p1 $0x2800;
	s2 =	rddreg [dreg:$0x13]  }
0x24f: {  	[tilespmem:s1], [sflag:$0x1] =	stream.linear.gather @!p1 [hbm4b:s2+s0], $0x400, $0x38;
	[tilespmem:$0x1F400] =	vst v63  }
0x250: {  	s1 =	simm.s32 @!p1 $0x3800;
	s2 =	rddreg [dreg:$0x14]  }
0x251: {  	[tilespmem:s1], [sflag:$0x1] =	stream.linear.gather @!p1 [hbm4b:s2+s0], $0x400, $0x38;
	[tilespmem:$0x1F400] =	vst v63  }
0x252: {  	s1 =	simm.s32 @!p1 $0xC800;
	s2 =	rddreg [dreg:$0x8]  }
0x253: {  	[tilespmem:s1], [sflag:$0x1] =	stream.linear.gather @!p1 [hbm4b:s2+s0], $0x400, $0x38;
	[tilespmem:$0x1F400] =	vst v63  }
0x254: {  	s1 =	simm.s32 @!p1 $0xD800;
	s2 =	rddreg [dreg:$0x15]  }
0x255: {  	[tilespmem:s1], [sflag:$0x1] =	stream.linear.gather @!p1 [hbm4b:s2+s0], $0x400, $0x38;
	[tilespmem:$0x1F400] =	vst v63  }
0x256: {  	s1 =	simm.s32 @!p1 $0xE800;
	s2 =	rddreg [dreg:$0x16]  }
0x257: {  	[tilespmem:s1], [sflag:$0x1] =	stream.linear.gather @!p1 [hbm4b:s2+s0], $0x400, $0x38;
	[tilespmem:$0x1F400] =	vst v63  }
0x258: {  	s1 =	simm.s32 @!p1 $0xF800;
	s2 =	rddreg [dreg:$0x17]  }
0x259: {  	[tilespmem:s1], [sflag:$0x1] =	stream.linear.gather @!p1 [hbm4b:s2+s0], $0x400, $0x38;
	[tilespmem:$0x1F400] =	vst v63  }
0x25a: {  	s0 =	simm.s32 @!p1 $0x1  }
0x25b: {  	p0 =	sne.s32 s29, $0x0;
	_ =	swait.ge @!p1 [sflag:s0], $0x1000  }
.Ltmp41:
0x25c: {  	[sflag:s0] =	ssyncset.done @!p1 $0x0;
	(pc) =	sbr.rel @p0 .LBB2_61-.Ltmp41, $4  }
0x25d: {  	[sflag:s0] =	ssyncadd.s32 @!p1 $0xFFFFF000  }
0x25e: {  	_ =	swait.ge @!p1 [sflag:s0], $0x1000  }
0x25f: {  	[sflag:s0] =	ssyncset.done @!p1 $0x0  }
0x260: {  	s1 =	simm.s32 $0x0;
	[sflag:s0] =	ssyncadd.s32 @!p1 $0xFFFFF000  }
.LBB2_51:
0x261: {  	p0 =	sgt.s32 s7, $0x0  }
.Ltmp42:
0x262: {  	_ = 	snop;
	(pc) =	sbr.rel @!p0 .LBB2_55-.Ltmp42, $1  }
0x263: {  	_ =	sdelay $0x3  }
0x264: {  	p0 =	sne.s32 s7, $0x1  }
.Ltmp43:
0x265: {  	_ = 	snop;
	(pc) =	sbr.rel @!p0 .LBB2_54-.Ltmp43, $3  }
0x266: {  	_ =	sdelay $0x1  }
0x267: {  	_ =	swait.ge [sflag:s24], $0x20  }
0x268: {  	s0 =	sadd.s32 $0xFFFFFFFF, s7;
	[sflag:s24] =	ssyncset.done $0x0  }
.LBB2_53:
0x269: {  	p0 =	sne.s32 s0, $0x1;
	s0 =	sadd.s32 $0xFFFFFFFF, s0;
	[sflag:s24] =	ssyncadd.s32 $0xFFFFFFE0  }
.Ltmp44:
0x26a: {  	(pc) =	sbr.rel @p0 .LBB2_53-.Ltmp44, $3  }
0x26b: {  	_ =	sdelay $0x1  }
0x26c: {  	_ =	swait.ge [sflag:s24], $0x20  }
0x26d: {  	[sflag:s24] =	ssyncset.done $0x0  }
.LBB2_54:
0x26e: {  	[sflag:s24] =	ssyncadd.s32 $0xFFFFFFE0  }
.LBB2_55:
0x26f: {  	p0 =	slt.s32 s30, $0x300  }
0x270: {  	s0 =	rddreg [dreg:$0xf];
	s1 =	simm.s32 $0x1000;
	s2 =	simm.s32 $0xC3800  }
0x271: {  	[tilespmem:s14], [sflag:$0x1] =	stream.strided.gather [hbm4b:s0+s1], $0x4000, s2, s1, $0x38;
	[tilespmem:$0x1F400] =	vst v63  }
0x272: {  	s30 =	simm.s32 @!p0 $0x300  }
0x273: {  	s28 =	rddreg [dreg:$0x10];
	s31 =	sadd.s32 $0xF, s30  }
0x274: {  	[tilespmem:s16], [sflag:$0x2] =	stream.strided.gather [hbm4b:s28+s1], $0x4000, s2, s1, $0x38;
	[tilespmem:$0x1F400] =	vst v63  }
.Ltmp45:
0x275: {  	s29 =	sshrl.u32 s31, $0x4;
	(pc) =	sbr.rel .LBB2_56-.Ltmp45, $4  }
0x276: {  	p0 =	seq.s32 s29, $0x0  }
0x277: {  	s0 =	simm.s32 @!p0 $0x0  }
0x278: {  	s0 =	simm.s32 @p0 $0x1  }
0x279: {  	s10 =	simm.s32 $0x0;
	v5 =	vmov s30;
	s30 =	simm.s32 $0x0;
	[smem:$0x7FB] =	sst s0  }
.LBB2_115:
0x27a: {  	s10 =	sadd.s32 $0x1, s10  }
0x27b: {  	p0 =	sne.s32 s10, $0x3  }
.Ltmp46:
0x27c: {  	_ = 	snop;
	(pc) =	sbr.rel @!p0 .LBB2_116-.Ltmp46, $1  }
0x27d: {  	_ =	sdelay $0x3  }
.LBB2_56:
0x27e: {  	s28 =	smul.u32 $0x60, s10  }
0x27f: {  	s0 =	rddreg [dreg:$0x1b]  }
0x280: {  	s12 =	rddreg [dreg:$0xa];
	s9 =	sadd.s32 s0, s28  }
0x281: {  	s2 =	rddreg [dreg:$0x3];
	s0 =	sor.u32 s12, s28;
	p3 =	sgt.u32 s9, $0xC2  }
0x282: {  	p0 =	sgt.u32 s0, $0xC2;
	s1 =	sshll.u32 @!p3 s9, $0x9;
	s3 =	simm.s32 @!p3 $0xC3800  }
0x283: {  	s4 =	simm.s32 @!p3 $0x8800;
	s1 =	sadd.s32 @!p3 s2, s1;
	s2 =	simm.s32 @!p3 $0x1000  }
0x284: {  	[tilespmem:s4], [sflag:$0x3] =	stream.strided.gather @!p3 [hbm4b:s1+s2], $0x4000, s3, s2, $0x38;
	[tilespmem:$0x1F400] =	vst v63  }
0x285: {  	s1 =	simm.s32 @!p0 $0x1  }
0x286: {  	_ =	swait.ge @!p0 [sflag:s1], $0x4000  }
0x287: {  	s31 =	sld [smem:$0x7FB];
	_ =	sdelay $0x1  }
0x288: {  	[sflag:s1] =	ssyncset.done @!p0 $0x0  }
0x289: {  	[sflag:s1] =	ssyncadd.s32 @!p0 $0xFFFFC000;
	p0 =	seq.s32 s31, $0x1  }
.Ltmp47:
0x28a: {  	_ = 	snop;
	(pc) =	sbr.rel @p0 .LBB2_83-.Ltmp47, $1  }
0x28b: {  	_ =	sdelay $0x3  }
.Ltmp48:
0x28c: {  	(pc) =	sbr.rel .LBB2_58-.Ltmp48, $3  }
0x28d: {  	_ =	sdelay $0x1  }
0x28e: {  	p0 =	slt.u32 s0, $0xC3;
	vm3 =	vmmov vm0  }
0x28f: {  	v6 =	vmov s0;
	s1 =	simm.s32 $0x0;
	vm3 =	vmneg @p0 vm3  }
.LBB2_60:
0x290: {  	s3 =	smov.u32 s30  }
.LBB2_81:
0x291: {  	[tilespmem:s5+$0x19410] =	vst @p1 v12;
	s0 =	spop @p5 (v2sf)  }
0x292: {  	s7 =	sadd.s32 @p1 $0x19400, s5;
	s3 =	sadd.s32 @p1 $0x1, s3;
	[tilespmem:s5+$0x19400] =	vst @p1 v14;
	s5 =	smov.u32 s30  }
0x293: {  	[hbm4b:s12+s6] =	stream.linear.scatter @p1 [tilespmem:s7], [sflag:$0x4], $0x20, $0x38;
	[tilespmem:$0x1F400] =	vst v63  }
0x294: {  	s0 =	sand.u32 @p5 $0x1FF, s0;
	s5 =	smov.u32 @p1 s3  }
0x295: {  	v8 =	vperm.xlane v8, v9;
	v12 =	vmov @p5 s0;
	v14 =	vld.idx.msk @p6 [tilespmem:v15+s14+$0x0], $0xffff;
	p0 =	slt.s32 @p6 s5, $0x2FF  }
0x296: {  	v13 =	vld.idx.msk @p6 [tilespmem:v13+s14+$0x0], $0xffff;
	s0 =	smov.u32 s5;
	v15 =	vshll.u32 @p5 v12, $0x3;
	p0 =	por !p0, !p6  }
0x297: {  	(v2sf) =	vpush v8, $0x0;
	v8 =	vand.u32 @p5 $0x7F, v12;
	v12 =	vand.u32 @p5 $0xC00, v15;
	s0 =	simm.s32 @p0 $0x2FF  }
0x298: {  	v8 =	vor.u32 @p5 v8, v12;
	s0 =	sshll.u32 @p6 s0, $0x7  }
0x299: {  	v12 =	vor.u32 @p5 v1, v8;
	s0 =	sshra.s32 @p6 s0, $0x2  }
0x29a: {  	s3 =	smov.u32 @p6 s4;
	v8 =	vor.u32 @p5 v0, v8;
	s0 =	smov.u32 @p6 s0;
	v14 =	vpsel p6, v14, v0;
	v10 =	vpsel p5, v12, v10  }
0x29b: {  	s4 =	spop @p5 (v2sf);
	s3 =	smov.u32 @p6 s3;
	v12 =	vpsel p6, v13, v0;
	v8 =	vpsel p5, v8, v11;
	[tilespmem:s0+$0x19410] =	vst @p6 v14  }
0x29c: {  	s5 =	sadd.s32 @p6 $0x1, s5;
	s8 =	sadd.s32 @p6 $0x19400, s0;
	[tilespmem:s0+$0x19400] =	vst @p6 v12;
	s0 =	smov.u32 s30  }
0x29d: {  	[hbm4b:s3+s6] =	stream.linear.scatter @p6 [tilespmem:s8], [sflag:$0x4], $0x20, $0x38;
	[tilespmem:$0x1F400] =	vst v63  }
0x29e: {  	s7 =	spop @p4 (v2sf);
	s0 =	smov.u32 @p6 s5  }
0x29f: {  	s3 =	sand.u32 @p4 $0x1FF, s7;
	p0 =	slt.s32 @p5 s0, $0x2FF;
	v10 =	vld.idx.msk @p5 [tilespmem:v10+s14+$0x0], $0xffff  }
0x2a0: {  	v11 =	vmov @p4 s3;
	s3 =	sshll.u32 @p5 s4, $0x2;
	s4 =	smov.u32 s0;
	p0 =	por !p0, !p5;
	v8 =	vld.idx.msk @p5 [tilespmem:v8+s14+$0x0], $0xffff  }
0x2a1: {  	v12 =	vshll.u32 @p4 v11, $0x3;
	s3 =	sand.u32 @p5 $0x1FFFFFFC, s3;
	s4 =	simm.s32 @p0 $0x2FF  }
0x2a2: {  	v11 =	vand.u32 @p4 $0x7F, v11;
	v12 =	vand.u32 @p4 $0xC00, v12;
	s3 =	sadd.s32 @p5 s13, s3;
	s4 =	sshll.u32 @p5 s4, $0x7  }
0x2a3: {  	v11 =	vor.u32 @p4 v11, v12;
	s2 =	smov.u32 @p5 s3;
	s3 =	sshra.s32 @p5 s4, $0x2  }
0x2a4: {  	v7 =	vperm.xlane v7, v9;
	v9 =	vor.u32 @p4 v1, v11;
	s3 =	smov.u32 @p5 s3;
	v10 =	vpsel p5, v10, v0  }
0x2a5: {  	v11 =	vor.u32 @p4 v0, v11;
	v9 =	vpsel p4, v9, v0;
	v8 =	vpsel p5, v8, v0;
	[tilespmem:s3+$0x19410] =	vst @p5 v10  }
0x2a6: {  	s4 =	spop @p4 (v2sf);
	s2 =	smov.u32 @p5 s2;
	v11 =	vpsel p4, v11, v0;
	s7 =	sadd.s32 @p5 $0x19400, s3;
	[tilespmem:s3+$0x19400] =	vst @p5 v8  }
0x2a7: {  	(v2sf) =	vpush v7, $0x0;
	[hbm4b:s2+s6] =	stream.linear.scatter @p5 [tilespmem:s7], [sflag:$0x4], $0x20, $0x38;
	[tilespmem:$0x1F400] =	vst v63  }
0x2a8: {  	s0 =	sadd.s32 @p5 $0x1, s0;
	s31 =	spop (v2sf);
	s2 =	smov.u32 s30  }
0x2a9: {  	s7 =	sand.u32 $0x1FF, s31;
	s2 =	smov.u32 @p5 s0  }
0x2aa: {  	v7 =	vmov s7;
	v8 =	vld.idx.msk @p4 [tilespmem:v9+s14+$0x0], $0xffff;
	p0 =	slt.s32 @p4 s2, $0x2FF  }
0x2ab: {  	v10 =	vld.idx.msk @p4 [tilespmem:v11+s14+$0x0], $0xffff;
	v63 =	vshll.u32 v7, $0x3;
	p0 =	por !p0, !p4  }
0x2ac: {  	s0 =	sadd.s32 @p4 $0x1, s2;
	v7 =	vand.u32 $0x7F, v7;
	v9 =	vand.u32 $0xC00, v63;
	s2 =	simm.s32 @p0 $0x2FF  }
0x2ad: {  	s3 =	sshll.u32 @p4 s4, $0x2;
	v7 =	vor.u32 v7, v9;
	s2 =	sshll.u32 @p4 s2, $0x7  }
0x2ae: {  	s3 =	sand.u32 @p4 $0x1FFFFFFC, s3;
	v9 =	vor.u32 v1, v7;
	s2 =	sshra.s32 @p4 s2, $0x2  }
0x2af: {  	s3 =	sadd.s32 @p4 s13, s3;
	v7 =	vor.u32 v0, v7;
	v8 =	vpsel p4, v8, v0;
	s2 =	smov.u32 @p4 s2  }
0x2b0: {  	s3 =	smov.u32 @p4 s3;
	v10 =	vpsel p4, v10, v0;
	[tilespmem:s2+$0x19410] =	vst @p4 v8  }
0x2b1: {  	s3 =	smov.u32 @p4 s3;
	s4 =	sadd.s32 @p4 $0x19400, s2;
	[tilespmem:s2+$0x19400] =	vst @p4 v10  }
0x2b2: {  	[hbm4b:s3+s6] =	stream.linear.scatter @p4 [tilespmem:s4], [sflag:$0x4], $0x20, $0x38;
	[tilespmem:$0x1F400] =	vst v63  }
0x2b3: {  	s30 =	smov.u32 @p4 s0;
	v8 =	vld.idx.msk [tilespmem:v9+s14+$0x0], $0xffff  }
0x2b4: {  	p0 =	slt.s32 s30, $0x2FF;
	v7 =	vld.idx.msk [tilespmem:v7+s14+$0x0], $0xffff  }
0x2b5: {  	s0 =	sadd.s32 $0x1, s30;
	s30 =	simm.s32 @!p0 $0x2FF  }
0x2b6: {  	s8 =	spop (v2sf);
	s12 =	sshll.u32 s30, $0x7  }
0x2b7: {  	s2 =	sshll.u32 s8, $0x2;
	s3 =	sshra.s32 s12, $0x2  }
0x2b8: {  	s2 =	sand.u32 $0x1FFFFFFC, s2;
	[tilespmem:s3+$0x19410] =	vst v8  }
0x2b9: {  	s30 =	smov.u32 s0;
	s2 =	sadd.s32 s13, s2;
	s31 =	sadd.s32 $0x19400, s3;
	[tilespmem:s3+$0x19400] =	vst v7  }
0x2ba: {  	[hbm4b:s2+s6] =	stream.linear.scatter [tilespmem:s31], [sflag:$0x4], $0x20, $0x38;
	[tilespmem:$0x1F400] =	vst v63  }
.LBB2_82:
0x2bb: {  	s1 =	sadd.s32 $0x1, s1  }
0x2bc: {  	p0 =	sne.s32 s1, s29  }
.Ltmp49:
0x2bd: {  	_ = 	snop;
	(pc) =	sbr.rel @!p0 .LBB2_83-.Ltmp49, $1  }
0x2be: {  	_ =	sdelay $0x3  }
.LBB2_58:
0x2bf: {  	s2 =	sshll.u32 s1, $0x4  }
0x2c0: {  	v8 =	vld [tilespmem:s2+$0x18E00];
	_ =	sdelay $0x4  }
0x2c1: {  	v7 =	vshrl.u32 v8, $0x9  }
0x2c2: {  	v9 =	vor.u32 s2, v4;
	v7 =	vand.u32 $0x7FF, v7  }
0x2c3: {  	vm4 =	vlt.s32 v9, v5;
	vm5 =	veq.s32 v7, v6  }
0x2c4: {  	vm4 =	vmand vm4, vm5  }
0x2c5: {  	vm4 =	vmand vm3, vm4  }
0x2c6: {  	v7 =	vmpcnt.ones.xlane vm4;
	_ =	sdelay $0x1  }
0x2c7: {  	(v2sf) =	vpush v7, $0x0;
	_ =	sdelay $0xe  }
0x2c8: {  	s0 =	spop (v2sf)  }
0x2c9: {  	p0 =	slt.s32 s0, $0x1  }
.Ltmp50:
0x2ca: {  	_ = 	snop;
	(pc) =	sbr.rel @p0 .LBB2_82-.Ltmp50, $2  }
0x2cb: {  	_ =	sdelay $0x2  }
0x2cc: {  	v7 =	vld [tilespmem:s2+$0x19100]  }
0x2cd: {  	p0 =	sne.s32 s0, $0x1  }
.Ltmp51:
0x2ce: {  	_ = 	snop;
	(pc) =	sbr.rel @!p0 .LBB2_60-.Ltmp51, $4  }
0x2cf: {  	_ = 	snop  }
0x2d0: {  	v9 =	vmctz.xlane vm4  }
0x2d1: {  	s0 =	sadd.s32 $0xFFFFFFFF, s0;
	p4 =	por $0x0, $0x0  }
0x2d2: {  	p5 =	por $0x0, $0x0;
	p6 =	por $0x0, $0x0;
	p1 =	por $0x0, $0x0;
	v9 =	vbroadcast v9, $0x0;
	v7 =	vand.u32 $0x3FFF, v7  }
0x2d3: {  	_ = 	snop  }
0x2d4: {  	v10 =	vperm.xlane v8, v9;
	_ =	sdelay $0x1  }
0x2d5: {  	(v2sf) =	vpush v10, $0x0;
	_ =	sdelay $0x7  }
0x2d6: {  	vm5 =	vne.s32 v9, v4;
	v9 =	vperm.xlane v7, v9  }
0x2d7: {  	p0 =	sne.s32 s0, $0x1  }
.Ltmp52:
0x2d8: {  	(v2sf) =	vpush v9, $0x0;
	(pc) =	sbr.rel @!p0 .LBB2_73-.Ltmp52, $3  }
0x2d9: {  	vm4 =	vmand vm4, vm5  }
0x2da: {  	v11 =	vmctz.xlane vm4;
	_ =	sdelay $0x1  }
0x2db: {  	s0 =	sadd.s32 $0xFFFFFFFF, s0;
	p4 =	por $0x1, $0x1;
	v9 =	vbroadcast v11, $0x0  }
0x2dc: {  	p0 =	sne.s32 s0, $0x1  }
.Ltmp53:
0x2dd: {  	vm5 =	vne.s32 v9, v4;
	(pc) =	sbr.rel @!p0 .LBB2_75-.Ltmp53, $4  }
0x2de: {  	v10 =	vperm.xlane v8, v9;
	vm4 =	vmand vm4, vm5  }
0x2df: {  	v9 =	vperm.xlane v7, v9;
	v11 =	vmctz.xlane vm4  }
0x2e0: {  	(v2sf) =	vpush v10, $0x0  }
0x2e1: {  	s0 =	sadd.s32 $0xFFFFFFFF, s0;
	p5 =	por $0x1, $0x1;
	(v2sf) =	vpush v9, $0x0;
	v9 =	vbroadcast v11, $0x0  }
0x2e2: {  	_ = 	snop  }
0x2e3: {  	v10 =	vperm.xlane v8, v9  }
0x2e4: {  	v11 =	vperm.xlane v7, v9  }
0x2e5: {  	s2 =	spop (v2sf);
	(v2sf) =	vpush v10, $0x0  }
0x2e6: {  	s31 =	spop (v2sf);
	(v2sf) =	vpush v11, $0x0;
	_ =	sdelay $0x7  }
0x2e7: {  	p0 =	sne.s32 s0, $0x1;
	s2 =	sand.u32 $0x1FF, s2  }
.Ltmp54:
0x2e8: {  	vm5 =	vne.s32 v9, v4;
	v9 =	vmov s2;
	(pc) =	sbr.rel @!p0 .LBB2_77-.Ltmp54, $4  }
0x2e9: {  	vm4 =	vmand vm4, vm5;
	v10 =	vshll.u32 v9, $0x3  }
0x2ea: {  	v9 =	vand.u32 $0x7F, v9;
	v12 =	vmctz.xlane vm4;
	v10 =	vand.u32 $0xC00, v10;
	s2 =	sshll.u32 s31, $0x2  }
0x2eb: {  	v9 =	vor.u32 v9, v10;
	s2 =	sand.u32 $0x1FFFFFFC, s2  }
0x2ec: {  	s0 =	sadd.s32 $0xFFFFFFFF, s0;
	p6 =	por $0x1, $0x1;
	v11 =	vor.u32 v0, v9;
	v10 =	vor.u32 v1, v9;
	v9 =	vbroadcast v12, $0x0;
	s2 =	sadd.s32 s13, s2  }
0x2ed: {  	s3 =	spop (v2sf)  }
0x2ee: {  	v12 =	vperm.xlane v8, v9;
	s3 =	sand.u32 $0x1FF, s3  }
0x2ef: {  	v13 =	vperm.xlane v7, v9;
	vm5 =	vne.s32 v9, v4;
	v9 =	vmov s3  }
0x2f0: {  	p0 =	sne.s32 s0, $0x1;
	(v2sf) =	vpush v12, $0x0;
	v12 =	vshll.u32 v9, $0x3  }
.Ltmp55:
0x2f1: {  	p1 =	slt.s32 s30, $0x2FF;
	s4 =	smov.u32 s30;
	v9 =	vand.u32 $0x7F, v9;
	v14 =	vand.u32 $0xC00, v12;
	v12 =	vld.idx.msk [tilespmem:v10+s14+$0x0], $0xffff;
	(pc) =	sbr.rel @!p0 .LBB2_79-.Ltmp55, $4  }
0x2f2: {  	s7 =	spop (v2sf);
	s4 =	simm.s32 @!p1 $0x2FF;
	vm4 =	vmand vm4, vm5;
	v9 =	vor.u32 v9, v14;
	v14 =	vld.idx.msk [tilespmem:v11+s14+$0x0], $0xffff  }
0x2f3: {  	s31 =	sadd.s32 $0xFFFFFFFF, s0;
	s3 =	sshll.u32 s7, $0x2;
	s12 =	sshll.u32 s4, $0x7;
	v16 =	vmctz.xlane vm4  }
0x2f4: {  	p1 =	por $0x1, $0x1;
	s8 =	sand.u32 $0x1FFFFFFC, s3;
	s5 =	sshra.s32 s12, $0x2;
	(v2sf) =	vpush v13, $0x0;
	v15 =	vor.u32 v1, v9  }
0x2f5: {  	s3 =	smov.u32 s30;
	s12 =	smov.u32 s2;
	s4 =	sadd.s32 s13, s8;
	v13 =	vor.u32 v0, v9;
	v9 =	vbroadcast v16, $0x0  }
.LBB2_80:
0x2f6: {  	s0 =	spop (v2sf);
	s7 =	sadd.s32 $0x19400, s5;
	[tilespmem:s5+$0x19410] =	vst v12;
	s3 =	sadd.s32 $0x1, s3  }
0x2f7: {  	p0 =	sne.s32 s31, $0x1;
	v16 =	vperm.xlane v7, v9;
	v12 =	vperm.xlane v8, v9;
	vm5 =	vne.s32 v9, v4;
	s0 =	sand.u32 $0x1FF, s0;
	s8 =	spop (v2sf);
	[tilespmem:s5+$0x19400] =	vst v14  }
0x2f8: {  	vm4 =	vmand vm4, vm5;
	v9 =	vmov s0;
	[hbm4b:s12+s6] =	stream.linear.scatter [tilespmem:s7], [sflag:$0x4], $0x20, $0x38;
	[tilespmem:$0x1F400] =	vst v63  }
0x2f9: {  	s31 =	sadd.s32 $0xFFFFFFFF, s31;
	s0 =	sshll.u32 s8, $0x2;
	s12 =	smov.u32 s4;
	(v2sf) =	vpush v12, $0x0;
	v14 =	vshll.u32 v9, $0x3;
	v12 =	vld.idx.msk [tilespmem:v15+s14+$0x0], $0xffff  }
.Ltmp56:
0x2fa: {  	v9 =	vand.u32 $0x7F, v9;
	s0 =	sand.u32 $0x1FFFFFFC, s0;
	(v2sf) =	vpush v16, $0x0;
	v15 =	vand.u32 $0xC00, v14;
	v14 =	vld.idx.msk [tilespmem:v13+s14+$0x0], $0xffff;
	(pc) =	sbr.rel @p0 .LBB2_80-.Ltmp56, $4  }
0x2fb: {  	p2 =	slt.s32 s3, $0x2FF;
	s4 =	sadd.s32 s13, s0;
	s0 =	smov.u32 s3;
	v9 =	vor.u32 v9, v15  }
0x2fc: {  	v16 =	vmctz.xlane vm4;
	s0 =	simm.s32 @!p2 $0x2FF;
	v13 =	vor.u32 v0, v9;
	v15 =	vor.u32 v1, v9  }
0x2fd: {  	s0 =	sshll.u32 s0, $0x7  }
0x2fe: {  	v9 =	vbroadcast v16, $0x0;
	s5 =	sshra.s32 s0, $0x2  }
.Ltmp57:
0x2ff: {  	_ = 	snop;
	(pc) =	sbr.rel .LBB2_81-.Ltmp57, $1  }
0x300: {  	_ =	sdelay $0x3  }
.LBB2_73:
.Ltmp58:
0x301: {  	(pc) =	sbr.rel .LBB2_81-.Ltmp58, $2  }
0x302: {  	_ =	sdelay $0x2  }
0x303: {  	s3 =	smov.u32 s30  }
.LBB2_75:
.Ltmp59:
0x304: {  	(pc) =	sbr.rel .LBB2_81-.Ltmp59, $2  }
0x305: {  	_ =	sdelay $0x2  }
0x306: {  	s3 =	smov.u32 s30  }
.LBB2_77:
.Ltmp60:
0x307: {  	(pc) =	sbr.rel .LBB2_81-.Ltmp60, $2  }
0x308: {  	_ =	sdelay $0x3  }
0x309: {  	s3 =	smov.u32 s30;
	v15 =	vmov v10;
	s4 =	smov.u32 s2;
	v13 =	vmov v11  }
.LBB2_79:
.Ltmp61:
0x30a: {  	(pc) =	sbr.rel .LBB2_81-.Ltmp61, $2  }
0x30b: {  	_ =	sdelay $0x2  }
0x30c: {  	s3 =	smov.u32 s30;
	s12 =	smov.u32 s2  }
.LBB2_83:
0x30d: {  	s0 =	rddreg [dreg:$0x1d]  }
0x30e: {  	s12 =	rddreg [dreg:$0x1c];
	s0 =	sadd.s32 s0, s28  }
0x30f: {  	s2 =	rddreg [dreg:$0x3];
	p0 =	sgt.u32 s0, $0xC2  }
0x310: {  	s1 =	sshll.u32 @!p0 s0, $0x9;
	s0 =	sadd.s32 s12, s28;
	s3 =	simm.s32 @!p0 $0xC3800  }
0x311: {  	s4 =	simm.s32 @!p0 $0x800;
	s1 =	sadd.s32 @!p0 s2, s1;
	s2 =	simm.s32 @!p0 $0x1000  }
0x312: {  	[tilespmem:s4], [sflag:$0x1] =	stream.strided.gather @!p0 [hbm4b:s1+s2], $0x4000, s3, s2, $0x38;
	[tilespmem:$0x1F400] =	vst v63  }
0x313: {  	p0 =	sgt.u32 s0, $0xC2  }
0x314: {  	s1 =	simm.s32 @!p0 $0x2  }
0x315: {  	_ =	swait.ge @!p0 [sflag:s1], $0x4000  }
0x316: {  	s31 =	sld [smem:$0x7FB];
	_ =	sdelay $0x1  }
0x317: {  	[sflag:s1] =	ssyncset.done @!p0 $0x0  }
0x318: {  	[sflag:s1] =	ssyncadd.s32 @!p0 $0xFFFFC000;
	p0 =	seq.s32 s31, $0x1  }
.Ltmp62:
0x319: {  	_ = 	snop;
	(pc) =	sbr.rel @p0 .LBB2_99-.Ltmp62, $1  }
0x31a: {  	_ =	sdelay $0x3  }
.Ltmp63:
0x31b: {  	(pc) =	sbr.rel .LBB2_85-.Ltmp63, $3  }
0x31c: {  	_ =	sdelay $0x1  }
0x31d: {  	p0 =	slt.u32 s0, $0xC3;
	vm3 =	vmmov vm0  }
0x31e: {  	v6 =	vmov s0;
	s1 =	simm.s32 $0x0;
	vm3 =	vmneg @p0 vm3  }
.LBB2_87:
0x31f: {  	s3 =	smov.u32 s30  }
.LBB2_97:
0x320: {  	[tilespmem:s5+$0x19410] =	vst @p1 v12;
	s0 =	spop @p5 (v2sf)  }
0x321: {  	s7 =	sadd.s32 @p1 $0x19400, s5;
	s3 =	sadd.s32 @p1 $0x1, s3;
	[tilespmem:s5+$0x19400] =	vst @p1 v14;
	s5 =	smov.u32 s30  }
0x322: {  	[hbm4b:s12+s6] =	stream.linear.scatter @p1 [tilespmem:s7], [sflag:$0x4], $0x20, $0x38;
	[tilespmem:$0x1F400] =	vst v63  }
0x323: {  	s0 =	sand.u32 @p5 $0x1FF, s0;
	s5 =	smov.u32 @p1 s3  }
0x324: {  	v8 =	vperm.xlane v8, v9;
	v12 =	vmov @p5 s0;
	v14 =	vld.idx.msk @p6 [tilespmem:v15+s16+$0x0], $0xffff;
	p0 =	slt.s32 @p6 s5, $0x2FF  }
0x325: {  	v13 =	vld.idx.msk @p6 [tilespmem:v13+s16+$0x0], $0xffff;
	s0 =	smov.u32 s5;
	v15 =	vshll.u32 @p5 v12, $0x3;
	p0 =	por !p0, !p6  }
0x326: {  	(v2sf) =	vpush v8, $0x0;
	v8 =	vand.u32 @p5 $0x7F, v12;
	v12 =	vand.u32 @p5 $0xC00, v15;
	s0 =	simm.s32 @p0 $0x2FF  }
0x327: {  	v8 =	vor.u32 @p5 v8, v12;
	s0 =	sshll.u32 @p6 s0, $0x7  }
0x328: {  	v12 =	vor.u32 @p5 v1, v8;
	s0 =	sshra.s32 @p6 s0, $0x2  }
0x329: {  	s3 =	smov.u32 @p6 s4;
	v8 =	vor.u32 @p5 v0, v8;
	s0 =	smov.u32 @p6 s0;
	v14 =	vpsel p6, v14, v0;
	v10 =	vpsel p5, v12, v10  }
0x32a: {  	s4 =	spop @p5 (v2sf);
	s3 =	smov.u32 @p6 s3;
	v12 =	vpsel p6, v13, v0;
	v8 =	vpsel p5, v8, v11;
	[tilespmem:s0+$0x19410] =	vst @p6 v14  }
0x32b: {  	s5 =	sadd.s32 @p6 $0x1, s5;
	s8 =	sadd.s32 @p6 $0x19400, s0;
	[tilespmem:s0+$0x19400] =	vst @p6 v12;
	s0 =	smov.u32 s30  }
0x32c: {  	[hbm4b:s3+s6] =	stream.linear.scatter @p6 [tilespmem:s8], [sflag:$0x4], $0x20, $0x38;
	[tilespmem:$0x1F400] =	vst v63  }
0x32d: {  	s7 =	spop @p4 (v2sf);
	s0 =	smov.u32 @p6 s5  }
0x32e: {  	s3 =	sand.u32 @p4 $0x1FF, s7;
	p0 =	slt.s32 @p5 s0, $0x2FF;
	v10 =	vld.idx.msk @p5 [tilespmem:v10+s16+$0x0], $0xffff  }
0x32f: {  	v11 =	vmov @p4 s3;
	s3 =	sshll.u32 @p5 s4, $0x2;
	s4 =	smov.u32 s0;
	p0 =	por !p0, !p5;
	v8 =	vld.idx.msk @p5 [tilespmem:v8+s16+$0x0], $0xffff  }
0x330: {  	v12 =	vshll.u32 @p4 v11, $0x3;
	s3 =	sand.u32 @p5 $0x1FFFFFFC, s3;
	s4 =	simm.s32 @p0 $0x2FF  }
0x331: {  	v11 =	vand.u32 @p4 $0x7F, v11;
	v12 =	vand.u32 @p4 $0xC00, v12;
	s3 =	sadd.s32 @p5 s13, s3;
	s4 =	sshll.u32 @p5 s4, $0x7  }
0x332: {  	v11 =	vor.u32 @p4 v11, v12;
	s2 =	smov.u32 @p5 s3;
	s3 =	sshra.s32 @p5 s4, $0x2  }
0x333: {  	v7 =	vperm.xlane v7, v9;
	v9 =	vor.u32 @p4 v1, v11;
	s3 =	smov.u32 @p5 s3;
	v10 =	vpsel p5, v10, v0  }
0x334: {  	v11 =	vor.u32 @p4 v0, v11;
	v9 =	vpsel p4, v9, v0;
	v8 =	vpsel p5, v8, v0;
	[tilespmem:s3+$0x19410] =	vst @p5 v10  }
0x335: {  	s4 =	spop @p4 (v2sf);
	s2 =	smov.u32 @p5 s2;
	v11 =	vpsel p4, v11, v0;
	s7 =	sadd.s32 @p5 $0x19400, s3;
	[tilespmem:s3+$0x19400] =	vst @p5 v8  }
0x336: {  	(v2sf) =	vpush v7, $0x0;
	[hbm4b:s2+s6] =	stream.linear.scatter @p5 [tilespmem:s7], [sflag:$0x4], $0x20, $0x38;
	[tilespmem:$0x1F400] =	vst v63  }
0x337: {  	s0 =	sadd.s32 @p5 $0x1, s0;
	s31 =	spop (v2sf);
	s2 =	smov.u32 s30  }
0x338: {  	s7 =	sand.u32 $0x1FF, s31;
	s2 =	smov.u32 @p5 s0  }
0x339: {  	v7 =	vmov s7;
	v8 =	vld.idx.msk @p4 [tilespmem:v9+s16+$0x0], $0xffff;
	p0 =	slt.s32 @p4 s2, $0x2FF  }
0x33a: {  	v10 =	vld.idx.msk @p4 [tilespmem:v11+s16+$0x0], $0xffff;
	v63 =	vshll.u32 v7, $0x3;
	p0 =	por !p0, !p4  }
0x33b: {  	s0 =	sadd.s32 @p4 $0x1, s2;
	v7 =	vand.u32 $0x7F, v7;
	v9 =	vand.u32 $0xC00, v63;
	s2 =	simm.s32 @p0 $0x2FF  }
0x33c: {  	s3 =	sshll.u32 @p4 s4, $0x2;
	v7 =	vor.u32 v7, v9;
	s2 =	sshll.u32 @p4 s2, $0x7  }
0x33d: {  	s3 =	sand.u32 @p4 $0x1FFFFFFC, s3;
	v9 =	vor.u32 v1, v7;
	s2 =	sshra.s32 @p4 s2, $0x2  }
0x33e: {  	s3 =	sadd.s32 @p4 s13, s3;
	v7 =	vor.u32 v0, v7;
	v8 =	vpsel p4, v8, v0;
	s2 =	smov.u32 @p4 s2  }
0x33f: {  	s3 =	smov.u32 @p4 s3;
	v10 =	vpsel p4, v10, v0;
	[tilespmem:s2+$0x19410] =	vst @p4 v8  }
0x340: {  	s3 =	smov.u32 @p4 s3;
	s4 =	sadd.s32 @p4 $0x19400, s2;
	[tilespmem:s2+$0x19400] =	vst @p4 v10  }
0x341: {  	[hbm4b:s3+s6] =	stream.linear.scatter @p4 [tilespmem:s4], [sflag:$0x4], $0x20, $0x38;
	[tilespmem:$0x1F400] =	vst v63  }
0x342: {  	s30 =	smov.u32 @p4 s0;
	v8 =	vld.idx.msk [tilespmem:v9+s16+$0x0], $0xffff  }
0x343: {  	p0 =	slt.s32 s30, $0x2FF;
	v7 =	vld.idx.msk [tilespmem:v7+s16+$0x0], $0xffff  }
0x344: {  	s0 =	sadd.s32 $0x1, s30;
	s30 =	simm.s32 @!p0 $0x2FF  }
0x345: {  	s8 =	spop (v2sf);
	s12 =	sshll.u32 s30, $0x7  }
0x346: {  	s2 =	sshll.u32 s8, $0x2;
	s3 =	sshra.s32 s12, $0x2  }
0x347: {  	s2 =	sand.u32 $0x1FFFFFFC, s2;
	[tilespmem:s3+$0x19410] =	vst v8  }
0x348: {  	s30 =	smov.u32 s0;
	s2 =	sadd.s32 s13, s2;
	s31 =	sadd.s32 $0x19400, s3;
	[tilespmem:s3+$0x19400] =	vst v7  }
0x349: {  	[hbm4b:s2+s6] =	stream.linear.scatter [tilespmem:s31], [sflag:$0x4], $0x20, $0x38;
	[tilespmem:$0x1F400] =	vst v63  }
.LBB2_98:
0x34a: {  	s1 =	sadd.s32 $0x1, s1  }
0x34b: {  	p0 =	sne.s32 s1, s29  }
.Ltmp64:
0x34c: {  	_ = 	snop;
	(pc) =	sbr.rel @!p0 .LBB2_99-.Ltmp64, $1  }
0x34d: {  	_ =	sdelay $0x3  }
.LBB2_85:
0x34e: {  	s2 =	sshll.u32 s1, $0x4  }
0x34f: {  	v8 =	vld [tilespmem:s2+$0x18E00];
	_ =	sdelay $0x4  }
0x350: {  	v7 =	vshrl.u32 v8, $0x9  }
0x351: {  	v9 =	vor.u32 s2, v4;
	v7 =	vand.u32 $0x7FF, v7  }
0x352: {  	vm4 =	vlt.s32 v9, v5;
	vm5 =	veq.s32 v7, v6  }
0x353: {  	vm4 =	vmand vm4, vm5  }
0x354: {  	vm4 =	vmand vm3, vm4  }
0x355: {  	v7 =	vmpcnt.ones.xlane vm4;
	_ =	sdelay $0x1  }
0x356: {  	(v2sf) =	vpush v7, $0x0;
	_ =	sdelay $0xe  }
0x357: {  	s0 =	spop (v2sf)  }
0x358: {  	p0 =	slt.s32 s0, $0x1  }
.Ltmp65:
0x359: {  	_ = 	snop;
	(pc) =	sbr.rel @p0 .LBB2_98-.Ltmp65, $2  }
0x35a: {  	_ =	sdelay $0x2  }
0x35b: {  	v7 =	vld [tilespmem:s2+$0x19100]  }
0x35c: {  	p0 =	sne.s32 s0, $0x1  }
.Ltmp66:
0x35d: {  	_ = 	snop;
	(pc) =	sbr.rel @!p0 .LBB2_87-.Ltmp66, $4  }
0x35e: {  	_ = 	snop  }
0x35f: {  	v9 =	vmctz.xlane vm4  }
0x360: {  	s0 =	sadd.s32 $0xFFFFFFFF, s0;
	p4 =	por $0x0, $0x0  }
0x361: {  	p5 =	por $0x0, $0x0;
	p6 =	por $0x0, $0x0;
	p1 =	por $0x0, $0x0;
	v9 =	vbroadcast v9, $0x0;
	v7 =	vand.u32 $0x3FFF, v7  }
0x362: {  	_ = 	snop  }
0x363: {  	v10 =	vperm.xlane v8, v9;
	_ =	sdelay $0x1  }
0x364: {  	(v2sf) =	vpush v10, $0x0;
	_ =	sdelay $0x7  }
0x365: {  	vm5 =	vne.s32 v9, v4;
	v9 =	vperm.xlane v7, v9  }
0x366: {  	p0 =	sne.s32 s0, $0x1  }
.Ltmp67:
0x367: {  	(v2sf) =	vpush v9, $0x0;
	(pc) =	sbr.rel @!p0 .LBB2_89-.Ltmp67, $3  }
0x368: {  	vm4 =	vmand vm4, vm5  }
0x369: {  	v11 =	vmctz.xlane vm4;
	_ =	sdelay $0x1  }
0x36a: {  	s0 =	sadd.s32 $0xFFFFFFFF, s0;
	p4 =	por $0x1, $0x1;
	v9 =	vbroadcast v11, $0x0  }
0x36b: {  	p0 =	sne.s32 s0, $0x1  }
.Ltmp68:
0x36c: {  	vm5 =	vne.s32 v9, v4;
	(pc) =	sbr.rel @!p0 .LBB2_91-.Ltmp68, $4  }
0x36d: {  	v10 =	vperm.xlane v8, v9;
	vm4 =	vmand vm4, vm5  }
0x36e: {  	v9 =	vperm.xlane v7, v9;
	v11 =	vmctz.xlane vm4  }
0x36f: {  	(v2sf) =	vpush v10, $0x0  }
0x370: {  	s0 =	sadd.s32 $0xFFFFFFFF, s0;
	p5 =	por $0x1, $0x1;
	(v2sf) =	vpush v9, $0x0;
	v9 =	vbroadcast v11, $0x0  }
0x371: {  	_ = 	snop  }
0x372: {  	v10 =	vperm.xlane v8, v9  }
0x373: {  	v11 =	vperm.xlane v7, v9  }
0x374: {  	s2 =	spop (v2sf);
	(v2sf) =	vpush v10, $0x0  }
0x375: {  	s31 =	spop (v2sf);
	(v2sf) =	vpush v11, $0x0;
	_ =	sdelay $0x7  }
0x376: {  	p0 =	sne.s32 s0, $0x1;
	s2 =	sand.u32 $0x1FF, s2  }
.Ltmp69:
0x377: {  	vm5 =	vne.s32 v9, v4;
	v9 =	vmov s2;
	(pc) =	sbr.rel @!p0 .LBB2_93-.Ltmp69, $4  }
0x378: {  	vm4 =	vmand vm4, vm5;
	v10 =	vshll.u32 v9, $0x3  }
0x379: {  	v9 =	vand.u32 $0x7F, v9;
	v12 =	vmctz.xlane vm4;
	v10 =	vand.u32 $0xC00, v10;
	s2 =	sshll.u32 s31, $0x2  }
0x37a: {  	v9 =	vor.u32 v9, v10;
	s2 =	sand.u32 $0x1FFFFFFC, s2  }
0x37b: {  	s0 =	sadd.s32 $0xFFFFFFFF, s0;
	p6 =	por $0x1, $0x1;
	v11 =	vor.u32 v0, v9;
	v10 =	vor.u32 v1, v9;
	v9 =	vbroadcast v12, $0x0;
	s2 =	sadd.s32 s13, s2  }
0x37c: {  	s3 =	spop (v2sf)  }
0x37d: {  	v12 =	vperm.xlane v8, v9;
	s3 =	sand.u32 $0x1FF, s3  }
0x37e: {  	v13 =	vperm.xlane v7, v9;
	vm5 =	vne.s32 v9, v4;
	v9 =	vmov s3  }
0x37f: {  	p0 =	sne.s32 s0, $0x1;
	(v2sf) =	vpush v12, $0x0;
	v12 =	vshll.u32 v9, $0x3  }
.Ltmp70:
0x380: {  	p1 =	slt.s32 s30, $0x2FF;
	s4 =	smov.u32 s30;
	v9 =	vand.u32 $0x7F, v9;
	v14 =	vand.u32 $0xC00, v12;
	v12 =	vld.idx.msk [tilespmem:v10+s16+$0x0], $0xffff;
	(pc) =	sbr.rel @!p0 .LBB2_95-.Ltmp70, $4  }
0x381: {  	s7 =	spop (v2sf);
	s4 =	simm.s32 @!p1 $0x2FF;
	vm4 =	vmand vm4, vm5;
	v9 =	vor.u32 v9, v14;
	v14 =	vld.idx.msk [tilespmem:v11+s16+$0x0], $0xffff  }
0x382: {  	s31 =	sadd.s32 $0xFFFFFFFF, s0;
	s3 =	sshll.u32 s7, $0x2;
	s12 =	sshll.u32 s4, $0x7;
	v16 =	vmctz.xlane vm4  }
0x383: {  	p1 =	por $0x1, $0x1;
	s8 =	sand.u32 $0x1FFFFFFC, s3;
	s5 =	sshra.s32 s12, $0x2;
	(v2sf) =	vpush v13, $0x0;
	v15 =	vor.u32 v1, v9  }
0x384: {  	s3 =	smov.u32 s30;
	s12 =	smov.u32 s2;
	s4 =	sadd.s32 s13, s8;
	v13 =	vor.u32 v0, v9;
	v9 =	vbroadcast v16, $0x0  }
.LBB2_96:
0x385: {  	s0 =	spop (v2sf);
	s7 =	sadd.s32 $0x19400, s5;
	[tilespmem:s5+$0x19410] =	vst v12;
	s3 =	sadd.s32 $0x1, s3  }
0x386: {  	p0 =	sne.s32 s31, $0x1;
	v16 =	vperm.xlane v7, v9;
	v12 =	vperm.xlane v8, v9;
	vm5 =	vne.s32 v9, v4;
	s0 =	sand.u32 $0x1FF, s0;
	s8 =	spop (v2sf);
	[tilespmem:s5+$0x19400] =	vst v14  }
0x387: {  	vm4 =	vmand vm4, vm5;
	v9 =	vmov s0;
	[hbm4b:s12+s6] =	stream.linear.scatter [tilespmem:s7], [sflag:$0x4], $0x20, $0x38;
	[tilespmem:$0x1F400] =	vst v63  }
0x388: {  	s31 =	sadd.s32 $0xFFFFFFFF, s31;
	s0 =	sshll.u32 s8, $0x2;
	s12 =	smov.u32 s4;
	(v2sf) =	vpush v12, $0x0;
	v14 =	vshll.u32 v9, $0x3;
	v12 =	vld.idx.msk [tilespmem:v15+s16+$0x0], $0xffff  }
.Ltmp71:
0x389: {  	v9 =	vand.u32 $0x7F, v9;
	s0 =	sand.u32 $0x1FFFFFFC, s0;
	(v2sf) =	vpush v16, $0x0;
	v15 =	vand.u32 $0xC00, v14;
	v14 =	vld.idx.msk [tilespmem:v13+s16+$0x0], $0xffff;
	(pc) =	sbr.rel @p0 .LBB2_96-.Ltmp71, $4  }
0x38a: {  	p2 =	slt.s32 s3, $0x2FF;
	s4 =	sadd.s32 s13, s0;
	s0 =	smov.u32 s3;
	v9 =	vor.u32 v9, v15  }
0x38b: {  	v16 =	vmctz.xlane vm4;
	s0 =	simm.s32 @!p2 $0x2FF;
	v13 =	vor.u32 v0, v9;
	v15 =	vor.u32 v1, v9  }
0x38c: {  	s0 =	sshll.u32 s0, $0x7  }
0x38d: {  	v9 =	vbroadcast v16, $0x0;
	s5 =	sshra.s32 s0, $0x2  }
.Ltmp72:
0x38e: {  	_ = 	snop;
	(pc) =	sbr.rel .LBB2_97-.Ltmp72, $1  }
0x38f: {  	_ =	sdelay $0x3  }
.LBB2_89:
.Ltmp73:
0x390: {  	(pc) =	sbr.rel .LBB2_97-.Ltmp73, $2  }
0x391: {  	_ =	sdelay $0x2  }
0x392: {  	s3 =	smov.u32 s30  }
.LBB2_91:
.Ltmp74:
0x393: {  	(pc) =	sbr.rel .LBB2_97-.Ltmp74, $2  }
0x394: {  	_ =	sdelay $0x2  }
0x395: {  	s3 =	smov.u32 s30  }
.LBB2_93:
.Ltmp75:
0x396: {  	(pc) =	sbr.rel .LBB2_97-.Ltmp75, $2  }
0x397: {  	_ =	sdelay $0x3  }
0x398: {  	s3 =	smov.u32 s30;
	v15 =	vmov v10;
	s4 =	smov.u32 s2;
	v13 =	vmov v11  }
.LBB2_95:
.Ltmp76:
0x399: {  	(pc) =	sbr.rel .LBB2_97-.Ltmp76, $2  }
0x39a: {  	_ =	sdelay $0x2  }
0x39b: {  	s3 =	smov.u32 s30;
	s12 =	smov.u32 s2  }
.LBB2_99:
0x39c: {  	s0 =	rddreg [dreg:$0x1e]  }
0x39d: {  	s0 =	sadd.s32 s0, s28  }
0x39e: {  	p0 =	sgt.u32 s0, $0xC2  }
0x39f: {  	s1 =	rddreg [dreg:$0x3];
	s0 =	sshll.u32 @!p0 s0, $0x9;
	s2 =	simm.s32 @!p0 $0xC3800  }
0x3a0: {  	s3 =	simm.s32 @!p0 $0x4800;
	s0 =	sadd.s32 @!p0 s1, s0;
	s1 =	simm.s32 @!p0 $0x1000  }
0x3a1: {  	[tilespmem:s3], [sflag:$0x2] =	stream.strided.gather @!p0 [hbm4b:s0+s1], $0x4000, s2, s1, $0x38;
	[tilespmem:$0x1F400] =	vst v63  }
0x3a2: {  	s0 =	simm.s32 @!p3 $0x3  }
0x3a3: {  	_ =	swait.ge @!p3 [sflag:s0], $0x4000  }
0x3a4: {  	s31 =	sld [smem:$0x7FB];
	_ =	sdelay $0x2  }
0x3a5: {  	p0 =	seq.s32 s31, $0x1  }
.Ltmp77:
0x3a6: {  	_ = 	snop;
	(pc) =	sbr.rel @p0 .LBB2_115-.Ltmp77, $3  }
0x3a7: {  	_ =	sdelay $0x1  }
0x3a8: {  	[sflag:s0] =	ssyncset.done @!p3 $0x0  }
0x3a9: {  	[sflag:s0] =	ssyncadd.s32 @!p3 $0xFFFFC000  }
.Ltmp78:
0x3aa: {  	(pc) =	sbr.rel .LBB2_101-.Ltmp78, $3  }
0x3ab: {  	_ =	sdelay $0x1  }
0x3ac: {  	p0 =	slt.u32 s9, $0xC3;
	vm3 =	vmmov vm0  }
0x3ad: {  	v6 =	vmov s9;
	s1 =	simm.s32 $0x0;
	vm3 =	vmneg @p0 vm3  }
.LBB2_103:
0x3ae: {  	s3 =	smov.u32 s30  }
.LBB2_113:
0x3af: {  	[tilespmem:s5+$0x19410] =	vst @p1 v12;
	s0 =	spop @p4 (v2sf)  }
0x3b0: {  	s7 =	sadd.s32 @p1 $0x19400, s5;
	s3 =	sadd.s32 @p1 $0x1, s3;
	[tilespmem:s5+$0x19400] =	vst @p1 v14;
	s5 =	smov.u32 s30  }
0x3b1: {  	[hbm4b:s9+s6] =	stream.linear.scatter @p1 [tilespmem:s7], [sflag:$0x4], $0x20, $0x38;
	[tilespmem:$0x1F400] =	vst v63  }
0x3b2: {  	s0 =	sand.u32 @p4 $0x1FF, s0;
	s5 =	smov.u32 @p1 s3  }
0x3b3: {  	v8 =	vperm.xlane v8, v9;
	v12 =	vmov @p4 s0;
	v14 =	vld.idx.msk @p5 [tilespmem:v15+s25+$0x0], $0xffff;
	p0 =	slt.s32 @p5 s5, $0x2FF  }
0x3b4: {  	v13 =	vld.idx.msk @p5 [tilespmem:v13+s25+$0x0], $0xffff;
	s0 =	smov.u32 s5;
	v15 =	vshll.u32 @p4 v12, $0x3;
	p0 =	por !p0, !p5  }
0x3b5: {  	(v2sf) =	vpush v8, $0x0;
	v8 =	vand.u32 @p4 $0x7F, v12;
	v12 =	vand.u32 @p4 $0xC00, v15;
	s0 =	simm.s32 @p0 $0x2FF  }
0x3b6: {  	v8 =	vor.u32 @p4 v8, v12;
	s0 =	sshll.u32 @p5 s0, $0x7  }
0x3b7: {  	v12 =	vor.u32 @p4 v1, v8;
	s0 =	sshra.s32 @p5 s0, $0x2  }
0x3b8: {  	s3 =	smov.u32 @p5 s4;
	v8 =	vor.u32 @p4 v0, v8;
	s0 =	smov.u32 @p5 s0;
	v14 =	vpsel p5, v14, v0;
	v10 =	vpsel p4, v12, v10  }
0x3b9: {  	s4 =	spop @p4 (v2sf);
	s3 =	smov.u32 @p5 s3;
	v12 =	vpsel p5, v13, v0;
	v8 =	vpsel p4, v8, v11;
	[tilespmem:s0+$0x19410] =	vst @p5 v14  }
0x3ba: {  	s5 =	sadd.s32 @p5 $0x1, s5;
	s8 =	sadd.s32 @p5 $0x19400, s0;
	[tilespmem:s0+$0x19400] =	vst @p5 v12;
	s0 =	smov.u32 s30  }
0x3bb: {  	[hbm4b:s3+s6] =	stream.linear.scatter @p5 [tilespmem:s8], [sflag:$0x4], $0x20, $0x38;
	[tilespmem:$0x1F400] =	vst v63  }
0x3bc: {  	s7 =	spop @p3 (v2sf);
	s0 =	smov.u32 @p5 s5  }
0x3bd: {  	s3 =	sand.u32 @p3 $0x1FF, s7;
	p0 =	slt.s32 @p4 s0, $0x2FF;
	v10 =	vld.idx.msk @p4 [tilespmem:v10+s25+$0x0], $0xffff  }
0x3be: {  	v11 =	vmov @p3 s3;
	s3 =	sshll.u32 @p4 s4, $0x2;
	s4 =	smov.u32 s0;
	p0 =	por !p0, !p4;
	v8 =	vld.idx.msk @p4 [tilespmem:v8+s25+$0x0], $0xffff  }
0x3bf: {  	v12 =	vshll.u32 @p3 v11, $0x3;
	s3 =	sand.u32 @p4 $0x1FFFFFFC, s3;
	s4 =	simm.s32 @p0 $0x2FF  }
0x3c0: {  	v11 =	vand.u32 @p3 $0x7F, v11;
	v12 =	vand.u32 @p3 $0xC00, v12;
	s3 =	sadd.s32 @p4 s13, s3;
	s4 =	sshll.u32 @p4 s4, $0x7  }
0x3c1: {  	v11 =	vor.u32 @p3 v11, v12;
	s2 =	smov.u32 @p4 s3;
	s3 =	sshra.s32 @p4 s4, $0x2  }
0x3c2: {  	v7 =	vperm.xlane v7, v9;
	v9 =	vor.u32 @p3 v1, v11;
	s3 =	smov.u32 @p4 s3;
	v10 =	vpsel p4, v10, v0  }
0x3c3: {  	v11 =	vor.u32 @p3 v0, v11;
	v9 =	vpsel p3, v9, v0;
	v8 =	vpsel p4, v8, v0;
	[tilespmem:s3+$0x19410] =	vst @p4 v10  }
0x3c4: {  	s4 =	spop @p3 (v2sf);
	s2 =	smov.u32 @p4 s2;
	v11 =	vpsel p3, v11, v0;
	s7 =	sadd.s32 @p4 $0x19400, s3;
	[tilespmem:s3+$0x19400] =	vst @p4 v8  }
0x3c5: {  	(v2sf) =	vpush v7, $0x0;
	[hbm4b:s2+s6] =	stream.linear.scatter @p4 [tilespmem:s7], [sflag:$0x4], $0x20, $0x38;
	[tilespmem:$0x1F400] =	vst v63  }
0x3c6: {  	s0 =	sadd.s32 @p4 $0x1, s0;
	s8 =	spop (v2sf);
	s2 =	smov.u32 s30  }
0x3c7: {  	s9 =	sand.u32 $0x1FF, s8;
	s2 =	smov.u32 @p4 s0  }
0x3c8: {  	v7 =	vmov s9;
	v8 =	vld.idx.msk @p3 [tilespmem:v9+s25+$0x0], $0xffff;
	p0 =	slt.s32 @p3 s2, $0x2FF  }
0x3c9: {  	v63 =	vshll.u32 v7, $0x3;
	v10 =	vld.idx.msk @p3 [tilespmem:v11+s25+$0x0], $0xffff;
	p0 =	por !p0, !p3  }
0x3ca: {  	v7 =	vand.u32 $0x7F, v7;
	s0 =	sadd.s32 @p3 $0x1, s2;
	v9 =	vand.u32 $0xC00, v63;
	s2 =	simm.s32 @p0 $0x2FF  }
0x3cb: {  	s3 =	sshll.u32 @p3 s4, $0x2;
	v7 =	vor.u32 v7, v9;
	s2 =	sshll.u32 @p3 s2, $0x7  }
0x3cc: {  	s3 =	sand.u32 @p3 $0x1FFFFFFC, s3;
	v9 =	vor.u32 v1, v7;
	s2 =	sshra.s32 @p3 s2, $0x2  }
0x3cd: {  	s3 =	sadd.s32 @p3 s13, s3;
	v7 =	vor.u32 v0, v7;
	v8 =	vpsel p3, v8, v0;
	s2 =	smov.u32 @p3 s2  }
0x3ce: {  	s3 =	smov.u32 @p3 s3;
	v10 =	vpsel p3, v10, v0;
	[tilespmem:s2+$0x19410] =	vst @p3 v8  }
0x3cf: {  	s3 =	smov.u32 @p3 s3;
	s4 =	sadd.s32 @p3 $0x19400, s2;
	[tilespmem:s2+$0x19400] =	vst @p3 v10  }
0x3d0: {  	[hbm4b:s3+s6] =	stream.linear.scatter @p3 [tilespmem:s4], [sflag:$0x4], $0x20, $0x38;
	[tilespmem:$0x1F400] =	vst v63  }
0x3d1: {  	s30 =	smov.u32 @p3 s0;
	v8 =	vld.idx.msk [tilespmem:v9+s25+$0x0], $0xffff  }
0x3d2: {  	p0 =	slt.s32 s30, $0x2FF;
	v7 =	vld.idx.msk [tilespmem:v7+s25+$0x0], $0xffff  }
0x3d3: {  	s0 =	sadd.s32 $0x1, s30;
	s30 =	simm.s32 @!p0 $0x2FF  }
0x3d4: {  	s12 =	spop (v2sf);
	s28 =	sshll.u32 s30, $0x7  }
0x3d5: {  	s2 =	sshll.u32 s12, $0x2;
	s3 =	sshra.s32 s28, $0x2  }
0x3d6: {  	s2 =	sand.u32 $0x1FFFFFFC, s2;
	[tilespmem:s3+$0x19410] =	vst v8  }
0x3d7: {  	s30 =	smov.u32 s0;
	s2 =	sadd.s32 s13, s2;
	s31 =	sadd.s32 $0x19400, s3;
	[tilespmem:s3+$0x19400] =	vst v7  }
0x3d8: {  	[hbm4b:s2+s6] =	stream.linear.scatter [tilespmem:s31], [sflag:$0x4], $0x20, $0x38;
	[tilespmem:$0x1F400] =	vst v63  }
.LBB2_114:
0x3d9: {  	s1 =	sadd.s32 $0x1, s1  }
0x3da: {  	p0 =	sne.s32 s1, s29  }
.Ltmp79:
0x3db: {  	_ = 	snop;
	(pc) =	sbr.rel @!p0 .LBB2_115-.Ltmp79, $1  }
0x3dc: {  	_ =	sdelay $0x3  }
.LBB2_101:
0x3dd: {  	s2 =	sshll.u32 s1, $0x4  }
0x3de: {  	v8 =	vld [tilespmem:s2+$0x18E00];
	_ =	sdelay $0x4  }
0x3df: {  	v7 =	vshrl.u32 v8, $0x9  }
0x3e0: {  	v9 =	vor.u32 s2, v4;
	v7 =	vand.u32 $0x7FF, v7  }
0x3e1: {  	vm4 =	vlt.s32 v9, v5;
	vm5 =	veq.s32 v7, v6  }
0x3e2: {  	vm4 =	vmand vm4, vm5  }
0x3e3: {  	vm4 =	vmand vm3, vm4  }
0x3e4: {  	v7 =	vmpcnt.ones.xlane vm4;
	_ =	sdelay $0x1  }
0x3e5: {  	(v2sf) =	vpush v7, $0x0;
	_ =	sdelay $0xe  }
0x3e6: {  	s0 =	spop (v2sf)  }
0x3e7: {  	p0 =	slt.s32 s0, $0x1  }
.Ltmp80:
0x3e8: {  	_ = 	snop;
	(pc) =	sbr.rel @p0 .LBB2_114-.Ltmp80, $2  }
0x3e9: {  	_ =	sdelay $0x2  }
0x3ea: {  	v7 =	vld [tilespmem:s2+$0x19100]  }
0x3eb: {  	p0 =	sne.s32 s0, $0x1  }
.Ltmp81:
0x3ec: {  	_ = 	snop;
	(pc) =	sbr.rel @!p0 .LBB2_103-.Ltmp81, $4  }
0x3ed: {  	_ = 	snop  }
0x3ee: {  	v9 =	vmctz.xlane vm4  }
0x3ef: {  	s0 =	sadd.s32 $0xFFFFFFFF, s0;
	p3 =	por $0x0, $0x0  }
0x3f0: {  	p4 =	por $0x0, $0x0;
	p5 =	por $0x0, $0x0;
	p1 =	por $0x0, $0x0;
	v9 =	vbroadcast v9, $0x0;
	v7 =	vand.u32 $0x3FFF, v7  }
0x3f1: {  	_ = 	snop  }
0x3f2: {  	v10 =	vperm.xlane v8, v9;
	_ =	sdelay $0x1  }
0x3f3: {  	(v2sf) =	vpush v10, $0x0;
	_ =	sdelay $0x7  }
0x3f4: {  	vm5 =	vne.s32 v9, v4;
	v9 =	vperm.xlane v7, v9  }
0x3f5: {  	p0 =	sne.s32 s0, $0x1  }
.Ltmp82:
0x3f6: {  	(v2sf) =	vpush v9, $0x0;
	(pc) =	sbr.rel @!p0 .LBB2_105-.Ltmp82, $3  }
0x3f7: {  	vm4 =	vmand vm4, vm5  }
0x3f8: {  	v11 =	vmctz.xlane vm4;
	_ =	sdelay $0x1  }
0x3f9: {  	s0 =	sadd.s32 $0xFFFFFFFF, s0;
	p3 =	por $0x1, $0x1;
	v9 =	vbroadcast v11, $0x0  }
0x3fa: {  	p0 =	sne.s32 s0, $0x1  }
.Ltmp83:
0x3fb: {  	vm5 =	vne.s32 v9, v4;
	(pc) =	sbr.rel @!p0 .LBB2_107-.Ltmp83, $4  }
0x3fc: {  	v10 =	vperm.xlane v8, v9;
	vm4 =	vmand vm4, vm5  }
0x3fd: {  	v9 =	vperm.xlane v7, v9;
	v11 =	vmctz.xlane vm4  }
0x3fe: {  	(v2sf) =	vpush v10, $0x0  }
0x3ff: {  	s0 =	sadd.s32 $0xFFFFFFFF, s0;
	p4 =	por $0x1, $0x1;
	(v2sf) =	vpush v9, $0x0;
	v9 =	vbroadcast v11, $0x0  }
0x400: {  	_ = 	snop  }
0x401: {  	v10 =	vperm.xlane v8, v9  }
0x402: {  	v11 =	vperm.xlane v7, v9  }
0x403: {  	s2 =	spop (v2sf);
	(v2sf) =	vpush v10, $0x0  }
0x404: {  	s31 =	spop (v2sf);
	(v2sf) =	vpush v11, $0x0;
	_ =	sdelay $0x7  }
0x405: {  	p0 =	sne.s32 s0, $0x1;
	s2 =	sand.u32 $0x1FF, s2  }
.Ltmp84:
0x406: {  	vm5 =	vne.s32 v9, v4;
	v9 =	vmov s2;
	(pc) =	sbr.rel @!p0 .LBB2_109-.Ltmp84, $4  }
0x407: {  	vm4 =	vmand vm4, vm5;
	v10 =	vshll.u32 v9, $0x3  }
0x408: {  	v9 =	vand.u32 $0x7F, v9;
	v12 =	vmctz.xlane vm4;
	v10 =	vand.u32 $0xC00, v10;
	s2 =	sshll.u32 s31, $0x2  }
0x409: {  	v9 =	vor.u32 v9, v10;
	s2 =	sand.u32 $0x1FFFFFFC, s2  }
0x40a: {  	s0 =	sadd.s32 $0xFFFFFFFF, s0;
	p5 =	por $0x1, $0x1;
	v11 =	vor.u32 v0, v9;
	v10 =	vor.u32 v1, v9;
	v9 =	vbroadcast v12, $0x0;
	s2 =	sadd.s32 s13, s2  }
0x40b: {  	s3 =	spop (v2sf)  }
0x40c: {  	v12 =	vperm.xlane v8, v9;
	s3 =	sand.u32 $0x1FF, s3  }
0x40d: {  	v13 =	vperm.xlane v7, v9;
	vm5 =	vne.s32 v9, v4;
	v9 =	vmov s3  }
0x40e: {  	p0 =	sne.s32 s0, $0x1;
	(v2sf) =	vpush v12, $0x0;
	v12 =	vshll.u32 v9, $0x3  }
.Ltmp85:
0x40f: {  	p1 =	slt.s32 s30, $0x2FF;
	v9 =	vand.u32 $0x7F, v9;
	v14 =	vand.u32 $0xC00, v12;
	v12 =	vld.idx.msk [tilespmem:v10+s25+$0x0], $0xffff;
	(pc) =	sbr.rel @!p0 .LBB2_111-.Ltmp85, $4  }
0x410: {  	s4 =	smov.u32 s30;
	s9 =	smov.u32 s2;
	s12 =	spop (v2sf);
	vm4 =	vmand vm4, vm5;
	v9 =	vor.u32 v9, v14;
	v14 =	vld.idx.msk [tilespmem:v11+s25+$0x0], $0xffff  }
0x411: {  	s4 =	simm.s32 @!p1 $0x2FF;
	p1 =	por $0x1, $0x1;
	s3 =	sshll.u32 s12, $0x2;
	v16 =	vmctz.xlane vm4  }
0x412: {  	s12 =	sadd.s32 $0xFFFFFFFF, s0;
	s31 =	sshll.u32 s4, $0x7;
	s28 =	sand.u32 $0x1FFFFFFC, s3;
	(v2sf) =	vpush v13, $0x0;
	v15 =	vor.u32 v1, v9  }
0x413: {  	s5 =	sshra.s32 s31, $0x2;
	s3 =	smov.u32 s30;
	s4 =	sadd.s32 s13, s28;
	v13 =	vor.u32 v0, v9;
	v9 =	vbroadcast v16, $0x0  }
.LBB2_112:
0x414: {  	s0 =	spop (v2sf);
	s7 =	sadd.s32 $0x19400, s5;
	[tilespmem:s5+$0x19410] =	vst v12;
	s3 =	sadd.s32 $0x1, s3  }
0x415: {  	p0 =	sne.s32 s12, $0x1;
	v16 =	vperm.xlane v7, v9;
	v12 =	vperm.xlane v8, v9;
	vm5 =	vne.s32 v9, v4;
	s0 =	sand.u32 $0x1FF, s0;
	s8 =	spop (v2sf);
	[tilespmem:s5+$0x19400] =	vst v14  }
0x416: {  	vm4 =	vmand vm4, vm5;
	v9 =	vmov s0;
	[hbm4b:s9+s6] =	stream.linear.scatter [tilespmem:s7], [sflag:$0x4], $0x20, $0x38;
	[tilespmem:$0x1F400] =	vst v63  }
0x417: {  	s12 =	sadd.s32 $0xFFFFFFFF, s12;
	s0 =	sshll.u32 s8, $0x2;
	s9 =	smov.u32 s4;
	(v2sf) =	vpush v12, $0x0;
	v14 =	vshll.u32 v9, $0x3;
	v12 =	vld.idx.msk [tilespmem:v15+s25+$0x0], $0xffff  }
.Ltmp86:
0x418: {  	v9 =	vand.u32 $0x7F, v9;
	s0 =	sand.u32 $0x1FFFFFFC, s0;
	(v2sf) =	vpush v16, $0x0;
	v15 =	vand.u32 $0xC00, v14;
	v14 =	vld.idx.msk [tilespmem:v13+s25+$0x0], $0xffff;
	(pc) =	sbr.rel @p0 .LBB2_112-.Ltmp86, $4  }
0x419: {  	p2 =	slt.s32 s3, $0x2FF;
	s4 =	sadd.s32 s13, s0;
	s0 =	smov.u32 s3;
	v9 =	vor.u32 v9, v15  }
0x41a: {  	v16 =	vmctz.xlane vm4;
	s0 =	simm.s32 @!p2 $0x2FF;
	v13 =	vor.u32 v0, v9;
	v15 =	vor.u32 v1, v9  }
0x41b: {  	s0 =	sshll.u32 s0, $0x7  }
0x41c: {  	v9 =	vbroadcast v16, $0x0;
	s5 =	sshra.s32 s0, $0x2  }
.Ltmp87:
0x41d: {  	_ = 	snop;
	(pc) =	sbr.rel .LBB2_113-.Ltmp87, $1  }
0x41e: {  	_ =	sdelay $0x3  }
.LBB2_105:
.Ltmp88:
0x41f: {  	(pc) =	sbr.rel .LBB2_113-.Ltmp88, $2  }
0x420: {  	_ =	sdelay $0x2  }
0x421: {  	s3 =	smov.u32 s30  }
.LBB2_107:
.Ltmp89:
0x422: {  	(pc) =	sbr.rel .LBB2_113-.Ltmp89, $2  }
0x423: {  	_ =	sdelay $0x2  }
0x424: {  	s3 =	smov.u32 s30  }
.LBB2_109:
.Ltmp90:
0x425: {  	(pc) =	sbr.rel .LBB2_113-.Ltmp90, $2  }
0x426: {  	_ =	sdelay $0x3  }
0x427: {  	s3 =	smov.u32 s30;
	v15 =	vmov v10;
	s4 =	smov.u32 s2;
	v13 =	vmov v11  }
.LBB2_111:
.Ltmp91:
0x428: {  	(pc) =	sbr.rel .LBB2_113-.Ltmp91, $2  }
0x429: {  	_ =	sdelay $0x2  }
0x42a: {  	s3 =	smov.u32 s30;
	s9 =	smov.u32 s2  }
.LBB2_116:
0x42b: {  	s0 =	sld [smem:$0x7FD];
	_ =	sdelay $0x2  }
0x42c: {  	p1 =	seq.s32 s0, $0x1  }
0x42d: {  	s2 =	rddreg [dreg:$0x9];
	s0 =	simm.s32 @!p1 $0x0;
	s1 =	simm.s32 @!p1 $0x800  }
0x42e: {  	[tilespmem:s1], [sflag:$0x1] =	stream.linear.gather @!p1 [hbm4b:s2+s0], $0x800, $0x38;
	[tilespmem:$0x1F400] =	vst v63  }
0x42f: {  	s1 =	simm.s32 @!p1 $0x1800;
	s2 =	rddreg [dreg:$0x18]  }
0x430: {  	[tilespmem:s1], [sflag:$0x1] =	stream.linear.gather @!p1 [hbm4b:s2+s0], $0x800, $0x38;
	[tilespmem:$0x1F400] =	vst v63  }
0x431: {  	s1 =	simm.s32 @!p1 $0x2800;
	s2 =	rddreg [dreg:$0x19]  }
0x432: {  	[tilespmem:s1], [sflag:$0x1] =	stream.linear.gather @!p1 [hbm4b:s2+s0], $0x800, $0x38;
	[tilespmem:$0x1F400] =	vst v63  }
0x433: {  	p0 =	sne.s32 s29, $0x0;
	s1 =	simm.s32 @!p1 $0x3800;
	s2 =	rddreg [dreg:$0x1a]  }
0x434: {  	[tilespmem:s1], [sflag:$0x1] =	stream.linear.gather @!p1 [hbm4b:s2+s0], $0x800, $0x38;
	[tilespmem:$0x1F400] =	vst v63  }
.Ltmp92:
0x435: {  	_ = 	snop;
	(pc) =	sbr.rel @p0 .LBB2_123-.Ltmp92, $4  }
0x436: {  	s0 =	simm.s32 @!p1 $0x1  }
0x437: {  	_ =	swait.ge @!p1 [sflag:s0], $0x2000  }
0x438: {  	[sflag:s0] =	ssyncset.done @!p1 $0x0  }
0x439: {  	s1 =	simm.s32 $0x0;
	[sflag:s0] =	ssyncadd.s32 @!p1 $0xFFFFE000  }
.LBB2_117:
0x43a: {  	p0 =	sgt.s32 s30, $0x0  }
.Ltmp93:
0x43b: {  	_ = 	snop;
	(pc) =	sbr.rel @!p0 .LBB2_121-.Ltmp93, $4  }
0x43c: {  	_ = 	snop  }
0x43d: {  	s7 =	rddreg [dreg:$0x0]  }
0x43e: {  	s8 =	rddreg [dreg:$0x1]  }
0x43f: {  	s1 =	rddreg [dreg:$0x1f]  }
0x440: {  	p0 =	sne.s32 s30, $0x1  }
.Ltmp94:
0x441: {  	_ = 	snop;
	(pc) =	sbr.rel @!p0 .LBB2_120-.Ltmp94, $3  }
0x442: {  	_ =	sdelay $0x1  }
0x443: {  	_ =	swait.ge [sflag:s24], $0x20  }
0x444: {  	s0 =	sadd.s32 $0xFFFFFFFF, s30;
	[sflag:s24] =	ssyncset.done $0x0  }
.LBB2_119:
0x445: {  	p0 =	sne.s32 s0, $0x1;
	s0 =	sadd.s32 $0xFFFFFFFF, s0;
	[sflag:s24] =	ssyncadd.s32 $0xFFFFFFE0  }
.Ltmp95:
0x446: {  	(pc) =	sbr.rel @p0 .LBB2_119-.Ltmp95, $3  }
0x447: {  	_ =	sdelay $0x1  }
0x448: {  	_ =	swait.ge [sflag:s24], $0x20  }
0x449: {  	[sflag:s24] =	ssyncset.done $0x0  }
.Ltmp96:
0x44a: {  	_ = 	snop;
	(pc) =	sbr.rel .LBB2_120-.Ltmp96, $1  }
0x44b: {  	_ =	sdelay $0x3  }
.LBB2_63:
0x44c: {  	s4 =	smov.u32 s7  }
.LBB2_70:
0x44d: {  	v6 =	vadd.f32 @p1 v10, v11;
	s0 =	sshra.s32 @p1 s0, $0x2  }
0x44e: {  	[tilespmem:s0+$0x19400] =	vst @p1 v12  }
0x44f: {  	s8 =	sadd.s32 @p1 s11, s9;
	s5 =	sadd.s32 @p1 $0x19400, s0;
	[tilespmem:s0+$0x19410] =	vst @p1 v6  }
0x450: {  	[hbm4b:s8+s6] =	stream.linear.scatter @p1 [tilespmem:s5], [sflag:$0x4], $0x20, $0x38;
	[tilespmem:$0x1F400] =	vst v63  }
0x451: {  	v6 =	vld.idx.msk @p2 [tilespmem:v8+s15+$0x0], $0xffff  }
0x452: {  	s0 =	scvt.s32.f32 @p2 s3;
	v7 =	vld.idx.msk @p2 [tilespmem:v9+s15+$0x0], $0xffff  }
0x453: {  	v9 =	vld.idx.msk @p2 [tilespmem:v9+s14+$0x0], $0xffff  }
0x454: {  	v8 =	vld.idx.msk @p2 [tilespmem:v8+s14+$0x0], $0xffff;
	v10 =	vmov @p2 s0  }
0x455: {  	s3 =	sadd.s32 @p1 $0x1, s4;
	s5 =	smov.u32 s7;
	v10 =	vsub.f32 @p2 $1.000000000e+00, v10;
	s31 =	spop (v2sf)  }
0x456: {  	s5 =	smov.u32 @p1 s3;
	s9 =	sand.u32 $0x1FF, s31  }
0x457: {  	p0 =	slt.s32 @p2 s5, $0x2FF;
	v57 =	vmov s9;
	v7 =	vmul.f32 @p2 v10, v7  }
0x458: {  	s3 =	smov.u32 s5;
	p0 =	por !p0, !p2;
	v6 =	vmul.f32 @p2 v10, v6;
	v9 =	vmul.f32 @p2 s0, v9;
	v58 =	vshll.u32 v57, $0x3  }
0x459: {  	s3 =	simm.s32 @p0 $0x2FF;
	v8 =	vmul.f32 @p2 s0, v8;
	v59 =	vand.u32 $0x7F, v57;
	v60 =	vand.u32 $0xC00, v58  }
0x45a: {  	s0 =	sshll.u32 @p2 s3, $0x7;
	v7 =	vadd.f32 @p2 v7, v9;
	v10 =	vor.u32 v59, v60  }
0x45b: {  	s0 =	smov.u32 @p2 s0;
	v8 =	vpsel p2, v8, v0;
	v6 =	vpsel p2, v6, v0;
	v61 =	vor.u32 v1, v10  }
0x45c: {  	s0 =	sshra.s32 @p2 s0, $0x2;
	v6 =	vadd.f32 @p2 v6, v8;
	v10 =	vor.u32 v0, v10;
	v7 =	vpsel p2, v7, v0  }
0x45d: {  	s2 =	smov.u32 @p2 s2;
	[tilespmem:s0+$0x19400] =	vst @p2 v7  }
0x45e: {  	s2 =	sadd.s32 @p2 s11, s2;
	s3 =	sadd.s32 @p2 $0x19400, s0;
	[tilespmem:s0+$0x19410] =	vst @p2 v6  }
0x45f: {  	[hbm4b:s2+s6] =	stream.linear.scatter @p2 [tilespmem:s3], [sflag:$0x4], $0x20, $0x38;
	[tilespmem:$0x1F400] =	vst v63  }
0x460: {  	s10 =	sshrl.u32 s31, $0x1E;
	v6 =	vld.idx.msk [tilespmem:v61+s15+$0x0], $0xffff  }
0x461: {  	s0 =	sand.u32 $0x1, s10;
	v7 =	vld.idx.msk [tilespmem:v10+s15+$0x0], $0xffff  }
0x462: {  	s0 =	scvt.s32.f32 s0;
	v62 =	vld.idx.msk [tilespmem:v10+s14+$0x0], $0xffff  }
0x463: {  	v9 =	vld.idx.msk [tilespmem:v61+s14+$0x0], $0xffff  }
0x464: {  	v63 =	vmov s0  }
0x465: {  	s2 =	sadd.s32 @p2 $0x1, s5;
	v10 =	vsub.f32 $1.000000000e+00, v63  }
0x466: {  	s7 =	smov.u32 @p2 s2  }
0x467: {  	p0 =	slt.s32 s7, $0x2FF;
	v7 =	vmul.f32 v10, v7;
	v8 =	vmul.f32 s0, v62  }
0x468: {  	s2 =	sadd.s32 $0x1, s7;
	s7 =	simm.s32 @!p0 $0x2FF;
	v6 =	vmul.f32 v10, v6;
	v9 =	vmul.f32 s0, v9  }
0x469: {  	s12 =	spop (v2sf);
	s28 =	sshll.u32 s7, $0x7;
	v7 =	vadd.f32 v7, v8  }
0x46a: {  	s3 =	sshra.s32 s28, $0x2;
	s0 =	sshll.u32 s12, $0x2;
	v6 =	vadd.f32 v6, v9  }
0x46b: {  	s0 =	sand.u32 $0x1FFFFFFC, s0;
	[tilespmem:s3+$0x19400] =	vst v7  }
0x46c: {  	s7 =	smov.u32 s2;
	s31 =	sadd.s32 $0x19400, s3;
	s0 =	sadd.s32 s11, s0;
	[tilespmem:s3+$0x19410] =	vst v6  }
0x46d: {  	[hbm4b:s0+s6] =	stream.linear.scatter [tilespmem:s31], [sflag:$0x4], $0x20, $0x38;
	[tilespmem:$0x1F400] =	vst v63  }
.LBB2_71:
0x46e: {  	s1 =	sadd.s32 $0x1, s1  }
0x46f: {  	p0 =	seq.s32 s1, s29  }
.Ltmp97:
0x470: {  	_ = 	snop;
	(pc) =	sbr.rel @p0 .LBB2_51-.Ltmp97, $1  }
0x471: {  	_ =	sdelay $0x3  }
.LBB2_61:
0x472: {  	s2 =	sshll.u32 s1, $0x4  }
0x473: {  	v6 =	vld [tilespmem:s2+$0x18800];
	_ =	sdelay $0x4  }
0x474: {  	v7 =	vor.u32 s2, v4;
	v8 =	vand.u32 $0xFFE00, v6  }
0x475: {  	vm3 =	vlt.s32 v7, v5;
	vm4 =	veq.s32 v8, $0xF4200  }
0x476: {  	vm3 =	vmand vm3, vm4  }
0x477: {  	vm3 =	vmand vm1, vm3  }
0x478: {  	v7 =	vmpcnt.ones.xlane vm3;
	_ =	sdelay $0x1  }
0x479: {  	(v2sf) =	vpush v7, $0x0;
	_ =	sdelay $0xe  }
0x47a: {  	s0 =	spop (v2sf)  }
0x47b: {  	p0 =	slt.s32 s0, $0x1  }
.Ltmp98:
0x47c: {  	_ = 	snop;
	(pc) =	sbr.rel @p0 .LBB2_71-.Ltmp98, $2  }
0x47d: {  	_ =	sdelay $0x2  }
0x47e: {  	v7 =	vld [tilespmem:s2+$0x18B00]  }
0x47f: {  	v8 =	vmctz.xlane vm3;
	_ =	sdelay $0x1  }
0x480: {  	v8 =	vbroadcast v8, $0x0;
	_ =	sdelay $0x1  }
0x481: {  	v9 =	vperm.xlane v6, v8;
	_ =	sdelay $0x1  }
0x482: {  	(v2sf) =	vpush v9, $0x0  }
0x483: {  	p0 =	sne.s32 s0, $0x1  }
.Ltmp99:
0x484: {  	_ = 	snop;
	(pc) =	sbr.rel @!p0 .LBB2_63-.Ltmp99, $4  }
0x485: {  	v7 =	vand.u32 $0x3FFF, v7  }
0x486: {  	v10 =	vperm.xlane v7, v8  }
0x487: {  	vm4 =	vne.s32 v8, v4  }
0x488: {  	s0 =	sadd.s32 $0xFFFFFFFF, s0;
	p2 =	por $0x0, $0x0;
	p1 =	por $0x0, $0x0;
	vm3 =	vmand vm3, vm4;
	(v2sf) =	vpush v10, $0x0  }
0x489: {  	_ =	sdelay $0x3  }
0x48a: {  	v8 =	vmctz.xlane vm3;
	_ =	sdelay $0x1  }
0x48b: {  	v8 =	vbroadcast v8, $0x0;
	_ =	sdelay $0x1  }
0x48c: {  	v10 =	vperm.xlane v6, v8;
	_ =	sdelay $0x1  }
0x48d: {  	s2 =	spop (v2sf);
	(v2sf) =	vpush v10, $0x0  }
0x48e: {  	p0 =	sne.s32 s0, $0x1;
	s3 =	sand.u32 $0x1FF, s2  }
.Ltmp100:
0x48f: {  	v9 =	vmov s3;
	(pc) =	sbr.rel @!p0 .LBB2_65-.Ltmp100, $4  }
0x490: {  	vm4 =	vne.s32 v8, v4;
	v11 =	vshll.u32 v9, $0x3  }
0x491: {  	v8 =	vperm.xlane v7, v8;
	v9 =	vand.u32 $0x7F, v9;
	v11 =	vand.u32 $0xC00, v11;
	s31 =	spop (v2sf)  }
0x492: {  	s0 =	sadd.s32 $0xFFFFFFFF, s0;
	vm3 =	vmand vm3, vm4;
	s2 =	sshrl.u32 s2, $0x1E;
	v10 =	vor.u32 v9, v11;
	s4 =	sshll.u32 s31, $0x2  }
0x493: {  	p2 =	por $0x1, $0x1;
	s3 =	sand.u32 $0x1, s2;
	(v2sf) =	vpush v8, $0x0;
	v9 =	vor.u32 v0, v10;
	v8 =	vor.u32 v1, v10;
	s2 =	sand.u32 $0x1FFFFFFC, s4  }
0x494: {  	_ =	sdelay $0x3  }
0x495: {  	v10 =	vmctz.xlane vm3;
	_ =	sdelay $0x1  }
0x496: {  	v10 =	vbroadcast v10, $0x0  }
0x497: {  	v11 =	vld.idx.msk [tilespmem:v8+s15+$0x0], $0xffff;
	s4 =	scvt.s32.f32 s3  }
0x498: {  	v12 =	vld.idx.msk [tilespmem:v9+s15+$0x0], $0xffff;
	v13 =	vperm.xlane v6, v10  }
0x499: {  	v9 =	vld.idx.msk [tilespmem:v9+s14+$0x0], $0xffff;
	v14 =	vmov s4  }
0x49a: {  	v8 =	vld.idx.msk [tilespmem:v8+s14+$0x0], $0xffff;
	vm4 =	vne.s32 v10, v4;
	v10 =	vperm.xlane v7, v10;
	s10 =	spop (v2sf);
	(v2sf) =	vpush v13, $0x0  }
0x49b: {  	p0 =	sne.s32 s0, $0x1;
	v14 =	vsub.f32 $1.000000000e+00, v14;
	s5 =	sand.u32 $0x1FF, s10  }
.Ltmp101:
0x49c: {  	(v2sf) =	vpush v10, $0x0;
	v13 =	vmov s5;
	(pc) =	sbr.rel @!p0 .LBB2_67-.Ltmp101, $4  }
0x49d: {  	s9 =	sadd.s32 $0xFFFFFFFF, s0;
	p1 =	slt.s32 s7, $0x2FF;
	s8 =	smov.u32 s7;
	vm3 =	vmand vm3, vm4;
	v12 =	vmul.f32 v14, v12;
	v10 =	vshll.u32 v13, $0x3  }
0x49e: {  	s8 =	simm.s32 @!p1 $0x2FF;
	p1 =	por $0x1, $0x1;
	v16 =	vmul.f32 s4, v9;
	v13 =	vand.u32 $0x7F, v13;
	v15 =	vand.u32 $0xC00, v10;
	s28 =	spop (v2sf)  }
0x49f: {  	s0 =	sshll.u32 s8, $0x7;
	s12 =	sshrl.u32 s10, $0x1E;
	v10 =	vmul.f32 v14, v11;
	v11 =	vmul.f32 s4, v8;
	v13 =	vor.u32 v13, v15;
	s31 =	sshll.u32 s28, $0x2  }
0x4a0: {  	v12 =	vadd.f32 v12, v16;
	s3 =	sand.u32 $0x1, s12;
	s4 =	smov.u32 s7;
	v9 =	vor.u32 v0, v13;
	v8 =	vor.u32 v1, v13;
	s10 =	sand.u32 $0x1FFFFFFC, s31  }
.LBB2_68:
0x4a1: {  	p3 =	sne.s32 s9, $0x1;
	v10 =	vadd.f32 v10, v11;
	s0 =	sshra.s32 s0, $0x2;
	s4 =	sadd.s32 $0x1, s4  }
0x4a2: {  	s9 =	sadd.s32 $0xFFFFFFFF, s9;
	s8 =	sadd.s32 s11, s2;
	s5 =	sadd.s32 $0x19400, s0;
	[tilespmem:s0+$0x19400] =	vst v12  }
0x4a3: {  	v11 =	vmctz.xlane vm3;
	s2 =	smov.u32 s10;
	[tilespmem:s0+$0x19410] =	vst v10  }
0x4a4: {  	[hbm4b:s8+s6] =	stream.linear.scatter [tilespmem:s5], [sflag:$0x4], $0x20, $0x38;
	[tilespmem:$0x1F400] =	vst v63  }
0x4a5: {  	v10 =	vbroadcast v11, $0x0;
	v11 =	vld.idx.msk [tilespmem:v8+s15+$0x0], $0xffff  }
0x4a6: {  	v12 =	vld.idx.msk [tilespmem:v9+s15+$0x0], $0xffff  }
0x4a7: {  	s0 =	scvt.s32.f32 s3;
	v13 =	vperm.xlane v7, v10;
	v14 =	vperm.xlane v6, v10;
	vm4 =	vne.s32 v10, v4;
	v9 =	vld.idx.msk [tilespmem:v9+s14+$0x0], $0xffff  }
0x4a8: {  	vm3 =	vmand vm3, vm4;
	v8 =	vld.idx.msk [tilespmem:v8+s14+$0x0], $0xffff  }
0x4a9: {  	v10 =	vmov s0;
	s3 =	spop (v2sf)  }
0x4aa: {  	v10 =	vsub.f32 $1.000000000e+00, v10;
	(v2sf) =	vpush v14, $0x0;
	s5 =	sand.u32 $0x1FF, s3  }
0x4ab: {  	(v2sf) =	vpush v13, $0x0;
	s3 =	sshrl.u32 s3, $0x1E;
	s8 =	spop (v2sf);
	v13 =	vmov s5  }
.Ltmp102:
0x4ac: {  	s3 =	sand.u32 $0x1, s3;
	s5 =	sshll.u32 s8, $0x2;
	v12 =	vmul.f32 v10, v12;
	v14 =	vshll.u32 v13, $0x3;
	(pc) =	sbr.rel @p3 .LBB2_68-.Ltmp102, $4  }
0x4ad: {  	v10 =	vmul.f32 v10, v11;
	s10 =	sand.u32 $0x1FFFFFFC, s5;
	v11 =	vand.u32 $0x7F, v13;
	v13 =	vand.u32 $0xC00, v14  }
0x4ae: {  	p0 =	slt.s32 s4, $0x2FF;
	v14 =	vmul.f32 s0, v9;
	v13 =	vor.u32 v11, v13;
	v11 =	vmul.f32 s0, v8;
	s0 =	smov.u32 s4  }
0x4af: {  	s0 =	simm.s32 @!p0 $0x2FF  }
0x4b0: {  	v9 =	vor.u32 v0, v13;
	v8 =	vor.u32 v1, v13;
	v12 =	vadd.f32 v12, v14;
	s0 =	sshll.u32 s0, $0x7  }
.Ltmp103:
0x4b1: {  	(pc) =	sbr.rel .LBB2_70-.Ltmp103, $2  }
0x4b2: {  	_ =	sdelay $0x2  }
0x4b3: {  	s9 =	smov.u32 s2;
	s2 =	smov.u32 s10  }
.LBB2_65:
.Ltmp104:
0x4b4: {  	(pc) =	sbr.rel .LBB2_70-.Ltmp104, $2  }
0x4b5: {  	_ =	sdelay $0x2  }
0x4b6: {  	s4 =	smov.u32 s7  }
.LBB2_67:
.Ltmp105:
0x4b7: {  	(pc) =	sbr.rel .LBB2_70-.Ltmp105, $2  }
0x4b8: {  	_ =	sdelay $0x2  }
0x4b9: {  	s9 =	smov.u32 s2;
	s4 =	smov.u32 s7;
	s2 =	smov.u32 s10  }
.LBB2_125:
0x4ba: {  	s3 =	smov.u32 s30  }
.LBB2_135:
0x4bb: {  	[tilespmem:s5+$0x19410] =	vst @p1 v11;
	s0 =	spop @p3 (v2sf)  }
0x4bc: {  	s7 =	sadd.s32 @p1 $0x19400, s5;
	s3 =	sadd.s32 @p1 $0x1, s3;
	[tilespmem:s5+$0x19400] =	vst @p1 v13;
	s5 =	smov.u32 s30  }
0x4bd: {  	[hbm4b:s9+s6] =	stream.linear.scatter @p1 [tilespmem:s7], [sflag:$0x4], $0x20, $0x38;
	[tilespmem:$0x1F400] =	vst v63  }
0x4be: {  	s0 =	sand.u32 @p3 $0x1FF, s0;
	s5 =	smov.u32 @p1 s3  }
0x4bf: {  	v7 =	vperm.xlane v7, v8;
	v11 =	vmov @p3 s0;
	v13 =	vld.idx.msk @p4 [tilespmem:v14+s14+$0x0], $0xffff;
	p0 =	slt.s32 @p4 s5, $0x2FF  }
0x4c0: {  	v12 =	vld.idx.msk @p4 [tilespmem:v12+s14+$0x0], $0xffff;
	s0 =	smov.u32 s5;
	v14 =	vshll.u32 @p3 v11, $0x3;
	p0 =	por !p0, !p4  }
0x4c1: {  	(v2sf) =	vpush v7, $0x0;
	v7 =	vand.u32 @p3 $0x7F, v11;
	v11 =	vand.u32 @p3 $0xC00, v14;
	s0 =	simm.s32 @p0 $0x2FF  }
0x4c2: {  	v7 =	vor.u32 @p3 v7, v11;
	s0 =	sshll.u32 @p4 s0, $0x7  }
0x4c3: {  	v11 =	vor.u32 @p3 v1, v7;
	s0 =	sshra.s32 @p4 s0, $0x2  }
0x4c4: {  	s3 =	smov.u32 @p4 s4;
	v7 =	vor.u32 @p3 v0, v7;
	s0 =	smov.u32 @p4 s0;
	v13 =	vpsel p4, v13, v0;
	v9 =	vpsel p3, v11, v9  }
0x4c5: {  	s4 =	spop @p3 (v2sf);
	s3 =	smov.u32 @p4 s3;
	v11 =	vpsel p4, v12, v0;
	v7 =	vpsel p3, v7, v10;
	[tilespmem:s0+$0x19410] =	vst @p4 v13  }
0x4c6: {  	s5 =	sadd.s32 @p4 $0x1, s5;
	s8 =	sadd.s32 @p4 $0x19400, s0;
	[tilespmem:s0+$0x19400] =	vst @p4 v11;
	s0 =	smov.u32 s30  }
0x4c7: {  	[hbm4b:s3+s6] =	stream.linear.scatter @p4 [tilespmem:s8], [sflag:$0x4], $0x20, $0x38;
	[tilespmem:$0x1F400] =	vst v63  }
0x4c8: {  	s7 =	spop @p2 (v2sf);
	s0 =	smov.u32 @p4 s5  }
0x4c9: {  	s3 =	sand.u32 @p2 $0x1FF, s7;
	p0 =	slt.s32 @p3 s0, $0x2FF;
	v9 =	vld.idx.msk @p3 [tilespmem:v9+s14+$0x0], $0xffff  }
0x4ca: {  	v10 =	vmov @p2 s3;
	s3 =	sshll.u32 @p3 s4, $0x2;
	s4 =	smov.u32 s0;
	p0 =	por !p0, !p3;
	v7 =	vld.idx.msk @p3 [tilespmem:v7+s14+$0x0], $0xffff  }
0x4cb: {  	v11 =	vshll.u32 @p2 v10, $0x3;
	s3 =	sand.u32 @p3 $0x1FFFFFFC, s3;
	s4 =	simm.s32 @p0 $0x2FF  }
0x4cc: {  	v10 =	vand.u32 @p2 $0x7F, v10;
	v11 =	vand.u32 @p2 $0xC00, v11;
	s3 =	sadd.s32 @p3 s13, s3;
	s4 =	sshll.u32 @p3 s4, $0x7  }
0x4cd: {  	v10 =	vor.u32 @p2 v10, v11;
	s2 =	smov.u32 @p3 s3;
	s3 =	sshra.s32 @p3 s4, $0x2  }
0x4ce: {  	v6 =	vperm.xlane v6, v8;
	v8 =	vor.u32 @p2 v1, v10;
	s3 =	smov.u32 @p3 s3;
	v9 =	vpsel p3, v9, v0  }
0x4cf: {  	v10 =	vor.u32 @p2 v0, v10;
	v8 =	vpsel p2, v8, v0;
	v7 =	vpsel p3, v7, v0;
	[tilespmem:s3+$0x19410] =	vst @p3 v9  }
0x4d0: {  	s4 =	spop @p2 (v2sf);
	s2 =	smov.u32 @p3 s2;
	v10 =	vpsel p2, v10, v0;
	s7 =	sadd.s32 @p3 $0x19400, s3;
	[tilespmem:s3+$0x19400] =	vst @p3 v7  }
0x4d1: {  	(v2sf) =	vpush v6, $0x0;
	[hbm4b:s2+s6] =	stream.linear.scatter @p3 [tilespmem:s7], [sflag:$0x4], $0x20, $0x38;
	[tilespmem:$0x1F400] =	vst v63  }
0x4d2: {  	s0 =	sadd.s32 @p3 $0x1, s0;
	s9 =	spop (v2sf);
	s2 =	smov.u32 s30  }
0x4d3: {  	s10 =	sand.u32 $0x1FF, s9;
	s2 =	smov.u32 @p3 s0  }
0x4d4: {  	v6 =	vmov s10;
	v7 =	vld.idx.msk @p2 [tilespmem:v8+s14+$0x0], $0xffff;
	p0 =	slt.s32 @p2 s2, $0x2FF  }
0x4d5: {  	v63 =	vshll.u32 v6, $0x3;
	v9 =	vld.idx.msk @p2 [tilespmem:v10+s14+$0x0], $0xffff;
	p0 =	por !p0, !p2  }
0x4d6: {  	v6 =	vand.u32 $0x7F, v6;
	s0 =	sadd.s32 @p2 $0x1, s2;
	v8 =	vand.u32 $0xC00, v63;
	s2 =	simm.s32 @p0 $0x2FF  }
0x4d7: {  	s3 =	sshll.u32 @p2 s4, $0x2;
	v6 =	vor.u32 v6, v8;
	s2 =	sshll.u32 @p2 s2, $0x7  }
0x4d8: {  	s3 =	sand.u32 @p2 $0x1FFFFFFC, s3;
	v8 =	vor.u32 v1, v6;
	s2 =	sshra.s32 @p2 s2, $0x2  }
0x4d9: {  	s3 =	sadd.s32 @p2 s13, s3;
	v6 =	vor.u32 v0, v6;
	v7 =	vpsel p2, v7, v0;
	s2 =	smov.u32 @p2 s2  }
0x4da: {  	s3 =	smov.u32 @p2 s3;
	v9 =	vpsel p2, v9, v0;
	[tilespmem:s2+$0x19410] =	vst @p2 v7  }
0x4db: {  	s3 =	smov.u32 @p2 s3;
	s4 =	sadd.s32 @p2 $0x19400, s2;
	[tilespmem:s2+$0x19400] =	vst @p2 v9  }
0x4dc: {  	[hbm4b:s3+s6] =	stream.linear.scatter @p2 [tilespmem:s4], [sflag:$0x4], $0x20, $0x38;
	[tilespmem:$0x1F400] =	vst v63  }
0x4dd: {  	s30 =	smov.u32 @p2 s0;
	v7 =	vld.idx.msk [tilespmem:v8+s14+$0x0], $0xffff  }
0x4de: {  	p0 =	slt.s32 s30, $0x2FF;
	v6 =	vld.idx.msk [tilespmem:v6+s14+$0x0], $0xffff  }
0x4df: {  	s0 =	sadd.s32 $0x1, s30;
	s30 =	simm.s32 @!p0 $0x2FF  }
0x4e0: {  	s12 =	spop (v2sf);
	s28 =	sshll.u32 s30, $0x7  }
0x4e1: {  	s2 =	sshll.u32 s12, $0x2;
	s3 =	sshra.s32 s28, $0x2  }
0x4e2: {  	s2 =	sand.u32 $0x1FFFFFFC, s2;
	[tilespmem:s3+$0x19410] =	vst v7  }
0x4e3: {  	s30 =	smov.u32 s0;
	s2 =	sadd.s32 s13, s2;
	s31 =	sadd.s32 $0x19400, s3;
	[tilespmem:s3+$0x19400] =	vst v6  }
0x4e4: {  	[hbm4b:s2+s6] =	stream.linear.scatter [tilespmem:s31], [sflag:$0x4], $0x20, $0x38;
	[tilespmem:$0x1F400] =	vst v63  }
.LBB2_136:
0x4e5: {  	s1 =	sadd.s32 $0x1, s1  }
0x4e6: {  	p0 =	seq.s32 s1, s29  }
.Ltmp106:
0x4e7: {  	_ = 	snop;
	(pc) =	sbr.rel @p0 .LBB2_117-.Ltmp106, $1  }
0x4e8: {  	_ =	sdelay $0x3  }
.LBB2_123:
0x4e9: {  	s2 =	sshll.u32 s1, $0x4  }
0x4ea: {  	v7 =	vld [tilespmem:s2+$0x18E00];
	_ =	sdelay $0x4  }
0x4eb: {  	v6 =	vor.u32 s2, v4;
	v8 =	vand.u32 $0xFFE00, v7  }
0x4ec: {  	vm3 =	vlt.s32 v6, v5;
	vm4 =	veq.s32 v8, $0x18600  }
0x4ed: {  	vm3 =	vmand vm3, vm4  }
0x4ee: {  	vm3 =	vmand vm2, vm3  }
0x4ef: {  	v6 =	vmpcnt.ones.xlane vm3;
	_ =	sdelay $0x1  }
0x4f0: {  	(v2sf) =	vpush v6, $0x0;
	_ =	sdelay $0xe  }
0x4f1: {  	s0 =	spop (v2sf)  }
0x4f2: {  	p0 =	slt.s32 s0, $0x1  }
.Ltmp107:
0x4f3: {  	_ = 	snop;
	(pc) =	sbr.rel @p0 .LBB2_136-.Ltmp107, $2  }
0x4f4: {  	_ =	sdelay $0x2  }
0x4f5: {  	v6 =	vld [tilespmem:s2+$0x19100]  }
0x4f6: {  	p0 =	sne.s32 s0, $0x1  }
.Ltmp108:
0x4f7: {  	_ = 	snop;
	(pc) =	sbr.rel @!p0 .LBB2_125-.Ltmp108, $4  }
0x4f8: {  	_ = 	snop  }
0x4f9: {  	v8 =	vmctz.xlane vm3  }
0x4fa: {  	s0 =	sadd.s32 $0xFFFFFFFF, s0;
	p2 =	por $0x0, $0x0  }
0x4fb: {  	p3 =	por $0x0, $0x0;
	p4 =	por $0x0, $0x0;
	p1 =	por $0x0, $0x0;
	v8 =	vbroadcast v8, $0x0;
	v6 =	vand.u32 $0x3FFF, v6  }
0x4fc: {  	_ = 	snop  }
0x4fd: {  	v9 =	vperm.xlane v7, v8;
	_ =	sdelay $0x1  }
0x4fe: {  	(v2sf) =	vpush v9, $0x0;
	_ =	sdelay $0x7  }
0x4ff: {  	vm4 =	vne.s32 v8, v4;
	v8 =	vperm.xlane v6, v8  }
0x500: {  	p0 =	sne.s32 s0, $0x1  }
.Ltmp109:
0x501: {  	(v2sf) =	vpush v8, $0x0;
	(pc) =	sbr.rel @!p0 .LBB2_127-.Ltmp109, $3  }
0x502: {  	vm3 =	vmand vm3, vm4  }
0x503: {  	v10 =	vmctz.xlane vm3;
	_ =	sdelay $0x1  }
0x504: {  	s0 =	sadd.s32 $0xFFFFFFFF, s0;
	p2 =	por $0x1, $0x1;
	v8 =	vbroadcast v10, $0x0  }
0x505: {  	p0 =	sne.s32 s0, $0x1  }
.Ltmp110:
0x506: {  	vm4 =	vne.s32 v8, v4;
	(pc) =	sbr.rel @!p0 .LBB2_129-.Ltmp110, $4  }
0x507: {  	v9 =	vperm.xlane v7, v8;
	vm3 =	vmand vm3, vm4  }
0x508: {  	v8 =	vperm.xlane v6, v8;
	v10 =	vmctz.xlane vm3  }
0x509: {  	(v2sf) =	vpush v9, $0x0  }
0x50a: {  	s0 =	sadd.s32 $0xFFFFFFFF, s0;
	p3 =	por $0x1, $0x1;
	(v2sf) =	vpush v8, $0x0;
	v8 =	vbroadcast v10, $0x0  }
0x50b: {  	_ = 	snop  }
0x50c: {  	v9 =	vperm.xlane v7, v8  }
0x50d: {  	v10 =	vperm.xlane v6, v8  }
0x50e: {  	s2 =	spop (v2sf);
	(v2sf) =	vpush v9, $0x0  }
0x50f: {  	s31 =	spop (v2sf);
	(v2sf) =	vpush v10, $0x0;
	_ =	sdelay $0x7  }
0x510: {  	p0 =	sne.s32 s0, $0x1;
	s2 =	sand.u32 $0x1FF, s2  }
.Ltmp111:
0x511: {  	vm4 =	vne.s32 v8, v4;
	v8 =	vmov s2;
	(pc) =	sbr.rel @!p0 .LBB2_131-.Ltmp111, $4  }
0x512: {  	vm3 =	vmand vm3, vm4;
	v9 =	vshll.u32 v8, $0x3  }
0x513: {  	v8 =	vand.u32 $0x7F, v8;
	v11 =	vmctz.xlane vm3;
	v9 =	vand.u32 $0xC00, v9;
	s2 =	sshll.u32 s31, $0x2  }
0x514: {  	v8 =	vor.u32 v8, v9;
	s2 =	sand.u32 $0x1FFFFFFC, s2  }
0x515: {  	s0 =	sadd.s32 $0xFFFFFFFF, s0;
	p4 =	por $0x1, $0x1;
	v10 =	vor.u32 v0, v8;
	v9 =	vor.u32 v1, v8;
	v8 =	vbroadcast v11, $0x0;
	s2 =	sadd.s32 s13, s2  }
0x516: {  	s3 =	spop (v2sf)  }
0x517: {  	v11 =	vperm.xlane v7, v8;
	s3 =	sand.u32 $0x1FF, s3  }
0x518: {  	v12 =	vperm.xlane v6, v8;
	vm4 =	vne.s32 v8, v4;
	v8 =	vmov s3  }
0x519: {  	p0 =	sne.s32 s0, $0x1;
	(v2sf) =	vpush v11, $0x0;
	v11 =	vshll.u32 v8, $0x3  }
.Ltmp112:
0x51a: {  	p1 =	slt.s32 s30, $0x2FF;
	v8 =	vand.u32 $0x7F, v8;
	v13 =	vand.u32 $0xC00, v11;
	v11 =	vld.idx.msk [tilespmem:v9+s14+$0x0], $0xffff;
	(pc) =	sbr.rel @!p0 .LBB2_133-.Ltmp112, $4  }
0x51b: {  	s4 =	smov.u32 s30;
	s10 =	sadd.s32 $0xFFFFFFFF, s0;
	s12 =	spop (v2sf);
	vm3 =	vmand vm3, vm4;
	v8 =	vor.u32 v8, v13;
	v13 =	vld.idx.msk [tilespmem:v10+s14+$0x0], $0xffff  }
0x51c: {  	s9 =	smov.u32 s2;
	s4 =	simm.s32 @!p1 $0x2FF;
	s3 =	sshll.u32 s12, $0x2;
	v15 =	vmctz.xlane vm3  }
0x51d: {  	p1 =	por $0x1, $0x1;
	s31 =	sshll.u32 s4, $0x7;
	s28 =	sand.u32 $0x1FFFFFFC, s3;
	(v2sf) =	vpush v12, $0x0;
	v14 =	vor.u32 v1, v8  }
0x51e: {  	s5 =	sshra.s32 s31, $0x2;
	s3 =	smov.u32 s30;
	s4 =	sadd.s32 s13, s28;
	v12 =	vor.u32 v0, v8;
	v8 =	vbroadcast v15, $0x0  }
.LBB2_134:
0x51f: {  	s0 =	spop (v2sf);
	s7 =	sadd.s32 $0x19400, s5;
	[tilespmem:s5+$0x19410] =	vst v11;
	s3 =	sadd.s32 $0x1, s3  }
0x520: {  	p0 =	sne.s32 s10, $0x1;
	v15 =	vperm.xlane v6, v8;
	v11 =	vperm.xlane v7, v8;
	vm4 =	vne.s32 v8, v4;
	s0 =	sand.u32 $0x1FF, s0;
	s8 =	spop (v2sf);
	[tilespmem:s5+$0x19400] =	vst v13  }
0x521: {  	vm3 =	vmand vm3, vm4;
	v8 =	vmov s0;
	[hbm4b:s9+s6] =	stream.linear.scatter [tilespmem:s7], [sflag:$0x4], $0x20, $0x38;
	[tilespmem:$0x1F400] =	vst v63  }
0x522: {  	s10 =	sadd.s32 $0xFFFFFFFF, s10;
	s0 =	sshll.u32 s8, $0x2;
	s9 =	smov.u32 s4;
	(v2sf) =	vpush v11, $0x0;
	v13 =	vshll.u32 v8, $0x3;
	v11 =	vld.idx.msk [tilespmem:v14+s14+$0x0], $0xffff  }
.Ltmp113:
0x523: {  	v8 =	vand.u32 $0x7F, v8;
	s0 =	sand.u32 $0x1FFFFFFC, s0;
	(v2sf) =	vpush v15, $0x0;
	v14 =	vand.u32 $0xC00, v13;
	v13 =	vld.idx.msk [tilespmem:v12+s14+$0x0], $0xffff;
	(pc) =	sbr.rel @p0 .LBB2_134-.Ltmp113, $4  }
0x524: {  	p5 =	slt.s32 s3, $0x2FF;
	s4 =	sadd.s32 s13, s0;
	s0 =	smov.u32 s3;
	v8 =	vor.u32 v8, v14  }
0x525: {  	v15 =	vmctz.xlane vm3;
	s0 =	simm.s32 @!p5 $0x2FF;
	v12 =	vor.u32 v0, v8;
	v14 =	vor.u32 v1, v8  }
0x526: {  	s0 =	sshll.u32 s0, $0x7  }
0x527: {  	v8 =	vbroadcast v15, $0x0;
	s5 =	sshra.s32 s0, $0x2  }
.Ltmp114:
0x528: {  	_ = 	snop;
	(pc) =	sbr.rel .LBB2_135-.Ltmp114, $1  }
0x529: {  	_ =	sdelay $0x3  }
.LBB2_127:
.Ltmp115:
0x52a: {  	(pc) =	sbr.rel .LBB2_135-.Ltmp115, $2  }
0x52b: {  	_ =	sdelay $0x2  }
0x52c: {  	s3 =	smov.u32 s30  }
.LBB2_129:
.Ltmp116:
0x52d: {  	(pc) =	sbr.rel .LBB2_135-.Ltmp116, $2  }
0x52e: {  	_ =	sdelay $0x2  }
0x52f: {  	s3 =	smov.u32 s30  }
.LBB2_131:
.Ltmp117:
0x530: {  	(pc) =	sbr.rel .LBB2_135-.Ltmp117, $2  }
0x531: {  	_ =	sdelay $0x3  }
0x532: {  	s3 =	smov.u32 s30;
	v14 =	vmov v9;
	s4 =	smov.u32 s2;
	v12 =	vmov v10  }
.LBB2_133:
.Ltmp118:
0x533: {  	(pc) =	sbr.rel .LBB2_135-.Ltmp118, $2  }
0x534: {  	_ =	sdelay $0x2  }
0x535: {  	s3 =	smov.u32 s30;
	s9 =	smov.u32 s2  }
.LBB2_122:
0x536: {  	_ =	sfence.sel $0x180000  }
0x537: {  	[bflag:$0x0] =	sbarrier.arrive $0xFFFF  }
0x538: {  	_ =	strace $0x90000047  }
0x539: {  	s0 =	stileid.u32;
	[bflag:$0x2] =	sbarrier.arrive $0xFFFF  }
0x53a: {  	p0 =	sne.s32 s0, $0x0;
	s0 =	rddreg [dreg:$0x6]  }
0x53b: {  	s0 =	sadd.s32 @!p0 $0x100000, s0  }
0x53c: {  	[sflag:s0] =	ssyncadd.tile.s32 @!p0 $0x1;
	_ =	shalt  }
.Lfunc_end2:
_tile_overlayer_lowered:
.L_overlay_start_2:
0x53d: {  	(tag) =	ssettag $0x2  }
0x53e: {  	s0 =	rddreg [dreg:$0x0];
	s2 =	stileid.u32  }
0x53f: {  	s1 =	rddreg [dreg:$0x1];
	p0 =	sne.s32 s2, $0x0  }
0x540: {  	s3 =	rddreg [dreg:$0x2];
	[bflag:$0x3] =	sbarrier.arrive $0xFFFF;
	s2 =	simm.s32 @!p0 $0x1C05  }
0x541: {  	[timem:s3], [sflag:s2] =	dma.local @!p0 [hbm:s0], s1  }
0x542: {  	s0 =	simm.s32 @!p0 $0x5  }
0x543: {  	_ =	swait.ge @!p0 [sflag:s0], s1  }
0x544: {  	s1 =	ssub.s32 @!p0 $0x0, s1;
	[sflag:s0] =	ssyncset.done @!p0 $0x0  }
0x545: {  	[sflag:s0] =	ssyncadd.s32 @!p0 s1  }
0x546: {  	[bflag:$0x3] =	sbarrier.arrive $0xFFFF  }
0x547: {  	_ =	shalt  }

// kernel: kernel.7.cloned.1.call-start
scs
__scs_entry_jumppad:
0x0: {  	(pc) =	sbr.rel $0x88, $3  }
0x1: {  	(tag) =	ssettag $0x0;
	lr =	simm.s32 $0x1  }
0x2: {  	[smem:$0x3F9B] =	sst lr;
	_ =	strace $0xD0000000  }
0x3: {  	_ = 	snop  }
0x4: {  	_ = 	snop  }
0x5: {  	_ = 	snop  }
0x6: {  	_ = 	snop  }
0x7: {  	_ = 	snop  }
__scs_overlays_trampoline_lowered:
0x8: {  	[smem:$0x3FAA] =	sst s0  }
0x9: {  	[smem:$0x3FAB] =	sst s1  }
0xa: {  	[smem:$0x3FAC] =	sst s2  }
0xb: {  	[smem:$0x3FAD] =	sst s3  }
0xc: {  	[smem:$0x3FAE] =	sst s4  }
0xd: {  	[smem:$0x3FAF] =	sst s5  }
0xe: {  	[smem:$0x3FB0] =	sst s6  }
0xf: {  	[smem:$0x3FB1] =	sst s7  }
0x10: {  	[smem:$0x3FB2] =	sst s8  }
0x11: {  	[smem:$0x3FB3] =	sst s9;
	s0 =	simm.s32 @!p0 $0x0  }
0x12: {  	s1 =	sld [smem:$0x3F99];
	s0 =	simm.s32 @p0 $0x1  }
0x13: {  	[smem:$0x3FB4] =	sst s0;
	s0 =	simm.s32 @!p1 $0x0  }
0x14: {  	s2 =	sld [smem:$0x3F98];
	s0 =	simm.s32 @p1 $0x1  }
0x15: {  	[smem:$0x3FB5] =	sst s0;
	s0 =	simm.s32 @!p2 $0x0  }
0x16: {  	s3 =	sld [smem:$0x3FDB];
	s0 =	simm.s32 @p2 $0x1  }
0x17: {  	s4 =	simm.s32 $0x1BF5;
	[smem:$0x3FB7] =	sst s0  }
0x18: {  	s0 =	sld [smem:$0x3F9A];
	_ =	swait.ge [sflag:s4], $0x0  }
0x19: {  	s7 =	sld [smem:$0x3F9B]  }
0x1a: {  	s8 =	sadd.s32 $0xFFFFE003, lr  }
0x1b: {  	s9 =	sadd.s32 $0xFFFFFEF7, lr;
	s5 =	simm.s32 $0xFFFFFFFF;
	p2 =	slt.u32 s8, $0xFFFFF086  }
0x1c: {  	p1 =	slt.u32 s9, $0xF7A;
	s5 =	simm.s32 @!p2 $0x0  }
0x1d: {  	s5 =	simm.s32 @p1 $0x1;
	p0 =	seq.s32 s7, s2  }
0x1e: {  	s7 =	smul.u32 @!p0 $0xF7A, s2;
	p2 =	seq.s32 @!p0 s5, $0x0  }
0x1f: {  	s9 =	smul.u32 $0xF7A, s1;
	s8 =	simm.s32 @!p0 $0x1BF5;
	p2 =	por !p2, p0  }
0x20: {  	[sflag:s8] =	ssyncset.s32 @!p0 $0xFFFFF086;
	s6 =	sadd.s32 @!p0 s3, s7;
	s7 =	simm.s32 @!p0 $0x108  }
0x21: {  	s3 =	sadd.s32 s3, s9;
	s6 =	sadd.s32 @!p0 $0x88, s6;
	s7 =	simm.s32 @p2 $0x1082  }
0x22: {  	[simem:s7], [sflag:s8] =	dma.local @!p0 [hbm:s6], $0xF7A  }
0x23: {  	s9 =	sor.u32 $0xD0000000, s2;
	s6 =	simm.s32 $0x108;
	_ =	swait.ge @!p0 [sflag:s8], $0x0  }
0x24: {  	s3 =	sadd.s32 $0x88, s3;
	s6 =	simm.s32 @!p1 $0x1082;
	[sflag:s4] =	ssyncset.s32 $0xFFFFF086  }
0x25: {  	[simem:s6], [sflag:s4] =	dma.local [hbm:s3], $0xF7A  }
0x26: {  	[smem:$0x3F9B] =	sst s1;
	(tag) =	ssettag s2;
	_ =	strace s9  }
0x27: {  	s1 =	sld [smem:$0x3FAB]  }
0x28: {  	s2 =	sld [smem:$0x3FAC]  }
0x29: {  	s4 =	sld [smem:$0x3FAE]  }
0x2a: {  	p0 =	seq.s32 s5, $0x0;
	s5 =	sld [smem:$0x3FAF]  }
0x2b: {  	s6 =	sld [smem:$0x3FB0]  }
0x2c: {  	s7 =	sld [smem:$0x3FB1]  }
0x2d: {  	s3 =	simm.s32 $0x108;
	s8 =	sld [smem:$0x3FB2]  }
0x2e: {  	s3 =	simm.s32 @!p0 $0x1082;
	s9 =	sld [smem:$0x3FB3]  }
0x2f: {  	lr =	sadd.s32 s0, s3;
	s0 =	sld [smem:$0x3FAA]  }
0x30: {  	s3 =	sld [smem:$0x3FAD]  }
0x31: {  	[smem:$0x3FB6] =	sst s10  }
0x32: {  	s10 =	sld [smem:$0x3FB4];
	_ =	sdelay $0x3  }
0x33: {  	p0 =	seq.s32 s10, $0x1;
	s10 =	sld [smem:$0x3FB6];
	_ =	sdelay $0x3  }
0x34: {  	[smem:$0x3FB6] =	sst s10  }
0x35: {  	s10 =	sld [smem:$0x3FB5];
	_ =	sdelay $0x3  }
0x36: {  	p1 =	seq.s32 s10, $0x1;
	s10 =	sld [smem:$0x3FB6];
	_ =	sdelay $0x3  }
0x37: {  	[smem:$0x3FB6] =	sst s10  }
0x38: {  	s10 =	sld [smem:$0x3FB7]  }
0x39: {  	_ = 	snop;
	(pc) =	sbr.ind lr, $3  }
0x3a: {  	_ = 	snop  }
0x3b: {  	_ = 	snop  }
0x3c: {  	p2 =	seq.s32 s10, $0x1;
	s10 =	sld [smem:$0x3FB6]  }
0x3d: {  	_ =	shalt  }
0x3e: {  	_ =	shalt  }
0x3f: {  	_ =	shalt  }
0x40: {  	_ =	shalt  }
0x41: {  	_ =	shalt  }
0x42: {  	_ =	shalt  }
0x43: {  	_ =	shalt  }
0x44: {  	_ =	shalt  }
0x45: {  	_ =	shalt  }
0x46: {  	_ =	shalt  }
0x47: {  	_ =	shalt  }
0x48: {  	_ =	shalt  }
0x49: {  	_ =	shalt  }
0x4a: {  	_ =	shalt  }
0x4b: {  	_ =	shalt  }
0x4c: {  	_ =	shalt  }
0x4d: {  	_ =	shalt  }
0x4e: {  	_ =	shalt  }
0x4f: {  	_ =	shalt  }
0x50: {  	_ =	shalt  }
0x51: {  	_ =	shalt  }
0x52: {  	_ =	shalt  }
0x53: {  	_ =	shalt  }
0x54: {  	_ =	shalt  }
0x55: {  	_ =	shalt  }
0x56: {  	_ =	shalt  }
0x57: {  	_ =	shalt  }
0x58: {  	_ =	shalt  }
0x59: {  	_ =	shalt  }
0x5a: {  	_ =	shalt  }
0x5b: {  	_ =	shalt  }
0x5c: {  	_ =	shalt  }
0x5d: {  	_ =	shalt  }
0x5e: {  	_ =	shalt  }
0x5f: {  	_ =	shalt  }
0x60: {  	_ =	shalt  }
0x61: {  	_ =	shalt  }
0x62: {  	_ =	shalt  }
0x63: {  	_ =	shalt  }
0x64: {  	_ =	shalt  }
0x65: {  	_ =	shalt  }
0x66: {  	_ =	shalt  }
0x67: {  	_ =	shalt  }
0x68: {  	_ =	shalt  }
0x69: {  	_ =	shalt  }
0x6a: {  	_ =	shalt  }
0x6b: {  	_ =	shalt  }
0x6c: {  	_ =	shalt  }
0x6d: {  	_ =	shalt  }
0x6e: {  	_ =	shalt  }
0x6f: {  	_ =	shalt  }
0x70: {  	_ =	shalt  }
0x71: {  	_ =	shalt  }
0x72: {  	_ =	shalt  }
0x73: {  	_ =	shalt  }
0x74: {  	_ =	shalt  }
0x75: {  	_ =	shalt  }
0x76: {  	_ =	shalt  }
0x77: {  	_ =	shalt  }
0x78: {  	_ =	shalt  }
0x79: {  	_ =	shalt  }
0x7a: {  	_ =	shalt  }
0x7b: {  	_ =	shalt  }
0x7c: {  	_ =	shalt  }
0x7d: {  	_ =	shalt  }
0x7e: {  	_ =	shalt  }
0x7f: {  	_ =	shalt  }
0x80: {  	_ =	shalt  }
0x81: {  	_ =	shalt  }
0x82: {  	_ =	shalt  }
0x83: {  	_ =	shalt  }
0x84: {  	_ =	shalt  }
0x85: {  	_ =	shalt  }
0x86: {  	_ =	shalt  }
0x87: {  	_ =	shalt  }
.Lfunc_end0:
.L_simem_size_0:
called_computation.1_lowered:
.L_overlay_start_0:
0x88: {  	s2 =	sld [smem:$0x3FD9]  }
0x89: {  	s3 =	sld [smem:$0x3FFE];
	_ =	sdelay $0x1  }
0x8a: {  	s1 =	srdreg.scid  }
0x8b: {  	s0 =	sand.u32 $0x1, s1  }
0x8c: {  	s17 =	sshll.u32 s0, $0xA;
	s2 =	sadd.s32 s3, s2  }
0x8d: {  	s2 =	sadd.s32 s2, s17  }
0x8e: {  	[smem:$0x3FC2] =	sst s2  }
0x8f: {  	_ = 	snop  }
0x90: {  	s2 =	sld [smem:$0x3FD0];
	(tm) =	ssettm $0x1  }
0x91: {  	s18 =	sld [smem:$0x3FFB];
	_ =	sdelay $0x3  }
0x92: {  	_ =	strace s18  }
0x93: {  	s3 =	sld [smem:$0x3FFC];
	_ =	sdelay $0x3  }
0x94: {  	_ =	strace s3  }
0x95: {  	s3 =	sld [smem:$0x3FFD];
	_ =	sdelay $0x3  }
0x96: {  	_ =	strace s3  }
0x97: {  	_ =	strace $0x8FFFFFFF  }
0x98: {  	s19 =	sld [smem:$0x3FDB];
	_ =	sdelay $0x1  }
0x99: {  	s4 =	simm.s32 $_scs_section_size  }
0x9a: {  	s5 =	simm.s32 $_size__tile_overlayer_lowered;
	s6 =	simm.s32 $_tile_overlayer_lowered  }
0x9b: {  	s22 =	simm.s32 $0x1BFF;
	s21 =	sshll.u32 s6, $0x1;
	s3 =	sadd.s32 s4, s19  }
0x9c: {  	s7 =	simm.s32 $0x0;
	s20 =	sshll.u32 s5, $0x1;
	s5 =	sadd.s32 s21, s3  }
0x9d: {  	[timem:s7], [sflag:s22] =	dma.local [hbm:s5], s20  }
0x9e: {  	_ =	swait.ge [sflag:s22], s20  }
0x9f: {  	s4 =	ssub.s32 $0x0, s20;
	[sflag:s22] =	ssyncset.done $0x0  }
0xa0: {  	[sflag:s22] =	ssyncadd.s32 s4;
	_ =	sdelay $0x1  }
0xa1: {  	s23 =	simm.s32 $0x1B8B  }
0xa2: {  	_ =	swait.ge [sflag:s23], $0x1  }
0xa3: {  	[sflag:s23] =	ssyncset.done $0x0  }
0xa4: {  	s25 =	simm.s32 $0x1B8E;
	s24 =	sld [smem:$0x3FFE];
	[sflag:s23] =	ssyncadd.s32 $0xFFFFFFFF  }
0xa5: {  	s26 =	simm.s32 $execute0_lowered;
	[smem:$0x3FD2] =	sst s25  }
0xa6: {  	s5 =	sshll.u32 s26, $0x1;
	_ =	strace $0x80000049;
	[dreg:$0x1] =	wrdreg $0xFFFFFFFF  }
0xa7: {  	s28 =	simm.s32 $_size_execute0_lowered;
	s3 =	sadd.s32 s3, s5;
	[dreg:$0x0] =	wrdreg $0x0  }
0xa8: {  	s5 =	sshll.u32 s28, $0x1;
	[dreg:$0x2] =	wrdreg s3  }
0xa9: {  	[dreg:$0x3] =	wrdreg s5  }
0xaa: {  	[dreg:$0x4] =	wrdreg $0xC0  }
0xab: {  	_ =	task [dreg:s7], $0x5FFFF  }
0xac: {  	[dreg:$0x1] =	wrdreg $0xFFFFFFFF  }
0xad: {  	[dreg:$0x0] =	wrdreg $0x60  }
0xae: {  	[dreg:$0x2] =	wrdreg s24  }
0xaf: {  	[dreg:$0x3] =	wrdreg s2  }
0xb0: {  	[dreg:$0x4] =	wrdreg $0x9  }
0xb1: {  	_ =	task.clear_ibuf [dreg:s7], $0x5FFFF;
	_ =	strace $0x90000049  }
0xb2: {  	s29 =	simm.s32 $0x9;
	_ =	strace $0x8000004B  }
0xb3: {  	_ =	swait.ge [sflag:s29], $0x1  }
0xb4: {  	[sflag:s29] =	ssyncadd.s32 $0xFFFFFFFF  }
0xb5: {  	_ =	strace $0x9000004B  }
0xb6: {  	_ =	sfence  }
0xb7: {  	s30 =	sld [smem:$0x0];
	_ =	sdelay $0x2  }
0xb8: {  	s31 =	sshll.u32 s1, $0xD;
	s1 =	sshrl.u32 s1, $0x2  }
0xb9: {  	s3 =	sand.u32 $0x4000, s31;
	s1 =	sadd.s32 s1, s30  }
0xba: {  	s0 =	sor.u32 s3, s0;
	s1 =	sshll.u32 s1, $0x11  }
0xbb: {  	s0 =	sor.u32 s1, s0  }
0xbc: {  	s0 =	sadd.s32 $0x8F2B, s0  }
0xbd: {  	[sflag:s0] =	ssyncadd.remote.s32 $0x1  }
0xbe: {  	_ =	sfence.sel $0xFFFF  }
0xbf: {  	[dreg:$0x0] =	wrdreg $0xFFFFFFFF;
	(pc) =	sbr.abs _section_cstart, $3  }
0xc0: {  	[dreg:$0x1] =	wrdreg $0xFFFFFFFF  }
0xc1: {  	_ =	task.clear_ibuf [dreg:s7], $0x2FFFF;
	_ =	strace $0x9FFFFFFF  }
0xc2: {  	(tm) =	ssettm $0x7FFFFFFF  }
0xc3: {  	_ =	shalt  }
tec
execute0_lowered:
.L_overlay_start_1:
0x0: {  	(tag) =	ssettag $0x1  }
0x1: {  	s3 =	rddreg [dreg:$0x0]  }
0x2: {  	s5 =	rddreg [dreg:$0x1]  }
0x3: {  	s2 =	srdreg.scid;
	s1 =	stileid.u32  }
0x4: {  	s0 =	rddreg [dreg:$0x2];
	s9 =	simm.s32 $0x8000;
	s10 =	simm.s32 $0x0  }
0x5: {  	s4 =	sand.u32 $0x1, s2;
	s6 =	sshll.u32 s1, $0x1;
	s2 =	simm.s32 $0x0  }
0x6: {  	vm0 =	vmmov $0x1;
	vm1 =	vmmov $0x3;
	vm2 =	vmmov $0x7;
	s6 =	sor.u32 s4, s6;
	s4 =	ssub.s32 $0x2, s4;
	[smem:$0x7FF] =	sst s2  }
0x7: {  	vm3 =	vmmov $0xf;
	vm4 =	vmmov $0x1f;
	vm5 =	vmmov $0x3f;
	s7 =	sshll.u32 s6, $0xB;
	s8 =	sshrl.u32 s4, $0x1;
	_ =	strace $0x8000004A  }
0x8: {  	vm6 =	vmmov $0x7f;
	vm7 =	vmmov $0xff;
	vm8 =	vmmov $0x1ff;
	s6 =	sshll.u32 s6, $0x6;
	s7 =	sadd.s32 s7, s3;
	s8 =	ssub.s32 s4, s8  }
0x9: {  	vm9 =	vmmov $0x3ff;
	vm10 =	vmmov $0x7ff;
	vm11 =	vmmov $0xfff;
	s5 =	sadd.s32 s5, s6;
	s3 =	sadd.s32 $0x1400, s7;
	s4 =	sadd.s32 $0x11400, s7  }
0xa: {  	vm12 =	vmmov $0x1fff;
	vm13 =	vmmov $0x3fff;
	vm14 =	vmmov $0x7fff;
	s6 =	smax.u32 s8, $0x1;
	s7 =	simm.s32 $0x1;
	s8 =	simm.s32 $0x4000  }
.LBB2_1:
0xb: {  	[tilespmem:s2], [sflag:$0x1] =	stream.linear.gather [hbm4b:s3+s2], $0x4000, $0x38;
	[tilespmem:$0x8200] =	vst v63  }
0xc: {  	_ =	swait.ge [sflag:s7], $0x4000  }
0xd: {  	[sflag:s7] =	ssyncset.done $0x0  }
0xe: {  	[sflag:s7] =	ssyncadd.s32 $0xFFFFC000  }
0xf: {  	[tilespmem:s8], [sflag:$0x1] =	stream.linear.gather [hbm4b:s4+s2], $0x4000, $0x38;
	[tilespmem:$0x8200] =	vst v63  }
0x10: {  	_ =	swait.ge [sflag:s7], $0x4000  }
0x11: {  	[sflag:s7] =	ssyncset.done $0x0  }
0x12: {  	s11 =	simm.s32 $0x0;
	[sflag:s7] =	ssyncadd.s32 $0xFFFFC000  }
0x13: {  	v0 =	vld [tilespmem:s11+$0x1C0]  }
0x14: {  	v1 =	vld [tilespmem:s11+$0x41C0]  }
0x15: {  	v2 =	vld [tilespmem:s11+$0x1D0]  }
0x16: {  	v3 =	vld [tilespmem:s11+$0x41D0]  }
0x17: {  	v4 =	vld [tilespmem:s11+$0x1A0]  }
0x18: {  	v5 =	vld [tilespmem:s11+$0x180]  }
0x19: {  	v6 =	vld [tilespmem:s11+$0x4180]  }
0x1a: {  	v7 =	vld [tilespmem:s11+$0x190]  }
0x1b: {  	v8 =	vld [tilespmem:s11+$0x4190]  }
0x1c: {  	v9 =	vld [tilespmem:s11+$0x160]  }
0x1d: {  	v10 =	vld [tilespmem:s11+$0x4160]  }
0x1e: {  	v11 =	vld [tilespmem:s11+$0x170]  }
0x1f: {  	v12 =	vld [tilespmem:s11+$0x4170]  }
0x20: {  	v13 =	vld [tilespmem:s11+$0x140]  }
0x21: {  	v14 =	vld [tilespmem:s11+$0x120]  }
0x22: {  	v15 =	vld [tilespmem:s11+$0x4120]  }
0x23: {  	v16 =	vld [tilespmem:s11+$0x130]  }
0x24: {  	v17 =	vld [tilespmem:s11+$0x4130]  }
0x25: {  	v18 =	vld [tilespmem:s11+$0x100]  }
0x26: {  	v19 =	vld [tilespmem:s11+$0x4100]  }
0x27: {  	v20 =	vld [tilespmem:s11+$0x110]  }
0x28: {  	v21 =	vld [tilespmem:s11+$0x4110]  }
0x29: {  	v22 =	vld [tilespmem:s11+$0xE0]  }
0x2a: {  	v23 =	vld [tilespmem:s11+$0xC0]  }
0x2b: {  	v24 =	vld [tilespmem:s11+$0x40C0]  }
0x2c: {  	v25 =	vld [tilespmem:s11+$0xD0]  }
0x2d: {  	v26 =	vld [tilespmem:s11+$0x40D0]  }
0x2e: {  	v27 =	vld [tilespmem:s11+$0xA0]  }
0x2f: {  	v28 =	vld [tilespmem:s11+$0x40A0]  }
0x30: {  	v29 =	vld [tilespmem:s11+$0xB0]  }
0x31: {  	v30 =	vld [tilespmem:s11+$0x40B0]  }
0x32: {  	v31 =	vld [tilespmem:s11+$0x80]  }
0x33: {  	v32 =	vld [tilespmem:s11+$0x60]  }
0x34: {  	v33 =	vld [tilespmem:s11+$0x4060]  }
0x35: {  	v34 =	vld [tilespmem:s11+$0x70]  }
0x36: {  	v35 =	vld [tilespmem:s11+$0x4070]  }
0x37: {  	v36 =	vld [tilespmem:s11+$0x40]  }
0x38: {  	v37 =	vld [tilespmem:s11+$0x4040]  }
0x39: {  	v38 =	vld [tilespmem:s11+$0x50]  }
0x3a: {  	v39 =	vld [tilespmem:s11+$0x4050]  }
0x3b: {  	v40 =	vld [tilespmem:s11+$0x4000]  }
0x3c: {  	v41 =	vld [tilespmem:s11+$0x0]  }
0x3d: {  	v0 =	vmul.f32 v1, v0;
	v1 =	vmul.f32 v3, v2;
	v2 =	vld [tilespmem:s11+$0x10]  }
0x3e: {  	v3 =	vmul.f32 v6, v5;
	v5 =	vmul.f32 v8, v7;
	v6 =	vld [tilespmem:s11+$0x4010]  }
0x3f: {  	v7 =	vmul.f32 v12, v11;
	v8 =	vld [tilespmem:s11+$0x20];
	v0 =	vadd.f32 v1, v0;
	v1 =	vmul.f32 v10, v9  }
0x40: {  	v11 =	vld [tilespmem:s11+$0x30];
	v3 =	vadd.f32 v5, v3;
	v5 =	vmul.f32 v15, v14;
	v9 =	vmul.f32 v17, v16  }
0x41: {  	v12 =	vld [tilespmem:s11+$0x4030];
	(xrf2) =	vadd.scan.msk.f32 $0xffff, v0;
	v0 =	vadd.f32 v7, v1;
	v1 =	vmul.f32 v19, v18;
	v7 =	vmul.f32 v21, v20  }
0x42: {  	v10 =	vld [tilespmem:s11+$0x4020];
	(xrf2) =	vadd.scan.msk.f32 $0xffff, v3;
	v3 =	vadd.f32 v9, v5;
	v5 =	vmul.f32 v24, v23;
	v9 =	vmul.f32 v26, v25  }
0x43: {  	v14 =	vld [tilespmem:s11+$0x4080];
	(xrf2) =	vadd.scan.msk.f32 $0xffff, v0;
	v0 =	vadd.f32 v7, v1;
	v1 =	vmul.f32 v28, v27;
	v7 =	vmul.f32 v30, v29  }
0x44: {  	v15 =	vld [tilespmem:s11+$0x90];
	(xrf2) =	vadd.scan.msk.f32 $0xffff, v3;
	v3 =	vadd.f32 v9, v5;
	v5 =	vmul.f32 v33, v32;
	v9 =	vmul.f32 v35, v34  }
0x45: {  	v16 =	vld [tilespmem:s11+$0x4090];
	(xrf2) =	vadd.scan.msk.f32 $0xffff, v0;
	v0 =	vadd.f32 v7, v1;
	v1 =	vmul.f32 v37, v36;
	v7 =	vmul.f32 v39, v38  }
0x46: {  	v2 =	vmul.f32 v6, v2;
	v6 =	vld [tilespmem:s11+$0x40E0];
	(xrf2) =	vadd.scan.msk.f32 $0xffff, v3;
	v3 =	vadd.f32 v9, v5  }
0x47: {  	v5 =	vmul.f32 v40, v41;
	(xrf2) =	vadd.scan.msk.f32 $0xffff, v0;
	v0 =	vadd.f32 v7, v1;
	v1 =	vmul.f32 v10, v8;
	v8 =	vld [tilespmem:s11+$0xF0]  }
0x48: {  	v7 =	vmul.f32 v12, v11;
	v10 =	vld [tilespmem:s11+$0x4150]  }
0x49: {  	(xrf2) =	vadd.scan.msk.f32 $0xffff, v3;
	v2 =	vadd.f32 v2, v5;
	v3 =	vld [tilespmem:s11+$0x40F0]  }
0x4a: {  	(xrf2) =	vadd.scan.msk.f32 $0xffff, v0;
	v0 =	vadd.f32 v7, v1;
	v1 =	vld [tilespmem:s11+$0x4140]  }
0x4b: {  	v5 =	vmul.f32 v16, v15;
	v7 =	vld [tilespmem:s11+$0x150];
	(xrf2) =	vadd.scan.msk.f32 $0xffff, v2;
	v2 =	vmul.f32 v14, v31  }
0x4c: {  	v14 =	vld [tilespmem:s11+$0x41B0]  }
0x4d: {  	v9, _, _ =	vpop (xrf2);
	(xrf2) =	vadd.scan.msk.f32 $0xffff, v0;
	v2 =	vadd.f32 v5, v2;
	v5 =	vld [tilespmem:s11+$0x41A0]  }
0x4e: {  	v6 =	vmul.f32 v6, v22;
	v0, _, _ =	vpop (xrf2);
	v3 =	vmul.f32 v3, v8;
	v8 =	vld [tilespmem:s11+$0x1B0]  }
0x4f: {  	v11, _, _ =	vpop (xrf2)  }
0x50: {  	v12, _, _ =	vpop (xrf2);
	v3 =	vadd.f32 v3, v6  }
0x51: {  	(xrf2) =	vadd.scan.msk.f32 $0xffff, v2;
	v2, _, _ =	vpop (xrf2)  }
0x52: {  	v1 =	vmul.f32 v1, v13;
	v7 =	vmul.f32 v10, v7;
	v15, _, _ =	vpop (xrf2)  }
0x53: {  	v4 =	vmul.f32 v5, v4;
	v13, _, _ =	vpop (xrf2);
	v5 =	vmul.f32 v14, v8  }
0x54: {  	v10 =	vld [tilespmem:s11+$0x41E0];
	(xrf2) =	vadd.scan.msk.f32 $0xffff, v3;
	v3, _, _ =	vpop (xrf2)  }
0x55: {  	v6 =	vld [tilespmem:s11+$0x1E0];
	v1 =	vadd.f32 v7, v1;
	v17, _, _ =	vpop (xrf2)  }
0x56: {  	v16 =	vld [tilespmem:s11+$0x1F0];
	v8, _, _ =	vpop (xrf2)  }
0x57: {  	v7 =	vld [tilespmem:s11+$0x41F0];
	(xrf2) =	vadd.scan.msk.f32 $0xffff, v1;
	v1 =	vadd.f32 v5, v4;
	v5, _, _ =	vpop (xrf2)  }
0x58: {  	v5 =	vbroadcast v5, $0xF;
	_ =	sdelay $0x1  }
0x59: {  	v4 =	vmul.f32 v10, v6;
	v6 =	vbroadcast v8, $0xF  }
0x5a: {  	v8 =	vbroadcast v17, $0xF  }
0x5b: {  	v3 =	vbroadcast v3, $0xF;
	v7 =	vmul.f32 v7, v16;
	(xrf2) =	vadd.scan.msk.f32 $0xffff, v1;
	v1 =	vsel vm0, v6, v5;
	v5, _, _ =	vpop (xrf2)  }
0x5c: {  	v1 =	vsel vm1, v1, v8;
	v5 =	vbroadcast v5, $0xF  }
0x5d: {  	v4 =	vadd.f32 v7, v4;
	v1 =	vsel vm2, v1, v3;
	v3 =	vbroadcast v13, $0xF  }
0x5e: {  	v6, _, _ =	vpop (xrf2);
	v1 =	vsel vm3, v1, v5;
	v5 =	vbroadcast v15, $0xF  }
0x5f: {  	v1 =	vsel vm4, v1, v3;
	v3 =	vbroadcast v6, $0xF  }
0x60: {  	v2 =	vbroadcast v2, $0xF;
	(xrf2) =	vadd.scan.msk.f32 $0xffff, v4;
	v1 =	vsel vm5, v1, v5  }
0x61: {  	v4, _, _ =	vpop (xrf2);
	v1 =	vsel vm6, v1, v3;
	v3 =	vbroadcast v12, $0xF  }
0x62: {  	v1 =	vsel vm7, v1, v2;
	v2 =	vbroadcast v4, $0xF  }
0x63: {  	v1 =	vsel vm8, v1, v3;
	v3 =	vbroadcast v11, $0xF  }
0x64: {  	v0 =	vbroadcast v0, $0xF;
	v1 =	vsel vm9, v1, v2  }
0x65: {  	v1 =	vsel vm10, v1, v3  }
0x66: {  	v2, _, _ =	vpop (xrf2);
	v0 =	vsel vm11, v1, v0;
	v1 =	vbroadcast v9, $0xF  }
0x67: {  	v2 =	vbroadcast v2, $0xF;
	_ =	sdelay $0x1  }
0x68: {  	v0 =	vsel vm12, v0, v2  }
0x69: {  	v0 =	vsel vm13, v0, v1;
	v1, _, _ =	vpop (xrf2)  }
0x6a: {  	v0 =	vsel vm14, v0, v1  }
0x6b: {  	s12 =	simm.s32 $0x200;
	[tilespmem:s9+$0x0] =	vst v0  }
0x6c: {  	v2 =	vld [tilespmem:s12+$0x1C0]  }
0x6d: {  	v3 =	vld [tilespmem:s12+$0x41C0]  }
0x6e: {  	v5 =	vld [tilespmem:s12+$0x1D0]  }
0x6f: {  	v6 =	vld [tilespmem:s12+$0x41D0]  }
0x70: {  	v0 =	vld [tilespmem:s12+$0x1A0]  }
0x71: {  	v7 =	vld [tilespmem:s12+$0x180]  }
0x72: {  	v8 =	vld [tilespmem:s12+$0x4180]  }
0x73: {  	v9 =	vld [tilespmem:s12+$0x190]  }
0x74: {  	v10 =	vld [tilespmem:s12+$0x4190]  }
0x75: {  	v11 =	vld [tilespmem:s12+$0x160]  }
0x76: {  	v12 =	vld [tilespmem:s12+$0x4160]  }
0x77: {  	v13 =	vld [tilespmem:s12+$0x170]  }
0x78: {  	v14 =	vld [tilespmem:s12+$0x4170]  }
0x79: {  	v1 =	vld [tilespmem:s12+$0x140]  }
0x7a: {  	v15 =	vld [tilespmem:s12+$0x120]  }
0x7b: {  	v16 =	vld [tilespmem:s12+$0x4120]  }
0x7c: {  	v17 =	vld [tilespmem:s12+$0x130]  }
0x7d: {  	v18 =	vld [tilespmem:s12+$0x4130]  }
0x7e: {  	v19 =	vld [tilespmem:s12+$0x100]  }
0x7f: {  	v54 =	vld [tilespmem:s12+$0x4100]  }
0x80: {  	v55 =	vld [tilespmem:s12+$0x110]  }
0x81: {  	v56 =	vld [tilespmem:s12+$0x4110]  }
0x82: {  	v4 =	vld [tilespmem:s12+$0xE0]  }
0x83: {  	v57 =	vld [tilespmem:s12+$0xC0]  }
0x84: {  	v58 =	vld [tilespmem:s12+$0x40C0]  }
0x85: {  	v59 =	vld [tilespmem:s12+$0xD0]  }
0x86: {  	v60 =	vld [tilespmem:s12+$0x40D0];
	v2 =	vmul.f32 v3, v2;
	v3 =	vmul.f32 v6, v5  }
0x87: {  	v61 =	vld [tilespmem:s12+$0xA0];
	v6 =	vmul.f32 v8, v7;
	v8 =	vmul.f32 v10, v9  }
0x88: {  	v62 =	vld [tilespmem:s12+$0x40A0];
	v2 =	vadd.f32 v3, v2  }
0x89: {  	v63 =	vld [tilespmem:s12+$0x4050];
	v9 =	vmul.f32 v14, v13;
	v3 =	vmul.f32 v12, v11;
	v6 =	vadd.f32 v8, v6  }
0x8a: {  	v5 =	vld [tilespmem:s12+$0xB0];
	v8 =	vmul.f32 v16, v15;
	v11 =	vmul.f32 v18, v17;
	(xrf2) =	vadd.scan.msk.f32 $0xffff, v2  }
0x8b: {  	v10 =	vld [tilespmem:s12+$0x40B0];
	v2 =	vadd.f32 v9, v3;
	(xrf2) =	vadd.scan.msk.f32 $0xffff, v6  }
0x8c: {  	v7 =	vld [tilespmem:s12+$0x80];
	v3 =	vadd.f32 v11, v8  }
0x8d: {  	v13 =	vld [tilespmem:s12+$0x60];
	(xrf2) =	vadd.scan.msk.f32 $0xffff, v2  }
0x8e: {  	v14 =	vld [tilespmem:s12+$0x4060];
	v2 =	vmul.f32 v54, v19;
	(xrf2) =	vadd.scan.msk.f32 $0xffff, v3;
	v3 =	vmul.f32 v56, v55  }
0x8f: {  	v16 =	vld [tilespmem:s12+$0x40]  }
0x90: {  	v11 =	vld [tilespmem:s12+$0x4070];
	v3 =	vadd.f32 v3, v2  }
0x91: {  	v12 =	vmul.f32 v58, v57;
	v15 =	vmul.f32 v60, v59;
	v6 =	vld [tilespmem:s12+$0x70]  }
0x92: {  	v17 =	vld [tilespmem:s12+$0x4040];
	(xrf2) =	vadd.scan.msk.f32 $0xffff, v3  }
0x93: {  	v18 =	vld [tilespmem:s12+$0x50];
	v15 =	vadd.f32 v15, v12  }
0x94: {  	v8 =	vld [tilespmem:s12+$0x4000];
	v5 =	vmul.f32 v10, v5;
	v19 =	vmul.f32 v62, v61;
	v2, _, _ =	vpop (xrf2)  }
0x95: {  	v9 =	vld [tilespmem:s12+$0x0];
	v3, _, _ =	vpop (xrf2);
	(xrf2) =	vadd.scan.msk.f32 $0xffff, v15  }
0x96: {  	v12 =	vld [tilespmem:s12+$0x4010];
	v19 =	vadd.f32 v5, v19;
	v6 =	vmul.f32 v11, v6  }
0x97: {  	v10 =	vld [tilespmem:s12+$0x10];
	v14 =	vmul.f32 v14, v13  }
0x98: {  	v13 =	vld [tilespmem:s12+$0x4020];
	(xrf2) =	vadd.scan.msk.f32 $0xffff, v19  }
0x99: {  	v11 =	vld [tilespmem:s12+$0x20];
	v15 =	vadd.f32 v6, v14;
	v5, _, _ =	vpop (xrf2)  }
0x9a: {  	s13 =	simm.s32 $0x1000;
	s11 =	simm.s32 $0x8000;
	v16 =	vmul.f32 v17, v16;
	v17 =	vmul.f32 v63, v18;
	v14 =	vld [tilespmem:s12+$0x30];
	v6, _, _ =	vpop (xrf2)  }
.LBB2_2:
0x9b: {  	p0 =	sne.s32 s13, $0xF800;
	v18 =	vld [tilespmem:s12+$0x4030];
	(xrf2) =	vadd.scan.msk.f32 $0xffff, v15  }
0x9c: {  	v19 =	vadd.f32 v17, v16;
	v16 =	vld [tilespmem:s12+$0x4080];
	v17, _, _ =	vpop (xrf2)  }
0x9d: {  	v8 =	vmul.f32 v8, v9;
	v9 =	vmul.f32 v12, v10;
	v10 =	vld [tilespmem:s12+$0x90]  }
0x9e: {  	v12 =	vld [tilespmem:s12+$0x4090];
	(xrf2) =	vadd.scan.msk.f32 $0xffff, v19  }
0x9f: {  	v8 =	vadd.f32 v9, v8;
	v9 =	vld [tilespmem:s12+$0x40E0];
	v15, _, _ =	vpop (xrf2)  }
0xa0: {  	v11 =	vmul.f32 v13, v11;
	v19 =	vmul.f32 v18, v14;
	v14 =	vld [tilespmem:s12+$0xF0]  }
0xa1: {  	v18 =	vld [tilespmem:s12+$0x40F0];
	(xrf2) =	vadd.scan.msk.f32 $0xffff, v8  }
0xa2: {  	v8 =	vadd.f32 v19, v11;
	v11 =	vld [tilespmem:s12+$0x4140];
	v13, _, _ =	vpop (xrf2)  }
0xa3: {  	v7 =	vmul.f32 v16, v7;
	v19 =	vmul.f32 v12, v10;
	v12 =	vld [tilespmem:s12+$0x150]  }
0xa4: {  	v16 =	vld [tilespmem:s12+$0x4150];
	(xrf2) =	vadd.scan.msk.f32 $0xffff, v8  }
0xa5: {  	v7 =	vadd.f32 v19, v7;
	v8 =	vld [tilespmem:s12+$0x41A0];
	v10, _, _ =	vpop (xrf2)  }
0xa6: {  	v4 =	vmul.f32 v9, v4;
	v19 =	vmul.f32 v18, v14;
	v14 =	vld [tilespmem:s12+$0x1B0]  }
0xa7: {  	v18 =	vld [tilespmem:s12+$0x41B0];
	(xrf2) =	vadd.scan.msk.f32 $0xffff, v7  }
0xa8: {  	v4 =	vadd.f32 v19, v4;
	v7 =	vld [tilespmem:s12+$0x1E0];
	v9, _, _ =	vpop (xrf2)  }
0xa9: {  	v1 =	vmul.f32 v11, v1;
	v19 =	vmul.f32 v16, v12;
	v12 =	vld [tilespmem:s12+$0x41E0]  }
0xaa: {  	v16 =	vld [tilespmem:s12+$0x1F0];
	(xrf2) =	vadd.scan.msk.f32 $0xffff, v4  }
0xab: {  	v1 =	vadd.f32 v19, v1;
	v4 =	vld [tilespmem:s12+$0x41F0];
	v11, _, _ =	vpop (xrf2)  }
0xac: {  	v0 =	vmul.f32 v8, v0;
	v8 =	vmul.f32 v18, v14  }
0xad: {  	(xrf2) =	vadd.scan.msk.f32 $0xffff, v1  }
0xae: {  	v0 =	vadd.f32 v8, v0;
	v1 =	vmul.f32 v12, v7;
	v7, _, _ =	vpop (xrf2)  }
0xaf: {  	v11 =	vbroadcast v11, $0xF;
	v7 =	vbroadcast v7, $0xF  }
0xb0: {  	v9 =	vbroadcast v9, $0xF;
	v4 =	vmul.f32 v4, v16;
	(xrf2) =	vadd.scan.msk.f32 $0xffff, v0  }
0xb1: {  	v0 =	vsel vm0, v11, v7;
	v7 =	vbroadcast v10, $0xF;
	v8, _, _ =	vpop (xrf2)  }
0xb2: {  	v0 =	vsel vm1, v0, v9;
	v9 =	vbroadcast v8, $0xF;
	v1 =	vadd.f32 v4, v1  }
0xb3: {  	v4 =	vbroadcast v13, $0xF;
	v0 =	vsel vm2, v0, v7  }
0xb4: {  	v7 =	vbroadcast v15, $0xF;
	v0 =	vsel vm3, v0, v9;
	v8, _, _ =	vpop (xrf2);
	(xrf2) =	vadd.scan.msk.f32 $0xffff, v1  }
0xb5: {  	v0 =	vsel vm4, v0, v4;
	v1 =	vbroadcast v8, $0xF  }
0xb6: {  	v4 =	vbroadcast v17, $0xF;
	v0 =	vsel vm5, v0, v7  }
0xb7: {  	v0 =	vsel vm6, v0, v1;
	v1 =	vbroadcast v6, $0xF;
	v6, _, _ =	vpop (xrf2)  }
0xb8: {  	v0 =	vsel vm7, v0, v4;
	v6 =	vbroadcast v6, $0xF  }
0xb9: {  	v0 =	vsel vm8, v0, v1;
	v1 =	vbroadcast v5, $0xF  }
0xba: {  	v3 =	vbroadcast v3, $0xF;
	v0 =	vsel vm9, v0, v6;
	v4, _, _ =	vpop (xrf2)  }
0xbb: {  	v0 =	vsel vm10, v0, v1;
	v4 =	vbroadcast v4, $0xF  }
0xbc: {  	v2 =	vbroadcast v2, $0xF;
	v0 =	vsel vm11, v0, v3  }
0xbd: {  	v0 =	vsel vm12, v0, v4  }
0xbe: {  	v0 =	vsel vm13, v0, v2;
	v1, _, _ =	vpop (xrf2)  }
0xbf: {  	s11 =	sadd.s32 $0x10, s11;
	v0 =	vsel vm14, v0, v1  }
0xc0: {  	s12 =	sshra.s32 s13, $0x2;
	[tilespmem:s11+$0x0] =	vst v0  }
0xc1: {  	v2 =	vld [tilespmem:s12+$0x1C0]  }
0xc2: {  	v3 =	vld [tilespmem:s12+$0x41C0]  }
0xc3: {  	v5 =	vld [tilespmem:s12+$0x1D0]  }
0xc4: {  	v6 =	vld [tilespmem:s12+$0x41D0]  }
0xc5: {  	v0 =	vld [tilespmem:s12+$0x1A0]  }
0xc6: {  	v7 =	vld [tilespmem:s12+$0x180]  }
0xc7: {  	v8 =	vld [tilespmem:s12+$0x4180]  }
0xc8: {  	v9 =	vld [tilespmem:s12+$0x190]  }
0xc9: {  	v10 =	vld [tilespmem:s12+$0x4190]  }
0xca: {  	v11 =	vld [tilespmem:s12+$0x160]  }
0xcb: {  	v12 =	vld [tilespmem:s12+$0x4160]  }
0xcc: {  	v13 =	vld [tilespmem:s12+$0x170]  }
0xcd: {  	v14 =	vld [tilespmem:s12+$0x4170]  }
0xce: {  	v1 =	vld [tilespmem:s12+$0x140]  }
0xcf: {  	v15 =	vld [tilespmem:s12+$0x120]  }
0xd0: {  	v16 =	vld [tilespmem:s12+$0x4120]  }
0xd1: {  	v17 =	vld [tilespmem:s12+$0x130]  }
0xd2: {  	v18 =	vld [tilespmem:s12+$0x4130]  }
0xd3: {  	v19 =	vld [tilespmem:s12+$0x100]  }
0xd4: {  	v20 =	vld [tilespmem:s12+$0x4100]  }
0xd5: {  	v21 =	vld [tilespmem:s12+$0x110]  }
0xd6: {  	v22 =	vld [tilespmem:s12+$0x4110]  }
0xd7: {  	v2 =	vmul.f32 v3, v2;
	v3 =	vmul.f32 v6, v5;
	v4 =	vld [tilespmem:s12+$0xE0]  }
0xd8: {  	v5 =	vld [tilespmem:s12+$0xC0]  }
0xd9: {  	v2 =	vadd.f32 v3, v2;
	v6 =	vld [tilespmem:s12+$0x40C0]  }
0xda: {  	v7 =	vmul.f32 v8, v7;
	v8 =	vmul.f32 v10, v9;
	v3 =	vld [tilespmem:s12+$0xD0]  }
0xdb: {  	v9 =	vld [tilespmem:s12+$0x40D0];
	(xrf2) =	vadd.scan.msk.f32 $0xffff, v2  }
0xdc: {  	v2 =	vadd.f32 v8, v7;
	v10 =	vld [tilespmem:s12+$0xA0]  }
0xdd: {  	v7 =	vmul.f32 v12, v11;
	v8 =	vmul.f32 v14, v13;
	v23 =	vld [tilespmem:s12+$0x40A0]  }
0xde: {  	v11 =	vld [tilespmem:s12+$0xB0];
	(xrf2) =	vadd.scan.msk.f32 $0xffff, v2  }
0xdf: {  	v2 =	vadd.f32 v8, v7;
	v12 =	vld [tilespmem:s12+$0x40B0]  }
0xe0: {  	v13 =	vmul.f32 v18, v17;
	v8 =	vmul.f32 v16, v15;
	v7 =	vld [tilespmem:s12+$0x80]  }
0xe1: {  	v14 =	vld [tilespmem:s12+$0x60];
	(xrf2) =	vadd.scan.msk.f32 $0xffff, v2  }
0xe2: {  	v24 =	vadd.f32 v13, v8;
	v15 =	vld [tilespmem:s12+$0x4060]  }
0xe3: {  	v16 =	vmul.f32 v22, v21;
	v8 =	vmul.f32 v20, v19;
	v13 =	vld [tilespmem:s12+$0x70]  }
0xe4: {  	v17 =	vld [tilespmem:s12+$0x4070];
	(xrf2) =	vadd.scan.msk.f32 $0xffff, v24  }
0xe5: {  	v8 =	vadd.f32 v16, v8;
	v18 =	vld [tilespmem:s12+$0x40];
	v2, _, _ =	vpop (xrf2)  }
0xe6: {  	v5 =	vmul.f32 v6, v5;
	v6 =	vmul.f32 v9, v3;
	v16 =	vld [tilespmem:s12+$0x4040]  }
0xe7: {  	v19 =	vld [tilespmem:s12+$0x50];
	(xrf2) =	vadd.scan.msk.f32 $0xffff, v8  }
0xe8: {  	v21 =	vadd.f32 v6, v5;
	v20 =	vld [tilespmem:s12+$0x4050];
	v3, _, _ =	vpop (xrf2)  }
0xe9: {  	v6 =	vmul.f32 v23, v10;
	v11 =	vmul.f32 v12, v11;
	v8 =	vld [tilespmem:s12+$0x4000]  }
0xea: {  	v9 =	vld [tilespmem:s12+$0x0];
	(xrf2) =	vadd.scan.msk.f32 $0xffff, v21  }
.Ltmp0:
0xeb: {  	v21 =	vadd.f32 v11, v6;
	v10 =	vld [tilespmem:s12+$0x10];
	v5, _, _ =	vpop (xrf2);
	(pc) =	sbr.rel @p0 .LBB2_2-.Ltmp0, $4  }
0xec: {  	v14 =	vmul.f32 v15, v14;
	v15 =	vmul.f32 v17, v13;
	v12 =	vld [tilespmem:s12+$0x4010]  }
0xed: {  	v11 =	vld [tilespmem:s12+$0x20];
	(xrf2) =	vadd.scan.msk.f32 $0xffff, v21  }
0xee: {  	v15 =	vadd.f32 v15, v14;
	v13 =	vld [tilespmem:s12+$0x4020];
	v6, _, _ =	vpop (xrf2)  }
0xef: {  	s13 =	sadd.s32 $0x800, s13;
	v16 =	vmul.f32 v16, v18;
	v17 =	vmul.f32 v20, v19;
	v14 =	vld [tilespmem:s12+$0x30]  }
0xf0: {  	v18 =	vld [tilespmem:s12+$0x4030]  }
0xf1: {  	v19 =	vld [tilespmem:s12+$0x4080]  }
0xf2: {  	v20 =	vld [tilespmem:s12+$0x90]  }
0xf3: {  	v21 =	vld [tilespmem:s12+$0x4090]  }
0xf4: {  	v8 =	vmul.f32 v8, v9;
	v63 =	vld [tilespmem:s12+$0x40E0];
	v62 =	vmul.f32 v12, v10  }
0xf5: {  	v24 =	vld [tilespmem:s12+$0xF0];
	v22 =	vadd.f32 v17, v16;
	v11 =	vmul.f32 v13, v11;
	v23 =	vmul.f32 v18, v14  }
0xf6: {  	(xrf2) =	vadd.scan.msk.f32 $0xffff, v15;
	v25 =	vld [tilespmem:s12+$0x40F0];
	v8 =	vadd.f32 v62, v8  }
0xf7: {  	v26 =	vld [tilespmem:s12+$0x4140];
	(xrf2) =	vadd.scan.msk.f32 $0xffff, v22;
	v11 =	vadd.f32 v23, v11  }
0xf8: {  	v28 =	vld [tilespmem:s12+$0x150];
	(xrf2) =	vadd.scan.msk.f32 $0xffff, v8;
	v7 =	vmul.f32 v19, v7;
	v27 =	vmul.f32 v21, v20  }
0xf9: {  	v29 =	vld [tilespmem:s12+$0x4150];
	(xrf2) =	vadd.scan.msk.f32 $0xffff, v11  }
0xfa: {  	v30 =	vld [tilespmem:s12+$0x41A0];
	v7 =	vadd.f32 v27, v7  }
0xfb: {  	v31 =	vld [tilespmem:s12+$0x1B0];
	v4 =	vmul.f32 v63, v4;
	v9 =	vmul.f32 v25, v24  }
0xfc: {  	v32 =	vld [tilespmem:s12+$0x41B0];
	(xrf2) =	vadd.scan.msk.f32 $0xffff, v7  }
0xfd: {  	v34 =	vld [tilespmem:s12+$0x1E0];
	v33, _, _ =	vpop (xrf2);
	v4 =	vadd.f32 v9, v4  }
0xfe: {  	v37 =	vld [tilespmem:s12+$0x41E0];
	v35, _, _ =	vpop (xrf2);
	v1 =	vmul.f32 v26, v1;
	v36 =	vmul.f32 v29, v28  }
0xff: {  	v39 =	vld [tilespmem:s12+$0x1F0];
	v38, _, _ =	vpop (xrf2);
	(xrf2) =	vadd.scan.msk.f32 $0xffff, v4  }
0x100: {  	v41 =	vld [tilespmem:s12+$0x41F0];
	v1 =	vadd.f32 v36, v1;
	v40, _, _ =	vpop (xrf2)  }
0x101: {  	v0 =	vmul.f32 v30, v0;
	v43 =	vmul.f32 v32, v31;
	v42, _, _ =	vpop (xrf2)  }
0x102: {  	(xrf2) =	vadd.scan.msk.f32 $0xffff, v1;
	v44, _, _ =	vpop (xrf2)  }
0x103: {  	v45 =	vmul.f32 v37, v34;
	v0 =	vadd.f32 v43, v0;
	v46, _, _ =	vpop (xrf2)  }
0x104: {  	v47 =	vbroadcast v44, $0xF;
	v8 =	vbroadcast v46, $0xF  }
0x105: {  	v49 =	vmul.f32 v41, v39;
	(xrf2) =	vadd.scan.msk.f32 $0xffff, v0;
	v48 =	vbroadcast v42, $0xF  }
0x106: {  	v4 =	vbroadcast v40, $0xF;
	v51, _, _ =	vpop (xrf2);
	v50 =	vsel vm0, v47, v8  }
0x107: {  	v1 =	vadd.f32 v49, v45;
	v8 =	vbroadcast v51, $0xF;
	v0 =	vsel vm1, v50, v48  }
0x108: {  	v52 =	vbroadcast v38, $0xF;
	v0 =	vsel vm2, v0, v4  }
0x109: {  	v53 =	vbroadcast v35, $0xF;
	v54, _, _ =	vpop (xrf2);
	(xrf2) =	vadd.scan.msk.f32 $0xffff, v1;
	v0 =	vsel vm3, v0, v8  }
0x10a: {  	v55 =	vbroadcast v54, $0xF;
	v0 =	vsel vm4, v0, v52  }
0x10b: {  	v56 =	vbroadcast v33, $0xF;
	v0 =	vsel vm5, v0, v53  }
0x10c: {  	v57 =	vbroadcast v6, $0xF;
	v58, _, _ =	vpop (xrf2);
	v0 =	vsel vm6, v0, v55  }
0x10d: {  	v59 =	vbroadcast v58, $0xF;
	v0 =	vsel vm7, v0, v56  }
0x10e: {  	v60 =	vbroadcast v5, $0xF;
	v0 =	vsel vm8, v0, v57  }
0x10f: {  	v3 =	vbroadcast v3, $0xF;
	v61, _, _ =	vpop (xrf2);
	v0 =	vsel vm9, v0, v59  }
0x110: {  	v62 =	vbroadcast v61, $0xF;
	v0 =	vsel vm10, v0, v60  }
0x111: {  	v2 =	vbroadcast v2, $0xF;
	v0 =	vsel vm11, v0, v3  }
0x112: {  	v0 =	vsel vm12, v0, v62  }
0x113: {  	s10 =	sadd.s32 $0x1, s10;
	v63, _, _ =	vpop (xrf2);
	v0 =	vsel vm13, v0, v2  }
0x114: {  	s11 =	sadd.s32 $0x10, s11;
	p0 =	sne.s32 s10, s6;
	v0 =	vsel vm14, v0, v63  }
.Ltmp1:
0x115: {  	[tilespmem:s11+$0x0] =	vst v0;
	(pc) =	sbr.rel @p0 .LBB2_1-.Ltmp1, $4  }
0x116: {  	[hbm4b:s5+s2] =	stream.linear.scatter [tilespmem:s9], [sflag:$0x1], $0x200, $0x38;
	[tilespmem:$0x8200] =	vst v63  }
0x117: {  	_ =	swait.ge [sflag:s7], $0x200  }
0x118: {  	[sflag:s7] =	ssyncset.done $0x0  }
0x119: {  	[sflag:s7] =	ssyncadd.s32 $0xFFFFFE00  }
0x11a: {  	_ =	sfence.sel $0x180000  }
0x11b: {  	[bflag:$0x0] =	sbarrier.arrive $0xFFFF  }
0x11c: {  	p0 =	sne.s32 s1, $0x0;
	_ =	strace $0x9000004A  }
0x11d: {  	s0 =	sadd.s32 @!p0 $0x100000, s0;
	[bflag:$0x2] =	sbarrier.arrive $0xFFFF  }
0x11e: {  	[sflag:s0] =	ssyncadd.tile.s32 @!p0 $0x1;
	_ =	shalt  }
.Lfunc_end2:
_tile_overlayer_lowered:
.L_overlay_start_2:
0x11f: {  	(tag) =	ssettag $0x2  }
0x120: {  	s0 =	rddreg [dreg:$0x0];
	s2 =	stileid.u32  }
0x121: {  	s1 =	rddreg [dreg:$0x1];
	p0 =	sne.s32 s2, $0x0  }
0x122: {  	s3 =	rddreg [dreg:$0x2];
	[bflag:$0x3] =	sbarrier.arrive $0xFFFF;
	s2 =	simm.s32 @!p0 $0x1C01  }
0x123: {  	[timem:s3], [sflag:s2] =	dma.local @!p0 [hbm:s0], s1  }
0x124: {  	s0 =	simm.s32 @!p0 $0x1  }
0x125: {  	_ =	swait.ge @!p0 [sflag:s0], s1  }
0x126: {  	s1 =	ssub.s32 @!p0 $0x0, s1;
	[sflag:s0] =	ssyncset.done @!p0 $0x0  }
0x127: {  	[sflag:s0] =	ssyncadd.s32 @!p0 s1  }
0x128: {  	[bflag:$0x3] =	sbarrier.arrive $0xFFFF  }
0x129: {  	_ =	shalt  }

</sc_bundles>
